<compile_context>
chip_gen: v7x
topology: tpu7x:2x2x1
jax: 0.10.2.dev20260603
libtpu: 0.0.44.dev20260713+nightly
codegen_flags: <defaults>
</compile_context>

<pallas_src>
import jax
import jax.numpy as jnp
from jax import lax
from jax.experimental import pallas as pl
from jax.experimental.pallas import tpu as pltpu
from jax.experimental.pallas import tpu_sc as plsc

BATCH = 1024
N_AUGS = 64
N_CLASSES = 1000
N_SUB = 8

_NC = 2
_NS = 16
_NW = _NC * _NS
_ROWS_TC = 488
_ROWS_SC = N_CLASSES - _ROWS_TC
_SC_OFF = _ROWS_TC
_COLS = 512
_CSPLIT = BATCH // _COLS
_UNITS = (_ROWS_SC // 8) * _CSPLIT
_UPW = -(-_UNITS // _NW)
_NVEC = _COLS // 16
_BR = _ROWS_TC
_TCB = _ROWS_TC // _BR
_BASE = 0


def _body(xt_hbm, idxs_hbm, out_hbm, idxs_v, bufs, obuf, sems):
    wid = lax.axis_index("s") * _NC + lax.axis_index("c")
    pltpu.sync_copy(idxs_hbm, idxs_v.at[pl.ds(0, N_SUB)])
    ivec = idxs_v[...]
    lanes = lax.iota(jnp.int32, 16)
    a_j = [jnp.sum(jnp.where(lanes == j, ivec, 0)) for j in range(N_SUB)]

    def unit_coords(u):
        row0 = pl.multiple_of((u >> 1) * 8, 8)
        col0 = pl.multiple_of((u & 1) * _COLS, 128)
        return row0, col0

    def issue(u, slot):
        row0, col0 = unit_coords(u)
        for j in range(N_SUB):
            pltpu.async_copy(
                xt_hbm.at[a_j[j], pl.ds(_SC_OFF + row0, 8), pl.ds(col0, _COLS)],
                bufs.at[slot, j], sems.at[slot])

    def drain(slot):
        pltpu.make_async_copy(
            xt_hbm.at[pl.ds(0, N_SUB), pl.ds(0, 8), pl.ds(0, _COLS)],
            bufs.at[slot], sems.at[slot]).wait()

    issue(wid, 0)
    issue(wid + _NW, 1)
    for t in range(_UPW):
        u = wid + _NW * t
        slot = t % 3
        if t + 2 < _UPW:
            nxt = wid + _NW * (t + 2)

            @pl.when(nxt < _UNITS)
            def _(t=t):
                issue(wid + _NW * (t + 2), (t + 2) % 3)

        @pl.when(u < _UNITS)
        def _(t=t, u=u, slot=slot):
            drain(slot)

            def _red(i, _, slot=slot):
                o = pl.multiple_of(i * 16, 16)
                for r in range(8):
                    vsum = bufs[slot, 0, r, pl.ds(o, 16)]
                    for j in range(1, N_SUB):
                        vsum = vsum + bufs[slot, j, r, pl.ds(o, 16)]
                    obuf[r, pl.ds(o, 16)] = vsum * 0.125
                return 0

            lax.fori_loop(0, _NVEC, _red, 0)
            row0, col0 = unit_coords(u)
            pltpu.sync_copy(obuf,
                            out_hbm.at[pl.ds(row0, 8), pl.ds(col0, _COLS)])


def _tc_body(idxs_ref, x_ref, o_ref):
    j = pl.program_id(1)

    @pl.when(j == 0)
    def _():
        o_ref[...] = x_ref[0] * 0.125

    @pl.when(j > 0)
    def _():
        o_ref[...] = o_ref[...] + x_ref[0] * 0.125


_tc_call = pl.pallas_call(
    _tc_body,
    grid_spec=pltpu.PrefetchScalarGridSpec(
        num_scalar_prefetch=1,
        grid=(_TCB, N_SUB),
        in_specs=[pl.BlockSpec((1, _BR, BATCH),
                               lambda i, j, idxs: (idxs[j], _BASE + i, 0))],
        out_specs=pl.BlockSpec((_BR, BATCH), lambda i, j, idxs: (i, 0)),
    ),
    out_shape=jax.ShapeDtypeStruct((_ROWS_TC, BATCH), jnp.float32),
    compiler_params=pltpu.CompilerParams(
        dimension_semantics=("parallel", "arbitrary")),
)


_sc_call = pl.kernel(
    _body,
    out_type=jax.ShapeDtypeStruct((_ROWS_SC, BATCH), jnp.float32),
    mesh=plsc.VectorSubcoreMesh(core_axis_name="c", subcore_axis_name="s"),
    compiler_params=pltpu.CompilerParams(use_tc_tiling_on_sc=True,
                                         needs_layout_passes=False),
    scratch_types=[
        pltpu.VMEM((16,), jnp.int32),
        pltpu.VMEM((3, N_SUB, 8, _COLS), jnp.float32),
        pltpu.VMEM((8, _COLS), jnp.float32),
        pltpu.SemaphoreType.DMA((3,)),
    ],
)


def kernel(x, idxs):
    xt = jnp.transpose(x, (1, 2, 0))
    i32 = idxs.astype(jnp.int32)
    out_sc = _sc_call(xt, i32)
    out_tc = _tc_call(i32, xt)
    out_t = jnp.concatenate([out_tc, out_sc], axis=0)
    return jnp.transpose(out_t, (1, 0))

# --- scband reference (transcript-rebuilt; emitter-appended) ---
"""Pipeline reference for scband-gps-33629593927775 (READ-ONLY COPY).

The authoritative reference and input builder live on the scoring server;
editing this copy changes nothing except your own understanding.
"""

import jax, jax.numpy as jnp
import numpy as np

N_SUBPOLICIES = 8
BATCH = 1024
N_AUGS = 64
N_CLASSES = 1000


def setup_inputs(seed: int = 0) -> dict:
    key = jax.random.key(seed)
    k1, k2 = jax.random.split(key)
    x = jax.random.normal(k1, (BATCH, N_AUGS, N_CLASSES), dtype=jnp.float32)
    # buffer `idxs` registered in the module; the module initializes it to zeros
    # but find_idxs populates it with subpolicy indices in [0, n_augs). We use
    # random in-range indices so the gather is non-trivial.
    idxs = jax.random.randint(k2, (N_SUBPOLICIES,), 0, N_AUGS, dtype=jnp.int64 if jax.config.jax_enable_x64 else jnp.int32)
    return {"x": x, "idxs": idxs}


def reference(x, idxs):
    # torch: torch.mean(x[:, self.idxs], dim=1)
    gathered = jnp.take(x, idxs, axis=1)  # [B, n_subpolicies, C]
    return jnp.mean(gathered, axis=1)     # [B, C]

if __name__ == "__main__":
    import jax
    _d = setup_inputs()
    print(jax.jit(kernel)(*tuple(_d.values())))

</pallas_src>

<mosaic_0001>
#map = affine_map<(d0, d1) -> (0, 0, 0)>
#map1 = affine_map<(d0, d1) -> (0)>
#map2 = affine_map<(d0, d1) -> (0, 0)>
module attributes {stable_mosaic.version = 14 : i64} {
  func.func @_body(%arg0: i32, %arg1: i32, %arg2: memref<64x1000x1024xf32, #tpu.memory_space<hbm>>, %arg3: memref<8xi32, #tpu.memory_space<hbm>>, %arg4: memref<512x1024xf32, #tpu.memory_space<hbm>>, %arg5: memref<16xi32, #tpu.memory_space<vmem>>, %arg6: memref<3x8x8x512xf32, #tpu.memory_space<vmem>>, %arg7: memref<8x512xf32, #tpu.memory_space<vmem>>, %arg8: memref<3x!tpu.dma_semaphore, #tpu.memory_space<semaphore_mem>>) attributes {dimension_semantics = [#tpu.dimension_semantics<core_parallel>, #tpu.dimension_semantics<subcore_parallel>], iteration_bounds = array<i64: 2, 16>, scalar_prefetch = 0 : i64, scratch_operands = 4 : i64, tpu.core_type = #tpu.core_type<sc_vector_subcore>, window_params = [{transform_indices = #map}, {transform_indices = #map1}, {transform_indices = #map2}]} {
    %mul3A = arith.constant 2 : i32
    %mul3A_0 = arith.muli %arg1, %mul3A : i32
    %add3A = arith.addi %mul3A_0, %arg0 : i32
    "tpu.region"() ({
      %run_scoped3A = tpu.sem_alloc : memref<!tpu.dma_semaphore, #tpu.memory_space<semaphore_mem>>
      %dma_start3A_438 = arith.constant 0 : i32
      %dma_start3A_439 = tpu.memref_slice %arg5[%dma_start3A_438] : memref<16xi32, #tpu.memory_space<vmem>> -> memref<8xi32, #tpu.memory_space<vmem>>
      %dma_start3A_440 = arith.constant 0 : i32
      %dma_start3A_441 = tpu.memref_slice %arg5[%dma_start3A_440] : memref<16xi32, #tpu.memory_space<vmem>> -> memref<8xi32, #tpu.memory_space<vmem>>
      tpu.enqueue_dma source(%arg3 : memref<8xi32, #tpu.memory_space<hbm>>) target(%dma_start3A_441 : memref<8xi32, #tpu.memory_space<vmem>>) target_semaphore(%run_scoped3A : memref<!tpu.dma_semaphore, #tpu.memory_space<semaphore_mem>>)
      %dma_wait3A = arith.constant 0 : i32
      %dma_wait3A_442 = tpu.memref_slice %arg5[%dma_wait3A] : memref<16xi32, #tpu.memory_space<vmem>> -> memref<8xi32, #tpu.memory_space<vmem>>
      %dma_wait3A_443 = arith.constant 0 : i32
      %dma_wait3A_444 = tpu.memref_slice %arg5[%dma_wait3A_443] : memref<16xi32, #tpu.memory_space<vmem>> -> memref<8xi32, #tpu.memory_space<vmem>>
      tpu.wait_dma2 semaphore(%run_scoped3A : memref<!tpu.dma_semaphore, #tpu.memory_space<semaphore_mem>>) src(%arg3 : memref<8xi32, #tpu.memory_space<hbm>>) dst(%dma_wait3A_444 : memref<8xi32, #tpu.memory_space<vmem>>)
      tpu.yield
    }) : () -> ()
    %get3A = arith.constant 0 : index
    %get3A_1 = tpu.vector_load %arg5[%get3A] {strides = array<i32>} : memref<16xi32, #tpu.memory_space<vmem>>, vector<16xi32>,
    %iota3A = tpu.iota {dimensions = array<i32: 0>} : vector<16xi32>
    %eq3A = arith.constant 0 : i32
    %eq3A_2 = vector.broadcast %eq3A : i32 to vector<16xi32>
    %eq3A_3 = arith.cmpi eq, %iota3A, %eq3A_2 : vector<16xi32>
    %jit3A = arith.constant 0 : i32
    %broadcast_in_dim3A = vector.broadcast %jit3A : i32 to vector<16xi32>
    %select_n3A = arith.select %eq3A_3, %get3A_1, %broadcast_in_dim3A : vector<16xi1>, vector<16xi32>
    %reduce_sum3A = arith.constant true
    %reduce_sum3A_4 = vector.broadcast %reduce_sum3A : i1 to vector<16xi1>
    %reduce_sum3A_5 = tpu.scan <sum>, %select_n3A masked %reduce_sum3A_4 : vector<16xi32>, vector<16xi1> -> vector<16xi32>
    %reduce_sum3A_6 = vector.extract %reduce_sum3A_5[15] : i32 from vector<16xi32>
    %eq3A_7 = arith.constant 1 : i32
    %eq3A_8 = vector.broadcast %eq3A_7 : i32 to vector<16xi32>
    %eq3A_9 = arith.cmpi eq, %iota3A, %eq3A_8 : vector<16xi32>
    %jit3A_10 = arith.constant 0 : i32
    %broadcast_in_dim3A_11 = vector.broadcast %jit3A_10 : i32 to vector<16xi32>
    %select_n3A_12 = arith.select %eq3A_9, %get3A_1, %broadcast_in_dim3A_11 : vector<16xi1>, vector<16xi32>
    %reduce_sum3A_13 = arith.constant true
    %reduce_sum3A_14 = vector.broadcast %reduce_sum3A_13 : i1 to vector<16xi1>
    %reduce_sum3A_15 = tpu.scan <sum>, %select_n3A_12 masked %reduce_sum3A_14 : vector<16xi32>, vector<16xi1> -> vector<16xi32>
    %reduce_sum3A_16 = vector.extract %reduce_sum3A_15[15] : i32 from vector<16xi32>
    %eq3A_17 = arith.constant 2 : i32
    %eq3A_18 = vector.broadcast %eq3A_17 : i32 to vector<16xi32>
    %eq3A_19 = arith.cmpi eq, %iota3A, %eq3A_18 : vector<16xi32>
    %jit3A_20 = arith.constant 0 : i32
    %broadcast_in_dim3A_21 = vector.broadcast %jit3A_20 : i32 to vector<16xi32>
    %select_n3A_22 = arith.select %eq3A_19, %get3A_1, %broadcast_in_dim3A_21 : vector<16xi1>, vector<16xi32>
    %reduce_sum3A_23 = arith.constant true
    %reduce_sum3A_24 = vector.broadcast %reduce_sum3A_23 : i1 to vector<16xi1>
    %reduce_sum3A_25 = tpu.scan <sum>, %select_n3A_22 masked %reduce_sum3A_24 : vector<16xi32>, vector<16xi1> -> vector<16xi32>
    %reduce_sum3A_26 = vector.extract %reduce_sum3A_25[15] : i32 from vector<16xi32>
    %eq3A_27 = arith.constant 3 : i32
    %eq3A_28 = vector.broadcast %eq3A_27 : i32 to vector<16xi32>
    %eq3A_29 = arith.cmpi eq, %iota3A, %eq3A_28 : vector<16xi32>
    %jit3A_30 = arith.constant 0 : i32
    %broadcast_in_dim3A_31 = vector.broadcast %jit3A_30 : i32 to vector<16xi32>
    %select_n3A_32 = arith.select %eq3A_29, %get3A_1, %broadcast_in_dim3A_31 : vector<16xi1>, vector<16xi32>
    %reduce_sum3A_33 = arith.constant true
    %reduce_sum3A_34 = vector.broadcast %reduce_sum3A_33 : i1 to vector<16xi1>
    %reduce_sum3A_35 = tpu.scan <sum>, %select_n3A_32 masked %reduce_sum3A_34 : vector<16xi32>, vector<16xi1> -> vector<16xi32>
    %reduce_sum3A_36 = vector.extract %reduce_sum3A_35[15] : i32 from vector<16xi32>
    %eq3A_37 = arith.constant 4 : i32
    %eq3A_38 = vector.broadcast %eq3A_37 : i32 to vector<16xi32>
    %eq3A_39 = arith.cmpi eq, %iota3A, %eq3A_38 : vector<16xi32>
    %jit3A_40 = arith.constant 0 : i32
    %broadcast_in_dim3A_41 = vector.broadcast %jit3A_40 : i32 to vector<16xi32>
    %select_n3A_42 = arith.select %eq3A_39, %get3A_1, %broadcast_in_dim3A_41 : vector<16xi1>, vector<16xi32>
    %reduce_sum3A_43 = arith.constant true
    %reduce_sum3A_44 = vector.broadcast %reduce_sum3A_43 : i1 to vector<16xi1>
    %reduce_sum3A_45 = tpu.scan <sum>, %select_n3A_42 masked %reduce_sum3A_44 : vector<16xi32>, vector<16xi1> -> vector<16xi32>
    %reduce_sum3A_46 = vector.extract %reduce_sum3A_45[15] : i32 from vector<16xi32>
    %eq3A_47 = arith.constant 5 : i32
    %eq3A_48 = vector.broadcast %eq3A_47 : i32 to vector<16xi32>
    %eq3A_49 = arith.cmpi eq, %iota3A, %eq3A_48 : vector<16xi32>
    %jit3A_50 = arith.constant 0 : i32
    %broadcast_in_dim3A_51 = vector.broadcast %jit3A_50 : i32 to vector<16xi32>
    %select_n3A_52 = arith.select %eq3A_49, %get3A_1, %broadcast_in_dim3A_51 : vector<16xi1>, vector<16xi32>
    %reduce_sum3A_53 = arith.constant true
    %reduce_sum3A_54 = vector.broadcast %reduce_sum3A_53 : i1 to vector<16xi1>
    %reduce_sum3A_55 = tpu.scan <sum>, %select_n3A_52 masked %reduce_sum3A_54 : vector<16xi32>, vector<16xi1> -> vector<16xi32>
    %reduce_sum3A_56 = vector.extract %reduce_sum3A_55[15] : i32 from vector<16xi32>
    %eq3A_57 = arith.constant 6 : i32
    %eq3A_58 = vector.broadcast %eq3A_57 : i32 to vector<16xi32>
    %eq3A_59 = arith.cmpi eq, %iota3A, %eq3A_58 : vector<16xi32>
    %jit3A_60 = arith.constant 0 : i32
    %broadcast_in_dim3A_61 = vector.broadcast %jit3A_60 : i32 to vector<16xi32>
    %select_n3A_62 = arith.select %eq3A_59, %get3A_1, %broadcast_in_dim3A_61 : vector<16xi1>, vector<16xi32>
    %reduce_sum3A_63 = arith.constant true
    %reduce_sum3A_64 = vector.broadcast %reduce_sum3A_63 : i1 to vector<16xi1>
    %reduce_sum3A_65 = tpu.scan <sum>, %select_n3A_62 masked %reduce_sum3A_64 : vector<16xi32>, vector<16xi1> -> vector<16xi32>
    %reduce_sum3A_66 = vector.extract %reduce_sum3A_65[15] : i32 from vector<16xi32>
    %eq3A_67 = arith.constant 7 : i32
    %eq3A_68 = vector.broadcast %eq3A_67 : i32 to vector<16xi32>
    %eq3A_69 = arith.cmpi eq, %iota3A, %eq3A_68 : vector<16xi32>
    %jit3A_70 = arith.constant 0 : i32
    %broadcast_in_dim3A_71 = vector.broadcast %jit3A_70 : i32 to vector<16xi32>
    %select_n3A_72 = arith.select %eq3A_69, %get3A_1, %broadcast_in_dim3A_71 : vector<16xi1>, vector<16xi32>
    %reduce_sum3A_73 = arith.constant true
    %reduce_sum3A_74 = vector.broadcast %reduce_sum3A_73 : i1 to vector<16xi1>
    %reduce_sum3A_75 = tpu.scan <sum>, %select_n3A_72 masked %reduce_sum3A_74 : vector<16xi32>, vector<16xi1> -> vector<16xi32>
    %reduce_sum3A_76 = vector.extract %reduce_sum3A_75[15] : i32 from vector<16xi32>
    %shift_right_arithmetic3A = arith.constant 1 : i32
    %shift_right_arithmetic3A_77 = arith.shrsi %add3A, %shift_right_arithmetic3A : i32
    %mul3A_78 = arith.constant 8 : i32
    %mul3A_79 = arith.muli %shift_right_arithmetic3A_77, %mul3A_78 : i32
    %multiple_of3A = tpu.assume_multiple %mul3A_79, 8 : i32
    %and3A = arith.constant 1 : i32
    %and3A_80 = arith.andi %add3A, %and3A : i32
    %mul3A_81 = arith.constant 512 : i32
    %mul3A_82 = arith.muli %and3A_80, %mul3A_81 : i32
    %multiple_of3A_83 = tpu.assume_multiple %mul3A_82, 128 : i32
    %add3A_84 = arith.constant 488 : i32
    %add3A_85 = arith.addi %add3A_84, %multiple_of3A : i32
    %dma_start3A = arith.constant 0 : i32
    %dma_start3A_86 = arith.constant 0 : i32
    %dma_start3A_87 = arith.constant 0 : i32
    %dma_start3A_88 = arith.constant 0 : i32
    %dma_start3A_89 = arith.constant 0 : i32
    %dma_start3A_90 = tpu.memref_slice %arg6[%dma_start3A, %dma_start3A_86, %dma_start3A_88, %dma_start3A_89] : memref<3x8x8x512xf32, #tpu.memory_space<vmem>> -> memref<1x1x8x512xf32, #tpu.memory_space<vmem>>
    %dma_start3A_91 = tpu.memref_squeeze %dma_start3A_90 : memref<1x1x8x512xf32, #tpu.memory_space<vmem>> -> memref<8x512xf32, #tpu.memory_space<vmem>>
    %dma_start3A_92 = tpu.memref_slice %arg2[%reduce_sum3A_6, %add3A_85, %multiple_of3A_83] : memref<64x1000x1024xf32, #tpu.memory_space<hbm>> -> memref<1x8x512xf32, #tpu.memory_space<hbm>>
    %dma_start3A_93 = tpu.memref_squeeze %dma_start3A_92 : memref<1x8x512xf32, #tpu.memory_space<hbm>> -> memref<8x512xf32, #tpu.memory_space<hbm>>
    %dma_start3A_94 = tpu.memref_slice %arg8[%dma_start3A_87] : memref<3x!tpu.dma_semaphore, #tpu.memory_space<semaphore_mem>> -> memref<1x!tpu.dma_semaphore, #tpu.memory_space<semaphore_mem>>
    %dma_start3A_95 = tpu.memref_squeeze %dma_start3A_94 : memref<1x!tpu.dma_semaphore, #tpu.memory_space<semaphore_mem>> -> memref<!tpu.dma_semaphore, #tpu.memory_space<semaphore_mem>>
    %dma_start3A_96 = arith.constant 0 : i32
    %dma_start3A_97 = arith.constant 0 : i32
    %dma_start3A_98 = tpu.memref_slice %arg6[%dma_start3A, %dma_start3A_86, %dma_start3A_96, %dma_start3A_97] : memref<3x8x8x512xf32, #tpu.memory_space<vmem>> -> memref<1x1x8x512xf32, #tpu.memory_space<vmem>>
    %dma_start3A_99 = tpu.memref_squeeze %dma_start3A_98 : memref<1x1x8x512xf32, #tpu.memory_space<vmem>> -> memref<8x512xf32, #tpu.memory_space<vmem>>
    %dma_start3A_100 = tpu.memref_slice %arg2[%reduce_sum3A_6, %add3A_85, %multiple_of3A_83] : memref<64x1000x1024xf32, #tpu.memory_space<hbm>> -> memref<1x8x512xf32, #tpu.memory_space<hbm>>
    %dma_start3A_101 = tpu.memref_squeeze %dma_start3A_100 : memref<1x8x512xf32, #tpu.memory_space<hbm>> -> memref<8x512xf32, #tpu.memory_space<hbm>>
    tpu.enqueue_dma source(%dma_start3A_101 : memref<8x512xf32, #tpu.memory_space<hbm>>) target(%dma_start3A_99 : memref<8x512xf32, #tpu.memory_space<vmem>>) target_semaphore(%dma_start3A_95 : memref<!tpu.dma_semaphore, #tpu.memory_space<semaphore_mem>>)
    %add3A_102 = arith.constant 488 : i32
    %add3A_103 = arith.addi %add3A_102, %multiple_of3A : i32
    %dma_start3A_104 = arith.constant 0 : i32
    %dma_start3A_105 = arith.constant 1 : i32
    %dma_start3A_106 = arith.constant 0 : i32
    %dma_start3A_107 = arith.constant 0 : i32
    %dma_start3A_108 = arith.constant 0 : i32
    %dma_start3A_109 = tpu.memref_slice %arg6[%dma_start3A_104, %dma_start3A_105, %dma_start3A_107, %dma_start3A_108] : memref<3x8x8x512xf32, #tpu.memory_space<vmem>> -> memref<1x1x8x512xf32, #tpu.memory_space<vmem>>
    %dma_start3A_110 = tpu.memref_squeeze %dma_start3A_109 : memref<1x1x8x512xf32, #tpu.memory_space<vmem>> -> memref<8x512xf32, #tpu.memory_space<vmem>>
    %dma_start3A_111 = tpu.memref_slice %arg2[%reduce_sum3A_16, %add3A_103, %multiple_of3A_83] : memref<64x1000x1024xf32, #tpu.memory_space<hbm>> -> memref<1x8x512xf32, #tpu.memory_space<hbm>>
    %dma_start3A_112 = tpu.memref_squeeze %dma_start3A_111 : memref<1x8x512xf32, #tpu.memory_space<hbm>> -> memref<8x512xf32, #tpu.memory_space<hbm>>
    %dma_start3A_113 = tpu.memref_slice %arg8[%dma_start3A_106] : memref<3x!tpu.dma_semaphore, #tpu.memory_space<semaphore_mem>> -> memref<1x!tpu.dma_semaphore, #tpu.memory_space<semaphore_mem>>
    %dma_start3A_114 = tpu.memref_squeeze %dma_start3A_113 : memref<1x!tpu.dma_semaphore, #tpu.memory_space<semaphore_mem>> -> memref<!tpu.dma_semaphore, #tpu.memory_space<semaphore_mem>>
    %dma_start3A_115 = arith.constant 0 : i32
    %dma_start3A_116 = arith.constant 0 : i32
    %dma_start3A_117 = tpu.memref_slice %arg6[%dma_start3A_104, %dma_start3A_105, %dma_start3A_115, %dma_start3A_116] : memref<3x8x8x512xf32, #tpu.memory_space<vmem>> -> memref<1x1x8x512xf32, #tpu.memory_space<vmem>>
    %dma_start3A_118 = tpu.memref_squeeze %dma_start3A_117 : memref<1x1x8x512xf32, #tpu.memory_space<vmem>> -> memref<8x512xf32, #tpu.memory_space<vmem>>
    %dma_start3A_119 = tpu.memref_slice %arg2[%reduce_sum3A_16, %add3A_103, %multiple_of3A_83] : memref<64x1000x1024xf32, #tpu.memory_space<hbm>> -> memref<1x8x512xf32, #tpu.memory_space<hbm>>
    %dma_start3A_120 = tpu.memref_squeeze %dma_start3A_119 : memref<1x8x512xf32, #tpu.memory_space<hbm>> -> memref<8x512xf32, #tpu.memory_space<hbm>>
    tpu.enqueue_dma source(%dma_start3A_120 : memref<8x512xf32, #tpu.memory_space<hbm>>) target(%dma_start3A_118 : memref<8x512xf32, #tpu.memory_space<vmem>>) target_semaphore(%dma_start3A_114 : memref<!tpu.dma_semaphore, #tpu.memory_space<semaphore_mem>>)
    %add3A_121 = arith.constant 488 : i32
    %add3A_122 = arith.addi %add3A_121, %multiple_of3A : i32
    %dma_start3A_123 = arith.constant 0 : i32
    %dma_start3A_124 = arith.constant 2 : i32
    %dma_start3A_125 = arith.constant 0 : i32
    %dma_start3A_126 = arith.constant 0 : i32
    %dma_start3A_127 = arith.constant 0 : i32
    %dma_start3A_128 = tpu.memref_slice %arg6[%dma_start3A_123, %dma_start3A_124, %dma_start3A_126, %dma_start3A_127] : memref<3x8x8x512xf32, #tpu.memory_space<vmem>> -> memref<1x1x8x512xf32, #tpu.memory_space<vmem>>
    %dma_start3A_129 = tpu.memref_squeeze %dma_start3A_128 : memref<1x1x8x512xf32, #tpu.memory_space<vmem>> -> memref<8x512xf32, #tpu.memory_space<vmem>>
    %dma_start3A_130 = tpu.memref_slice %arg2[%reduce_sum3A_26, %add3A_122, %multiple_of3A_83] : memref<64x1000x1024xf32, #tpu.memory_space<hbm>> -> memref<1x8x512xf32, #tpu.memory_space<hbm>>
    %dma_start3A_131 = tpu.memref_squeeze %dma_start3A_130 : memref<1x8x512xf32, #tpu.memory_space<hbm>> -> memref<8x512xf32, #tpu.memory_space<hbm>>
    %dma_start3A_132 = tpu.memref_slice %arg8[%dma_start3A_125] : memref<3x!tpu.dma_semaphore, #tpu.memory_space<semaphore_mem>> -> memref<1x!tpu.dma_semaphore, #tpu.memory_space<semaphore_mem>>
    %dma_start3A_133 = tpu.memref_squeeze %dma_start3A_132 : memref<1x!tpu.dma_semaphore, #tpu.memory_space<semaphore_mem>> -> memref<!tpu.dma_semaphore, #tpu.memory_space<semaphore_mem>>
    %dma_start3A_134 = arith.constant 0 : i32
    %dma_start3A_135 = arith.constant 0 : i32
    %dma_start3A_136 = tpu.memref_slice %arg6[%dma_start3A_123, %dma_start3A_124, %dma_start3A_134, %dma_start3A_135] : memref<3x8x8x512xf32, #tpu.memory_space<vmem>> -> memref<1x1x8x512xf32, #tpu.memory_space<vmem>>
    %dma_start3A_137 = tpu.memref_squeeze %dma_start3A_136 : memref<1x1x8x512xf32, #tpu.memory_space<vmem>> -> memref<8x512xf32, #tpu.memory_space<vmem>>
    %dma_start3A_138 = tpu.memref_slice %arg2[%reduce_sum3A_26, %add3A_122, %multiple_of3A_83] : memref<64x1000x1024xf32, #tpu.memory_space<hbm>> -> memref<1x8x512xf32, #tpu.memory_space<hbm>>
    %dma_start3A_139 = tpu.memref_squeeze %dma_start3A_138 : memref<1x8x512xf32, #tpu.memory_space<hbm>> -> memref<8x512xf32, #tpu.memory_space<hbm>>
    tpu.enqueue_dma source(%dma_start3A_139 : memref<8x512xf32, #tpu.memory_space<hbm>>) target(%dma_start3A_137 : memref<8x512xf32, #tpu.memory_space<vmem>>) target_semaphore(%dma_start3A_133 : memref<!tpu.dma_semaphore, #tpu.memory_space<semaphore_mem>>)
    %add3A_140 = arith.constant 488 : i32
    %add3A_141 = arith.addi %add3A_140, %multiple_of3A : i32
    %dma_start3A_142 = arith.constant 0 : i32
    %dma_start3A_143 = arith.constant 3 : i32
    %dma_start3A_144 = arith.constant 0 : i32
    %dma_start3A_145 = arith.constant 0 : i32
    %dma_start3A_146 = arith.constant 0 : i32
    %dma_start3A_147 = tpu.memref_slice %arg6[%dma_start3A_142, %dma_start3A_143, %dma_start3A_145, %dma_start3A_146] : memref<3x8x8x512xf32, #tpu.memory_space<vmem>> -> memref<1x1x8x512xf32, #tpu.memory_space<vmem>>
    %dma_start3A_148 = tpu.memref_squeeze %dma_start3A_147 : memref<1x1x8x512xf32, #tpu.memory_space<vmem>> -> memref<8x512xf32, #tpu.memory_space<vmem>>
    %dma_start3A_149 = tpu.memref_slice %arg2[%reduce_sum3A_36, %add3A_141, %multiple_of3A_83] : memref<64x1000x1024xf32, #tpu.memory_space<hbm>> -> memref<1x8x512xf32, #tpu.memory_space<hbm>>
    %dma_start3A_150 = tpu.memref_squeeze %dma_start3A_149 : memref<1x8x512xf32, #tpu.memory_space<hbm>> -> memref<8x512xf32, #tpu.memory_space<hbm>>
    %dma_start3A_151 = tpu.memref_slice %arg8[%dma_start3A_144] : memref<3x!tpu.dma_semaphore, #tpu.memory_space<semaphore_mem>> -> memref<1x!tpu.dma_semaphore, #tpu.memory_space<semaphore_mem>>
    %dma_start3A_152 = tpu.memref_squeeze %dma_start3A_151 : memref<1x!tpu.dma_semaphore, #tpu.memory_space<semaphore_mem>> -> memref<!tpu.dma_semaphore, #tpu.memory_space<semaphore_mem>>
    %dma_start3A_153 = arith.constant 0 : i32
    %dma_start3A_154 = arith.constant 0 : i32
    %dma_start3A_155 = tpu.memref_slice %arg6[%dma_start3A_142, %dma_start3A_143, %dma_start3A_153, %dma_start3A_154] : memref<3x8x8x512xf32, #tpu.memory_space<vmem>> -> memref<1x1x8x512xf32, #tpu.memory_space<vmem>>
    %dma_start3A_156 = tpu.memref_squeeze %dma_start3A_155 : memref<1x1x8x512xf32, #tpu.memory_space<vmem>> -> memref<8x512xf32, #tpu.memory_space<vmem>>
    %dma_start3A_157 = tpu.memref_slice %arg2[%reduce_sum3A_36, %add3A_141, %multiple_of3A_83] : memref<64x1000x1024xf32, #tpu.memory_space<hbm>> -> memref<1x8x512xf32, #tpu.memory_space<hbm>>
    %dma_start3A_158 = tpu.memref_squeeze %dma_start3A_157 : memref<1x8x512xf32, #tpu.memory_space<hbm>> -> memref<8x512xf32, #tpu.memory_space<hbm>>
    tpu.enqueue_dma source(%dma_start3A_158 : memref<8x512xf32, #tpu.memory_space<hbm>>) target(%dma_start3A_156 : memref<8x512xf32, #tpu.memory_space<vmem>>) target_semaphore(%dma_start3A_152 : memref<!tpu.dma_semaphore, #tpu.memory_space<semaphore_mem>>)
    %add3A_159 = arith.constant 488 : i32
    %add3A_160 = arith.addi %add3A_159, %multiple_of3A : i32
    %dma_start3A_161 = arith.constant 0 : i32
    %dma_start3A_162 = arith.constant 4 : i32
    %dma_start3A_163 = arith.constant 0 : i32
    %dma_start3A_164 = arith.constant 0 : i32
    %dma_start3A_165 = arith.constant 0 : i32
    %dma_start3A_166 = tpu.memref_slice %arg6[%dma_start3A_161, %dma_start3A_162, %dma_start3A_164, %dma_start3A_165] : memref<3x8x8x512xf32, #tpu.memory_space<vmem>> -> memref<1x1x8x512xf32, #tpu.memory_space<vmem>>
    %dma_start3A_167 = tpu.memref_squeeze %dma_start3A_166 : memref<1x1x8x512xf32, #tpu.memory_space<vmem>> -> memref<8x512xf32, #tpu.memory_space<vmem>>
    %dma_start3A_168 = tpu.memref_slice %arg2[%reduce_sum3A_46, %add3A_160, %multiple_of3A_83] : memref<64x1000x1024xf32, #tpu.memory_space<hbm>> -> memref<1x8x512xf32, #tpu.memory_space<hbm>>
    %dma_start3A_169 = tpu.memref_squeeze %dma_start3A_168 : memref<1x8x512xf32, #tpu.memory_space<hbm>> -> memref<8x512xf32, #tpu.memory_space<hbm>>
    %dma_start3A_170 = tpu.memref_slice %arg8[%dma_start3A_163] : memref<3x!tpu.dma_semaphore, #tpu.memory_space<semaphore_mem>> -> memref<1x!tpu.dma_semaphore, #tpu.memory_space<semaphore_mem>>
    %dma_start3A_171 = tpu.memref_squeeze %dma_start3A_170 : memref<1x!tpu.dma_semaphore, #tpu.memory_space<semaphore_mem>> -> memref<!tpu.dma_semaphore, #tpu.memory_space<semaphore_mem>>
    %dma_start3A_172 = arith.constant 0 : i32
    %dma_start3A_173 = arith.constant 0 : i32
    %dma_start3A_174 = tpu.memref_slice %arg6[%dma_start3A_161, %dma_start3A_162, %dma_start3A_172, %dma_start3A_173] : memref<3x8x8x512xf32, #tpu.memory_space<vmem>> -> memref<1x1x8x512xf32, #tpu.memory_space<vmem>>
    %dma_start3A_175 = tpu.memref_squeeze %dma_start3A_174 : memref<1x1x8x512xf32, #tpu.memory_space<vmem>> -> memref<8x512xf32, #tpu.memory_space<vmem>>
    %dma_start3A_176 = tpu.memref_slice %arg2[%reduce_sum3A_46, %add3A_160, %multiple_of3A_83] : memref<64x1000x1024xf32, #tpu.memory_space<hbm>> -> memref<1x8x512xf32, #tpu.memory_space<hbm>>
    %dma_start3A_177 = tpu.memref_squeeze %dma_start3A_176 : memref<1x8x512xf32, #tpu.memory_space<hbm>> -> memref<8x512xf32, #tpu.memory_space<hbm>>
    tpu.enqueue_dma source(%dma_start3A_177 : memref<8x512xf32, #tpu.memory_space<hbm>>) target(%dma_start3A_175 : memref<8x512xf32, #tpu.memory_space<vmem>>) target_semaphore(%dma_start3A_171 : memref<!tpu.dma_semaphore, #tpu.memory_space<semaphore_mem>>)
    %add3A_178 = arith.constant 488 : i32
    %add3A_179 = arith.addi %add3A_178, %multiple_of3A : i32
    %dma_start3A_180 = arith.constant 0 : i32
    %dma_start3A_181 = arith.constant 5 : i32
    %dma_start3A_182 = arith.constant 0 : i32
    %dma_start3A_183 = arith.constant 0 : i32
    %dma_start3A_184 = arith.constant 0 : i32
    %dma_start3A_185 = tpu.memref_slice %arg6[%dma_start3A_180, %dma_start3A_181, %dma_start3A_183, %dma_start3A_184] : memref<3x8x8x512xf32, #tpu.memory_space<vmem>> -> memref<1x1x8x512xf32, #tpu.memory_space<vmem>>
    %dma_start3A_186 = tpu.memref_squeeze %dma_start3A_185 : memref<1x1x8x512xf32, #tpu.memory_space<vmem>> -> memref<8x512xf32, #tpu.memory_space<vmem>>
    %dma_start3A_187 = tpu.memref_slice %arg2[%reduce_sum3A_56, %add3A_179, %multiple_of3A_83] : memref<64x1000x1024xf32, #tpu.memory_space<hbm>> -> memref<1x8x512xf32, #tpu.memory_space<hbm>>
    %dma_start3A_188 = tpu.memref_squeeze %dma_start3A_187 : memref<1x8x512xf32, #tpu.memory_space<hbm>> -> memref<8x512xf32, #tpu.memory_space<hbm>>
    %dma_start3A_189 = tpu.memref_slice %arg8[%dma_start3A_182] : memref<3x!tpu.dma_semaphore, #tpu.memory_space<semaphore_mem>> -> memref<1x!tpu.dma_semaphore, #tpu.memory_space<semaphore_mem>>
    %dma_start3A_190 = tpu.memref_squeeze %dma_start3A_189 : memref<1x!tpu.dma_semaphore, #tpu.memory_space<semaphore_mem>> -> memref<!tpu.dma_semaphore, #tpu.memory_space<semaphore_mem>>
    %dma_start3A_191 = arith.constant 0 : i32
    %dma_start3A_192 = arith.constant 0 : i32
    %dma_start3A_193 = tpu.memref_slice %arg6[%dma_start3A_180, %dma_start3A_181, %dma_start3A_191, %dma_start3A_192] : memref<3x8x8x512xf32, #tpu.memory_space<vmem>> -> memref<1x1x8x512xf32, #tpu.memory_space<vmem>>
    %dma_start3A_194 = tpu.memref_squeeze %dma_start3A_193 : memref<1x1x8x512xf32, #tpu.memory_space<vmem>> -> memref<8x512xf32, #tpu.memory_space<vmem>>
    %dma_start3A_195 = tpu.memref_slice %arg2[%reduce_sum3A_56, %add3A_179, %multiple_of3A_83] : memref<64x1000x1024xf32, #tpu.memory_space<hbm>> -> memref<1x8x512xf32, #tpu.memory_space<hbm>>
    %dma_start3A_196 = tpu.memref_squeeze %dma_start3A_195 : memref<1x8x512xf32, #tpu.memory_space<hbm>> -> memref<8x512xf32, #tpu.memory_space<hbm>>
    tpu.enqueue_dma source(%dma_start3A_196 : memref<8x512xf32, #tpu.memory_space<hbm>>) target(%dma_start3A_194 : memref<8x512xf32, #tpu.memory_space<vmem>>) target_semaphore(%dma_start3A_190 : memref<!tpu.dma_semaphore, #tpu.memory_space<semaphore_mem>>)
    %add3A_197 = arith.constant 488 : i32
    %add3A_198 = arith.addi %add3A_197, %multiple_of3A : i32
    %dma_start3A_199 = arith.constant 0 : i32
    %dma_start3A_200 = arith.constant 6 : i32
    %dma_start3A_201 = arith.constant 0 : i32
    %dma_start3A_202 = arith.constant 0 : i32
    %dma_start3A_203 = arith.constant 0 : i32
    %dma_start3A_204 = tpu.memref_slice %arg6[%dma_start3A_199, %dma_start3A_200, %dma_start3A_202, %dma_start3A_203] : memref<3x8x8x512xf32, #tpu.memory_space<vmem>> -> memref<1x1x8x512xf32, #tpu.memory_space<vmem>>
    %dma_start3A_205 = tpu.memref_squeeze %dma_start3A_204 : memref<1x1x8x512xf32, #tpu.memory_space<vmem>> -> memref<8x512xf32, #tpu.memory_space<vmem>>
    %dma_start3A_206 = tpu.memref_slice %arg2[%reduce_sum3A_66, %add3A_198, %multiple_of3A_83] : memref<64x1000x1024xf32, #tpu.memory_space<hbm>> -> memref<1x8x512xf32, #tpu.memory_space<hbm>>
    %dma_start3A_207 = tpu.memref_squeeze %dma_start3A_206 : memref<1x8x512xf32, #tpu.memory_space<hbm>> -> memref<8x512xf32, #tpu.memory_space<hbm>>
    %dma_start3A_208 = tpu.memref_slice %arg8[%dma_start3A_201] : memref<3x!tpu.dma_semaphore, #tpu.memory_space<semaphore_mem>> -> memref<1x!tpu.dma_semaphore, #tpu.memory_space<semaphore_mem>>
    %dma_start3A_209 = tpu.memref_squeeze %dma_start3A_208 : memref<1x!tpu.dma_semaphore, #tpu.memory_space<semaphore_mem>> -> memref<!tpu.dma_semaphore, #tpu.memory_space<semaphore_mem>>
    %dma_start3A_210 = arith.constant 0 : i32
    %dma_start3A_211 = arith.constant 0 : i32
    %dma_start3A_212 = tpu.memref_slice %arg6[%dma_start3A_199, %dma_start3A_200, %dma_start3A_210, %dma_start3A_211] : memref<3x8x8x512xf32, #tpu.memory_space<vmem>> -> memref<1x1x8x512xf32, #tpu.memory_space<vmem>>
    %dma_start3A_213 = tpu.memref_squeeze %dma_start3A_212 : memref<1x1x8x512xf32, #tpu.memory_space<vmem>> -> memref<8x512xf32, #tpu.memory_space<vmem>>
    %dma_start3A_214 = tpu.memref_slice %arg2[%reduce_sum3A_66, %add3A_198, %multiple_of3A_83] : memref<64x1000x1024xf32, #tpu.memory_space<hbm>> -> memref<1x8x512xf32, #tpu.memory_space<hbm>>
    %dma_start3A_215 = tpu.memref_squeeze %dma_start3A_214 : memref<1x8x512xf32, #tpu.memory_space<hbm>> -> memref<8x512xf32, #tpu.memory_space<hbm>>
    tpu.enqueue_dma source(%dma_start3A_215 : memref<8x512xf32, #tpu.memory_space<hbm>>) target(%dma_start3A_213 : memref<8x512xf32, #tpu.memory_space<vmem>>) target_semaphore(%dma_start3A_209 : memref<!tpu.dma_semaphore, #tpu.memory_space<semaphore_mem>>)
    %add3A_216 = arith.constant 488 : i32
    %add3A_217 = arith.addi %add3A_216, %multiple_of3A : i32
    %dma_start3A_218 = arith.constant 0 : i32
    %dma_start3A_219 = arith.constant 7 : i32
    %dma_start3A_220 = arith.constant 0 : i32
    %dma_start3A_221 = arith.constant 0 : i32
    %dma_start3A_222 = arith.constant 0 : i32
    %dma_start3A_223 = tpu.memref_slice %arg6[%dma_start3A_218, %dma_start3A_219, %dma_start3A_221, %dma_start3A_222] : memref<3x8x8x512xf32, #tpu.memory_space<vmem>> -> memref<1x1x8x512xf32, #tpu.memory_space<vmem>>
    %dma_start3A_224 = tpu.memref_squeeze %dma_start3A_223 : memref<1x1x8x512xf32, #tpu.memory_space<vmem>> -> memref<8x512xf32, #tpu.memory_space<vmem>>
    %dma_start3A_225 = tpu.memref_slice %arg2[%reduce_sum3A_76, %add3A_217, %multiple_of3A_83] : memref<64x1000x1024xf32, #tpu.memory_space<hbm>> -> memref<1x8x512xf32, #tpu.memory_space<hbm>>
    %dma_start3A_226 = tpu.memref_squeeze %dma_start3A_225 : memref<1x8x512xf32, #tpu.memory_space<hbm>> -> memref<8x512xf32, #tpu.memory_space<hbm>>
    %dma_start3A_227 = tpu.memref_slice %arg8[%dma_start3A_220] : memref<3x!tpu.dma_semaphore, #tpu.memory_space<semaphore_mem>> -> memref<1x!tpu.dma_semaphore, #tpu.memory_space<semaphore_mem>>
    %dma_start3A_228 = tpu.memref_squeeze %dma_start3A_227 : memref<1x!tpu.dma_semaphore, #tpu.memory_space<semaphore_mem>> -> memref<!tpu.dma_semaphore, #tpu.memory_space<semaphore_mem>>
    %dma_start3A_229 = arith.constant 0 : i32
    %dma_start3A_230 = arith.constant 0 : i32
    %dma_start3A_231 = tpu.memref_slice %arg6[%dma_start3A_218, %dma_start3A_219, %dma_start3A_229, %dma_start3A_230] : memref<3x8x8x512xf32, #tpu.memory_space<vmem>> -> memref<1x1x8x512xf32, #tpu.memory_space<vmem>>
    %dma_start3A_232 = tpu.memref_squeeze %dma_start3A_231 : memref<1x1x8x512xf32, #tpu.memory_space<vmem>> -> memref<8x512xf32, #tpu.memory_space<vmem>>
    %dma_start3A_233 = tpu.memref_slice %arg2[%reduce_sum3A_76, %add3A_217, %multiple_of3A_83] : memref<64x1000x1024xf32, #tpu.memory_space<hbm>> -> memref<1x8x512xf32, #tpu.memory_space<hbm>>
    %dma_start3A_234 = tpu.memref_squeeze %dma_start3A_233 : memref<1x8x512xf32, #tpu.memory_space<hbm>> -> memref<8x512xf32, #tpu.memory_space<hbm>>
    tpu.enqueue_dma source(%dma_start3A_234 : memref<8x512xf32, #tpu.memory_space<hbm>>) target(%dma_start3A_232 : memref<8x512xf32, #tpu.memory_space<vmem>>) target_semaphore(%dma_start3A_228 : memref<!tpu.dma_semaphore, #tpu.memory_space<semaphore_mem>>)
    %add3A_235 = arith.constant 32 : i32
    %add3A_236 = arith.addi %add3A, %add3A_235 : i32
    %shift_right_arithmetic3A_237 = arith.constant 1 : i32
    %shift_right_arithmetic3A_238 = arith.shrsi %add3A_236, %shift_right_arithmetic3A_237 : i32
    %mul3A_239 = arith.constant 8 : i32
    %mul3A_240 = arith.muli %shift_right_arithmetic3A_238, %mul3A_239 : i32
    %multiple_of3A_241 = tpu.assume_multiple %mul3A_240, 8 : i32
    %and3A_242 = arith.constant 1 : i32
    %and3A_243 = arith.andi %add3A_236, %and3A_242 : i32
    %mul3A_244 = arith.constant 512 : i32
    %mul3A_245 = arith.muli %and3A_243, %mul3A_244 : i32
    %multiple_of3A_246 = tpu.assume_multiple %mul3A_245, 128 : i32
    %add3A_247 = arith.constant 488 : i32
    %add3A_248 = arith.addi %add3A_247, %multiple_of3A_241 : i32
    %dma_start3A_249 = arith.constant 1 : i32
    %dma_start3A_250 = arith.constant 0 : i32
    %dma_start3A_251 = arith.constant 1 : i32
    %dma_start3A_252 = arith.constant 0 : i32
    %dma_start3A_253 = arith.constant 0 : i32
    %dma_start3A_254 = tpu.memref_slice %arg6[%dma_start3A_249, %dma_start3A_250, %dma_start3A_252, %dma_start3A_253] : memref<3x8x8x512xf32, #tpu.memory_space<vmem>> -> memref<1x1x8x512xf32, #tpu.memory_space<vmem>>
    %dma_start3A_255 = tpu.memref_squeeze %dma_start3A_254 : memref<1x1x8x512xf32, #tpu.memory_space<vmem>> -> memref<8x512xf32, #tpu.memory_space<vmem>>
    %dma_start3A_256 = tpu.memref_slice %arg2[%reduce_sum3A_6, %add3A_248, %multiple_of3A_246] : memref<64x1000x1024xf32, #tpu.memory_space<hbm>> -> memref<1x8x512xf32, #tpu.memory_space<hbm>>
    %dma_start3A_257 = tpu.memref_squeeze %dma_start3A_256 : memref<1x8x512xf32, #tpu.memory_space<hbm>> -> memref<8x512xf32, #tpu.memory_space<hbm>>
    %dma_start3A_258 = tpu.memref_slice %arg8[%dma_start3A_251] : memref<3x!tpu.dma_semaphore, #tpu.memory_space<semaphore_mem>> -> memref<1x!tpu.dma_semaphore, #tpu.memory_space<semaphore_mem>>
    %dma_start3A_259 = tpu.memref_squeeze %dma_start3A_258 : memref<1x!tpu.dma_semaphore, #tpu.memory_space<semaphore_mem>> -> memref<!tpu.dma_semaphore, #tpu.memory_space<semaphore_mem>>
    %dma_start3A_260 = arith.constant 0 : i32
    %dma_start3A_261 = arith.constant 0 : i32
    %dma_start3A_262 = tpu.memref_slice %arg6[%dma_start3A_249, %dma_start3A_250, %dma_start3A_260, %dma_start3A_261] : memref<3x8x8x512xf32, #tpu.memory_space<vmem>> -> memref<1x1x8x512xf32, #tpu.memory_space<vmem>>
    %dma_start3A_263 = tpu.memref_squeeze %dma_start3A_262 : memref<1x1x8x512xf32, #tpu.memory_space<vmem>> -> memref<8x512xf32, #tpu.memory_space<vmem>>
    %dma_start3A_264 = tpu.memref_slice %arg2[%reduce_sum3A_6, %add3A_248, %multiple_of3A_246] : memref<64x1000x1024xf32, #tpu.memory_space<hbm>> -> memref<1x8x512xf32, #tpu.memory_space<hbm>>
    %dma_start3A_265 = tpu.memref_squeeze %dma_start3A_264 : memref<1x8x512xf32, #tpu.memory_space<hbm>> -> memref<8x512xf32, #tpu.memory_space<hbm>>
    tpu.enqueue_dma source(%dma_start3A_265 : memref<8x512xf32, #tpu.memory_space<hbm>>) target(%dma_start3A_263 : memref<8x512xf32, #tpu.memory_space<vmem>>) target_semaphore(%dma_start3A_259 : memref<!tpu.dma_semaphore, #tpu.memory_space<semaphore_mem>>)
    %add3A_266 = arith.constant 488 : i32
    %add3A_267 = arith.addi %add3A_266, %multiple_of3A_241 : i32
    %dma_start3A_268 = arith.constant 1 : i32
    %dma_start3A_269 = arith.constant 1 : i32
    %dma_start3A_270 = arith.constant 1 : i32
    %dma_start3A_271 = arith.constant 0 : i32
    %dma_start3A_272 = arith.constant 0 : i32
    %dma_start3A_273 = tpu.memref_slice %arg6[%dma_start3A_268, %dma_start3A_269, %dma_start3A_271, %dma_start3A_272] : memref<3x8x8x512xf32, #tpu.memory_space<vmem>> -> memref<1x1x8x512xf32, #tpu.memory_space<vmem>>
    %dma_start3A_274 = tpu.memref_squeeze %dma_start3A_273 : memref<1x1x8x512xf32, #tpu.memory_space<vmem>> -> memref<8x512xf32, #tpu.memory_space<vmem>>
    %dma_start3A_275 = tpu.memref_slice %arg2[%reduce_sum3A_16, %add3A_267, %multiple_of3A_246] : memref<64x1000x1024xf32, #tpu.memory_space<hbm>> -> memref<1x8x512xf32, #tpu.memory_space<hbm>>
    %dma_start3A_276 = tpu.memref_squeeze %dma_start3A_275 : memref<1x8x512xf32, #tpu.memory_space<hbm>> -> memref<8x512xf32, #tpu.memory_space<hbm>>
    %dma_start3A_277 = tpu.memref_slice %arg8[%dma_start3A_270] : memref<3x!tpu.dma_semaphore, #tpu.memory_space<semaphore_mem>> -> memref<1x!tpu.dma_semaphore, #tpu.memory_space<semaphore_mem>>
    %dma_start3A_278 = tpu.memref_squeeze %dma_start3A_277 : memref<1x!tpu.dma_semaphore, #tpu.memory_space<semaphore_mem>> -> memref<!tpu.dma_semaphore, #tpu.memory_space<semaphore_mem>>
    %dma_start3A_279 = arith.constant 0 : i32
    %dma_start3A_280 = arith.constant 0 : i32
    %dma_start3A_281 = tpu.memref_slice %arg6[%dma_start3A_268, %dma_start3A_269, %dma_start3A_279, %dma_start3A_280] : memref<3x8x8x512xf32, #tpu.memory_space<vmem>> -> memref<1x1x8x512xf32, #tpu.memory_space<vmem>>
    %dma_start3A_282 = tpu.memref_squeeze %dma_start3A_281 : memref<1x1x8x512xf32, #tpu.memory_space<vmem>> -> memref<8x512xf32, #tpu.memory_space<vmem>>
    %dma_start3A_283 = tpu.memref_slice %arg2[%reduce_sum3A_16, %add3A_267, %multiple_of3A_246] : memref<64x1000x1024xf32, #tpu.memory_space<hbm>> -> memref<1x8x512xf32, #tpu.memory_space<hbm>>
    %dma_start3A_284 = tpu.memref_squeeze %dma_start3A_283 : memref<1x8x512xf32, #tpu.memory_space<hbm>> -> memref<8x512xf32, #tpu.memory_space<hbm>>
    tpu.enqueue_dma source(%dma_start3A_284 : memref<8x512xf32, #tpu.memory_space<hbm>>) target(%dma_start3A_282 : memref<8x512xf32, #tpu.memory_space<vmem>>) target_semaphore(%dma_start3A_278 : memref<!tpu.dma_semaphore, #tpu.memory_space<semaphore_mem>>)
    %add3A_285 = arith.constant 488 : i32
    %add3A_286 = arith.addi %add3A_285, %multiple_of3A_241 : i32
    %dma_start3A_287 = arith.constant 1 : i32
    %dma_start3A_288 = arith.constant 2 : i32
    %dma_start3A_289 = arith.constant 1 : i32
    %dma_start3A_290 = arith.constant 0 : i32
    %dma_start3A_291 = arith.constant 0 : i32
    %dma_start3A_292 = tpu.memref_slice %arg6[%dma_start3A_287, %dma_start3A_288, %dma_start3A_290, %dma_start3A_291] : memref<3x8x8x512xf32, #tpu.memory_space<vmem>> -> memref<1x1x8x512xf32, #tpu.memory_space<vmem>>
    %dma_start3A_293 = tpu.memref_squeeze %dma_start3A_292 : memref<1x1x8x512xf32, #tpu.memory_space<vmem>> -> memref<8x512xf32, #tpu.memory_space<vmem>>
    %dma_start3A_294 = tpu.memref_slice %arg2[%reduce_sum3A_26, %add3A_286, %multiple_of3A_246] : memref<64x1000x1024xf32, #tpu.memory_space<hbm>> -> memref<1x8x512xf32, #tpu.memory_space<hbm>>
    %dma_start3A_295 = tpu.memref_squeeze %dma_start3A_294 : memref<1x8x512xf32, #tpu.memory_space<hbm>> -> memref<8x512xf32, #tpu.memory_space<hbm>>
    %dma_start3A_296 = tpu.memref_slice %arg8[%dma_start3A_289] : memref<3x!tpu.dma_semaphore, #tpu.memory_space<semaphore_mem>> -> memref<1x!tpu.dma_semaphore, #tpu.memory_space<semaphore_mem>>
    %dma_start3A_297 = tpu.memref_squeeze %dma_start3A_296 : memref<1x!tpu.dma_semaphore, #tpu.memory_space<semaphore_mem>> -> memref<!tpu.dma_semaphore, #tpu.memory_space<semaphore_mem>>
    %dma_start3A_298 = arith.constant 0 : i32
    %dma_start3A_299 = arith.constant 0 : i32
    %dma_start3A_300 = tpu.memref_slice %arg6[%dma_start3A_287, %dma_start3A_288, %dma_start3A_298, %dma_start3A_299] : memref<3x8x8x512xf32, #tpu.memory_space<vmem>> -> memref<1x1x8x512xf32, #tpu.memory_space<vmem>>
    %dma_start3A_301 = tpu.memref_squeeze %dma_start3A_300 : memref<1x1x8x512xf32, #tpu.memory_space<vmem>> -> memref<8x512xf32, #tpu.memory_space<vmem>>
    %dma_start3A_302 = tpu.memref_slice %arg2[%reduce_sum3A_26, %add3A_286, %multiple_of3A_246] : memref<64x1000x1024xf32, #tpu.memory_space<hbm>> -> memref<1x8x512xf32, #tpu.memory_space<hbm>>
    %dma_start3A_303 = tpu.memref_squeeze %dma_start3A_302 : memref<1x8x512xf32, #tpu.memory_space<hbm>> -> memref<8x512xf32, #tpu.memory_space<hbm>>
    tpu.enqueue_dma source(%dma_start3A_303 : memref<8x512xf32, #tpu.memory_space<hbm>>) target(%dma_start3A_301 : memref<8x512xf32, #tpu.memory_space<vmem>>) target_semaphore(%dma_start3A_297 : memref<!tpu.dma_semaphore, #tpu.memory_space<semaphore_mem>>)
    %add3A_304 = arith.constant 488 : i32
    %add3A_305 = arith.addi %add3A_304, %multiple_of3A_241 : i32
    %dma_start3A_306 = arith.constant 1 : i32
    %dma_start3A_307 = arith.constant 3 : i32
    %dma_start3A_308 = arith.constant 1 : i32
    %dma_start3A_309 = arith.constant 0 : i32
    %dma_start3A_310 = arith.constant 0 : i32
    %dma_start3A_311 = tpu.memref_slice %arg6[%dma_start3A_306, %dma_start3A_307, %dma_start3A_309, %dma_start3A_310] : memref<3x8x8x512xf32, #tpu.memory_space<vmem>> -> memref<1x1x8x512xf32, #tpu.memory_space<vmem>>
    %dma_start3A_312 = tpu.memref_squeeze %dma_start3A_311 : memref<1x1x8x512xf32, #tpu.memory_space<vmem>> -> memref<8x512xf32, #tpu.memory_space<vmem>>
    %dma_start3A_313 = tpu.memref_slice %arg2[%reduce_sum3A_36, %add3A_305, %multiple_of3A_246] : memref<64x1000x1024xf32, #tpu.memory_space<hbm>> -> memref<1x8x512xf32, #tpu.memory_space<hbm>>
    %dma_start3A_314 = tpu.memref_squeeze %dma_start3A_313 : memref<1x8x512xf32, #tpu.memory_space<hbm>> -> memref<8x512xf32, #tpu.memory_space<hbm>>
    %dma_start3A_315 = tpu.memref_slice %arg8[%dma_start3A_308] : memref<3x!tpu.dma_semaphore, #tpu.memory_space<semaphore_mem>> -> memref<1x!tpu.dma_semaphore, #tpu.memory_space<semaphore_mem>>
    %dma_start3A_316 = tpu.memref_squeeze %dma_start3A_315 : memref<1x!tpu.dma_semaphore, #tpu.memory_space<semaphore_mem>> -> memref<!tpu.dma_semaphore, #tpu.memory_space<semaphore_mem>>
    %dma_start3A_317 = arith.constant 0 : i32
    %dma_start3A_318 = arith.constant 0 : i32
    %dma_start3A_319 = tpu.memref_slice %arg6[%dma_start3A_306, %dma_start3A_307, %dma_start3A_317, %dma_start3A_318] : memref<3x8x8x512xf32, #tpu.memory_space<vmem>> -> memref<1x1x8x512xf32, #tpu.memory_space<vmem>>
    %dma_start3A_320 = tpu.memref_squeeze %dma_start3A_319 : memref<1x1x8x512xf32, #tpu.memory_space<vmem>> -> memref<8x512xf32, #tpu.memory_space<vmem>>
    %dma_start3A_321 = tpu.memref_slice %arg2[%reduce_sum3A_36, %add3A_305, %multiple_of3A_246] : memref<64x1000x1024xf32, #tpu.memory_space<hbm>> -> memref<1x8x512xf32, #tpu.memory_space<hbm>>
    %dma_start3A_322 = tpu.memref_squeeze %dma_start3A_321 : memref<1x8x512xf32, #tpu.memory_space<hbm>> -> memref<8x512xf32, #tpu.memory_space<hbm>>
    tpu.enqueue_dma source(%dma_start3A_322 : memref<8x512xf32, #tpu.memory_space<hbm>>) target(%dma_start3A_320 : memref<8x512xf32, #tpu.memory_space<vmem>>) target_semaphore(%dma_start3A_316 : memref<!tpu.dma_semaphore, #tpu.memory_space<semaphore_mem>>)
    %add3A_323 = arith.constant 488 : i32
    %add3A_324 = arith.addi %add3A_323, %multiple_of3A_241 : i32
    %dma_start3A_325 = arith.constant 1 : i32
    %dma_start3A_326 = arith.constant 4 : i32
    %dma_start3A_327 = arith.constant 1 : i32
    %dma_start3A_328 = arith.constant 0 : i32
    %dma_start3A_329 = arith.constant 0 : i32
    %dma_start3A_330 = tpu.memref_slice %arg6[%dma_start3A_325, %dma_start3A_326, %dma_start3A_328, %dma_start3A_329] : memref<3x8x8x512xf32, #tpu.memory_space<vmem>> -> memref<1x1x8x512xf32, #tpu.memory_space<vmem>>
    %dma_start3A_331 = tpu.memref_squeeze %dma_start3A_330 : memref<1x1x8x512xf32, #tpu.memory_space<vmem>> -> memref<8x512xf32, #tpu.memory_space<vmem>>
    %dma_start3A_332 = tpu.memref_slice %arg2[%reduce_sum3A_46, %add3A_324, %multiple_of3A_246] : memref<64x1000x1024xf32, #tpu.memory_space<hbm>> -> memref<1x8x512xf32, #tpu.memory_space<hbm>>
    %dma_start3A_333 = tpu.memref_squeeze %dma_start3A_332 : memref<1x8x512xf32, #tpu.memory_space<hbm>> -> memref<8x512xf32, #tpu.memory_space<hbm>>
    %dma_start3A_334 = tpu.memref_slice %arg8[%dma_start3A_327] : memref<3x!tpu.dma_semaphore, #tpu.memory_space<semaphore_mem>> -> memref<1x!tpu.dma_semaphore, #tpu.memory_space<semaphore_mem>>
    %dma_start3A_335 = tpu.memref_squeeze %dma_start3A_334 : memref<1x!tpu.dma_semaphore, #tpu.memory_space<semaphore_mem>> -> memref<!tpu.dma_semaphore, #tpu.memory_space<semaphore_mem>>
    %dma_start3A_336 = arith.constant 0 : i32
    %dma_start3A_337 = arith.constant 0 : i32
    %dma_start3A_338 = tpu.memref_slice %arg6[%dma_start3A_325, %dma_start3A_326, %dma_start3A_336, %dma_start3A_337] : memref<3x8x8x512xf32, #tpu.memory_space<vmem>> -> memref<1x1x8x512xf32, #tpu.memory_space<vmem>>
    %dma_start3A_339 = tpu.memref_squeeze %dma_start3A_338 : memref<1x1x8x512xf32, #tpu.memory_space<vmem>> -> memref<8x512xf32, #tpu.memory_space<vmem>>
    %dma_start3A_340 = tpu.memref_slice %arg2[%reduce_sum3A_46, %add3A_324, %multiple_of3A_246] : memref<64x1000x1024xf32, #tpu.memory_space<hbm>> -> memref<1x8x512xf32, #tpu.memory_space<hbm>>
    %dma_start3A_341 = tpu.memref_squeeze %dma_start3A_340 : memref<1x8x512xf32, #tpu.memory_space<hbm>> -> memref<8x512xf32, #tpu.memory_space<hbm>>
    tpu.enqueue_dma source(%dma_start3A_341 : memref<8x512xf32, #tpu.memory_space<hbm>>) target(%dma_start3A_339 : memref<8x512xf32, #tpu.memory_space<vmem>>) target_semaphore(%dma_start3A_335 : memref<!tpu.dma_semaphore, #tpu.memory_space<semaphore_mem>>)
    %add3A_342 = arith.constant 488 : i32
    %add3A_343 = arith.addi %add3A_342, %multiple_of3A_241 : i32
    %dma_start3A_344 = arith.constant 1 : i32
    %dma_start3A_345 = arith.constant 5 : i32
    %dma_start3A_346 = arith.constant 1 : i32
    %dma_start3A_347 = arith.constant 0 : i32
    %dma_start3A_348 = arith.constant 0 : i32
    %dma_start3A_349 = tpu.memref_slice %arg6[%dma_start3A_344, %dma_start3A_345, %dma_start3A_347, %dma_start3A_348] : memref<3x8x8x512xf32, #tpu.memory_space<vmem>> -> memref<1x1x8x512xf32, #tpu.memory_space<vmem>>
    %dma_start3A_350 = tpu.memref_squeeze %dma_start3A_349 : memref<1x1x8x512xf32, #tpu.memory_space<vmem>> -> memref<8x512xf32, #tpu.memory_space<vmem>>
    %dma_start3A_351 = tpu.memref_slice %arg2[%reduce_sum3A_56, %add3A_343, %multiple_of3A_246] : memref<64x1000x1024xf32, #tpu.memory_space<hbm>> -> memref<1x8x512xf32, #tpu.memory_space<hbm>>
    %dma_start3A_352 = tpu.memref_squeeze %dma_start3A_351 : memref<1x8x512xf32, #tpu.memory_space<hbm>> -> memref<8x512xf32, #tpu.memory_space<hbm>>
    %dma_start3A_353 = tpu.memref_slice %arg8[%dma_start3A_346] : memref<3x!tpu.dma_semaphore, #tpu.memory_space<semaphore_mem>> -> memref<1x!tpu.dma_semaphore, #tpu.memory_space<semaphore_mem>>
    %dma_start3A_354 = tpu.memref_squeeze %dma_start3A_353 : memref<1x!tpu.dma_semaphore, #tpu.memory_space<semaphore_mem>> -> memref<!tpu.dma_semaphore, #tpu.memory_space<semaphore_mem>>
    %dma_start3A_355 = arith.constant 0 : i32
    %dma_start3A_356 = arith.constant 0 : i32
    %dma_start3A_357 = tpu.memref_slice %arg6[%dma_start3A_344, %dma_start3A_345, %dma_start3A_355, %dma_start3A_356] : memref<3x8x8x512xf32, #tpu.memory_space<vmem>> -> memref<1x1x8x512xf32, #tpu.memory_space<vmem>>
    %dma_start3A_358 = tpu.memref_squeeze %dma_start3A_357 : memref<1x1x8x512xf32, #tpu.memory_space<vmem>> -> memref<8x512xf32, #tpu.memory_space<vmem>>
    %dma_start3A_359 = tpu.memref_slice %arg2[%reduce_sum3A_56, %add3A_343, %multiple_of3A_246] : memref<64x1000x1024xf32, #tpu.memory_space<hbm>> -> memref<1x8x512xf32, #tpu.memory_space<hbm>>
    %dma_start3A_360 = tpu.memref_squeeze %dma_start3A_359 : memref<1x8x512xf32, #tpu.memory_space<hbm>> -> memref<8x512xf32, #tpu.memory_space<hbm>>
    tpu.enqueue_dma source(%dma_start3A_360 : memref<8x512xf32, #tpu.memory_space<hbm>>) target(%dma_start3A_358 : memref<8x512xf32, #tpu.memory_space<vmem>>) target_semaphore(%dma_start3A_354 : memref<!tpu.dma_semaphore, #tpu.memory_space<semaphore_mem>>)
    %add3A_361 = arith.constant 488 : i32
    %add3A_362 = arith.addi %add3A_361, %multiple_of3A_241 : i32
    %dma_start3A_363 = arith.constant 1 : i32
    %dma_start3A_364 = arith.constant 6 : i32
    %dma_start3A_365 = arith.constant 1 : i32
    %dma_start3A_366 = arith.constant 0 : i32
    %dma_start3A_367 = arith.constant 0 : i32
    %dma_start3A_368 = tpu.memref_slice %arg6[%dma_start3A_363, %dma_start3A_364, %dma_start3A_366, %dma_start3A_367] : memref<3x8x8x512xf32, #tpu.memory_space<vmem>> -> memref<1x1x8x512xf32, #tpu.memory_space<vmem>>
    %dma_start3A_369 = tpu.memref_squeeze %dma_start3A_368 : memref<1x1x8x512xf32, #tpu.memory_space<vmem>> -> memref<8x512xf32, #tpu.memory_space<vmem>>
    %dma_start3A_370 = tpu.memref_slice %arg2[%reduce_sum3A_66, %add3A_362, %multiple_of3A_246] : memref<64x1000x1024xf32, #tpu.memory_space<hbm>> -> memref<1x8x512xf32, #tpu.memory_space<hbm>>
    %dma_start3A_371 = tpu.memref_squeeze %dma_start3A_370 : memref<1x8x512xf32, #tpu.memory_space<hbm>> -> memref<8x512xf32, #tpu.memory_space<hbm>>
    %dma_start3A_372 = tpu.memref_slice %arg8[%dma_start3A_365] : memref<3x!tpu.dma_semaphore, #tpu.memory_space<semaphore_mem>> -> memref<1x!tpu.dma_semaphore, #tpu.memory_space<semaphore_mem>>
    %dma_start3A_373 = tpu.memref_squeeze %dma_start3A_372 : memref<1x!tpu.dma_semaphore, #tpu.memory_space<semaphore_mem>> -> memref<!tpu.dma_semaphore, #tpu.memory_space<semaphore_mem>>
    %dma_start3A_374 = arith.constant 0 : i32
    %dma_start3A_375 = arith.constant 0 : i32
    %dma_start3A_376 = tpu.memref_slice %arg6[%dma_start3A_363, %dma_start3A_364, %dma_start3A_374, %dma_start3A_375] : memref<3x8x8x512xf32, #tpu.memory_space<vmem>> -> memref<1x1x8x512xf32, #tpu.memory_space<vmem>>
    %dma_start3A_377 = tpu.memref_squeeze %dma_start3A_376 : memref<1x1x8x512xf32, #tpu.memory_space<vmem>> -> memref<8x512xf32, #tpu.memory_space<vmem>>
    %dma_start3A_378 = tpu.memref_slice %arg2[%reduce_sum3A_66, %add3A_362, %multiple_of3A_246] : memref<64x1000x1024xf32, #tpu.memory_space<hbm>> -> memref<1x8x512xf32, #tpu.memory_space<hbm>>
    %dma_start3A_379 = tpu.memref_squeeze %dma_start3A_378 : memref<1x8x512xf32, #tpu.memory_space<hbm>> -> memref<8x512xf32, #tpu.memory_space<hbm>>
    tpu.enqueue_dma source(%dma_start3A_379 : memref<8x512xf32, #tpu.memory_space<hbm>>) target(%dma_start3A_377 : memref<8x512xf32, #tpu.memory_space<vmem>>) target_semaphore(%dma_start3A_373 : memref<!tpu.dma_semaphore, #tpu.memory_space<semaphore_mem>>)
    %add3A_380 = arith.constant 488 : i32
    %add3A_381 = arith.addi %add3A_380, %multiple_of3A_241 : i32
    %dma_start3A_382 = arith.constant 1 : i32
    %dma_start3A_383 = arith.constant 7 : i32
    %dma_start3A_384 = arith.constant 1 : i32
    %dma_start3A_385 = arith.constant 0 : i32
    %dma_start3A_386 = arith.constant 0 : i32
    %dma_start3A_387 = tpu.memref_slice %arg6[%dma_start3A_382, %dma_start3A_383, %dma_start3A_385, %dma_start3A_386] : memref<3x8x8x512xf32, #tpu.memory_space<vmem>> -> memref<1x1x8x512xf32, #tpu.memory_space<vmem>>
    %dma_start3A_388 = tpu.memref_squeeze %dma_start3A_387 : memref<1x1x8x512xf32, #tpu.memory_space<vmem>> -> memref<8x512xf32, #tpu.memory_space<vmem>>
    %dma_start3A_389 = tpu.memref_slice %arg2[%reduce_sum3A_76, %add3A_381, %multiple_of3A_246] : memref<64x1000x1024xf32, #tpu.memory_space<hbm>> -> memref<1x8x512xf32, #tpu.memory_space<hbm>>
    %dma_start3A_390 = tpu.memref_squeeze %dma_start3A_389 : memref<1x8x512xf32, #tpu.memory_space<hbm>> -> memref<8x512xf32, #tpu.memory_space<hbm>>
    %dma_start3A_391 = tpu.memref_slice %arg8[%dma_start3A_384] : memref<3x!tpu.dma_semaphore, #tpu.memory_space<semaphore_mem>> -> memref<1x!tpu.dma_semaphore, #tpu.memory_space<semaphore_mem>>
    %dma_start3A_392 = tpu.memref_squeeze %dma_start3A_391 : memref<1x!tpu.dma_semaphore, #tpu.memory_space<semaphore_mem>> -> memref<!tpu.dma_semaphore, #tpu.memory_space<semaphore_mem>>
    %dma_start3A_393 = arith.constant 0 : i32
    %dma_start3A_394 = arith.constant 0 : i32
    %dma_start3A_395 = tpu.memref_slice %arg6[%dma_start3A_382, %dma_start3A_383, %dma_start3A_393, %dma_start3A_394] : memref<3x8x8x512xf32, #tpu.memory_space<vmem>> -> memref<1x1x8x512xf32, #tpu.memory_space<vmem>>
    %dma_start3A_396 = tpu.memref_squeeze %dma_start3A_395 : memref<1x1x8x512xf32, #tpu.memory_space<vmem>> -> memref<8x512xf32, #tpu.memory_space<vmem>>
    %dma_start3A_397 = tpu.memref_slice %arg2[%reduce_sum3A_76, %add3A_381, %multiple_of3A_246] : memref<64x1000x1024xf32, #tpu.memory_space<hbm>> -> memref<1x8x512xf32, #tpu.memory_space<hbm>>
    %dma_start3A_398 = tpu.memref_squeeze %dma_start3A_397 : memref<1x8x512xf32, #tpu.memory_space<hbm>> -> memref<8x512xf32, #tpu.memory_space<hbm>>
    tpu.enqueue_dma source(%dma_start3A_398 : memref<8x512xf32, #tpu.memory_space<hbm>>) target(%dma_start3A_396 : memref<8x512xf32, #tpu.memory_space<vmem>>) target_semaphore(%dma_start3A_392 : memref<!tpu.dma_semaphore, #tpu.memory_space<semaphore_mem>>)
    %add3A_399 = arith.constant 0 : i32
    %add3A_400 = arith.addi %add3A, %add3A_399 : i32
    %add3A_401 = arith.constant 64 : i32
    %add3A_402 = arith.addi %add3A, %add3A_401 : i32
    %lt3A = arith.constant 128 : i32
    %lt3A_403 = arith.cmpi slt, %add3A_402, %lt3A : i32
    %convert_element_type3A = arith.extui %lt3A_403 : i1 to i32
    %cond3A = arith.constant 0 : i32
    %cond3A_404 = arith.cmpi ne, %convert_element_type3A, %cond3A : i32
    scf.if %cond3A_404 {
      %add3A_438 = arith.constant 64 : i32
      %add3A_439 = arith.addi %add3A, %add3A_438 : i32
      %shift_right_arithmetic3A_440 = arith.constant 1 : i32
      %shift_right_arithmetic3A_441 = arith.shrsi %add3A_439, %shift_right_arithmetic3A_440 : i32
      %mul3A_442 = arith.constant 8 : i32
      %mul3A_443 = arith.muli %shift_right_arithmetic3A_441, %mul3A_442 : i32
      %multiple_of3A_444 = tpu.assume_multiple %mul3A_443, 8 : i32
      %and3A_445 = arith.constant 1 : i32
      %and3A_446 = arith.andi %add3A_439, %and3A_445 : i32
      %mul3A_447 = arith.constant 512 : i32
      %mul3A_448 = arith.muli %and3A_446, %mul3A_447 : i32
      %multiple_of3A_449 = tpu.assume_multiple %mul3A_448, 128 : i32
      %add3A_450 = arith.constant 488 : i32
      %add3A_451 = arith.addi %add3A_450, %multiple_of3A_444 : i32
      %dma_start3A_452 = arith.constant 2 : i32
      %dma_start3A_453 = arith.constant 0 : i32
      %dma_start3A_454 = arith.constant 2 : i32
      %dma_start3A_455 = arith.constant 0 : i32
      %dma_start3A_456 = arith.constant 0 : i32
      %dma_start3A_457 = tpu.memref_slice %arg6[%dma_start3A_452, %dma_start3A_453, %dma_start3A_455, %dma_start3A_456] : memref<3x8x8x512xf32, #tpu.memory_space<vmem>> -> memref<1x1x8x512xf32, #tpu.memory_space<vmem>>
      %dma_start3A_458 = tpu.memref_squeeze %dma_start3A_457 : memref<1x1x8x512xf32, #tpu.memory_space<vmem>> -> memref<8x512xf32, #tpu.memory_space<vmem>>
      %dma_start3A_459 = tpu.memref_slice %arg2[%reduce_sum3A_6, %add3A_451, %multiple_of3A_449] : memref<64x1000x1024xf32, #tpu.memory_space<hbm>> -> memref<1x8x512xf32, #tpu.memory_space<hbm>>
      %dma_start3A_460 = tpu.memref_squeeze %dma_start3A_459 : memref<1x8x512xf32, #tpu.memory_space<hbm>> -> memref<8x512xf32, #tpu.memory_space<hbm>>
      %dma_start3A_461 = tpu.memref_slice %arg8[%dma_start3A_454] : memref<3x!tpu.dma_semaphore, #tpu.memory_space<semaphore_mem>> -> memref<1x!tpu.dma_semaphore, #tpu.memory_space<semaphore_mem>>
      %dma_start3A_462 = tpu.memref_squeeze %dma_start3A_461 : memref<1x!tpu.dma_semaphore, #tpu.memory_space<semaphore_mem>> -> memref<!tpu.dma_semaphore, #tpu.memory_space<semaphore_mem>>
      %dma_start3A_463 = arith.constant 0 : i32
      %dma_start3A_464 = arith.constant 0 : i32
      %dma_start3A_465 = tpu.memref_slice %arg6[%dma_start3A_452, %dma_start3A_453, %dma_start3A_463, %dma_start3A_464] : memref<3x8x8x512xf32, #tpu.memory_space<vmem>> -> memref<1x1x8x512xf32, #tpu.memory_space<vmem>>
      %dma_start3A_466 = tpu.memref_squeeze %dma_start3A_465 : memref<1x1x8x512xf32, #tpu.memory_space<vmem>> -> memref<8x512xf32, #tpu.memory_space<vmem>>
      %dma_start3A_467 = tpu.memref_slice %arg2[%reduce_sum3A_6, %add3A_451, %multiple_of3A_449] : memref<64x1000x1024xf32, #tpu.memory_space<hbm>> -> memref<1x8x512xf32, #tpu.memory_space<hbm>>
      %dma_start3A_468 = tpu.memref_squeeze %dma_start3A_467 : memref<1x8x512xf32, #tpu.memory_space<hbm>> -> memref<8x512xf32, #tpu.memory_space<hbm>>
      tpu.enqueue_dma source(%dma_start3A_468 : memref<8x512xf32, #tpu.memory_space<hbm>>) target(%dma_start3A_466 : memref<8x512xf32, #tpu.memory_space<vmem>>) target_semaphore(%dma_start3A_462 : memref<!tpu.dma_semaphore, #tpu.memory_space<semaphore_mem>>)
      %add3A_469 = arith.constant 488 : i32
      %add3A_470 = arith.addi %add3A_469, %multiple_of3A_444 : i32
      %dma_start3A_471 = arith.constant 2 : i32
      %dma_start3A_472 = arith.constant 1 : i32
      %dma_start3A_473 = arith.constant 2 : i32
      %dma_start3A_474 = arith.constant 0 : i32
      %dma_start3A_475 = arith.constant 0 : i32
      %dma_start3A_476 = tpu.memref_slice %arg6[%dma_start3A_471, %dma_start3A_472, %dma_start3A_474, %dma_start3A_475] : memref<3x8x8x512xf32, #tpu.memory_space<vmem>> -> memref<1x1x8x512xf32, #tpu.memory_space<vmem>>
      %dma_start3A_477 = tpu.memref_squeeze %dma_start3A_476 : memref<1x1x8x512xf32, #tpu.memory_space<vmem>> -> memref<8x512xf32, #tpu.memory_space<vmem>>
      %dma_start3A_478 = tpu.memref_slice %arg2[%reduce_sum3A_16, %add3A_470, %multiple_of3A_449] : memref<64x1000x1024xf32, #tpu.memory_space<hbm>> -> memref<1x8x512xf32, #tpu.memory_space<hbm>>
      %dma_start3A_479 = tpu.memref_squeeze %dma_start3A_478 : memref<1x8x512xf32, #tpu.memory_space<hbm>> -> memref<8x512xf32, #tpu.memory_space<hbm>>
      %dma_start3A_480 = tpu.memref_slice %arg8[%dma_start3A_473] : memref<3x!tpu.dma_semaphore, #tpu.memory_space<semaphore_mem>> -> memref<1x!tpu.dma_semaphore, #tpu.memory_space<semaphore_mem>>
      %dma_start3A_481 = tpu.memref_squeeze %dma_start3A_480 : memref<1x!tpu.dma_semaphore, #tpu.memory_space<semaphore_mem>> -> memref<!tpu.dma_semaphore, #tpu.memory_space<semaphore_mem>>
      %dma_start3A_482 = arith.constant 0 : i32
      %dma_start3A_483 = arith.constant 0 : i32
      %dma_start3A_484 = tpu.memref_slice %arg6[%dma_start3A_471, %dma_start3A_472, %dma_start3A_482, %dma_start3A_483] : memref<3x8x8x512xf32, #tpu.memory_space<vmem>> -> memref<1x1x8x512xf32, #tpu.memory_space<vmem>>
      %dma_start3A_485 = tpu.memref_squeeze %dma_start3A_484 : memref<1x1x8x512xf32, #tpu.memory_space<vmem>> -> memref<8x512xf32, #tpu.memory_space<vmem>>
      %dma_start3A_486 = tpu.memref_slice %arg2[%reduce_sum3A_16, %add3A_470, %multiple_of3A_449] : memref<64x1000x1024xf32, #tpu.memory_space<hbm>> -> memref<1x8x512xf32, #tpu.memory_space<hbm>>
      %dma_start3A_487 = tpu.memref_squeeze %dma_start3A_486 : memref<1x8x512xf32, #tpu.memory_space<hbm>> -> memref<8x512xf32, #tpu.memory_space<hbm>>
      tpu.enqueue_dma source(%dma_start3A_487 : memref<8x512xf32, #tpu.memory_space<hbm>>) target(%dma_start3A_485 : memref<8x512xf32, #tpu.memory_space<vmem>>) target_semaphore(%dma_start3A_481 : memref<!tpu.dma_semaphore, #tpu.memory_space<semaphore_mem>>)
      %add3A_488 = arith.constant 488 : i32
      %add3A_489 = arith.addi %add3A_488, %multiple_of3A_444 : i32
      %dma_start3A_490 = arith.constant 2 : i32
      %dma_start3A_491 = arith.constant 2 : i32
      %dma_start3A_492 = arith.constant 2 : i32
      %dma_start3A_493 = arith.constant 0 : i32
      %dma_start3A_494 = arith.constant 0 : i32
      %dma_start3A_495 = tpu.memref_slice %arg6[%dma_start3A_490, %dma_start3A_491, %dma_start3A_493, %dma_start3A_494] : memref<3x8x8x512xf32, #tpu.memory_space<vmem>> -> memref<1x1x8x512xf32, #tpu.memory_space<vmem>>
      %dma_start3A_496 = tpu.memref_squeeze %dma_start3A_495 : memref<1x1x8x512xf32, #tpu.memory_space<vmem>> -> memref<8x512xf32, #tpu.memory_space<vmem>>
      %dma_start3A_497 = tpu.memref_slice %arg2[%reduce_sum3A_26, %add3A_489, %multiple_of3A_449] : memref<64x1000x1024xf32, #tpu.memory_space<hbm>> -> memref<1x8x512xf32, #tpu.memory_space<hbm>>
      %dma_start3A_498 = tpu.memref_squeeze %dma_start3A_497 : memref<1x8x512xf32, #tpu.memory_space<hbm>> -> memref<8x512xf32, #tpu.memory_space<hbm>>
      %dma_start3A_499 = tpu.memref_slice %arg8[%dma_start3A_492] : memref<3x!tpu.dma_semaphore, #tpu.memory_space<semaphore_mem>> -> memref<1x!tpu.dma_semaphore, #tpu.memory_space<semaphore_mem>>
      %dma_start3A_500 = tpu.memref_squeeze %dma_start3A_499 : memref<1x!tpu.dma_semaphore, #tpu.memory_space<semaphore_mem>> -> memref<!tpu.dma_semaphore, #tpu.memory_space<semaphore_mem>>
      %dma_start3A_501 = arith.constant 0 : i32
      %dma_start3A_502 = arith.constant 0 : i32
      %dma_start3A_503 = tpu.memref_slice %arg6[%dma_start3A_490, %dma_start3A_491, %dma_start3A_501, %dma_start3A_502] : memref<3x8x8x512xf32, #tpu.memory_space<vmem>> -> memref<1x1x8x512xf32, #tpu.memory_space<vmem>>
      %dma_start3A_504 = tpu.memref_squeeze %dma_start3A_503 : memref<1x1x8x512xf32, #tpu.memory_space<vmem>> -> memref<8x512xf32, #tpu.memory_space<vmem>>
      %dma_start3A_505 = tpu.memref_slice %arg2[%reduce_sum3A_26, %add3A_489, %multiple_of3A_449] : memref<64x1000x1024xf32, #tpu.memory_space<hbm>> -> memref<1x8x512xf32, #tpu.memory_space<hbm>>
      %dma_start3A_506 = tpu.memref_squeeze %dma_start3A_505 : memref<1x8x512xf32, #tpu.memory_space<hbm>> -> memref<8x512xf32, #tpu.memory_space<hbm>>
      tpu.enqueue_dma source(%dma_start3A_506 : memref<8x512xf32, #tpu.memory_space<hbm>>) target(%dma_start3A_504 : memref<8x512xf32, #tpu.memory_space<vmem>>) target_semaphore(%dma_start3A_500 : memref<!tpu.dma_semaphore, #tpu.memory_space<semaphore_mem>>)
      %add3A_507 = arith.constant 488 : i32
      %add3A_508 = arith.addi %add3A_507, %multiple_of3A_444 : i32
      %dma_start3A_509 = arith.constant 2 : i32
      %dma_start3A_510 = arith.constant 3 : i32
      %dma_start3A_511 = arith.constant 2 : i32
      %dma_start3A_512 = arith.constant 0 : i32
      %dma_start3A_513 = arith.constant 0 : i32
      %dma_start3A_514 = tpu.memref_slice %arg6[%dma_start3A_509, %dma_start3A_510, %dma_start3A_512, %dma_start3A_513] : memref<3x8x8x512xf32, #tpu.memory_space<vmem>> -> memref<1x1x8x512xf32, #tpu.memory_space<vmem>>
      %dma_start3A_515 = tpu.memref_squeeze %dma_start3A_514 : memref<1x1x8x512xf32, #tpu.memory_space<vmem>> -> memref<8x512xf32, #tpu.memory_space<vmem>>
      %dma_start3A_516 = tpu.memref_slice %arg2[%reduce_sum3A_36, %add3A_508, %multiple_of3A_449] : memref<64x1000x1024xf32, #tpu.memory_space<hbm>> -> memref<1x8x512xf32, #tpu.memory_space<hbm>>
      %dma_start3A_517 = tpu.memref_squeeze %dma_start3A_516 : memref<1x8x512xf32, #tpu.memory_space<hbm>> -> memref<8x512xf32, #tpu.memory_space<hbm>>
      %dma_start3A_518 = tpu.memref_slice %arg8[%dma_start3A_511] : memref<3x!tpu.dma_semaphore, #tpu.memory_space<semaphore_mem>> -> memref<1x!tpu.dma_semaphore, #tpu.memory_space<semaphore_mem>>
      %dma_start3A_519 = tpu.memref_squeeze %dma_start3A_518 : memref<1x!tpu.dma_semaphore, #tpu.memory_space<semaphore_mem>> -> memref<!tpu.dma_semaphore, #tpu.memory_space<semaphore_mem>>
      %dma_start3A_520 = arith.constant 0 : i32
      %dma_start3A_521 = arith.constant 0 : i32
      %dma_start3A_522 = tpu.memref_slice %arg6[%dma_start3A_509, %dma_start3A_510, %dma_start3A_520, %dma_start3A_521] : memref<3x8x8x512xf32, #tpu.memory_space<vmem>> -> memref<1x1x8x512xf32, #tpu.memory_space<vmem>>
      %dma_start3A_523 = tpu.memref_squeeze %dma_start3A_522 : memref<1x1x8x512xf32, #tpu.memory_space<vmem>> -> memref<8x512xf32, #tpu.memory_space<vmem>>
      %dma_start3A_524 = tpu.memref_slice %arg2[%reduce_sum3A_36, %add3A_508, %multiple_of3A_449] : memref<64x1000x1024xf32, #tpu.memory_space<hbm>> -> memref<1x8x512xf32, #tpu.memory_space<hbm>>
      %dma_start3A_525 = tpu.memref_squeeze %dma_start3A_524 : memref<1x8x512xf32, #tpu.memory_space<hbm>> -> memref<8x512xf32, #tpu.memory_space<hbm>>
      tpu.enqueue_dma source(%dma_start3A_525 : memref<8x512xf32, #tpu.memory_space<hbm>>) target(%dma_start3A_523 : memref<8x512xf32, #tpu.memory_space<vmem>>) target_semaphore(%dma_start3A_519 : memref<!tpu.dma_semaphore, #tpu.memory_space<semaphore_mem>>)
      %add3A_526 = arith.constant 488 : i32
      %add3A_527 = arith.addi %add3A_526, %multiple_of3A_444 : i32
      %dma_start3A_528 = arith.constant 2 : i32
      %dma_start3A_529 = arith.constant 4 : i32
      %dma_start3A_530 = arith.constant 2 : i32
      %dma_start3A_531 = arith.constant 0 : i32
      %dma_start3A_532 = arith.constant 0 : i32
      %dma_start3A_533 = tpu.memref_slice %arg6[%dma_start3A_528, %dma_start3A_529, %dma_start3A_531, %dma_start3A_532] : memref<3x8x8x512xf32, #tpu.memory_space<vmem>> -> memref<1x1x8x512xf32, #tpu.memory_space<vmem>>
      %dma_start3A_534 = tpu.memref_squeeze %dma_start3A_533 : memref<1x1x8x512xf32, #tpu.memory_space<vmem>> -> memref<8x512xf32, #tpu.memory_space<vmem>>
      %dma_start3A_535 = tpu.memref_slice %arg2[%reduce_sum3A_46, %add3A_527, %multiple_of3A_449] : memref<64x1000x1024xf32, #tpu.memory_space<hbm>> -> memref<1x8x512xf32, #tpu.memory_space<hbm>>
      %dma_start3A_536 = tpu.memref_squeeze %dma_start3A_535 : memref<1x8x512xf32, #tpu.memory_space<hbm>> -> memref<8x512xf32, #tpu.memory_space<hbm>>
      %dma_start3A_537 = tpu.memref_slice %arg8[%dma_start3A_530] : memref<3x!tpu.dma_semaphore, #tpu.memory_space<semaphore_mem>> -> memref<1x!tpu.dma_semaphore, #tpu.memory_space<semaphore_mem>>
      %dma_start3A_538 = tpu.memref_squeeze %dma_start3A_537 : memref<1x!tpu.dma_semaphore, #tpu.memory_space<semaphore_mem>> -> memref<!tpu.dma_semaphore, #tpu.memory_space<semaphore_mem>>
      %dma_start3A_539 = arith.constant 0 : i32
      %dma_start3A_540 = arith.constant 0 : i32
      %dma_start3A_541 = tpu.memref_slice %arg6[%dma_start3A_528, %dma_start3A_529, %dma_start3A_539, %dma_start3A_540] : memref<3x8x8x512xf32, #tpu.memory_space<vmem>> -> memref<1x1x8x512xf32, #tpu.memory_space<vmem>>
      %dma_start3A_542 = tpu.memref_squeeze %dma_start3A_541 : memref<1x1x8x512xf32, #tpu.memory_space<vmem>> -> memref<8x512xf32, #tpu.memory_space<vmem>>
      %dma_start3A_543 = tpu.memref_slice %arg2[%reduce_sum3A_46, %add3A_527, %multiple_of3A_449] : memref<64x1000x1024xf32, #tpu.memory_space<hbm>> -> memref<1x8x512xf32, #tpu.memory_space<hbm>>
      %dma_start3A_544 = tpu.memref_squeeze %dma_start3A_543 : memref<1x8x512xf32, #tpu.memory_space<hbm>> -> memref<8x512xf32, #tpu.memory_space<hbm>>
      tpu.enqueue_dma source(%dma_start3A_544 : memref<8x512xf32, #tpu.memory_space<hbm>>) target(%dma_start3A_542 : memref<8x512xf32, #tpu.memory_space<vmem>>) target_semaphore(%dma_start3A_538 : memref<!tpu.dma_semaphore, #tpu.memory_space<semaphore_mem>>)
      %add3A_545 = arith.constant 488 : i32
      %add3A_546 = arith.addi %add3A_545, %multiple_of3A_444 : i32
      %dma_start3A_547 = arith.constant 2 : i32
      %dma_start3A_548 = arith.constant 5 : i32
      %dma_start3A_549 = arith.constant 2 : i32
      %dma_start3A_550 = arith.constant 0 : i32
      %dma_start3A_551 = arith.constant 0 : i32
      %dma_start3A_552 = tpu.memref_slice %arg6[%dma_start3A_547, %dma_start3A_548, %dma_start3A_550, %dma_start3A_551] : memref<3x8x8x512xf32, #tpu.memory_space<vmem>> -> memref<1x1x8x512xf32, #tpu.memory_space<vmem>>
      %dma_start3A_553 = tpu.memref_squeeze %dma_start3A_552 : memref<1x1x8x512xf32, #tpu.memory_space<vmem>> -> memref<8x512xf32, #tpu.memory_space<vmem>>
      %dma_start3A_554 = tpu.memref_slice %arg2[%reduce_sum3A_56, %add3A_546, %multiple_of3A_449] : memref<64x1000x1024xf32, #tpu.memory_space<hbm>> -> memref<1x8x512xf32, #tpu.memory_space<hbm>>
      %dma_start3A_555 = tpu.memref_squeeze %dma_start3A_554 : memref<1x8x512xf32, #tpu.memory_space<hbm>> -> memref<8x512xf32, #tpu.memory_space<hbm>>
      %dma_start3A_556 = tpu.memref_slice %arg8[%dma_start3A_549] : memref<3x!tpu.dma_semaphore, #tpu.memory_space<semaphore_mem>> -> memref<1x!tpu.dma_semaphore, #tpu.memory_space<semaphore_mem>>
      %dma_start3A_557 = tpu.memref_squeeze %dma_start3A_556 : memref<1x!tpu.dma_semaphore, #tpu.memory_space<semaphore_mem>> -> memref<!tpu.dma_semaphore, #tpu.memory_space<semaphore_mem>>
      %dma_start3A_558 = arith.constant 0 : i32
      %dma_start3A_559 = arith.constant 0 : i32
      %dma_start3A_560 = tpu.memref_slice %arg6[%dma_start3A_547, %dma_start3A_548, %dma_start3A_558, %dma_start3A_559] : memref<3x8x8x512xf32, #tpu.memory_space<vmem>> -> memref<1x1x8x512xf32, #tpu.memory_space<vmem>>
      %dma_start3A_561 = tpu.memref_squeeze %dma_start3A_560 : memref<1x1x8x512xf32, #tpu.memory_space<vmem>> -> memref<8x512xf32, #tpu.memory_space<vmem>>
      %dma_start3A_562 = tpu.memref_slice %arg2[%reduce_sum3A_56, %add3A_546, %multiple_of3A_449] : memref<64x1000x1024xf32, #tpu.memory_space<hbm>> -> memref<1x8x512xf32, #tpu.memory_space<hbm>>
      %dma_start3A_563 = tpu.memref_squeeze %dma_start3A_562 : memref<1x8x512xf32, #tpu.memory_space<hbm>> -> memref<8x512xf32, #tpu.memory_space<hbm>>
      tpu.enqueue_dma source(%dma_start3A_563 : memref<8x512xf32, #tpu.memory_space<hbm>>) target(%dma_start3A_561 : memref<8x512xf32, #tpu.memory_space<vmem>>) target_semaphore(%dma_start3A_557 : memref<!tpu.dma_semaphore, #tpu.memory_space<semaphore_mem>>)
      %add3A_564 = arith.constant 488 : i32
      %add3A_565 = arith.addi %add3A_564, %multiple_of3A_444 : i32
      %dma_start3A_566 = arith.constant 2 : i32
      %dma_start3A_567 = arith.constant 6 : i32
      %dma_start3A_568 = arith.constant 2 : i32
      %dma_start3A_569 = arith.constant 0 : i32
      %dma_start3A_570 = arith.constant 0 : i32
      %dma_start3A_571 = tpu.memref_slice %arg6[%dma_start3A_566, %dma_start3A_567, %dma_start3A_569, %dma_start3A_570] : memref<3x8x8x512xf32, #tpu.memory_space<vmem>> -> memref<1x1x8x512xf32, #tpu.memory_space<vmem>>
      %dma_start3A_572 = tpu.memref_squeeze %dma_start3A_571 : memref<1x1x8x512xf32, #tpu.memory_space<vmem>> -> memref<8x512xf32, #tpu.memory_space<vmem>>
      %dma_start3A_573 = tpu.memref_slice %arg2[%reduce_sum3A_66, %add3A_565, %multiple_of3A_449] : memref<64x1000x1024xf32, #tpu.memory_space<hbm>> -> memref<1x8x512xf32, #tpu.memory_space<hbm>>
      %dma_start3A_574 = tpu.memref_squeeze %dma_start3A_573 : memref<1x8x512xf32, #tpu.memory_space<hbm>> -> memref<8x512xf32, #tpu.memory_space<hbm>>
      %dma_start3A_575 = tpu.memref_slice %arg8[%dma_start3A_568] : memref<3x!tpu.dma_semaphore, #tpu.memory_space<semaphore_mem>> -> memref<1x!tpu.dma_semaphore, #tpu.memory_space<semaphore_mem>>
      %dma_start3A_576 = tpu.memref_squeeze %dma_start3A_575 : memref<1x!tpu.dma_semaphore, #tpu.memory_space<semaphore_mem>> -> memref<!tpu.dma_semaphore, #tpu.memory_space<semaphore_mem>>
      %dma_start3A_577 = arith.constant 0 : i32
      %dma_start3A_578 = arith.constant 0 : i32
      %dma_start3A_579 = tpu.memref_slice %arg6[%dma_start3A_566, %dma_start3A_567, %dma_start3A_577, %dma_start3A_578] : memref<3x8x8x512xf32, #tpu.memory_space<vmem>> -> memref<1x1x8x512xf32, #tpu.memory_space<vmem>>
      %dma_start3A_580 = tpu.memref_squeeze %dma_start3A_579 : memref<1x1x8x512xf32, #tpu.memory_space<vmem>> -> memref<8x512xf32, #tpu.memory_space<vmem>>
      %dma_start3A_581 = tpu.memref_slice %arg2[%reduce_sum3A_66, %add3A_565, %multiple_of3A_449] : memref<64x1000x1024xf32, #tpu.memory_space<hbm>> -> memref<1x8x512xf32, #tpu.memory_space<hbm>>
      %dma_start3A_582 = tpu.memref_squeeze %dma_start3A_581 : memref<1x8x512xf32, #tpu.memory_space<hbm>> -> memref<8x512xf32, #tpu.memory_space<hbm>>
      tpu.enqueue_dma source(%dma_start3A_582 : memref<8x512xf32, #tpu.memory_space<hbm>>) target(%dma_start3A_580 : memref<8x512xf32, #tpu.memory_space<vmem>>) target_semaphore(%dma_start3A_576 : memref<!tpu.dma_semaphore, #tpu.memory_space<semaphore_mem>>)
      %add3A_583 = arith.constant 488 : i32
      %add3A_584 = arith.addi %add3A_583, %multiple_of3A_444 : i32
      %dma_start3A_585 = arith.constant 2 : i32
      %dma_start3A_586 = arith.constant 7 : i32
      %dma_start3A_587 = arith.constant 2 : i32
      %dma_start3A_588 = arith.constant 0 : i32
      %dma_start3A_589 = arith.constant 0 : i32
      %dma_start3A_590 = tpu.memref_slice %arg6[%dma_start3A_585, %dma_start3A_586, %dma_start3A_588, %dma_start3A_589] : memref<3x8x8x512xf32, #tpu.memory_space<vmem>> -> memref<1x1x8x512xf32, #tpu.memory_space<vmem>>
      %dma_start3A_591 = tpu.memref_squeeze %dma_start3A_590 : memref<1x1x8x512xf32, #tpu.memory_space<vmem>> -> memref<8x512xf32, #tpu.memory_space<vmem>>
      %dma_start3A_592 = tpu.memref_slice %arg2[%reduce_sum3A_76, %add3A_584, %multiple_of3A_449] : memref<64x1000x1024xf32, #tpu.memory_space<hbm>> -> memref<1x8x512xf32, #tpu.memory_space<hbm>>
      %dma_start3A_593 = tpu.memref_squeeze %dma_start3A_592 : memref<1x8x512xf32, #tpu.memory_space<hbm>> -> memref<8x512xf32, #tpu.memory_space<hbm>>
      %dma_start3A_594 = tpu.memref_slice %arg8[%dma_start3A_587] : memref<3x!tpu.dma_semaphore, #tpu.memory_space<semaphore_mem>> -> memref<1x!tpu.dma_semaphore, #tpu.memory_space<semaphore_mem>>
      %dma_start3A_595 = tpu.memref_squeeze %dma_start3A_594 : memref<1x!tpu.dma_semaphore, #tpu.memory_space<semaphore_mem>> -> memref<!tpu.dma_semaphore, #tpu.memory_space<semaphore_mem>>
      %dma_start3A_596 = arith.constant 0 : i32
      %dma_start3A_597 = arith.constant 0 : i32
      %dma_start3A_598 = tpu.memref_slice %arg6[%dma_start3A_585, %dma_start3A_586, %dma_start3A_596, %dma_start3A_597] : memref<3x8x8x512xf32, #tpu.memory_space<vmem>> -> memref<1x1x8x512xf32, #tpu.memory_space<vmem>>
      %dma_start3A_599 = tpu.memref_squeeze %dma_start3A_598 : memref<1x1x8x512xf32, #tpu.memory_space<vmem>> -> memref<8x512xf32, #tpu.memory_space<vmem>>
      %dma_start3A_600 = tpu.memref_slice %arg2[%reduce_sum3A_76, %add3A_584, %multiple_of3A_449] : memref<64x1000x1024xf32, #tpu.memory_space<hbm>> -> memref<1x8x512xf32, #tpu.memory_space<hbm>>
      %dma_start3A_601 = tpu.memref_squeeze %dma_start3A_600 : memref<1x8x512xf32, #tpu.memory_space<hbm>> -> memref<8x512xf32, #tpu.memory_space<hbm>>
      tpu.enqueue_dma source(%dma_start3A_601 : memref<8x512xf32, #tpu.memory_space<hbm>>) target(%dma_start3A_599 : memref<8x512xf32, #tpu.memory_space<vmem>>) target_semaphore(%dma_start3A_595 : memref<!tpu.dma_semaphore, #tpu.memory_space<semaphore_mem>>)
    } else {
    }
    %lt3A_405 = arith.constant 128 : i32
    %lt3A_406 = arith.cmpi slt, %add3A_400, %lt3A_405 : i32
    %convert_element_type3A_407 = arith.extui %lt3A_406 : i1 to i32
    %cond3A_408 = arith.constant 0 : i32
    %cond3A_409 = arith.cmpi ne, %convert_element_type3A_407, %cond3A_408 : i32
    scf.if %cond3A_409 {
      %dma_wait3A = arith.constant 0 : i32
      %dma_wait3A_438 = arith.constant 0 : i32
      %dma_wait3A_439 = arith.constant 0 : i32
      %dma_wait3A_440 = arith.constant 0 : i32
      %dma_wait3A_441 = arith.constant 0 : i32
      %dma_wait3A_442 = tpu.memref_slice %arg6[%dma_wait3A, %dma_wait3A_439, %dma_wait3A_440, %dma_wait3A_441] : memref<3x8x8x512xf32, #tpu.memory_space<vmem>> -> memref<1x8x8x512xf32, #tpu.memory_space<vmem>>
      %dma_wait3A_443 = tpu.memref_squeeze %dma_wait3A_442 : memref<1x8x8x512xf32, #tpu.memory_space<vmem>> -> memref<8x8x512xf32, #tpu.memory_space<vmem>>
      %dma_wait3A_444 = arith.constant 0 : i32
      %dma_wait3A_445 = arith.constant 0 : i32
      %dma_wait3A_446 = arith.constant 0 : i32
      %dma_wait3A_447 = tpu.memref_slice %arg2[%dma_wait3A_444, %dma_wait3A_445, %dma_wait3A_446] : memref<64x1000x1024xf32, #tpu.memory_space<hbm>> -> memref<8x8x512xf32, #tpu.memory_space<hbm>>
      %dma_wait3A_448 = tpu.memref_slice %arg8[%dma_wait3A_438] : memref<3x!tpu.dma_semaphore, #tpu.memory_space<semaphore_mem>> -> memref<1x!tpu.dma_semaphore, #tpu.memory_space<semaphore_mem>>
      %dma_wait3A_449 = tpu.memref_squeeze %dma_wait3A_448 : memref<1x!tpu.dma_semaphore, #tpu.memory_space<semaphore_mem>> -> memref<!tpu.dma_semaphore, #tpu.memory_space<semaphore_mem>>
      %dma_wait3A_450 = arith.constant 0 : i32
      %dma_wait3A_451 = arith.constant 0 : i32
      %dma_wait3A_452 = arith.constant 0 : i32
      %dma_wait3A_453 = tpu.memref_slice %arg6[%dma_wait3A, %dma_wait3A_450, %dma_wait3A_451, %dma_wait3A_452] : memref<3x8x8x512xf32, #tpu.memory_space<vmem>> -> memref<1x8x8x512xf32, #tpu.memory_space<vmem>>
      %dma_wait3A_454 = tpu.memref_squeeze %dma_wait3A_453 : memref<1x8x8x512xf32, #tpu.memory_space<vmem>> -> memref<8x8x512xf32, #tpu.memory_space<vmem>>
      %dma_wait3A_455 = arith.constant 0 : i32
      %dma_wait3A_456 = arith.constant 0 : i32
      %dma_wait3A_457 = arith.constant 0 : i32
      %dma_wait3A_458 = tpu.memref_slice %arg2[%dma_wait3A_455, %dma_wait3A_456, %dma_wait3A_457] : memref<64x1000x1024xf32, #tpu.memory_space<hbm>> -> memref<8x8x512xf32, #tpu.memory_space<hbm>>
      tpu.wait_dma2 semaphore(%dma_wait3A_449 : memref<!tpu.dma_semaphore, #tpu.memory_space<semaphore_mem>>) src(%dma_wait3A_458 : memref<8x8x512xf32, #tpu.memory_space<hbm>>) dst(%dma_wait3A_454 : memref<8x8x512xf32, #tpu.memory_space<vmem>>)
      %scan3A = arith.constant 0 : i32
      %scan3A_459 = arith.constant 0 : i32
      %scan3A_460 = arith.constant 32 : i32
      %scan3A_461 = arith.addi %scan3A_459, %scan3A_460 : i32
      %scan3A_462 = arith.constant 1 : i32
      %scan3A_463 = scf.for %scan3A_475 = %scan3A_459 to %scan3A_461 step %scan3A_462 iter_args(%scan3A_476 = %scan3A) -> (i32)  : i32 {
        %mul3A_477 = arith.constant 16 : i32
        %mul3A_478 = arith.muli %scan3A_475, %mul3A_477 : i32
        %multiple_of3A_479 = tpu.assume_multiple %mul3A_478, 16 : i32
        %get3A_480 = arith.constant 0 : i32
        %get3A_481 = arith.constant 0 : i32
        %get3A_482 = arith.constant 0 : i32
        %get3A_483 = arith.index_cast %get3A_480 : i32 to index
        %get3A_484 = arith.index_cast %get3A_481 : i32 to index
        %get3A_485 = arith.index_cast %get3A_482 : i32 to index
        %get3A_486 = arith.index_cast %multiple_of3A_479 : i32 to index
        %get3A_487 = tpu.vector_load %arg6[%get3A_483, %get3A_484, %get3A_485, %get3A_486] {strides = array<i32>} : memref<3x8x8x512xf32, #tpu.memory_space<vmem>>, vector<16xf32>,
        %get3A_488 = arith.constant 0 : i32
        %get3A_489 = arith.constant 1 : i32
        %get3A_490 = arith.constant 0 : i32
        %get3A_491 = arith.index_cast %get3A_488 : i32 to index
        %get3A_492 = arith.index_cast %get3A_489 : i32 to index
        %get3A_493 = arith.index_cast %get3A_490 : i32 to index
        %get3A_494 = arith.index_cast %multiple_of3A_479 : i32 to index
        %get3A_495 = tpu.vector_load %arg6[%get3A_491, %get3A_492, %get3A_493, %get3A_494] {strides = array<i32>} : memref<3x8x8x512xf32, #tpu.memory_space<vmem>>, vector<16xf32>,
        %add3A_496 = arith.addf %get3A_487, %get3A_495 : vector<16xf32>
        %get3A_497 = arith.constant 0 : i32
        %get3A_498 = arith.constant 2 : i32
        %get3A_499 = arith.constant 0 : i32
        %get3A_500 = arith.index_cast %get3A_497 : i32 to index
        %get3A_501 = arith.index_cast %get3A_498 : i32 to index
        %get3A_502 = arith.index_cast %get3A_499 : i32 to index
        %get3A_503 = arith.index_cast %multiple_of3A_479 : i32 to index
        %get3A_504 = tpu.vector_load %arg6[%get3A_500, %get3A_501, %get3A_502, %get3A_503] {strides = array<i32>} : memref<3x8x8x512xf32, #tpu.memory_space<vmem>>, vector<16xf32>,
        %add3A_505 = arith.addf %add3A_496, %get3A_504 : vector<16xf32>
        %get3A_506 = arith.constant 0 : i32
        %get3A_507 = arith.constant 3 : i32
        %get3A_508 = arith.constant 0 : i32
        %get3A_509 = arith.index_cast %get3A_506 : i32 to index
        %get3A_510 = arith.index_cast %get3A_507 : i32 to index
        %get3A_511 = arith.index_cast %get3A_508 : i32 to index
        %get3A_512 = arith.index_cast %multiple_of3A_479 : i32 to index
        %get3A_513 = tpu.vector_load %arg6[%get3A_509, %get3A_510, %get3A_511, %get3A_512] {strides = array<i32>} : memref<3x8x8x512xf32, #tpu.memory_space<vmem>>, vector<16xf32>,
        %add3A_514 = arith.addf %add3A_505, %get3A_513 : vector<16xf32>
        %get3A_515 = arith.constant 0 : i32
        %get3A_516 = arith.constant 4 : i32
        %get3A_517 = arith.constant 0 : i32
        %get3A_518 = arith.index_cast %get3A_515 : i32 to index
        %get3A_519 = arith.index_cast %get3A_516 : i32 to index
        %get3A_520 = arith.index_cast %get3A_517 : i32 to index
        %get3A_521 = arith.index_cast %multiple_of3A_479 : i32 to index
        %get3A_522 = tpu.vector_load %arg6[%get3A_518, %get3A_519, %get3A_520, %get3A_521] {strides = array<i32>} : memref<3x8x8x512xf32, #tpu.memory_space<vmem>>, vector<16xf32>,
        %add3A_523 = arith.addf %add3A_514, %get3A_522 : vector<16xf32>
        %get3A_524 = arith.constant 0 : i32
        %get3A_525 = arith.constant 5 : i32
        %get3A_526 = arith.constant 0 : i32
        %get3A_527 = arith.index_cast %get3A_524 : i32 to index
        %get3A_528 = arith.index_cast %get3A_525 : i32 to index
        %get3A_529 = arith.index_cast %get3A_526 : i32 to index
        %get3A_530 = arith.index_cast %multiple_of3A_479 : i32 to index
        %get3A_531 = tpu.vector_load %arg6[%get3A_527, %get3A_528, %get3A_529, %get3A_530] {strides = array<i32>} : memref<3x8x8x512xf32, #tpu.memory_space<vmem>>, vector<16xf32>,
        %add3A_532 = arith.addf %add3A_523, %get3A_531 : vector<16xf32>
        %get3A_533 = arith.constant 0 : i32
        %get3A_534 = arith.constant 6 : i32
        %get3A_535 = arith.constant 0 : i32
        %get3A_536 = arith.index_cast %get3A_533 : i32 to index
        %get3A_537 = arith.index_cast %get3A_534 : i32 to index
        %get3A_538 = arith.index_cast %get3A_535 : i32 to index
        %get3A_539 = arith.index_cast %multiple_of3A_479 : i32 to index
        %get3A_540 = tpu.vector_load %arg6[%get3A_536, %get3A_537, %get3A_538, %get3A_539] {strides = array<i32>} : memref<3x8x8x512xf32, #tpu.memory_space<vmem>>, vector<16xf32>,
        %add3A_541 = arith.addf %add3A_532, %get3A_540 : vector<16xf32>
        %get3A_542 = arith.constant 0 : i32
        %get3A_543 = arith.constant 7 : i32
        %get3A_544 = arith.constant 0 : i32
        %get3A_545 = arith.index_cast %get3A_542 : i32 to index
        %get3A_546 = arith.index_cast %get3A_543 : i32 to index
        %get3A_547 = arith.index_cast %get3A_544 : i32 to index
        %get3A_548 = arith.index_cast %multiple_of3A_479 : i32 to index
        %get3A_549 = tpu.vector_load %arg6[%get3A_545, %get3A_546, %get3A_547, %get3A_548] {strides = array<i32>} : memref<3x8x8x512xf32, #tpu.memory_space<vmem>>, vector<16xf32>,
        %add3A_550 = arith.addf %add3A_541, %get3A_549 : vector<16xf32>
        %mul3A_551 = arith.constant 1.250000e-01 : f32
        %mul3A_552 = vector.broadcast %mul3A_551 : f32 to vector<16xf32>
        %mul3A_553 = arith.mulf %add3A_550, %mul3A_552 : vector<16xf32>
        %swap3A = arith.constant 0 : i32
        %swap3A_554 = arith.index_cast %swap3A : i32 to index
        %swap3A_555 = arith.index_cast %multiple_of3A_479 : i32 to index
        %swap3A_556 = tpu.vector_load %arg7[%swap3A_554, %swap3A_555] {strides = array<i32>} : memref<8x512xf32, #tpu.memory_space<vmem>>, vector<16xf32>,
        tpu.vector_store %arg7[%swap3A_554, %swap3A_555], %mul3A_553 {strides = array<i32>} : memref<8x512xf32, #tpu.memory_space<vmem>>, vector<16xf32>,
        %get3A_557 = arith.constant 0 : i32
        %get3A_558 = arith.constant 0 : i32
        %get3A_559 = arith.constant 1 : i32
        %get3A_560 = arith.index_cast %get3A_557 : i32 to index
        %get3A_561 = arith.index_cast %get3A_558 : i32 to index
        %get3A_562 = arith.index_cast %get3A_559 : i32 to index
        %get3A_563 = arith.index_cast %multiple_of3A_479 : i32 to index
        %get3A_564 = tpu.vector_load %arg6[%get3A_560, %get3A_561, %get3A_562, %get3A_563] {strides = array<i32>} : memref<3x8x8x512xf32, #tpu.memory_space<vmem>>, vector<16xf32>,
        %get3A_565 = arith.constant 0 : i32
        %get3A_566 = arith.constant 1 : i32
        %get3A_567 = arith.constant 1 : i32
        %get3A_568 = arith.index_cast %get3A_565 : i32 to index
        %get3A_569 = arith.index_cast %get3A_566 : i32 to index
        %get3A_570 = arith.index_cast %get3A_567 : i32 to index
        %get3A_571 = arith.index_cast %multiple_of3A_479 : i32 to index
        %get3A_572 = tpu.vector_load %arg6[%get3A_568, %get3A_569, %get3A_570, %get3A_571] {strides = array<i32>} : memref<3x8x8x512xf32, #tpu.memory_space<vmem>>, vector<16xf32>,
        %add3A_573 = arith.addf %get3A_564, %get3A_572 : vector<16xf32>
        %get3A_574 = arith.constant 0 : i32
        %get3A_575 = arith.constant 2 : i32
        %get3A_576 = arith.constant 1 : i32
        %get3A_577 = arith.index_cast %get3A_574 : i32 to index
        %get3A_578 = arith.index_cast %get3A_575 : i32 to index
        %get3A_579 = arith.index_cast %get3A_576 : i32 to index
        %get3A_580 = arith.index_cast %multiple_of3A_479 : i32 to index
        %get3A_581 = tpu.vector_load %arg6[%get3A_577, %get3A_578, %get3A_579, %get3A_580] {strides = array<i32>} : memref<3x8x8x512xf32, #tpu.memory_space<vmem>>, vector<16xf32>,
        %add3A_582 = arith.addf %add3A_573, %get3A_581 : vector<16xf32>
        %get3A_583 = arith.constant 0 : i32
        %get3A_584 = arith.constant 3 : i32
        %get3A_585 = arith.constant 1 : i32
        %get3A_586 = arith.index_cast %get3A_583 : i32 to index
        %get3A_587 = arith.index_cast %get3A_584 : i32 to index
        %get3A_588 = arith.index_cast %get3A_585 : i32 to index
        %get3A_589 = arith.index_cast %multiple_of3A_479 : i32 to index
        %get3A_590 = tpu.vector_load %arg6[%get3A_586, %get3A_587, %get3A_588, %get3A_589] {strides = array<i32>} : memref<3x8x8x512xf32, #tpu.memory_space<vmem>>, vector<16xf32>,
        %add3A_591 = arith.addf %add3A_582, %get3A_590 : vector<16xf32>
        %get3A_592 = arith.constant 0 : i32
        %get3A_593 = arith.constant 4 : i32
        %get3A_594 = arith.constant 1 : i32
        %get3A_595 = arith.index_cast %get3A_592 : i32 to index
        %get3A_596 = arith.index_cast %get3A_593 : i32 to index
        %get3A_597 = arith.index_cast %get3A_594 : i32 to index
        %get3A_598 = arith.index_cast %multiple_of3A_479 : i32 to index
        %get3A_599 = tpu.vector_load %arg6[%get3A_595, %get3A_596, %get3A_597, %get3A_598] {strides = array<i32>} : memref<3x8x8x512xf32, #tpu.memory_space<vmem>>, vector<16xf32>,
        %add3A_600 = arith.addf %add3A_591, %get3A_599 : vector<16xf32>
        %get3A_601 = arith.constant 0 : i32
        %get3A_602 = arith.constant 5 : i32
        %get3A_603 = arith.constant 1 : i32
        %get3A_604 = arith.index_cast %get3A_601 : i32 to index
        %get3A_605 = arith.index_cast %get3A_602 : i32 to index
        %get3A_606 = arith.index_cast %get3A_603 : i32 to index
        %get3A_607 = arith.index_cast %multiple_of3A_479 : i32 to index
        %get3A_608 = tpu.vector_load %arg6[%get3A_604, %get3A_605, %get3A_606, %get3A_607] {strides = array<i32>} : memref<3x8x8x512xf32, #tpu.memory_space<vmem>>, vector<16xf32>,
        %add3A_609 = arith.addf %add3A_600, %get3A_608 : vector<16xf32>
        %get3A_610 = arith.constant 0 : i32
        %get3A_611 = arith.constant 6 : i32
        %get3A_612 = arith.constant 1 : i32
        %get3A_613 = arith.index_cast %get3A_610 : i32 to index
        %get3A_614 = arith.index_cast %get3A_611 : i32 to index
        %get3A_615 = arith.index_cast %get3A_612 : i32 to index
        %get3A_616 = arith.index_cast %multiple_of3A_479 : i32 to index
        %get3A_617 = tpu.vector_load %arg6[%get3A_613, %get3A_614, %get3A_615, %get3A_616] {strides = array<i32>} : memref<3x8x8x512xf32, #tpu.memory_space<vmem>>, vector<16xf32>,
        %add3A_618 = arith.addf %add3A_609, %get3A_617 : vector<16xf32>
        %get3A_619 = arith.constant 0 : i32
        %get3A_620 = arith.constant 7 : i32
        %get3A_621 = arith.constant 1 : i32
        %get3A_622 = arith.index_cast %get3A_619 : i32 to index
        %get3A_623 = arith.index_cast %get3A_620 : i32 to index
        %get3A_624 = arith.index_cast %get3A_621 : i32 to index
        %get3A_625 = arith.index_cast %multiple_of3A_479 : i32 to index
        %get3A_626 = tpu.vector_load %arg6[%get3A_622, %get3A_623, %get3A_624, %get3A_625] {strides = array<i32>} : memref<3x8x8x512xf32, #tpu.memory_space<vmem>>, vector<16xf32>,
        %add3A_627 = arith.addf %add3A_618, %get3A_626 : vector<16xf32>
        %mul3A_628 = arith.constant 1.250000e-01 : f32
        %mul3A_629 = vector.broadcast %mul3A_628 : f32 to vector<16xf32>
        %mul3A_630 = arith.mulf %add3A_627, %mul3A_629 : vector<16xf32>
        %swap3A_631 = arith.constant 1 : i32
        %swap3A_632 = arith.index_cast %swap3A_631 : i32 to index
        %swap3A_633 = arith.index_cast %multiple_of3A_479 : i32 to index
        %swap3A_634 = tpu.vector_load %arg7[%swap3A_632, %swap3A_633] {strides = array<i32>} : memref<8x512xf32, #tpu.memory_space<vmem>>, vector<16xf32>,
        tpu.vector_store %arg7[%swap3A_632, %swap3A_633], %mul3A_630 {strides = array<i32>} : memref<8x512xf32, #tpu.memory_space<vmem>>, vector<16xf32>,
        %get3A_635 = arith.constant 0 : i32
        %get3A_636 = arith.constant 0 : i32
        %get3A_637 = arith.constant 2 : i32
        %get3A_638 = arith.index_cast %get3A_635 : i32 to index
        %get3A_639 = arith.index_cast %get3A_636 : i32 to index
        %get3A_640 = arith.index_cast %get3A_637 : i32 to index
        %get3A_641 = arith.index_cast %multiple_of3A_479 : i32 to index
        %get3A_642 = tpu.vector_load %arg6[%get3A_638, %get3A_639, %get3A_640, %get3A_641] {strides = array<i32>} : memref<3x8x8x512xf32, #tpu.memory_space<vmem>>, vector<16xf32>,
        %get3A_643 = arith.constant 0 : i32
        %get3A_644 = arith.constant 1 : i32
        %get3A_645 = arith.constant 2 : i32
        %get3A_646 = arith.index_cast %get3A_643 : i32 to index
        %get3A_647 = arith.index_cast %get3A_644 : i32 to index
        %get3A_648 = arith.index_cast %get3A_645 : i32 to index
        %get3A_649 = arith.index_cast %multiple_of3A_479 : i32 to index
        %get3A_650 = tpu.vector_load %arg6[%get3A_646, %get3A_647, %get3A_648, %get3A_649] {strides = array<i32>} : memref<3x8x8x512xf32, #tpu.memory_space<vmem>>, vector<16xf32>,
        %add3A_651 = arith.addf %get3A_642, %get3A_650 : vector<16xf32>
        %get3A_652 = arith.constant 0 : i32
        %get3A_653 = arith.constant 2 : i32
        %get3A_654 = arith.constant 2 : i32
        %get3A_655 = arith.index_cast %get3A_652 : i32 to index
        %get3A_656 = arith.index_cast %get3A_653 : i32 to index
        %get3A_657 = arith.index_cast %get3A_654 : i32 to index
        %get3A_658 = arith.index_cast %multiple_of3A_479 : i32 to index
        %get3A_659 = tpu.vector_load %arg6[%get3A_655, %get3A_656, %get3A_657, %get3A_658] {strides = array<i32>} : memref<3x8x8x512xf32, #tpu.memory_space<vmem>>, vector<16xf32>,
        %add3A_660 = arith.addf %add3A_651, %get3A_659 : vector<16xf32>
        %get3A_661 = arith.constant 0 : i32
        %get3A_662 = arith.constant 3 : i32
        %get3A_663 = arith.constant 2 : i32
        %get3A_664 = arith.index_cast %get3A_661 : i32 to index
        %get3A_665 = arith.index_cast %get3A_662 : i32 to index
        %get3A_666 = arith.index_cast %get3A_663 : i32 to index
        %get3A_667 = arith.index_cast %multiple_of3A_479 : i32 to index
        %get3A_668 = tpu.vector_load %arg6[%get3A_664, %get3A_665, %get3A_666, %get3A_667] {strides = array<i32>} : memref<3x8x8x512xf32, #tpu.memory_space<vmem>>, vector<16xf32>,
        %add3A_669 = arith.addf %add3A_660, %get3A_668 : vector<16xf32>
        %get3A_670 = arith.constant 0 : i32
        %get3A_671 = arith.constant 4 : i32
        %get3A_672 = arith.constant 2 : i32
        %get3A_673 = arith.index_cast %get3A_670 : i32 to index
        %get3A_674 = arith.index_cast %get3A_671 : i32 to index
        %get3A_675 = arith.index_cast %get3A_672 : i32 to index
        %get3A_676 = arith.index_cast %multiple_of3A_479 : i32 to index
        %get3A_677 = tpu.vector_load %arg6[%get3A_673, %get3A_674, %get3A_675, %get3A_676] {strides = array<i32>} : memref<3x8x8x512xf32, #tpu.memory_space<vmem>>, vector<16xf32>,
        %add3A_678 = arith.addf %add3A_669, %get3A_677 : vector<16xf32>
        %get3A_679 = arith.constant 0 : i32
        %get3A_680 = arith.constant 5 : i32
        %get3A_681 = arith.constant 2 : i32
        %get3A_682 = arith.index_cast %get3A_679 : i32 to index
        %get3A_683 = arith.index_cast %get3A_680 : i32 to index
        %get3A_684 = arith.index_cast %get3A_681 : i32 to index
        %get3A_685 = arith.index_cast %multiple_of3A_479 : i32 to index
        %get3A_686 = tpu.vector_load %arg6[%get3A_682, %get3A_683, %get3A_684, %get3A_685] {strides = array<i32>} : memref<3x8x8x512xf32, #tpu.memory_space<vmem>>, vector<16xf32>,
        %add3A_687 = arith.addf %add3A_678, %get3A_686 : vector<16xf32>
        %get3A_688 = arith.constant 0 : i32
        %get3A_689 = arith.constant 6 : i32
        %get3A_690 = arith.constant 2 : i32
        %get3A_691 = arith.index_cast %get3A_688 : i32 to index
        %get3A_692 = arith.index_cast %get3A_689 : i32 to index
        %get3A_693 = arith.index_cast %get3A_690 : i32 to index
        %get3A_694 = arith.index_cast %multiple_of3A_479 : i32 to index
        %get3A_695 = tpu.vector_load %arg6[%get3A_691, %get3A_692, %get3A_693, %get3A_694] {strides = array<i32>} : memref<3x8x8x512xf32, #tpu.memory_space<vmem>>, vector<16xf32>,
        %add3A_696 = arith.addf %add3A_687, %get3A_695 : vector<16xf32>
        %get3A_697 = arith.constant 0 : i32
        %get3A_698 = arith.constant 7 : i32
        %get3A_699 = arith.constant 2 : i32
        %get3A_700 = arith.index_cast %get3A_697 : i32 to index
        %get3A_701 = arith.index_cast %get3A_698 : i32 to index
        %get3A_702 = arith.index_cast %get3A_699 : i32 to index
        %get3A_703 = arith.index_cast %multiple_of3A_479 : i32 to index
        %get3A_704 = tpu.vector_load %arg6[%get3A_700, %get3A_701, %get3A_702, %get3A_703] {strides = array<i32>} : memref<3x8x8x512xf32, #tpu.memory_space<vmem>>, vector<16xf32>,
        %add3A_705 = arith.addf %add3A_696, %get3A_704 : vector<16xf32>
        %mul3A_706 = arith.constant 1.250000e-01 : f32
        %mul3A_707 = vector.broadcast %mul3A_706 : f32 to vector<16xf32>
        %mul3A_708 = arith.mulf %add3A_705, %mul3A_707 : vector<16xf32>
        %swap3A_709 = arith.constant 2 : i32
        %swap3A_710 = arith.index_cast %swap3A_709 : i32 to index
        %swap3A_711 = arith.index_cast %multiple_of3A_479 : i32 to index
        %swap3A_712 = tpu.vector_load %arg7[%swap3A_710, %swap3A_711] {strides = array<i32>} : memref<8x512xf32, #tpu.memory_space<vmem>>, vector<16xf32>,
        tpu.vector_store %arg7[%swap3A_710, %swap3A_711], %mul3A_708 {strides = array<i32>} : memref<8x512xf32, #tpu.memory_space<vmem>>, vector<16xf32>,
        %get3A_713 = arith.constant 0 : i32
        %get3A_714 = arith.constant 0 : i32
        %get3A_715 = arith.constant 3 : i32
        %get3A_716 = arith.index_cast %get3A_713 : i32 to index
        %get3A_717 = arith.index_cast %get3A_714 : i32 to index
        %get3A_718 = arith.index_cast %get3A_715 : i32 to index
        %get3A_719 = arith.index_cast %multiple_of3A_479 : i32 to index
        %get3A_720 = tpu.vector_load %arg6[%get3A_716, %get3A_717, %get3A_718, %get3A_719] {strides = array<i32>} : memref<3x8x8x512xf32, #tpu.memory_space<vmem>>, vector<16xf32>,
        %get3A_721 = arith.constant 0 : i32
        %get3A_722 = arith.constant 1 : i32
        %get3A_723 = arith.constant 3 : i32
        %get3A_724 = arith.index_cast %get3A_721 : i32 to index
        %get3A_725 = arith.index_cast %get3A_722 : i32 to index
        %get3A_726 = arith.index_cast %get3A_723 : i32 to index
        %get3A_727 = arith.index_cast %multiple_of3A_479 : i32 to index
        %get3A_728 = tpu.vector_load %arg6[%get3A_724, %get3A_725, %get3A_726, %get3A_727] {strides = array<i32>} : memref<3x8x8x512xf32, #tpu.memory_space<vmem>>, vector<16xf32>,
        %add3A_729 = arith.addf %get3A_720, %get3A_728 : vector<16xf32>
        %get3A_730 = arith.constant 0 : i32
        %get3A_731 = arith.constant 2 : i32
        %get3A_732 = arith.constant 3 : i32
        %get3A_733 = arith.index_cast %get3A_730 : i32 to index
        %get3A_734 = arith.index_cast %get3A_731 : i32 to index
        %get3A_735 = arith.index_cast %get3A_732 : i32 to index
        %get3A_736 = arith.index_cast %multiple_of3A_479 : i32 to index
        %get3A_737 = tpu.vector_load %arg6[%get3A_733, %get3A_734, %get3A_735, %get3A_736] {strides = array<i32>} : memref<3x8x8x512xf32, #tpu.memory_space<vmem>>, vector<16xf32>,
        %add3A_738 = arith.addf %add3A_729, %get3A_737 : vector<16xf32>
        %get3A_739 = arith.constant 0 : i32
        %get3A_740 = arith.constant 3 : i32
        %get3A_741 = arith.constant 3 : i32
        %get3A_742 = arith.index_cast %get3A_739 : i32 to index
        %get3A_743 = arith.index_cast %get3A_740 : i32 to index
        %get3A_744 = arith.index_cast %get3A_741 : i32 to index
        %get3A_745 = arith.index_cast %multiple_of3A_479 : i32 to index
        %get3A_746 = tpu.vector_load %arg6[%get3A_742, %get3A_743, %get3A_744, %get3A_745] {strides = array<i32>} : memref<3x8x8x512xf32, #tpu.memory_space<vmem>>, vector<16xf32>,
        %add3A_747 = arith.addf %add3A_738, %get3A_746 : vector<16xf32>
        %get3A_748 = arith.constant 0 : i32
        %get3A_749 = arith.constant 4 : i32
        %get3A_750 = arith.constant 3 : i32
        %get3A_751 = arith.index_cast %get3A_748 : i32 to index
        %get3A_752 = arith.index_cast %get3A_749 : i32 to index
        %get3A_753 = arith.index_cast %get3A_750 : i32 to index
        %get3A_754 = arith.index_cast %multiple_of3A_479 : i32 to index
        %get3A_755 = tpu.vector_load %arg6[%get3A_751, %get3A_752, %get3A_753, %get3A_754] {strides = array<i32>} : memref<3x8x8x512xf32, #tpu.memory_space<vmem>>, vector<16xf32>,
        %add3A_756 = arith.addf %add3A_747, %get3A_755 : vector<16xf32>
        %get3A_757 = arith.constant 0 : i32
        %get3A_758 = arith.constant 5 : i32
        %get3A_759 = arith.constant 3 : i32
        %get3A_760 = arith.index_cast %get3A_757 : i32 to index
        %get3A_761 = arith.index_cast %get3A_758 : i32 to index
        %get3A_762 = arith.index_cast %get3A_759 : i32 to index
        %get3A_763 = arith.index_cast %multiple_of3A_479 : i32 to index
        %get3A_764 = tpu.vector_load %arg6[%get3A_760, %get3A_761, %get3A_762, %get3A_763] {strides = array<i32>} : memref<3x8x8x512xf32, #tpu.memory_space<vmem>>, vector<16xf32>,
        %add3A_765 = arith.addf %add3A_756, %get3A_764 : vector<16xf32>
        %get3A_766 = arith.constant 0 : i32
        %get3A_767 = arith.constant 6 : i32
        %get3A_768 = arith.constant 3 : i32
        %get3A_769 = arith.index_cast %get3A_766 : i32 to index
        %get3A_770 = arith.index_cast %get3A_767 : i32 to index
        %get3A_771 = arith.index_cast %get3A_768 : i32 to index
        %get3A_772 = arith.index_cast %multiple_of3A_479 : i32 to index
        %get3A_773 = tpu.vector_load %arg6[%get3A_769, %get3A_770, %get3A_771, %get3A_772] {strides = array<i32>} : memref<3x8x8x512xf32, #tpu.memory_space<vmem>>, vector<16xf32>,
        %add3A_774 = arith.addf %add3A_765, %get3A_773 : vector<16xf32>
        %get3A_775 = arith.constant 0 : i32
        %get3A_776 = arith.constant 7 : i32
        %get3A_777 = arith.constant 3 : i32
        %get3A_778 = arith.index_cast %get3A_775 : i32 to index
        %get3A_779 = arith.index_cast %get3A_776 : i32 to index
        %get3A_780 = arith.index_cast %get3A_777 : i32 to index
        %get3A_781 = arith.index_cast %multiple_of3A_479 : i32 to index
        %get3A_782 = tpu.vector_load %arg6[%get3A_778, %get3A_779, %get3A_780, %get3A_781] {strides = array<i32>} : memref<3x8x8x512xf32, #tpu.memory_space<vmem>>, vector<16xf32>,
        %add3A_783 = arith.addf %add3A_774, %get3A_782 : vector<16xf32>
        %mul3A_784 = arith.constant 1.250000e-01 : f32
        %mul3A_785 = vector.broadcast %mul3A_784 : f32 to vector<16xf32>
        %mul3A_786 = arith.mulf %add3A_783, %mul3A_785 : vector<16xf32>
        %swap3A_787 = arith.constant 3 : i32
        %swap3A_788 = arith.index_cast %swap3A_787 : i32 to index
        %swap3A_789 = arith.index_cast %multiple_of3A_479 : i32 to index
        %swap3A_790 = tpu.vector_load %arg7[%swap3A_788, %swap3A_789] {strides = array<i32>} : memref<8x512xf32, #tpu.memory_space<vmem>>, vector<16xf32>,
        tpu.vector_store %arg7[%swap3A_788, %swap3A_789], %mul3A_786 {strides = array<i32>} : memref<8x512xf32, #tpu.memory_space<vmem>>, vector<16xf32>,
        %get3A_791 = arith.constant 0 : i32
        %get3A_792 = arith.constant 0 : i32
        %get3A_793 = arith.constant 4 : i32
        %get3A_794 = arith.index_cast %get3A_791 : i32 to index
        %get3A_795 = arith.index_cast %get3A_792 : i32 to index
        %get3A_796 = arith.index_cast %get3A_793 : i32 to index
        %get3A_797 = arith.index_cast %multiple_of3A_479 : i32 to index
        %get3A_798 = tpu.vector_load %arg6[%get3A_794, %get3A_795, %get3A_796, %get3A_797] {strides = array<i32>} : memref<3x8x8x512xf32, #tpu.memory_space<vmem>>, vector<16xf32>,
        %get3A_799 = arith.constant 0 : i32
        %get3A_800 = arith.constant 1 : i32
        %get3A_801 = arith.constant 4 : i32
        %get3A_802 = arith.index_cast %get3A_799 : i32 to index
        %get3A_803 = arith.index_cast %get3A_800 : i32 to index
        %get3A_804 = arith.index_cast %get3A_801 : i32 to index
        %get3A_805 = arith.index_cast %multiple_of3A_479 : i32 to index
        %get3A_806 = tpu.vector_load %arg6[%get3A_802, %get3A_803, %get3A_804, %get3A_805] {strides = array<i32>} : memref<3x8x8x512xf32, #tpu.memory_space<vmem>>, vector<16xf32>,
        %add3A_807 = arith.addf %get3A_798, %get3A_806 : vector<16xf32>
        %get3A_808 = arith.constant 0 : i32
        %get3A_809 = arith.constant 2 : i32
        %get3A_810 = arith.constant 4 : i32
        %get3A_811 = arith.index_cast %get3A_808 : i32 to index
        %get3A_812 = arith.index_cast %get3A_809 : i32 to index
        %get3A_813 = arith.index_cast %get3A_810 : i32 to index
        %get3A_814 = arith.index_cast %multiple_of3A_479 : i32 to index
        %get3A_815 = tpu.vector_load %arg6[%get3A_811, %get3A_812, %get3A_813, %get3A_814] {strides = array<i32>} : memref<3x8x8x512xf32, #tpu.memory_space<vmem>>, vector<16xf32>,
        %add3A_816 = arith.addf %add3A_807, %get3A_815 : vector<16xf32>
        %get3A_817 = arith.constant 0 : i32
        %get3A_818 = arith.constant 3 : i32
        %get3A_819 = arith.constant 4 : i32
        %get3A_820 = arith.index_cast %get3A_817 : i32 to index
        %get3A_821 = arith.index_cast %get3A_818 : i32 to index
        %get3A_822 = arith.index_cast %get3A_819 : i32 to index
        %get3A_823 = arith.index_cast %multiple_of3A_479 : i32 to index
        %get3A_824 = tpu.vector_load %arg6[%get3A_820, %get3A_821, %get3A_822, %get3A_823] {strides = array<i32>} : memref<3x8x8x512xf32, #tpu.memory_space<vmem>>, vector<16xf32>,
        %add3A_825 = arith.addf %add3A_816, %get3A_824 : vector<16xf32>
        %get3A_826 = arith.constant 0 : i32
        %get3A_827 = arith.constant 4 : i32
        %get3A_828 = arith.constant 4 : i32
        %get3A_829 = arith.index_cast %get3A_826 : i32 to index
        %get3A_830 = arith.index_cast %get3A_827 : i32 to index
        %get3A_831 = arith.index_cast %get3A_828 : i32 to index
        %get3A_832 = arith.index_cast %multiple_of3A_479 : i32 to index
        %get3A_833 = tpu.vector_load %arg6[%get3A_829, %get3A_830, %get3A_831, %get3A_832] {strides = array<i32>} : memref<3x8x8x512xf32, #tpu.memory_space<vmem>>, vector<16xf32>,
        %add3A_834 = arith.addf %add3A_825, %get3A_833 : vector<16xf32>
        %get3A_835 = arith.constant 0 : i32
        %get3A_836 = arith.constant 5 : i32
        %get3A_837 = arith.constant 4 : i32
        %get3A_838 = arith.index_cast %get3A_835 : i32 to index
        %get3A_839 = arith.index_cast %get3A_836 : i32 to index
        %get3A_840 = arith.index_cast %get3A_837 : i32 to index
        %get3A_841 = arith.index_cast %multiple_of3A_479 : i32 to index
        %get3A_842 = tpu.vector_load %arg6[%get3A_838, %get3A_839, %get3A_840, %get3A_841] {strides = array<i32>} : memref<3x8x8x512xf32, #tpu.memory_space<vmem>>, vector<16xf32>,
        %add3A_843 = arith.addf %add3A_834, %get3A_842 : vector<16xf32>
        %get3A_844 = arith.constant 0 : i32
        %get3A_845 = arith.constant 6 : i32
        %get3A_846 = arith.constant 4 : i32
        %get3A_847 = arith.index_cast %get3A_844 : i32 to index
        %get3A_848 = arith.index_cast %get3A_845 : i32 to index
        %get3A_849 = arith.index_cast %get3A_846 : i32 to index
        %get3A_850 = arith.index_cast %multiple_of3A_479 : i32 to index
        %get3A_851 = tpu.vector_load %arg6[%get3A_847, %get3A_848, %get3A_849, %get3A_850] {strides = array<i32>} : memref<3x8x8x512xf32, #tpu.memory_space<vmem>>, vector<16xf32>,
        %add3A_852 = arith.addf %add3A_843, %get3A_851 : vector<16xf32>
        %get3A_853 = arith.constant 0 : i32
        %get3A_854 = arith.constant 7 : i32
        %get3A_855 = arith.constant 4 : i32
        %get3A_856 = arith.index_cast %get3A_853 : i32 to index
        %get3A_857 = arith.index_cast %get3A_854 : i32 to index
        %get3A_858 = arith.index_cast %get3A_855 : i32 to index
        %get3A_859 = arith.index_cast %multiple_of3A_479 : i32 to index
        %get3A_860 = tpu.vector_load %arg6[%get3A_856, %get3A_857, %get3A_858, %get3A_859] {strides = array<i32>} : memref<3x8x8x512xf32, #tpu.memory_space<vmem>>, vector<16xf32>,
        %add3A_861 = arith.addf %add3A_852, %get3A_860 : vector<16xf32>
        %mul3A_862 = arith.constant 1.250000e-01 : f32
        %mul3A_863 = vector.broadcast %mul3A_862 : f32 to vector<16xf32>
        %mul3A_864 = arith.mulf %add3A_861, %mul3A_863 : vector<16xf32>
        %swap3A_865 = arith.constant 4 : i32
        %swap3A_866 = arith.index_cast %swap3A_865 : i32 to index
        %swap3A_867 = arith.index_cast %multiple_of3A_479 : i32 to index
        %swap3A_868 = tpu.vector_load %arg7[%swap3A_866, %swap3A_867] {strides = array<i32>} : memref<8x512xf32, #tpu.memory_space<vmem>>, vector<16xf32>,
        tpu.vector_store %arg7[%swap3A_866, %swap3A_867], %mul3A_864 {strides = array<i32>} : memref<8x512xf32, #tpu.memory_space<vmem>>, vector<16xf32>,
        %get3A_869 = arith.constant 0 : i32
        %get3A_870 = arith.constant 0 : i32
        %get3A_871 = arith.constant 5 : i32
        %get3A_872 = arith.index_cast %get3A_869 : i32 to index
        %get3A_873 = arith.index_cast %get3A_870 : i32 to index
        %get3A_874 = arith.index_cast %get3A_871 : i32 to index
        %get3A_875 = arith.index_cast %multiple_of3A_479 : i32 to index
        %get3A_876 = tpu.vector_load %arg6[%get3A_872, %get3A_873, %get3A_874, %get3A_875] {strides = array<i32>} : memref<3x8x8x512xf32, #tpu.memory_space<vmem>>, vector<16xf32>,
        %get3A_877 = arith.constant 0 : i32
        %get3A_878 = arith.constant 1 : i32
        %get3A_879 = arith.constant 5 : i32
        %get3A_880 = arith.index_cast %get3A_877 : i32 to index
        %get3A_881 = arith.index_cast %get3A_878 : i32 to index
        %get3A_882 = arith.index_cast %get3A_879 : i32 to index
        %get3A_883 = arith.index_cast %multiple_of3A_479 : i32 to index
        %get3A_884 = tpu.vector_load %arg6[%get3A_880, %get3A_881, %get3A_882, %get3A_883] {strides = array<i32>} : memref<3x8x8x512xf32, #tpu.memory_space<vmem>>, vector<16xf32>,
        %add3A_885 = arith.addf %get3A_876, %get3A_884 : vector<16xf32>
        %get3A_886 = arith.constant 0 : i32
        %get3A_887 = arith.constant 2 : i32
        %get3A_888 = arith.constant 5 : i32
        %get3A_889 = arith.index_cast %get3A_886 : i32 to index
        %get3A_890 = arith.index_cast %get3A_887 : i32 to index
        %get3A_891 = arith.index_cast %get3A_888 : i32 to index
        %get3A_892 = arith.index_cast %multiple_of3A_479 : i32 to index
        %get3A_893 = tpu.vector_load %arg6[%get3A_889, %get3A_890, %get3A_891, %get3A_892] {strides = array<i32>} : memref<3x8x8x512xf32, #tpu.memory_space<vmem>>, vector<16xf32>,
        %add3A_894 = arith.addf %add3A_885, %get3A_893 : vector<16xf32>
        %get3A_895 = arith.constant 0 : i32
        %get3A_896 = arith.constant 3 : i32
        %get3A_897 = arith.constant 5 : i32
        %get3A_898 = arith.index_cast %get3A_895 : i32 to index
        %get3A_899 = arith.index_cast %get3A_896 : i32 to index
        %get3A_900 = arith.index_cast %get3A_897 : i32 to index
        %get3A_901 = arith.index_cast %multiple_of3A_479 : i32 to index
        %get3A_902 = tpu.vector_load %arg6[%get3A_898, %get3A_899, %get3A_900, %get3A_901] {strides = array<i32>} : memref<3x8x8x512xf32, #tpu.memory_space<vmem>>, vector<16xf32>,
        %add3A_903 = arith.addf %add3A_894, %get3A_902 : vector<16xf32>
        %get3A_904 = arith.constant 0 : i32
        %get3A_905 = arith.constant 4 : i32
        %get3A_906 = arith.constant 5 : i32
        %get3A_907 = arith.index_cast %get3A_904 : i32 to index
        %get3A_908 = arith.index_cast %get3A_905 : i32 to index
        %get3A_909 = arith.index_cast %get3A_906 : i32 to index
        %get3A_910 = arith.index_cast %multiple_of3A_479 : i32 to index
        %get3A_911 = tpu.vector_load %arg6[%get3A_907, %get3A_908, %get3A_909, %get3A_910] {strides = array<i32>} : memref<3x8x8x512xf32, #tpu.memory_space<vmem>>, vector<16xf32>,
        %add3A_912 = arith.addf %add3A_903, %get3A_911 : vector<16xf32>
        %get3A_913 = arith.constant 0 : i32
        %get3A_914 = arith.constant 5 : i32
        %get3A_915 = arith.constant 5 : i32
        %get3A_916 = arith.index_cast %get3A_913 : i32 to index
        %get3A_917 = arith.index_cast %get3A_914 : i32 to index
        %get3A_918 = arith.index_cast %get3A_915 : i32 to index
        %get3A_919 = arith.index_cast %multiple_of3A_479 : i32 to index
        %get3A_920 = tpu.vector_load %arg6[%get3A_916, %get3A_917, %get3A_918, %get3A_919] {strides = array<i32>} : memref<3x8x8x512xf32, #tpu.memory_space<vmem>>, vector<16xf32>,
        %add3A_921 = arith.addf %add3A_912, %get3A_920 : vector<16xf32>
        %get3A_922 = arith.constant 0 : i32
        %get3A_923 = arith.constant 6 : i32
        %get3A_924 = arith.constant 5 : i32
        %get3A_925 = arith.index_cast %get3A_922 : i32 to index
        %get3A_926 = arith.index_cast %get3A_923 : i32 to index
        %get3A_927 = arith.index_cast %get3A_924 : i32 to index
        %get3A_928 = arith.index_cast %multiple_of3A_479 : i32 to index
        %get3A_929 = tpu.vector_load %arg6[%get3A_925, %get3A_926, %get3A_927, %get3A_928] {strides = array<i32>} : memref<3x8x8x512xf32, #tpu.memory_space<vmem>>, vector<16xf32>,
        %add3A_930 = arith.addf %add3A_921, %get3A_929 : vector<16xf32>
        %get3A_931 = arith.constant 0 : i32
        %get3A_932 = arith.constant 7 : i32
        %get3A_933 = arith.constant 5 : i32
        %get3A_934 = arith.index_cast %get3A_931 : i32 to index
        %get3A_935 = arith.index_cast %get3A_932 : i32 to index
        %get3A_936 = arith.index_cast %get3A_933 : i32 to index
        %get3A_937 = arith.index_cast %multiple_of3A_479 : i32 to index
        %get3A_938 = tpu.vector_load %arg6[%get3A_934, %get3A_935, %get3A_936, %get3A_937] {strides = array<i32>} : memref<3x8x8x512xf32, #tpu.memory_space<vmem>>, vector<16xf32>,
        %add3A_939 = arith.addf %add3A_930, %get3A_938 : vector<16xf32>
        %mul3A_940 = arith.constant 1.250000e-01 : f32
        %mul3A_941 = vector.broadcast %mul3A_940 : f32 to vector<16xf32>
        %mul3A_942 = arith.mulf %add3A_939, %mul3A_941 : vector<16xf32>
        %swap3A_943 = arith.constant 5 : i32
        %swap3A_944 = arith.index_cast %swap3A_943 : i32 to index
        %swap3A_945 = arith.index_cast %multiple_of3A_479 : i32 to index
        %swap3A_946 = tpu.vector_load %arg7[%swap3A_944, %swap3A_945] {strides = array<i32>} : memref<8x512xf32, #tpu.memory_space<vmem>>, vector<16xf32>,
        tpu.vector_store %arg7[%swap3A_944, %swap3A_945], %mul3A_942 {strides = array<i32>} : memref<8x512xf32, #tpu.memory_space<vmem>>, vector<16xf32>,
        %get3A_947 = arith.constant 0 : i32
        %get3A_948 = arith.constant 0 : i32
        %get3A_949 = arith.constant 6 : i32
        %get3A_950 = arith.index_cast %get3A_947 : i32 to index
        %get3A_951 = arith.index_cast %get3A_948 : i32 to index
        %get3A_952 = arith.index_cast %get3A_949 : i32 to index
        %get3A_953 = arith.index_cast %multiple_of3A_479 : i32 to index
        %get3A_954 = tpu.vector_load %arg6[%get3A_950, %get3A_951, %get3A_952, %get3A_953] {strides = array<i32>} : memref<3x8x8x512xf32, #tpu.memory_space<vmem>>, vector<16xf32>,
        %get3A_955 = arith.constant 0 : i32
        %get3A_956 = arith.constant 1 : i32
        %get3A_957 = arith.constant 6 : i32
        %get3A_958 = arith.index_cast %get3A_955 : i32 to index
        %get3A_959 = arith.index_cast %get3A_956 : i32 to index
        %get3A_960 = arith.index_cast %get3A_957 : i32 to index
        %get3A_961 = arith.index_cast %multiple_of3A_479 : i32 to index
        %get3A_962 = tpu.vector_load %arg6[%get3A_958, %get3A_959, %get3A_960, %get3A_961] {strides = array<i32>} : memref<3x8x8x512xf32, #tpu.memory_space<vmem>>, vector<16xf32>,
        %add3A_963 = arith.addf %get3A_954, %get3A_962 : vector<16xf32>
        %get3A_964 = arith.constant 0 : i32
        %get3A_965 = arith.constant 2 : i32
        %get3A_966 = arith.constant 6 : i32
        %get3A_967 = arith.index_cast %get3A_964 : i32 to index
        %get3A_968 = arith.index_cast %get3A_965 : i32 to index
        %get3A_969 = arith.index_cast %get3A_966 : i32 to index
        %get3A_970 = arith.index_cast %multiple_of3A_479 : i32 to index
        %get3A_971 = tpu.vector_load %arg6[%get3A_967, %get3A_968, %get3A_969, %get3A_970] {strides = array<i32>} : memref<3x8x8x512xf32, #tpu.memory_space<vmem>>, vector<16xf32>,
        %add3A_972 = arith.addf %add3A_963, %get3A_971 : vector<16xf32>
        %get3A_973 = arith.constant 0 : i32
        %get3A_974 = arith.constant 3 : i32
        %get3A_975 = arith.constant 6 : i32
        %get3A_976 = arith.index_cast %get3A_973 : i32 to index
        %get3A_977 = arith.index_cast %get3A_974 : i32 to index
        %get3A_978 = arith.index_cast %get3A_975 : i32 to index
        %get3A_979 = arith.index_cast %multiple_of3A_479 : i32 to index
        %get3A_980 = tpu.vector_load %arg6[%get3A_976, %get3A_977, %get3A_978, %get3A_979] {strides = array<i32>} : memref<3x8x8x512xf32, #tpu.memory_space<vmem>>, vector<16xf32>,
        %add3A_981 = arith.addf %add3A_972, %get3A_980 : vector<16xf32>
        %get3A_982 = arith.constant 0 : i32
        %get3A_983 = arith.constant 4 : i32
        %get3A_984 = arith.constant 6 : i32
        %get3A_985 = arith.index_cast %get3A_982 : i32 to index
        %get3A_986 = arith.index_cast %get3A_983 : i32 to index
        %get3A_987 = arith.index_cast %get3A_984 : i32 to index
        %get3A_988 = arith.index_cast %multiple_of3A_479 : i32 to index
        %get3A_989 = tpu.vector_load %arg6[%get3A_985, %get3A_986, %get3A_987, %get3A_988] {strides = array<i32>} : memref<3x8x8x512xf32, #tpu.memory_space<vmem>>, vector<16xf32>,
        %add3A_990 = arith.addf %add3A_981, %get3A_989 : vector<16xf32>
        %get3A_991 = arith.constant 0 : i32
        %get3A_992 = arith.constant 5 : i32
        %get3A_993 = arith.constant 6 : i32
        %get3A_994 = arith.index_cast %get3A_991 : i32 to index
        %get3A_995 = arith.index_cast %get3A_992 : i32 to index
        %get3A_996 = arith.index_cast %get3A_993 : i32 to index
        %get3A_997 = arith.index_cast %multiple_of3A_479 : i32 to index
        %get3A_998 = tpu.vector_load %arg6[%get3A_994, %get3A_995, %get3A_996, %get3A_997] {strides = array<i32>} : memref<3x8x8x512xf32, #tpu.memory_space<vmem>>, vector<16xf32>,
        %add3A_999 = arith.addf %add3A_990, %get3A_998 : vector<16xf32>
        %get3A_1000 = arith.constant 0 : i32
        %get3A_1001 = arith.constant 6 : i32
        %get3A_1002 = arith.constant 6 : i32
        %get3A_1003 = arith.index_cast %get3A_1000 : i32 to index
        %get3A_1004 = arith.index_cast %get3A_1001 : i32 to index
        %get3A_1005 = arith.index_cast %get3A_1002 : i32 to index
        %get3A_1006 = arith.index_cast %multiple_of3A_479 : i32 to index
        %get3A_1007 = tpu.vector_load %arg6[%get3A_1003, %get3A_1004, %get3A_1005, %get3A_1006] {strides = array<i32>} : memref<3x8x8x512xf32, #tpu.memory_space<vmem>>, vector<16xf32>,
        %add3A_1008 = arith.addf %add3A_999, %get3A_1007 : vector<16xf32>
        %get3A_1009 = arith.constant 0 : i32
        %get3A_1010 = arith.constant 7 : i32
        %get3A_1011 = arith.constant 6 : i32
        %get3A_1012 = arith.index_cast %get3A_1009 : i32 to index
        %get3A_1013 = arith.index_cast %get3A_1010 : i32 to index
        %get3A_1014 = arith.index_cast %get3A_1011 : i32 to index
        %get3A_1015 = arith.index_cast %multiple_of3A_479 : i32 to index
        %get3A_1016 = tpu.vector_load %arg6[%get3A_1012, %get3A_1013, %get3A_1014, %get3A_1015] {strides = array<i32>} : memref<3x8x8x512xf32, #tpu.memory_space<vmem>>, vector<16xf32>,
        %add3A_1017 = arith.addf %add3A_1008, %get3A_1016 : vector<16xf32>
        %mul3A_1018 = arith.constant 1.250000e-01 : f32
        %mul3A_1019 = vector.broadcast %mul3A_1018 : f32 to vector<16xf32>
        %mul3A_1020 = arith.mulf %add3A_1017, %mul3A_1019 : vector<16xf32>
        %swap3A_1021 = arith.constant 6 : i32
        %swap3A_1022 = arith.index_cast %swap3A_1021 : i32 to index
        %swap3A_1023 = arith.index_cast %multiple_of3A_479 : i32 to index
        %swap3A_1024 = tpu.vector_load %arg7[%swap3A_1022, %swap3A_1023] {strides = array<i32>} : memref<8x512xf32, #tpu.memory_space<vmem>>, vector<16xf32>,
        tpu.vector_store %arg7[%swap3A_1022, %swap3A_1023], %mul3A_1020 {strides = array<i32>} : memref<8x512xf32, #tpu.memory_space<vmem>>, vector<16xf32>,
        %get3A_1025 = arith.constant 0 : i32
        %get3A_1026 = arith.constant 0 : i32
        %get3A_1027 = arith.constant 7 : i32
        %get3A_1028 = arith.index_cast %get3A_1025 : i32 to index
        %get3A_1029 = arith.index_cast %get3A_1026 : i32 to index
        %get3A_1030 = arith.index_cast %get3A_1027 : i32 to index
        %get3A_1031 = arith.index_cast %multiple_of3A_479 : i32 to index
        %get3A_1032 = tpu.vector_load %arg6[%get3A_1028, %get3A_1029, %get3A_1030, %get3A_1031] {strides = array<i32>} : memref<3x8x8x512xf32, #tpu.memory_space<vmem>>, vector<16xf32>,
        %get3A_1033 = arith.constant 0 : i32
        %get3A_1034 = arith.constant 1 : i32
        %get3A_1035 = arith.constant 7 : i32
        %get3A_1036 = arith.index_cast %get3A_1033 : i32 to index
        %get3A_1037 = arith.index_cast %get3A_1034 : i32 to index
        %get3A_1038 = arith.index_cast %get3A_1035 : i32 to index
        %get3A_1039 = arith.index_cast %multiple_of3A_479 : i32 to index
        %get3A_1040 = tpu.vector_load %arg6[%get3A_1036, %get3A_1037, %get3A_1038, %get3A_1039] {strides = array<i32>} : memref<3x8x8x512xf32, #tpu.memory_space<vmem>>, vector<16xf32>,
        %add3A_1041 = arith.addf %get3A_1032, %get3A_1040 : vector<16xf32>
        %get3A_1042 = arith.constant 0 : i32
        %get3A_1043 = arith.constant 2 : i32
        %get3A_1044 = arith.constant 7 : i32
        %get3A_1045 = arith.index_cast %get3A_1042 : i32 to index
        %get3A_1046 = arith.index_cast %get3A_1043 : i32 to index
        %get3A_1047 = arith.index_cast %get3A_1044 : i32 to index
        %get3A_1048 = arith.index_cast %multiple_of3A_479 : i32 to index
        %get3A_1049 = tpu.vector_load %arg6[%get3A_1045, %get3A_1046, %get3A_1047, %get3A_1048] {strides = array<i32>} : memref<3x8x8x512xf32, #tpu.memory_space<vmem>>, vector<16xf32>,
        %add3A_1050 = arith.addf %add3A_1041, %get3A_1049 : vector<16xf32>
        %get3A_1051 = arith.constant 0 : i32
        %get3A_1052 = arith.constant 3 : i32
        %get3A_1053 = arith.constant 7 : i32
        %get3A_1054 = arith.index_cast %get3A_1051 : i32 to index
        %get3A_1055 = arith.index_cast %get3A_1052 : i32 to index
        %get3A_1056 = arith.index_cast %get3A_1053 : i32 to index
        %get3A_1057 = arith.index_cast %multiple_of3A_479 : i32 to index
        %get3A_1058 = tpu.vector_load %arg6[%get3A_1054, %get3A_1055, %get3A_1056, %get3A_1057] {strides = array<i32>} : memref<3x8x8x512xf32, #tpu.memory_space<vmem>>, vector<16xf32>,
        %add3A_1059 = arith.addf %add3A_1050, %get3A_1058 : vector<16xf32>
        %get3A_1060 = arith.constant 0 : i32
        %get3A_1061 = arith.constant 4 : i32
        %get3A_1062 = arith.constant 7 : i32
        %get3A_1063 = arith.index_cast %get3A_1060 : i32 to index
        %get3A_1064 = arith.index_cast %get3A_1061 : i32 to index
        %get3A_1065 = arith.index_cast %get3A_1062 : i32 to index
        %get3A_1066 = arith.index_cast %multiple_of3A_479 : i32 to index
        %get3A_1067 = tpu.vector_load %arg6[%get3A_1063, %get3A_1064, %get3A_1065, %get3A_1066] {strides = array<i32>} : memref<3x8x8x512xf32, #tpu.memory_space<vmem>>, vector<16xf32>,
        %add3A_1068 = arith.addf %add3A_1059, %get3A_1067 : vector<16xf32>
        %get3A_1069 = arith.constant 0 : i32
        %get3A_1070 = arith.constant 5 : i32
        %get3A_1071 = arith.constant 7 : i32
        %get3A_1072 = arith.index_cast %get3A_1069 : i32 to index
        %get3A_1073 = arith.index_cast %get3A_1070 : i32 to index
        %get3A_1074 = arith.index_cast %get3A_1071 : i32 to index
        %get3A_1075 = arith.index_cast %multiple_of3A_479 : i32 to index
        %get3A_1076 = tpu.vector_load %arg6[%get3A_1072, %get3A_1073, %get3A_1074, %get3A_1075] {strides = array<i32>} : memref<3x8x8x512xf32, #tpu.memory_space<vmem>>, vector<16xf32>,
        %add3A_1077 = arith.addf %add3A_1068, %get3A_1076 : vector<16xf32>
        %get3A_1078 = arith.constant 0 : i32
        %get3A_1079 = arith.constant 6 : i32
        %get3A_1080 = arith.constant 7 : i32
        %get3A_1081 = arith.index_cast %get3A_1078 : i32 to index
        %get3A_1082 = arith.index_cast %get3A_1079 : i32 to index
        %get3A_1083 = arith.index_cast %get3A_1080 : i32 to index
        %get3A_1084 = arith.index_cast %multiple_of3A_479 : i32 to index
        %get3A_1085 = tpu.vector_load %arg6[%get3A_1081, %get3A_1082, %get3A_1083, %get3A_1084] {strides = array<i32>} : memref<3x8x8x512xf32, #tpu.memory_space<vmem>>, vector<16xf32>,
        %add3A_1086 = arith.addf %add3A_1077, %get3A_1085 : vector<16xf32>
        %get3A_1087 = arith.constant 0 : i32
        %get3A_1088 = arith.constant 7 : i32
        %get3A_1089 = arith.constant 7 : i32
        %get3A_1090 = arith.index_cast %get3A_1087 : i32 to index
        %get3A_1091 = arith.index_cast %get3A_1088 : i32 to index
        %get3A_1092 = arith.index_cast %get3A_1089 : i32 to index
        %get3A_1093 = arith.index_cast %multiple_of3A_479 : i32 to index
        %get3A_1094 = tpu.vector_load %arg6[%get3A_1090, %get3A_1091, %get3A_1092, %get3A_1093] {strides = array<i32>} : memref<3x8x8x512xf32, #tpu.memory_space<vmem>>, vector<16xf32>,
        %add3A_1095 = arith.addf %add3A_1086, %get3A_1094 : vector<16xf32>
        %mul3A_1096 = arith.constant 1.250000e-01 : f32
        %mul3A_1097 = vector.broadcast %mul3A_1096 : f32 to vector<16xf32>
        %mul3A_1098 = arith.mulf %add3A_1095, %mul3A_1097 : vector<16xf32>
        %swap3A_1099 = arith.constant 7 : i32
        %swap3A_1100 = arith.index_cast %swap3A_1099 : i32 to index
        %swap3A_1101 = arith.index_cast %multiple_of3A_479 : i32 to index
        %swap3A_1102 = tpu.vector_load %arg7[%swap3A_1100, %swap3A_1101] {strides = array<i32>} : memref<8x512xf32, #tpu.memory_space<vmem>>, vector<16xf32>,
        tpu.vector_store %arg7[%swap3A_1100, %swap3A_1101], %mul3A_1098 {strides = array<i32>} : memref<8x512xf32, #tpu.memory_space<vmem>>, vector<16xf32>,
        %scan3A_1103 = arith.constant 0 : i32
        scf.yield %scan3A_1103 : i32
      }
      %scan3A_464 = arith.constant 32 : i32
      %shift_right_arithmetic3A_465 = arith.constant 1 : i32
      %shift_right_arithmetic3A_466 = arith.shrsi %add3A_400, %shift_right_arithmetic3A_465 : i32
      %mul3A_467 = arith.constant 8 : i32
      %mul3A_468 = arith.muli %shift_right_arithmetic3A_466, %mul3A_467 : i32
      %multiple_of3A_469 = tpu.assume_multiple %mul3A_468, 8 : i32
      %and3A_470 = arith.constant 1 : i32
      %and3A_471 = arith.andi %add3A_400, %and3A_470 : i32
      %mul3A_472 = arith.constant 512 : i32
      %mul3A_473 = arith.muli %and3A_471, %mul3A_472 : i32
      %multiple_of3A_474 = tpu.assume_multiple %mul3A_473, 128 : i32
      "tpu.region"() ({
        %run_scoped3A = tpu.sem_alloc : memref<!tpu.dma_semaphore, #tpu.memory_space<semaphore_mem>>
        %dma_start3A_475 = tpu.memref_slice %arg4[%multiple_of3A_469, %multiple_of3A_474] : memref<512x1024xf32, #tpu.memory_space<hbm>> -> memref<8x512xf32, #tpu.memory_space<hbm>>
        %dma_start3A_476 = tpu.memref_slice %arg4[%multiple_of3A_469, %multiple_of3A_474] : memref<512x1024xf32, #tpu.memory_space<hbm>> -> memref<8x512xf32, #tpu.memory_space<hbm>>
        tpu.enqueue_dma source(%arg7 : memref<8x512xf32, #tpu.memory_space<vmem>>) target(%dma_start3A_476 : memref<8x512xf32, #tpu.memory_space<hbm>>) target_semaphore(%run_scoped3A : memref<!tpu.dma_semaphore, #tpu.memory_space<semaphore_mem>>)
        %dma_wait3A_477 = tpu.memref_slice %arg4[%multiple_of3A_469, %multiple_of3A_474] : memref<512x1024xf32, #tpu.memory_space<hbm>> -> memref<8x512xf32, #tpu.memory_space<hbm>>
        %dma_wait3A_478 = tpu.memref_slice %arg4[%multiple_of3A_469, %multiple_of3A_474] : memref<512x1024xf32, #tpu.memory_space<hbm>> -> memref<8x512xf32, #tpu.memory_space<hbm>>
        tpu.wait_dma2 semaphore(%run_scoped3A : memref<!tpu.dma_semaphore, #tpu.memory_space<semaphore_mem>>) src(%arg7 : memref<8x512xf32, #tpu.memory_space<vmem>>) dst(%dma_wait3A_478 : memref<8x512xf32, #tpu.memory_space<hbm>>)
        tpu.yield
      }) : () -> ()
    } else {
    }
    %add3A_410 = arith.constant 32 : i32
    %add3A_411 = arith.addi %add3A, %add3A_410 : i32
    %add3A_412 = arith.constant 96 : i32
    %add3A_413 = arith.addi %add3A, %add3A_412 : i32
    %lt3A_414 = arith.constant 128 : i32
    %lt3A_415 = arith.cmpi slt, %add3A_413, %lt3A_414 : i32
    %convert_element_type3A_416 = arith.extui %lt3A_415 : i1 to i32
    %cond3A_417 = arith.constant 0 : i32
    %cond3A_418 = arith.cmpi ne, %convert_element_type3A_416, %cond3A_417 : i32
    scf.if %cond3A_418 {
      %add3A_438 = arith.constant 96 : i32
      %add3A_439 = arith.addi %add3A, %add3A_438 : i32
      %shift_right_arithmetic3A_440 = arith.constant 1 : i32
      %shift_right_arithmetic3A_441 = arith.shrsi %add3A_439, %shift_right_arithmetic3A_440 : i32
      %mul3A_442 = arith.constant 8 : i32
      %mul3A_443 = arith.muli %shift_right_arithmetic3A_441, %mul3A_442 : i32
      %multiple_of3A_444 = tpu.assume_multiple %mul3A_443, 8 : i32
      %and3A_445 = arith.constant 1 : i32
      %and3A_446 = arith.andi %add3A_439, %and3A_445 : i32
      %mul3A_447 = arith.constant 512 : i32
      %mul3A_448 = arith.muli %and3A_446, %mul3A_447 : i32
      %multiple_of3A_449 = tpu.assume_multiple %mul3A_448, 128 : i32
      %add3A_450 = arith.constant 488 : i32
      %add3A_451 = arith.addi %add3A_450, %multiple_of3A_444 : i32
      %dma_start3A_452 = arith.constant 0 : i32
      %dma_start3A_453 = arith.constant 0 : i32
      %dma_start3A_454 = arith.constant 0 : i32
      %dma_start3A_455 = arith.constant 0 : i32
      %dma_start3A_456 = arith.constant 0 : i32
      %dma_start3A_457 = tpu.memref_slice %arg6[%dma_start3A_452, %dma_start3A_453, %dma_start3A_455, %dma_start3A_456] : memref<3x8x8x512xf32, #tpu.memory_space<vmem>> -> memref<1x1x8x512xf32, #tpu.memory_space<vmem>>
      %dma_start3A_458 = tpu.memref_squeeze %dma_start3A_457 : memref<1x1x8x512xf32, #tpu.memory_space<vmem>> -> memref<8x512xf32, #tpu.memory_space<vmem>>
      %dma_start3A_459 = tpu.memref_slice %arg2[%reduce_sum3A_6, %add3A_451, %multiple_of3A_449] : memref<64x1000x1024xf32, #tpu.memory_space<hbm>> -> memref<1x8x512xf32, #tpu.memory_space<hbm>>
      %dma_start3A_460 = tpu.memref_squeeze %dma_start3A_459 : memref<1x8x512xf32, #tpu.memory_space<hbm>> -> memref<8x512xf32, #tpu.memory_space<hbm>>
      %dma_start3A_461 = tpu.memref_slice %arg8[%dma_start3A_454] : memref<3x!tpu.dma_semaphore, #tpu.memory_space<semaphore_mem>> -> memref<1x!tpu.dma_semaphore, #tpu.memory_space<semaphore_mem>>
      %dma_start3A_462 = tpu.memref_squeeze %dma_start3A_461 : memref<1x!tpu.dma_semaphore, #tpu.memory_space<semaphore_mem>> -> memref<!tpu.dma_semaphore, #tpu.memory_space<semaphore_mem>>
      %dma_start3A_463 = arith.constant 0 : i32
      %dma_start3A_464 = arith.constant 0 : i32
      %dma_start3A_465 = tpu.memref_slice %arg6[%dma_start3A_452, %dma_start3A_453, %dma_start3A_463, %dma_start3A_464] : memref<3x8x8x512xf32, #tpu.memory_space<vmem>> -> memref<1x1x8x512xf32, #tpu.memory_space<vmem>>
      %dma_start3A_466 = tpu.memref_squeeze %dma_start3A_465 : memref<1x1x8x512xf32, #tpu.memory_space<vmem>> -> memref<8x512xf32, #tpu.memory_space<vmem>>
      %dma_start3A_467 = tpu.memref_slice %arg2[%reduce_sum3A_6, %add3A_451, %multiple_of3A_449] : memref<64x1000x1024xf32, #tpu.memory_space<hbm>> -> memref<1x8x512xf32, #tpu.memory_space<hbm>>
      %dma_start3A_468 = tpu.memref_squeeze %dma_start3A_467 : memref<1x8x512xf32, #tpu.memory_space<hbm>> -> memref<8x512xf32, #tpu.memory_space<hbm>>
      tpu.enqueue_dma source(%dma_start3A_468 : memref<8x512xf32, #tpu.memory_space<hbm>>) target(%dma_start3A_466 : memref<8x512xf32, #tpu.memory_space<vmem>>) target_semaphore(%dma_start3A_462 : memref<!tpu.dma_semaphore, #tpu.memory_space<semaphore_mem>>)
      %add3A_469 = arith.constant 488 : i32
      %add3A_470 = arith.addi %add3A_469, %multiple_of3A_444 : i32
      %dma_start3A_471 = arith.constant 0 : i32
      %dma_start3A_472 = arith.constant 1 : i32
      %dma_start3A_473 = arith.constant 0 : i32
      %dma_start3A_474 = arith.constant 0 : i32
      %dma_start3A_475 = arith.constant 0 : i32
      %dma_start3A_476 = tpu.memref_slice %arg6[%dma_start3A_471, %dma_start3A_472, %dma_start3A_474, %dma_start3A_475] : memref<3x8x8x512xf32, #tpu.memory_space<vmem>> -> memref<1x1x8x512xf32, #tpu.memory_space<vmem>>
      %dma_start3A_477 = tpu.memref_squeeze %dma_start3A_476 : memref<1x1x8x512xf32, #tpu.memory_space<vmem>> -> memref<8x512xf32, #tpu.memory_space<vmem>>
      %dma_start3A_478 = tpu.memref_slice %arg2[%reduce_sum3A_16, %add3A_470, %multiple_of3A_449] : memref<64x1000x1024xf32, #tpu.memory_space<hbm>> -> memref<1x8x512xf32, #tpu.memory_space<hbm>>
      %dma_start3A_479 = tpu.memref_squeeze %dma_start3A_478 : memref<1x8x512xf32, #tpu.memory_space<hbm>> -> memref<8x512xf32, #tpu.memory_space<hbm>>
      %dma_start3A_480 = tpu.memref_slice %arg8[%dma_start3A_473] : memref<3x!tpu.dma_semaphore, #tpu.memory_space<semaphore_mem>> -> memref<1x!tpu.dma_semaphore, #tpu.memory_space<semaphore_mem>>
      %dma_start3A_481 = tpu.memref_squeeze %dma_start3A_480 : memref<1x!tpu.dma_semaphore, #tpu.memory_space<semaphore_mem>> -> memref<!tpu.dma_semaphore, #tpu.memory_space<semaphore_mem>>
      %dma_start3A_482 = arith.constant 0 : i32
      %dma_start3A_483 = arith.constant 0 : i32
      %dma_start3A_484 = tpu.memref_slice %arg6[%dma_start3A_471, %dma_start3A_472, %dma_start3A_482, %dma_start3A_483] : memref<3x8x8x512xf32, #tpu.memory_space<vmem>> -> memref<1x1x8x512xf32, #tpu.memory_space<vmem>>
      %dma_start3A_485 = tpu.memref_squeeze %dma_start3A_484 : memref<1x1x8x512xf32, #tpu.memory_space<vmem>> -> memref<8x512xf32, #tpu.memory_space<vmem>>
      %dma_start3A_486 = tpu.memref_slice %arg2[%reduce_sum3A_16, %add3A_470, %multiple_of3A_449] : memref<64x1000x1024xf32, #tpu.memory_space<hbm>> -> memref<1x8x512xf32, #tpu.memory_space<hbm>>
      %dma_start3A_487 = tpu.memref_squeeze %dma_start3A_486 : memref<1x8x512xf32, #tpu.memory_space<hbm>> -> memref<8x512xf32, #tpu.memory_space<hbm>>
      tpu.enqueue_dma source(%dma_start3A_487 : memref<8x512xf32, #tpu.memory_space<hbm>>) target(%dma_start3A_485 : memref<8x512xf32, #tpu.memory_space<vmem>>) target_semaphore(%dma_start3A_481 : memref<!tpu.dma_semaphore, #tpu.memory_space<semaphore_mem>>)
      %add3A_488 = arith.constant 488 : i32
      %add3A_489 = arith.addi %add3A_488, %multiple_of3A_444 : i32
      %dma_start3A_490 = arith.constant 0 : i32
      %dma_start3A_491 = arith.constant 2 : i32
      %dma_start3A_492 = arith.constant 0 : i32
      %dma_start3A_493 = arith.constant 0 : i32
      %dma_start3A_494 = arith.constant 0 : i32
      %dma_start3A_495 = tpu.memref_slice %arg6[%dma_start3A_490, %dma_start3A_491, %dma_start3A_493, %dma_start3A_494] : memref<3x8x8x512xf32, #tpu.memory_space<vmem>> -> memref<1x1x8x512xf32, #tpu.memory_space<vmem>>
      %dma_start3A_496 = tpu.memref_squeeze %dma_start3A_495 : memref<1x1x8x512xf32, #tpu.memory_space<vmem>> -> memref<8x512xf32, #tpu.memory_space<vmem>>
      %dma_start3A_497 = tpu.memref_slice %arg2[%reduce_sum3A_26, %add3A_489, %multiple_of3A_449] : memref<64x1000x1024xf32, #tpu.memory_space<hbm>> -> memref<1x8x512xf32, #tpu.memory_space<hbm>>
      %dma_start3A_498 = tpu.memref_squeeze %dma_start3A_497 : memref<1x8x512xf32, #tpu.memory_space<hbm>> -> memref<8x512xf32, #tpu.memory_space<hbm>>
      %dma_start3A_499 = tpu.memref_slice %arg8[%dma_start3A_492] : memref<3x!tpu.dma_semaphore, #tpu.memory_space<semaphore_mem>> -> memref<1x!tpu.dma_semaphore, #tpu.memory_space<semaphore_mem>>
      %dma_start3A_500 = tpu.memref_squeeze %dma_start3A_499 : memref<1x!tpu.dma_semaphore, #tpu.memory_space<semaphore_mem>> -> memref<!tpu.dma_semaphore, #tpu.memory_space<semaphore_mem>>
      %dma_start3A_501 = arith.constant 0 : i32
      %dma_start3A_502 = arith.constant 0 : i32
      %dma_start3A_503 = tpu.memref_slice %arg6[%dma_start3A_490, %dma_start3A_491, %dma_start3A_501, %dma_start3A_502] : memref<3x8x8x512xf32, #tpu.memory_space<vmem>> -> memref<1x1x8x512xf32, #tpu.memory_space<vmem>>
      %dma_start3A_504 = tpu.memref_squeeze %dma_start3A_503 : memref<1x1x8x512xf32, #tpu.memory_space<vmem>> -> memref<8x512xf32, #tpu.memory_space<vmem>>
      %dma_start3A_505 = tpu.memref_slice %arg2[%reduce_sum3A_26, %add3A_489, %multiple_of3A_449] : memref<64x1000x1024xf32, #tpu.memory_space<hbm>> -> memref<1x8x512xf32, #tpu.memory_space<hbm>>
      %dma_start3A_506 = tpu.memref_squeeze %dma_start3A_505 : memref<1x8x512xf32, #tpu.memory_space<hbm>> -> memref<8x512xf32, #tpu.memory_space<hbm>>
      tpu.enqueue_dma source(%dma_start3A_506 : memref<8x512xf32, #tpu.memory_space<hbm>>) target(%dma_start3A_504 : memref<8x512xf32, #tpu.memory_space<vmem>>) target_semaphore(%dma_start3A_500 : memref<!tpu.dma_semaphore, #tpu.memory_space<semaphore_mem>>)
      %add3A_507 = arith.constant 488 : i32
      %add3A_508 = arith.addi %add3A_507, %multiple_of3A_444 : i32
      %dma_start3A_509 = arith.constant 0 : i32
      %dma_start3A_510 = arith.constant 3 : i32
      %dma_start3A_511 = arith.constant 0 : i32
      %dma_start3A_512 = arith.constant 0 : i32
      %dma_start3A_513 = arith.constant 0 : i32
      %dma_start3A_514 = tpu.memref_slice %arg6[%dma_start3A_509, %dma_start3A_510, %dma_start3A_512, %dma_start3A_513] : memref<3x8x8x512xf32, #tpu.memory_space<vmem>> -> memref<1x1x8x512xf32, #tpu.memory_space<vmem>>
      %dma_start3A_515 = tpu.memref_squeeze %dma_start3A_514 : memref<1x1x8x512xf32, #tpu.memory_space<vmem>> -> memref<8x512xf32, #tpu.memory_space<vmem>>
      %dma_start3A_516 = tpu.memref_slice %arg2[%reduce_sum3A_36, %add3A_508, %multiple_of3A_449] : memref<64x1000x1024xf32, #tpu.memory_space<hbm>> -> memref<1x8x512xf32, #tpu.memory_space<hbm>>
      %dma_start3A_517 = tpu.memref_squeeze %dma_start3A_516 : memref<1x8x512xf32, #tpu.memory_space<hbm>> -> memref<8x512xf32, #tpu.memory_space<hbm>>
      %dma_start3A_518 = tpu.memref_slice %arg8[%dma_start3A_511] : memref<3x!tpu.dma_semaphore, #tpu.memory_space<semaphore_mem>> -> memref<1x!tpu.dma_semaphore, #tpu.memory_space<semaphore_mem>>
      %dma_start3A_519 = tpu.memref_squeeze %dma_start3A_518 : memref<1x!tpu.dma_semaphore, #tpu.memory_space<semaphore_mem>> -> memref<!tpu.dma_semaphore, #tpu.memory_space<semaphore_mem>>
      %dma_start3A_520 = arith.constant 0 : i32
      %dma_start3A_521 = arith.constant 0 : i32
      %dma_start3A_522 = tpu.memref_slice %arg6[%dma_start3A_509, %dma_start3A_510, %dma_start3A_520, %dma_start3A_521] : memref<3x8x8x512xf32, #tpu.memory_space<vmem>> -> memref<1x1x8x512xf32, #tpu.memory_space<vmem>>
      %dma_start3A_523 = tpu.memref_squeeze %dma_start3A_522 : memref<1x1x8x512xf32, #tpu.memory_space<vmem>> -> memref<8x512xf32, #tpu.memory_space<vmem>>
      %dma_start3A_524 = tpu.memref_slice %arg2[%reduce_sum3A_36, %add3A_508, %multiple_of3A_449] : memref<64x1000x1024xf32, #tpu.memory_space<hbm>> -> memref<1x8x512xf32, #tpu.memory_space<hbm>>
      %dma_start3A_525 = tpu.memref_squeeze %dma_start3A_524 : memref<1x8x512xf32, #tpu.memory_space<hbm>> -> memref<8x512xf32, #tpu.memory_space<hbm>>
      tpu.enqueue_dma source(%dma_start3A_525 : memref<8x512xf32, #tpu.memory_space<hbm>>) target(%dma_start3A_523 : memref<8x512xf32, #tpu.memory_space<vmem>>) target_semaphore(%dma_start3A_519 : memref<!tpu.dma_semaphore, #tpu.memory_space<semaphore_mem>>)
      %add3A_526 = arith.constant 488 : i32
      %add3A_527 = arith.addi %add3A_526, %multiple_of3A_444 : i32
      %dma_start3A_528 = arith.constant 0 : i32
      %dma_start3A_529 = arith.constant 4 : i32
      %dma_start3A_530 = arith.constant 0 : i32
      %dma_start3A_531 = arith.constant 0 : i32
      %dma_start3A_532 = arith.constant 0 : i32
      %dma_start3A_533 = tpu.memref_slice %arg6[%dma_start3A_528, %dma_start3A_529, %dma_start3A_531, %dma_start3A_532] : memref<3x8x8x512xf32, #tpu.memory_space<vmem>> -> memref<1x1x8x512xf32, #tpu.memory_space<vmem>>
      %dma_start3A_534 = tpu.memref_squeeze %dma_start3A_533 : memref<1x1x8x512xf32, #tpu.memory_space<vmem>> -> memref<8x512xf32, #tpu.memory_space<vmem>>
      %dma_start3A_535 = tpu.memref_slice %arg2[%reduce_sum3A_46, %add3A_527, %multiple_of3A_449] : memref<64x1000x1024xf32, #tpu.memory_space<hbm>> -> memref<1x8x512xf32, #tpu.memory_space<hbm>>
      %dma_start3A_536 = tpu.memref_squeeze %dma_start3A_535 : memref<1x8x512xf32, #tpu.memory_space<hbm>> -> memref<8x512xf32, #tpu.memory_space<hbm>>
      %dma_start3A_537 = tpu.memref_slice %arg8[%dma_start3A_530] : memref<3x!tpu.dma_semaphore, #tpu.memory_space<semaphore_mem>> -> memref<1x!tpu.dma_semaphore, #tpu.memory_space<semaphore_mem>>
      %dma_start3A_538 = tpu.memref_squeeze %dma_start3A_537 : memref<1x!tpu.dma_semaphore, #tpu.memory_space<semaphore_mem>> -> memref<!tpu.dma_semaphore, #tpu.memory_space<semaphore_mem>>
      %dma_start3A_539 = arith.constant 0 : i32
      %dma_start3A_540 = arith.constant 0 : i32
      %dma_start3A_541 = tpu.memref_slice %arg6[%dma_start3A_528, %dma_start3A_529, %dma_start3A_539, %dma_start3A_540] : memref<3x8x8x512xf32, #tpu.memory_space<vmem>> -> memref<1x1x8x512xf32, #tpu.memory_space<vmem>>
      %dma_start3A_542 = tpu.memref_squeeze %dma_start3A_541 : memref<1x1x8x512xf32, #tpu.memory_space<vmem>> -> memref<8x512xf32, #tpu.memory_space<vmem>>
      %dma_start3A_543 = tpu.memref_slice %arg2[%reduce_sum3A_46, %add3A_527, %multiple_of3A_449] : memref<64x1000x1024xf32, #tpu.memory_space<hbm>> -> memref<1x8x512xf32, #tpu.memory_space<hbm>>
      %dma_start3A_544 = tpu.memref_squeeze %dma_start3A_543 : memref<1x8x512xf32, #tpu.memory_space<hbm>> -> memref<8x512xf32, #tpu.memory_space<hbm>>
      tpu.enqueue_dma source(%dma_start3A_544 : memref<8x512xf32, #tpu.memory_space<hbm>>) target(%dma_start3A_542 : memref<8x512xf32, #tpu.memory_space<vmem>>) target_semaphore(%dma_start3A_538 : memref<!tpu.dma_semaphore, #tpu.memory_space<semaphore_mem>>)
      %add3A_545 = arith.constant 488 : i32
      %add3A_546 = arith.addi %add3A_545, %multiple_of3A_444 : i32
      %dma_start3A_547 = arith.constant 0 : i32
      %dma_start3A_548 = arith.constant 5 : i32
      %dma_start3A_549 = arith.constant 0 : i32
      %dma_start3A_550 = arith.constant 0 : i32
      %dma_start3A_551 = arith.constant 0 : i32
      %dma_start3A_552 = tpu.memref_slice %arg6[%dma_start3A_547, %dma_start3A_548, %dma_start3A_550, %dma_start3A_551] : memref<3x8x8x512xf32, #tpu.memory_space<vmem>> -> memref<1x1x8x512xf32, #tpu.memory_space<vmem>>
      %dma_start3A_553 = tpu.memref_squeeze %dma_start3A_552 : memref<1x1x8x512xf32, #tpu.memory_space<vmem>> -> memref<8x512xf32, #tpu.memory_space<vmem>>
      %dma_start3A_554 = tpu.memref_slice %arg2[%reduce_sum3A_56, %add3A_546, %multiple_of3A_449] : memref<64x1000x1024xf32, #tpu.memory_space<hbm>> -> memref<1x8x512xf32, #tpu.memory_space<hbm>>
      %dma_start3A_555 = tpu.memref_squeeze %dma_start3A_554 : memref<1x8x512xf32, #tpu.memory_space<hbm>> -> memref<8x512xf32, #tpu.memory_space<hbm>>
      %dma_start3A_556 = tpu.memref_slice %arg8[%dma_start3A_549] : memref<3x!tpu.dma_semaphore, #tpu.memory_space<semaphore_mem>> -> memref<1x!tpu.dma_semaphore, #tpu.memory_space<semaphore_mem>>
      %dma_start3A_557 = tpu.memref_squeeze %dma_start3A_556 : memref<1x!tpu.dma_semaphore, #tpu.memory_space<semaphore_mem>> -> memref<!tpu.dma_semaphore, #tpu.memory_space<semaphore_mem>>
      %dma_start3A_558 = arith.constant 0 : i32
      %dma_start3A_559 = arith.constant 0 : i32
      %dma_start3A_560 = tpu.memref_slice %arg6[%dma_start3A_547, %dma_start3A_548, %dma_start3A_558, %dma_start3A_559] : memref<3x8x8x512xf32, #tpu.memory_space<vmem>> -> memref<1x1x8x512xf32, #tpu.memory_space<vmem>>
      %dma_start3A_561 = tpu.memref_squeeze %dma_start3A_560 : memref<1x1x8x512xf32, #tpu.memory_space<vmem>> -> memref<8x512xf32, #tpu.memory_space<vmem>>
      %dma_start3A_562 = tpu.memref_slice %arg2[%reduce_sum3A_56, %add3A_546, %multiple_of3A_449] : memref<64x1000x1024xf32, #tpu.memory_space<hbm>> -> memref<1x8x512xf32, #tpu.memory_space<hbm>>
      %dma_start3A_563 = tpu.memref_squeeze %dma_start3A_562 : memref<1x8x512xf32, #tpu.memory_space<hbm>> -> memref<8x512xf32, #tpu.memory_space<hbm>>
      tpu.enqueue_dma source(%dma_start3A_563 : memref<8x512xf32, #tpu.memory_space<hbm>>) target(%dma_start3A_561 : memref<8x512xf32, #tpu.memory_space<vmem>>) target_semaphore(%dma_start3A_557 : memref<!tpu.dma_semaphore, #tpu.memory_space<semaphore_mem>>)
      %add3A_564 = arith.constant 488 : i32
      %add3A_565 = arith.addi %add3A_564, %multiple_of3A_444 : i32
      %dma_start3A_566 = arith.constant 0 : i32
      %dma_start3A_567 = arith.constant 6 : i32
      %dma_start3A_568 = arith.constant 0 : i32
      %dma_start3A_569 = arith.constant 0 : i32
      %dma_start3A_570 = arith.constant 0 : i32
      %dma_start3A_571 = tpu.memref_slice %arg6[%dma_start3A_566, %dma_start3A_567, %dma_start3A_569, %dma_start3A_570] : memref<3x8x8x512xf32, #tpu.memory_space<vmem>> -> memref<1x1x8x512xf32, #tpu.memory_space<vmem>>
      %dma_start3A_572 = tpu.memref_squeeze %dma_start3A_571 : memref<1x1x8x512xf32, #tpu.memory_space<vmem>> -> memref<8x512xf32, #tpu.memory_space<vmem>>
      %dma_start3A_573 = tpu.memref_slice %arg2[%reduce_sum3A_66, %add3A_565, %multiple_of3A_449] : memref<64x1000x1024xf32, #tpu.memory_space<hbm>> -> memref<1x8x512xf32, #tpu.memory_space<hbm>>
      %dma_start3A_574 = tpu.memref_squeeze %dma_start3A_573 : memref<1x8x512xf32, #tpu.memory_space<hbm>> -> memref<8x512xf32, #tpu.memory_space<hbm>>
      %dma_start3A_575 = tpu.memref_slice %arg8[%dma_start3A_568] : memref<3x!tpu.dma_semaphore, #tpu.memory_space<semaphore_mem>> -> memref<1x!tpu.dma_semaphore, #tpu.memory_space<semaphore_mem>>
      %dma_start3A_576 = tpu.memref_squeeze %dma_start3A_575 : memref<1x!tpu.dma_semaphore, #tpu.memory_space<semaphore_mem>> -> memref<!tpu.dma_semaphore, #tpu.memory_space<semaphore_mem>>
      %dma_start3A_577 = arith.constant 0 : i32
      %dma_start3A_578 = arith.constant 0 : i32
      %dma_start3A_579 = tpu.memref_slice %arg6[%dma_start3A_566, %dma_start3A_567, %dma_start3A_577, %dma_start3A_578] : memref<3x8x8x512xf32, #tpu.memory_space<vmem>> -> memref<1x1x8x512xf32, #tpu.memory_space<vmem>>
      %dma_start3A_580 = tpu.memref_squeeze %dma_start3A_579 : memref<1x1x8x512xf32, #tpu.memory_space<vmem>> -> memref<8x512xf32, #tpu.memory_space<vmem>>
      %dma_start3A_581 = tpu.memref_slice %arg2[%reduce_sum3A_66, %add3A_565, %multiple_of3A_449] : memref<64x1000x1024xf32, #tpu.memory_space<hbm>> -> memref<1x8x512xf32, #tpu.memory_space<hbm>>
      %dma_start3A_582 = tpu.memref_squeeze %dma_start3A_581 : memref<1x8x512xf32, #tpu.memory_space<hbm>> -> memref<8x512xf32, #tpu.memory_space<hbm>>
      tpu.enqueue_dma source(%dma_start3A_582 : memref<8x512xf32, #tpu.memory_space<hbm>>) target(%dma_start3A_580 : memref<8x512xf32, #tpu.memory_space<vmem>>) target_semaphore(%dma_start3A_576 : memref<!tpu.dma_semaphore, #tpu.memory_space<semaphore_mem>>)
      %add3A_583 = arith.constant 488 : i32
      %add3A_584 = arith.addi %add3A_583, %multiple_of3A_444 : i32
      %dma_start3A_585 = arith.constant 0 : i32
      %dma_start3A_586 = arith.constant 7 : i32
      %dma_start3A_587 = arith.constant 0 : i32
      %dma_start3A_588 = arith.constant 0 : i32
      %dma_start3A_589 = arith.constant 0 : i32
      %dma_start3A_590 = tpu.memref_slice %arg6[%dma_start3A_585, %dma_start3A_586, %dma_start3A_588, %dma_start3A_589] : memref<3x8x8x512xf32, #tpu.memory_space<vmem>> -> memref<1x1x8x512xf32, #tpu.memory_space<vmem>>
      %dma_start3A_591 = tpu.memref_squeeze %dma_start3A_590 : memref<1x1x8x512xf32, #tpu.memory_space<vmem>> -> memref<8x512xf32, #tpu.memory_space<vmem>>
      %dma_start3A_592 = tpu.memref_slice %arg2[%reduce_sum3A_76, %add3A_584, %multiple_of3A_449] : memref<64x1000x1024xf32, #tpu.memory_space<hbm>> -> memref<1x8x512xf32, #tpu.memory_space<hbm>>
      %dma_start3A_593 = tpu.memref_squeeze %dma_start3A_592 : memref<1x8x512xf32, #tpu.memory_space<hbm>> -> memref<8x512xf32, #tpu.memory_space<hbm>>
      %dma_start3A_594 = tpu.memref_slice %arg8[%dma_start3A_587] : memref<3x!tpu.dma_semaphore, #tpu.memory_space<semaphore_mem>> -> memref<1x!tpu.dma_semaphore, #tpu.memory_space<semaphore_mem>>
      %dma_start3A_595 = tpu.memref_squeeze %dma_start3A_594 : memref<1x!tpu.dma_semaphore, #tpu.memory_space<semaphore_mem>> -> memref<!tpu.dma_semaphore, #tpu.memory_space<semaphore_mem>>
      %dma_start3A_596 = arith.constant 0 : i32
      %dma_start3A_597 = arith.constant 0 : i32
      %dma_start3A_598 = tpu.memref_slice %arg6[%dma_start3A_585, %dma_start3A_586, %dma_start3A_596, %dma_start3A_597] : memref<3x8x8x512xf32, #tpu.memory_space<vmem>> -> memref<1x1x8x512xf32, #tpu.memory_space<vmem>>
      %dma_start3A_599 = tpu.memref_squeeze %dma_start3A_598 : memref<1x1x8x512xf32, #tpu.memory_space<vmem>> -> memref<8x512xf32, #tpu.memory_space<vmem>>
      %dma_start3A_600 = tpu.memref_slice %arg2[%reduce_sum3A_76, %add3A_584, %multiple_of3A_449] : memref<64x1000x1024xf32, #tpu.memory_space<hbm>> -> memref<1x8x512xf32, #tpu.memory_space<hbm>>
      %dma_start3A_601 = tpu.memref_squeeze %dma_start3A_600 : memref<1x8x512xf32, #tpu.memory_space<hbm>> -> memref<8x512xf32, #tpu.memory_space<hbm>>
      tpu.enqueue_dma source(%dma_start3A_601 : memref<8x512xf32, #tpu.memory_space<hbm>>) target(%dma_start3A_599 : memref<8x512xf32, #tpu.memory_space<vmem>>) target_semaphore(%dma_start3A_595 : memref<!tpu.dma_semaphore, #tpu.memory_space<semaphore_mem>>)
    } else {
    }
    %lt3A_419 = arith.constant 128 : i32
    %lt3A_420 = arith.cmpi slt, %add3A_411, %lt3A_419 : i32
    %convert_element_type3A_421 = arith.extui %lt3A_420 : i1 to i32
    %cond3A_422 = arith.constant 0 : i32
    %cond3A_423 = arith.cmpi ne, %convert_element_type3A_421, %cond3A_422 : i32
    scf.if %cond3A_423 {
      %dma_wait3A = arith.constant 1 : i32
      %dma_wait3A_438 = arith.constant 1 : i32
      %dma_wait3A_439 = arith.constant 0 : i32
      %dma_wait3A_440 = arith.constant 0 : i32
      %dma_wait3A_441 = arith.constant 0 : i32
      %dma_wait3A_442 = tpu.memref_slice %arg6[%dma_wait3A, %dma_wait3A_439, %dma_wait3A_440, %dma_wait3A_441] : memref<3x8x8x512xf32, #tpu.memory_space<vmem>> -> memref<1x8x8x512xf32, #tpu.memory_space<vmem>>
      %dma_wait3A_443 = tpu.memref_squeeze %dma_wait3A_442 : memref<1x8x8x512xf32, #tpu.memory_space<vmem>> -> memref<8x8x512xf32, #tpu.memory_space<vmem>>
      %dma_wait3A_444 = arith.constant 0 : i32
      %dma_wait3A_445 = arith.constant 0 : i32
      %dma_wait3A_446 = arith.constant 0 : i32
      %dma_wait3A_447 = tpu.memref_slice %arg2[%dma_wait3A_444, %dma_wait3A_445, %dma_wait3A_446] : memref<64x1000x1024xf32, #tpu.memory_space<hbm>> -> memref<8x8x512xf32, #tpu.memory_space<hbm>>
      %dma_wait3A_448 = tpu.memref_slice %arg8[%dma_wait3A_438] : memref<3x!tpu.dma_semaphore, #tpu.memory_space<semaphore_mem>> -> memref<1x!tpu.dma_semaphore, #tpu.memory_space<semaphore_mem>>
      %dma_wait3A_449 = tpu.memref_squeeze %dma_wait3A_448 : memref<1x!tpu.dma_semaphore, #tpu.memory_space<semaphore_mem>> -> memref<!tpu.dma_semaphore, #tpu.memory_space<semaphore_mem>>
      %dma_wait3A_450 = arith.constant 0 : i32
      %dma_wait3A_451 = arith.constant 0 : i32
      %dma_wait3A_452 = arith.constant 0 : i32
      %dma_wait3A_453 = tpu.memref_slice %arg6[%dma_wait3A, %dma_wait3A_450, %dma_wait3A_451, %dma_wait3A_452] : memref<3x8x8x512xf32, #tpu.memory_space<vmem>> -> memref<1x8x8x512xf32, #tpu.memory_space<vmem>>
      %dma_wait3A_454 = tpu.memref_squeeze %dma_wait3A_453 : memref<1x8x8x512xf32, #tpu.memory_space<vmem>> -> memref<8x8x512xf32, #tpu.memory_space<vmem>>
      %dma_wait3A_455 = arith.constant 0 : i32
      %dma_wait3A_456 = arith.constant 0 : i32
      %dma_wait3A_457 = arith.constant 0 : i32
      %dma_wait3A_458 = tpu.memref_slice %arg2[%dma_wait3A_455, %dma_wait3A_456, %dma_wait3A_457] : memref<64x1000x1024xf32, #tpu.memory_space<hbm>> -> memref<8x8x512xf32, #tpu.memory_space<hbm>>
      tpu.wait_dma2 semaphore(%dma_wait3A_449 : memref<!tpu.dma_semaphore, #tpu.memory_space<semaphore_mem>>) src(%dma_wait3A_458 : memref<8x8x512xf32, #tpu.memory_space<hbm>>) dst(%dma_wait3A_454 : memref<8x8x512xf32, #tpu.memory_space<vmem>>)
      %scan3A = arith.constant 0 : i32
      %scan3A_459 = arith.constant 0 : i32
      %scan3A_460 = arith.constant 32 : i32
      %scan3A_461 = arith.addi %scan3A_459, %scan3A_460 : i32
      %scan3A_462 = arith.constant 1 : i32
      %scan3A_463 = scf.for %scan3A_475 = %scan3A_459 to %scan3A_461 step %scan3A_462 iter_args(%scan3A_476 = %scan3A) -> (i32)  : i32 {
        %mul3A_477 = arith.constant 16 : i32
        %mul3A_478 = arith.muli %scan3A_475, %mul3A_477 : i32
        %multiple_of3A_479 = tpu.assume_multiple %mul3A_478, 16 : i32
        %get3A_480 = arith.constant 1 : i32
        %get3A_481 = arith.constant 0 : i32
        %get3A_482 = arith.constant 0 : i32
        %get3A_483 = arith.index_cast %get3A_480 : i32 to index
        %get3A_484 = arith.index_cast %get3A_481 : i32 to index
        %get3A_485 = arith.index_cast %get3A_482 : i32 to index
        %get3A_486 = arith.index_cast %multiple_of3A_479 : i32 to index
        %get3A_487 = tpu.vector_load %arg6[%get3A_483, %get3A_484, %get3A_485, %get3A_486] {strides = array<i32>} : memref<3x8x8x512xf32, #tpu.memory_space<vmem>>, vector<16xf32>,
        %get3A_488 = arith.constant 1 : i32
        %get3A_489 = arith.constant 1 : i32
        %get3A_490 = arith.constant 0 : i32
        %get3A_491 = arith.index_cast %get3A_488 : i32 to index
        %get3A_492 = arith.index_cast %get3A_489 : i32 to index
        %get3A_493 = arith.index_cast %get3A_490 : i32 to index
        %get3A_494 = arith.index_cast %multiple_of3A_479 : i32 to index
        %get3A_495 = tpu.vector_load %arg6[%get3A_491, %get3A_492, %get3A_493, %get3A_494] {strides = array<i32>} : memref<3x8x8x512xf32, #tpu.memory_space<vmem>>, vector<16xf32>,
        %add3A_496 = arith.addf %get3A_487, %get3A_495 : vector<16xf32>
        %get3A_497 = arith.constant 1 : i32
        %get3A_498 = arith.constant 2 : i32
        %get3A_499 = arith.constant 0 : i32
        %get3A_500 = arith.index_cast %get3A_497 : i32 to index
        %get3A_501 = arith.index_cast %get3A_498 : i32 to index
        %get3A_502 = arith.index_cast %get3A_499 : i32 to index
        %get3A_503 = arith.index_cast %multiple_of3A_479 : i32 to index
        %get3A_504 = tpu.vector_load %arg6[%get3A_500, %get3A_501, %get3A_502, %get3A_503] {strides = array<i32>} : memref<3x8x8x512xf32, #tpu.memory_space<vmem>>, vector<16xf32>,
        %add3A_505 = arith.addf %add3A_496, %get3A_504 : vector<16xf32>
        %get3A_506 = arith.constant 1 : i32
        %get3A_507 = arith.constant 3 : i32
        %get3A_508 = arith.constant 0 : i32
        %get3A_509 = arith.index_cast %get3A_506 : i32 to index
        %get3A_510 = arith.index_cast %get3A_507 : i32 to index
        %get3A_511 = arith.index_cast %get3A_508 : i32 to index
        %get3A_512 = arith.index_cast %multiple_of3A_479 : i32 to index
        %get3A_513 = tpu.vector_load %arg6[%get3A_509, %get3A_510, %get3A_511, %get3A_512] {strides = array<i32>} : memref<3x8x8x512xf32, #tpu.memory_space<vmem>>, vector<16xf32>,
        %add3A_514 = arith.addf %add3A_505, %get3A_513 : vector<16xf32>
        %get3A_515 = arith.constant 1 : i32
        %get3A_516 = arith.constant 4 : i32
        %get3A_517 = arith.constant 0 : i32
        %get3A_518 = arith.index_cast %get3A_515 : i32 to index
        %get3A_519 = arith.index_cast %get3A_516 : i32 to index
        %get3A_520 = arith.index_cast %get3A_517 : i32 to index
        %get3A_521 = arith.index_cast %multiple_of3A_479 : i32 to index
        %get3A_522 = tpu.vector_load %arg6[%get3A_518, %get3A_519, %get3A_520, %get3A_521] {strides = array<i32>} : memref<3x8x8x512xf32, #tpu.memory_space<vmem>>, vector<16xf32>,
        %add3A_523 = arith.addf %add3A_514, %get3A_522 : vector<16xf32>
        %get3A_524 = arith.constant 1 : i32
        %get3A_525 = arith.constant 5 : i32
        %get3A_526 = arith.constant 0 : i32
        %get3A_527 = arith.index_cast %get3A_524 : i32 to index
        %get3A_528 = arith.index_cast %get3A_525 : i32 to index
        %get3A_529 = arith.index_cast %get3A_526 : i32 to index
        %get3A_530 = arith.index_cast %multiple_of3A_479 : i32 to index
        %get3A_531 = tpu.vector_load %arg6[%get3A_527, %get3A_528, %get3A_529, %get3A_530] {strides = array<i32>} : memref<3x8x8x512xf32, #tpu.memory_space<vmem>>, vector<16xf32>,
        %add3A_532 = arith.addf %add3A_523, %get3A_531 : vector<16xf32>
        %get3A_533 = arith.constant 1 : i32
        %get3A_534 = arith.constant 6 : i32
        %get3A_535 = arith.constant 0 : i32
        %get3A_536 = arith.index_cast %get3A_533 : i32 to index
        %get3A_537 = arith.index_cast %get3A_534 : i32 to index
        %get3A_538 = arith.index_cast %get3A_535 : i32 to index
        %get3A_539 = arith.index_cast %multiple_of3A_479 : i32 to index
        %get3A_540 = tpu.vector_load %arg6[%get3A_536, %get3A_537, %get3A_538, %get3A_539] {strides = array<i32>} : memref<3x8x8x512xf32, #tpu.memory_space<vmem>>, vector<16xf32>,
        %add3A_541 = arith.addf %add3A_532, %get3A_540 : vector<16xf32>
        %get3A_542 = arith.constant 1 : i32
        %get3A_543 = arith.constant 7 : i32
        %get3A_544 = arith.constant 0 : i32
        %get3A_545 = arith.index_cast %get3A_542 : i32 to index
        %get3A_546 = arith.index_cast %get3A_543 : i32 to index
        %get3A_547 = arith.index_cast %get3A_544 : i32 to index
        %get3A_548 = arith.index_cast %multiple_of3A_479 : i32 to index
        %get3A_549 = tpu.vector_load %arg6[%get3A_545, %get3A_546, %get3A_547, %get3A_548] {strides = array<i32>} : memref<3x8x8x512xf32, #tpu.memory_space<vmem>>, vector<16xf32>,
        %add3A_550 = arith.addf %add3A_541, %get3A_549 : vector<16xf32>
        %mul3A_551 = arith.constant 1.250000e-01 : f32
        %mul3A_552 = vector.broadcast %mul3A_551 : f32 to vector<16xf32>
        %mul3A_553 = arith.mulf %add3A_550, %mul3A_552 : vector<16xf32>
        %swap3A = arith.constant 0 : i32
        %swap3A_554 = arith.index_cast %swap3A : i32 to index
        %swap3A_555 = arith.index_cast %multiple_of3A_479 : i32 to index
        %swap3A_556 = tpu.vector_load %arg7[%swap3A_554, %swap3A_555] {strides = array<i32>} : memref<8x512xf32, #tpu.memory_space<vmem>>, vector<16xf32>,
        tpu.vector_store %arg7[%swap3A_554, %swap3A_555], %mul3A_553 {strides = array<i32>} : memref<8x512xf32, #tpu.memory_space<vmem>>, vector<16xf32>,
        %get3A_557 = arith.constant 1 : i32
        %get3A_558 = arith.constant 0 : i32
        %get3A_559 = arith.constant 1 : i32
        %get3A_560 = arith.index_cast %get3A_557 : i32 to index
        %get3A_561 = arith.index_cast %get3A_558 : i32 to index
        %get3A_562 = arith.index_cast %get3A_559 : i32 to index
        %get3A_563 = arith.index_cast %multiple_of3A_479 : i32 to index
        %get3A_564 = tpu.vector_load %arg6[%get3A_560, %get3A_561, %get3A_562, %get3A_563] {strides = array<i32>} : memref<3x8x8x512xf32, #tpu.memory_space<vmem>>, vector<16xf32>,
        %get3A_565 = arith.constant 1 : i32
        %get3A_566 = arith.constant 1 : i32
        %get3A_567 = arith.constant 1 : i32
        %get3A_568 = arith.index_cast %get3A_565 : i32 to index
        %get3A_569 = arith.index_cast %get3A_566 : i32 to index
        %get3A_570 = arith.index_cast %get3A_567 : i32 to index
        %get3A_571 = arith.index_cast %multiple_of3A_479 : i32 to index
        %get3A_572 = tpu.vector_load %arg6[%get3A_568, %get3A_569, %get3A_570, %get3A_571] {strides = array<i32>} : memref<3x8x8x512xf32, #tpu.memory_space<vmem>>, vector<16xf32>,
        %add3A_573 = arith.addf %get3A_564, %get3A_572 : vector<16xf32>
        %get3A_574 = arith.constant 1 : i32
        %get3A_575 = arith.constant 2 : i32
        %get3A_576 = arith.constant 1 : i32
        %get3A_577 = arith.index_cast %get3A_574 : i32 to index
        %get3A_578 = arith.index_cast %get3A_575 : i32 to index
        %get3A_579 = arith.index_cast %get3A_576 : i32 to index
        %get3A_580 = arith.index_cast %multiple_of3A_479 : i32 to index
        %get3A_581 = tpu.vector_load %arg6[%get3A_577, %get3A_578, %get3A_579, %get3A_580] {strides = array<i32>} : memref<3x8x8x512xf32, #tpu.memory_space<vmem>>, vector<16xf32>,
        %add3A_582 = arith.addf %add3A_573, %get3A_581 : vector<16xf32>
        %get3A_583 = arith.constant 1 : i32
        %get3A_584 = arith.constant 3 : i32
        %get3A_585 = arith.constant 1 : i32
        %get3A_586 = arith.index_cast %get3A_583 : i32 to index
        %get3A_587 = arith.index_cast %get3A_584 : i32 to index
        %get3A_588 = arith.index_cast %get3A_585 : i32 to index
        %get3A_589 = arith.index_cast %multiple_of3A_479 : i32 to index
        %get3A_590 = tpu.vector_load %arg6[%get3A_586, %get3A_587, %get3A_588, %get3A_589] {strides = array<i32>} : memref<3x8x8x512xf32, #tpu.memory_space<vmem>>, vector<16xf32>,
        %add3A_591 = arith.addf %add3A_582, %get3A_590 : vector<16xf32>
        %get3A_592 = arith.constant 1 : i32
        %get3A_593 = arith.constant 4 : i32
        %get3A_594 = arith.constant 1 : i32
        %get3A_595 = arith.index_cast %get3A_592 : i32 to index
        %get3A_596 = arith.index_cast %get3A_593 : i32 to index
        %get3A_597 = arith.index_cast %get3A_594 : i32 to index
        %get3A_598 = arith.index_cast %multiple_of3A_479 : i32 to index
        %get3A_599 = tpu.vector_load %arg6[%get3A_595, %get3A_596, %get3A_597, %get3A_598] {strides = array<i32>} : memref<3x8x8x512xf32, #tpu.memory_space<vmem>>, vector<16xf32>,
        %add3A_600 = arith.addf %add3A_591, %get3A_599 : vector<16xf32>
        %get3A_601 = arith.constant 1 : i32
        %get3A_602 = arith.constant 5 : i32
        %get3A_603 = arith.constant 1 : i32
        %get3A_604 = arith.index_cast %get3A_601 : i32 to index
        %get3A_605 = arith.index_cast %get3A_602 : i32 to index
        %get3A_606 = arith.index_cast %get3A_603 : i32 to index
        %get3A_607 = arith.index_cast %multiple_of3A_479 : i32 to index
        %get3A_608 = tpu.vector_load %arg6[%get3A_604, %get3A_605, %get3A_606, %get3A_607] {strides = array<i32>} : memref<3x8x8x512xf32, #tpu.memory_space<vmem>>, vector<16xf32>,
        %add3A_609 = arith.addf %add3A_600, %get3A_608 : vector<16xf32>
        %get3A_610 = arith.constant 1 : i32
        %get3A_611 = arith.constant 6 : i32
        %get3A_612 = arith.constant 1 : i32
        %get3A_613 = arith.index_cast %get3A_610 : i32 to index
        %get3A_614 = arith.index_cast %get3A_611 : i32 to index
        %get3A_615 = arith.index_cast %get3A_612 : i32 to index
        %get3A_616 = arith.index_cast %multiple_of3A_479 : i32 to index
        %get3A_617 = tpu.vector_load %arg6[%get3A_613, %get3A_614, %get3A_615, %get3A_616] {strides = array<i32>} : memref<3x8x8x512xf32, #tpu.memory_space<vmem>>, vector<16xf32>,
        %add3A_618 = arith.addf %add3A_609, %get3A_617 : vector<16xf32>
        %get3A_619 = arith.constant 1 : i32
        %get3A_620 = arith.constant 7 : i32
        %get3A_621 = arith.constant 1 : i32
        %get3A_622 = arith.index_cast %get3A_619 : i32 to index
        %get3A_623 = arith.index_cast %get3A_620 : i32 to index
        %get3A_624 = arith.index_cast %get3A_621 : i32 to index
        %get3A_625 = arith.index_cast %multiple_of3A_479 : i32 to index
        %get3A_626 = tpu.vector_load %arg6[%get3A_622, %get3A_623, %get3A_624, %get3A_625] {strides = array<i32>} : memref<3x8x8x512xf32, #tpu.memory_space<vmem>>, vector<16xf32>,
        %add3A_627 = arith.addf %add3A_618, %get3A_626 : vector<16xf32>
        %mul3A_628 = arith.constant 1.250000e-01 : f32
        %mul3A_629 = vector.broadcast %mul3A_628 : f32 to vector<16xf32>
        %mul3A_630 = arith.mulf %add3A_627, %mul3A_629 : vector<16xf32>
        %swap3A_631 = arith.constant 1 : i32
        %swap3A_632 = arith.index_cast %swap3A_631 : i32 to index
        %swap3A_633 = arith.index_cast %multiple_of3A_479 : i32 to index
        %swap3A_634 = tpu.vector_load %arg7[%swap3A_632, %swap3A_633] {strides = array<i32>} : memref<8x512xf32, #tpu.memory_space<vmem>>, vector<16xf32>,
        tpu.vector_store %arg7[%swap3A_632, %swap3A_633], %mul3A_630 {strides = array<i32>} : memref<8x512xf32, #tpu.memory_space<vmem>>, vector<16xf32>,
        %get3A_635 = arith.constant 1 : i32
        %get3A_636 = arith.constant 0 : i32
        %get3A_637 = arith.constant 2 : i32
        %get3A_638 = arith.index_cast %get3A_635 : i32 to index
        %get3A_639 = arith.index_cast %get3A_636 : i32 to index
        %get3A_640 = arith.index_cast %get3A_637 : i32 to index
        %get3A_641 = arith.index_cast %multiple_of3A_479 : i32 to index
        %get3A_642 = tpu.vector_load %arg6[%get3A_638, %get3A_639, %get3A_640, %get3A_641] {strides = array<i32>} : memref<3x8x8x512xf32, #tpu.memory_space<vmem>>, vector<16xf32>,
        %get3A_643 = arith.constant 1 : i32
        %get3A_644 = arith.constant 1 : i32
        %get3A_645 = arith.constant 2 : i32
        %get3A_646 = arith.index_cast %get3A_643 : i32 to index
        %get3A_647 = arith.index_cast %get3A_644 : i32 to index
        %get3A_648 = arith.index_cast %get3A_645 : i32 to index
        %get3A_649 = arith.index_cast %multiple_of3A_479 : i32 to index
        %get3A_650 = tpu.vector_load %arg6[%get3A_646, %get3A_647, %get3A_648, %get3A_649] {strides = array<i32>} : memref<3x8x8x512xf32, #tpu.memory_space<vmem>>, vector<16xf32>,
        %add3A_651 = arith.addf %get3A_642, %get3A_650 : vector<16xf32>
        %get3A_652 = arith.constant 1 : i32
        %get3A_653 = arith.constant 2 : i32
        %get3A_654 = arith.constant 2 : i32
        %get3A_655 = arith.index_cast %get3A_652 : i32 to index
        %get3A_656 = arith.index_cast %get3A_653 : i32 to index
        %get3A_657 = arith.index_cast %get3A_654 : i32 to index
        %get3A_658 = arith.index_cast %multiple_of3A_479 : i32 to index
        %get3A_659 = tpu.vector_load %arg6[%get3A_655, %get3A_656, %get3A_657, %get3A_658] {strides = array<i32>} : memref<3x8x8x512xf32, #tpu.memory_space<vmem>>, vector<16xf32>,
        %add3A_660 = arith.addf %add3A_651, %get3A_659 : vector<16xf32>
        %get3A_661 = arith.constant 1 : i32
        %get3A_662 = arith.constant 3 : i32
        %get3A_663 = arith.constant 2 : i32
        %get3A_664 = arith.index_cast %get3A_661 : i32 to index
        %get3A_665 = arith.index_cast %get3A_662 : i32 to index
        %get3A_666 = arith.index_cast %get3A_663 : i32 to index
        %get3A_667 = arith.index_cast %multiple_of3A_479 : i32 to index
        %get3A_668 = tpu.vector_load %arg6[%get3A_664, %get3A_665, %get3A_666, %get3A_667] {strides = array<i32>} : memref<3x8x8x512xf32, #tpu.memory_space<vmem>>, vector<16xf32>,
        %add3A_669 = arith.addf %add3A_660, %get3A_668 : vector<16xf32>
        %get3A_670 = arith.constant 1 : i32
        %get3A_671 = arith.constant 4 : i32
        %get3A_672 = arith.constant 2 : i32
        %get3A_673 = arith.index_cast %get3A_670 : i32 to index
        %get3A_674 = arith.index_cast %get3A_671 : i32 to index
        %get3A_675 = arith.index_cast %get3A_672 : i32 to index
        %get3A_676 = arith.index_cast %multiple_of3A_479 : i32 to index
        %get3A_677 = tpu.vector_load %arg6[%get3A_673, %get3A_674, %get3A_675, %get3A_676] {strides = array<i32>} : memref<3x8x8x512xf32, #tpu.memory_space<vmem>>, vector<16xf32>,
        %add3A_678 = arith.addf %add3A_669, %get3A_677 : vector<16xf32>
        %get3A_679 = arith.constant 1 : i32
        %get3A_680 = arith.constant 5 : i32
        %get3A_681 = arith.constant 2 : i32
        %get3A_682 = arith.index_cast %get3A_679 : i32 to index
        %get3A_683 = arith.index_cast %get3A_680 : i32 to index
        %get3A_684 = arith.index_cast %get3A_681 : i32 to index
        %get3A_685 = arith.index_cast %multiple_of3A_479 : i32 to index
        %get3A_686 = tpu.vector_load %arg6[%get3A_682, %get3A_683, %get3A_684, %get3A_685] {strides = array<i32>} : memref<3x8x8x512xf32, #tpu.memory_space<vmem>>, vector<16xf32>,
        %add3A_687 = arith.addf %add3A_678, %get3A_686 : vector<16xf32>
        %get3A_688 = arith.constant 1 : i32
        %get3A_689 = arith.constant 6 : i32
        %get3A_690 = arith.constant 2 : i32
        %get3A_691 = arith.index_cast %get3A_688 : i32 to index
        %get3A_692 = arith.index_cast %get3A_689 : i32 to index
        %get3A_693 = arith.index_cast %get3A_690 : i32 to index
        %get3A_694 = arith.index_cast %multiple_of3A_479 : i32 to index
        %get3A_695 = tpu.vector_load %arg6[%get3A_691, %get3A_692, %get3A_693, %get3A_694] {strides = array<i32>} : memref<3x8x8x512xf32, #tpu.memory_space<vmem>>, vector<16xf32>,
        %add3A_696 = arith.addf %add3A_687, %get3A_695 : vector<16xf32>
        %get3A_697 = arith.constant 1 : i32
        %get3A_698 = arith.constant 7 : i32
        %get3A_699 = arith.constant 2 : i32
        %get3A_700 = arith.index_cast %get3A_697 : i32 to index
        %get3A_701 = arith.index_cast %get3A_698 : i32 to index
        %get3A_702 = arith.index_cast %get3A_699 : i32 to index
        %get3A_703 = arith.index_cast %multiple_of3A_479 : i32 to index
        %get3A_704 = tpu.vector_load %arg6[%get3A_700, %get3A_701, %get3A_702, %get3A_703] {strides = array<i32>} : memref<3x8x8x512xf32, #tpu.memory_space<vmem>>, vector<16xf32>,
        %add3A_705 = arith.addf %add3A_696, %get3A_704 : vector<16xf32>
        %mul3A_706 = arith.constant 1.250000e-01 : f32
        %mul3A_707 = vector.broadcast %mul3A_706 : f32 to vector<16xf32>
        %mul3A_708 = arith.mulf %add3A_705, %mul3A_707 : vector<16xf32>
        %swap3A_709 = arith.constant 2 : i32
        %swap3A_710 = arith.index_cast %swap3A_709 : i32 to index
        %swap3A_711 = arith.index_cast %multiple_of3A_479 : i32 to index
        %swap3A_712 = tpu.vector_load %arg7[%swap3A_710, %swap3A_711] {strides = array<i32>} : memref<8x512xf32, #tpu.memory_space<vmem>>, vector<16xf32>,
        tpu.vector_store %arg7[%swap3A_710, %swap3A_711], %mul3A_708 {strides = array<i32>} : memref<8x512xf32, #tpu.memory_space<vmem>>, vector<16xf32>,
        %get3A_713 = arith.constant 1 : i32
        %get3A_714 = arith.constant 0 : i32
        %get3A_715 = arith.constant 3 : i32
        %get3A_716 = arith.index_cast %get3A_713 : i32 to index
        %get3A_717 = arith.index_cast %get3A_714 : i32 to index
        %get3A_718 = arith.index_cast %get3A_715 : i32 to index
        %get3A_719 = arith.index_cast %multiple_of3A_479 : i32 to index
        %get3A_720 = tpu.vector_load %arg6[%get3A_716, %get3A_717, %get3A_718, %get3A_719] {strides = array<i32>} : memref<3x8x8x512xf32, #tpu.memory_space<vmem>>, vector<16xf32>,
        %get3A_721 = arith.constant 1 : i32
        %get3A_722 = arith.constant 1 : i32
        %get3A_723 = arith.constant 3 : i32
        %get3A_724 = arith.index_cast %get3A_721 : i32 to index
        %get3A_725 = arith.index_cast %get3A_722 : i32 to index
        %get3A_726 = arith.index_cast %get3A_723 : i32 to index
        %get3A_727 = arith.index_cast %multiple_of3A_479 : i32 to index
        %get3A_728 = tpu.vector_load %arg6[%get3A_724, %get3A_725, %get3A_726, %get3A_727] {strides = array<i32>} : memref<3x8x8x512xf32, #tpu.memory_space<vmem>>, vector<16xf32>,
        %add3A_729 = arith.addf %get3A_720, %get3A_728 : vector<16xf32>
        %get3A_730 = arith.constant 1 : i32
        %get3A_731 = arith.constant 2 : i32
        %get3A_732 = arith.constant 3 : i32
        %get3A_733 = arith.index_cast %get3A_730 : i32 to index
        %get3A_734 = arith.index_cast %get3A_731 : i32 to index
        %get3A_735 = arith.index_cast %get3A_732 : i32 to index
        %get3A_736 = arith.index_cast %multiple_of3A_479 : i32 to index
        %get3A_737 = tpu.vector_load %arg6[%get3A_733, %get3A_734, %get3A_735, %get3A_736] {strides = array<i32>} : memref<3x8x8x512xf32, #tpu.memory_space<vmem>>, vector<16xf32>,
        %add3A_738 = arith.addf %add3A_729, %get3A_737 : vector<16xf32>
        %get3A_739 = arith.constant 1 : i32
        %get3A_740 = arith.constant 3 : i32
        %get3A_741 = arith.constant 3 : i32
        %get3A_742 = arith.index_cast %get3A_739 : i32 to index
        %get3A_743 = arith.index_cast %get3A_740 : i32 to index
        %get3A_744 = arith.index_cast %get3A_741 : i32 to index
        %get3A_745 = arith.index_cast %multiple_of3A_479 : i32 to index
        %get3A_746 = tpu.vector_load %arg6[%get3A_742, %get3A_743, %get3A_744, %get3A_745] {strides = array<i32>} : memref<3x8x8x512xf32, #tpu.memory_space<vmem>>, vector<16xf32>,
        %add3A_747 = arith.addf %add3A_738, %get3A_746 : vector<16xf32>
        %get3A_748 = arith.constant 1 : i32
        %get3A_749 = arith.constant 4 : i32
        %get3A_750 = arith.constant 3 : i32
        %get3A_751 = arith.index_cast %get3A_748 : i32 to index
        %get3A_752 = arith.index_cast %get3A_749 : i32 to index
        %get3A_753 = arith.index_cast %get3A_750 : i32 to index
        %get3A_754 = arith.index_cast %multiple_of3A_479 : i32 to index
        %get3A_755 = tpu.vector_load %arg6[%get3A_751, %get3A_752, %get3A_753, %get3A_754] {strides = array<i32>} : memref<3x8x8x512xf32, #tpu.memory_space<vmem>>, vector<16xf32>,
        %add3A_756 = arith.addf %add3A_747, %get3A_755 : vector<16xf32>
        %get3A_757 = arith.constant 1 : i32
        %get3A_758 = arith.constant 5 : i32
        %get3A_759 = arith.constant 3 : i32
        %get3A_760 = arith.index_cast %get3A_757 : i32 to index
        %get3A_761 = arith.index_cast %get3A_758 : i32 to index
        %get3A_762 = arith.index_cast %get3A_759 : i32 to index
        %get3A_763 = arith.index_cast %multiple_of3A_479 : i32 to index
        %get3A_764 = tpu.vector_load %arg6[%get3A_760, %get3A_761, %get3A_762, %get3A_763] {strides = array<i32>} : memref<3x8x8x512xf32, #tpu.memory_space<vmem>>, vector<16xf32>,
        %add3A_765 = arith.addf %add3A_756, %get3A_764 : vector<16xf32>
        %get3A_766 = arith.constant 1 : i32
        %get3A_767 = arith.constant 6 : i32
        %get3A_768 = arith.constant 3 : i32
        %get3A_769 = arith.index_cast %get3A_766 : i32 to index
        %get3A_770 = arith.index_cast %get3A_767 : i32 to index
        %get3A_771 = arith.index_cast %get3A_768 : i32 to index
        %get3A_772 = arith.index_cast %multiple_of3A_479 : i32 to index
        %get3A_773 = tpu.vector_load %arg6[%get3A_769, %get3A_770, %get3A_771, %get3A_772] {strides = array<i32>} : memref<3x8x8x512xf32, #tpu.memory_space<vmem>>, vector<16xf32>,
        %add3A_774 = arith.addf %add3A_765, %get3A_773 : vector<16xf32>
        %get3A_775 = arith.constant 1 : i32
        %get3A_776 = arith.constant 7 : i32
        %get3A_777 = arith.constant 3 : i32
        %get3A_778 = arith.index_cast %get3A_775 : i32 to index
        %get3A_779 = arith.index_cast %get3A_776 : i32 to index
        %get3A_780 = arith.index_cast %get3A_777 : i32 to index
        %get3A_781 = arith.index_cast %multiple_of3A_479 : i32 to index
        %get3A_782 = tpu.vector_load %arg6[%get3A_778, %get3A_779, %get3A_780, %get3A_781] {strides = array<i32>} : memref<3x8x8x512xf32, #tpu.memory_space<vmem>>, vector<16xf32>,
        %add3A_783 = arith.addf %add3A_774, %get3A_782 : vector<16xf32>
        %mul3A_784 = arith.constant 1.250000e-01 : f32
        %mul3A_785 = vector.broadcast %mul3A_784 : f32 to vector<16xf32>
        %mul3A_786 = arith.mulf %add3A_783, %mul3A_785 : vector<16xf32>
        %swap3A_787 = arith.constant 3 : i32
        %swap3A_788 = arith.index_cast %swap3A_787 : i32 to index
        %swap3A_789 = arith.index_cast %multiple_of3A_479 : i32 to index
        %swap3A_790 = tpu.vector_load %arg7[%swap3A_788, %swap3A_789] {strides = array<i32>} : memref<8x512xf32, #tpu.memory_space<vmem>>, vector<16xf32>,
        tpu.vector_store %arg7[%swap3A_788, %swap3A_789], %mul3A_786 {strides = array<i32>} : memref<8x512xf32, #tpu.memory_space<vmem>>, vector<16xf32>,
        %get3A_791 = arith.constant 1 : i32
        %get3A_792 = arith.constant 0 : i32
        %get3A_793 = arith.constant 4 : i32
        %get3A_794 = arith.index_cast %get3A_791 : i32 to index
        %get3A_795 = arith.index_cast %get3A_792 : i32 to index
        %get3A_796 = arith.index_cast %get3A_793 : i32 to index
        %get3A_797 = arith.index_cast %multiple_of3A_479 : i32 to index
        %get3A_798 = tpu.vector_load %arg6[%get3A_794, %get3A_795, %get3A_796, %get3A_797] {strides = array<i32>} : memref<3x8x8x512xf32, #tpu.memory_space<vmem>>, vector<16xf32>,
        %get3A_799 = arith.constant 1 : i32
        %get3A_800 = arith.constant 1 : i32
        %get3A_801 = arith.constant 4 : i32
        %get3A_802 = arith.index_cast %get3A_799 : i32 to index
        %get3A_803 = arith.index_cast %get3A_800 : i32 to index
        %get3A_804 = arith.index_cast %get3A_801 : i32 to index
        %get3A_805 = arith.index_cast %multiple_of3A_479 : i32 to index
        %get3A_806 = tpu.vector_load %arg6[%get3A_802, %get3A_803, %get3A_804, %get3A_805] {strides = array<i32>} : memref<3x8x8x512xf32, #tpu.memory_space<vmem>>, vector<16xf32>,
        %add3A_807 = arith.addf %get3A_798, %get3A_806 : vector<16xf32>
        %get3A_808 = arith.constant 1 : i32
        %get3A_809 = arith.constant 2 : i32
        %get3A_810 = arith.constant 4 : i32
        %get3A_811 = arith.index_cast %get3A_808 : i32 to index
        %get3A_812 = arith.index_cast %get3A_809 : i32 to index
        %get3A_813 = arith.index_cast %get3A_810 : i32 to index
        %get3A_814 = arith.index_cast %multiple_of3A_479 : i32 to index
        %get3A_815 = tpu.vector_load %arg6[%get3A_811, %get3A_812, %get3A_813, %get3A_814] {strides = array<i32>} : memref<3x8x8x512xf32, #tpu.memory_space<vmem>>, vector<16xf32>,
        %add3A_816 = arith.addf %add3A_807, %get3A_815 : vector<16xf32>
        %get3A_817 = arith.constant 1 : i32
        %get3A_818 = arith.constant 3 : i32
        %get3A_819 = arith.constant 4 : i32
        %get3A_820 = arith.index_cast %get3A_817 : i32 to index
        %get3A_821 = arith.index_cast %get3A_818 : i32 to index
        %get3A_822 = arith.index_cast %get3A_819 : i32 to index
        %get3A_823 = arith.index_cast %multiple_of3A_479 : i32 to index
        %get3A_824 = tpu.vector_load %arg6[%get3A_820, %get3A_821, %get3A_822, %get3A_823] {strides = array<i32>} : memref<3x8x8x512xf32, #tpu.memory_space<vmem>>, vector<16xf32>,
        %add3A_825 = arith.addf %add3A_816, %get3A_824 : vector<16xf32>
        %get3A_826 = arith.constant 1 : i32
        %get3A_827 = arith.constant 4 : i32
        %get3A_828 = arith.constant 4 : i32
        %get3A_829 = arith.index_cast %get3A_826 : i32 to index
        %get3A_830 = arith.index_cast %get3A_827 : i32 to index
        %get3A_831 = arith.index_cast %get3A_828 : i32 to index
        %get3A_832 = arith.index_cast %multiple_of3A_479 : i32 to index
        %get3A_833 = tpu.vector_load %arg6[%get3A_829, %get3A_830, %get3A_831, %get3A_832] {strides = array<i32>} : memref<3x8x8x512xf32, #tpu.memory_space<vmem>>, vector<16xf32>,
        %add3A_834 = arith.addf %add3A_825, %get3A_833 : vector<16xf32>
        %get3A_835 = arith.constant 1 : i32
        %get3A_836 = arith.constant 5 : i32
        %get3A_837 = arith.constant 4 : i32
        %get3A_838 = arith.index_cast %get3A_835 : i32 to index
        %get3A_839 = arith.index_cast %get3A_836 : i32 to index
        %get3A_840 = arith.index_cast %get3A_837 : i32 to index
        %get3A_841 = arith.index_cast %multiple_of3A_479 : i32 to index
        %get3A_842 = tpu.vector_load %arg6[%get3A_838, %get3A_839, %get3A_840, %get3A_841] {strides = array<i32>} : memref<3x8x8x512xf32, #tpu.memory_space<vmem>>, vector<16xf32>,
        %add3A_843 = arith.addf %add3A_834, %get3A_842 : vector<16xf32>
        %get3A_844 = arith.constant 1 : i32
        %get3A_845 = arith.constant 6 : i32
        %get3A_846 = arith.constant 4 : i32
        %get3A_847 = arith.index_cast %get3A_844 : i32 to index
        %get3A_848 = arith.index_cast %get3A_845 : i32 to index
        %get3A_849 = arith.index_cast %get3A_846 : i32 to index
        %get3A_850 = arith.index_cast %multiple_of3A_479 : i32 to index
        %get3A_851 = tpu.vector_load %arg6[%get3A_847, %get3A_848, %get3A_849, %get3A_850] {strides = array<i32>} : memref<3x8x8x512xf32, #tpu.memory_space<vmem>>, vector<16xf32>,
        %add3A_852 = arith.addf %add3A_843, %get3A_851 : vector<16xf32>
        %get3A_853 = arith.constant 1 : i32
        %get3A_854 = arith.constant 7 : i32
        %get3A_855 = arith.constant 4 : i32
        %get3A_856 = arith.index_cast %get3A_853 : i32 to index
        %get3A_857 = arith.index_cast %get3A_854 : i32 to index
        %get3A_858 = arith.index_cast %get3A_855 : i32 to index
        %get3A_859 = arith.index_cast %multiple_of3A_479 : i32 to index
        %get3A_860 = tpu.vector_load %arg6[%get3A_856, %get3A_857, %get3A_858, %get3A_859] {strides = array<i32>} : memref<3x8x8x512xf32, #tpu.memory_space<vmem>>, vector<16xf32>,
        %add3A_861 = arith.addf %add3A_852, %get3A_860 : vector<16xf32>
        %mul3A_862 = arith.constant 1.250000e-01 : f32
        %mul3A_863 = vector.broadcast %mul3A_862 : f32 to vector<16xf32>
        %mul3A_864 = arith.mulf %add3A_861, %mul3A_863 : vector<16xf32>
        %swap3A_865 = arith.constant 4 : i32
        %swap3A_866 = arith.index_cast %swap3A_865 : i32 to index
        %swap3A_867 = arith.index_cast %multiple_of3A_479 : i32 to index
        %swap3A_868 = tpu.vector_load %arg7[%swap3A_866, %swap3A_867] {strides = array<i32>} : memref<8x512xf32, #tpu.memory_space<vmem>>, vector<16xf32>,
        tpu.vector_store %arg7[%swap3A_866, %swap3A_867], %mul3A_864 {strides = array<i32>} : memref<8x512xf32, #tpu.memory_space<vmem>>, vector<16xf32>,
        %get3A_869 = arith.constant 1 : i32
        %get3A_870 = arith.constant 0 : i32
        %get3A_871 = arith.constant 5 : i32
        %get3A_872 = arith.index_cast %get3A_869 : i32 to index
        %get3A_873 = arith.index_cast %get3A_870 : i32 to index
        %get3A_874 = arith.index_cast %get3A_871 : i32 to index
        %get3A_875 = arith.index_cast %multiple_of3A_479 : i32 to index
        %get3A_876 = tpu.vector_load %arg6[%get3A_872, %get3A_873, %get3A_874, %get3A_875] {strides = array<i32>} : memref<3x8x8x512xf32, #tpu.memory_space<vmem>>, vector<16xf32>,
        %get3A_877 = arith.constant 1 : i32
        %get3A_878 = arith.constant 1 : i32
        %get3A_879 = arith.constant 5 : i32
        %get3A_880 = arith.index_cast %get3A_877 : i32 to index
        %get3A_881 = arith.index_cast %get3A_878 : i32 to index
        %get3A_882 = arith.index_cast %get3A_879 : i32 to index
        %get3A_883 = arith.index_cast %multiple_of3A_479 : i32 to index
        %get3A_884 = tpu.vector_load %arg6[%get3A_880, %get3A_881, %get3A_882, %get3A_883] {strides = array<i32>} : memref<3x8x8x512xf32, #tpu.memory_space<vmem>>, vector<16xf32>,
        %add3A_885 = arith.addf %get3A_876, %get3A_884 : vector<16xf32>
        %get3A_886 = arith.constant 1 : i32
        %get3A_887 = arith.constant 2 : i32
        %get3A_888 = arith.constant 5 : i32
        %get3A_889 = arith.index_cast %get3A_886 : i32 to index
        %get3A_890 = arith.index_cast %get3A_887 : i32 to index
        %get3A_891 = arith.index_cast %get3A_888 : i32 to index
        %get3A_892 = arith.index_cast %multiple_of3A_479 : i32 to index
        %get3A_893 = tpu.vector_load %arg6[%get3A_889, %get3A_890, %get3A_891, %get3A_892] {strides = array<i32>} : memref<3x8x8x512xf32, #tpu.memory_space<vmem>>, vector<16xf32>,
        %add3A_894 = arith.addf %add3A_885, %get3A_893 : vector<16xf32>
        %get3A_895 = arith.constant 1 : i32
        %get3A_896 = arith.constant 3 : i32
        %get3A_897 = arith.constant 5 : i32
        %get3A_898 = arith.index_cast %get3A_895 : i32 to index
        %get3A_899 = arith.index_cast %get3A_896 : i32 to index
        %get3A_900 = arith.index_cast %get3A_897 : i32 to index
        %get3A_901 = arith.index_cast %multiple_of3A_479 : i32 to index
        %get3A_902 = tpu.vector_load %arg6[%get3A_898, %get3A_899, %get3A_900, %get3A_901] {strides = array<i32>} : memref<3x8x8x512xf32, #tpu.memory_space<vmem>>, vector<16xf32>,
        %add3A_903 = arith.addf %add3A_894, %get3A_902 : vector<16xf32>
        %get3A_904 = arith.constant 1 : i32
        %get3A_905 = arith.constant 4 : i32
        %get3A_906 = arith.constant 5 : i32
        %get3A_907 = arith.index_cast %get3A_904 : i32 to index
        %get3A_908 = arith.index_cast %get3A_905 : i32 to index
        %get3A_909 = arith.index_cast %get3A_906 : i32 to index
        %get3A_910 = arith.index_cast %multiple_of3A_479 : i32 to index
        %get3A_911 = tpu.vector_load %arg6[%get3A_907, %get3A_908, %get3A_909, %get3A_910] {strides = array<i32>} : memref<3x8x8x512xf32, #tpu.memory_space<vmem>>, vector<16xf32>,
        %add3A_912 = arith.addf %add3A_903, %get3A_911 : vector<16xf32>
        %get3A_913 = arith.constant 1 : i32
        %get3A_914 = arith.constant 5 : i32
        %get3A_915 = arith.constant 5 : i32
        %get3A_916 = arith.index_cast %get3A_913 : i32 to index
        %get3A_917 = arith.index_cast %get3A_914 : i32 to index
        %get3A_918 = arith.index_cast %get3A_915 : i32 to index
        %get3A_919 = arith.index_cast %multiple_of3A_479 : i32 to index
        %get3A_920 = tpu.vector_load %arg6[%get3A_916, %get3A_917, %get3A_918, %get3A_919] {strides = array<i32>} : memref<3x8x8x512xf32, #tpu.memory_space<vmem>>, vector<16xf32>,
        %add3A_921 = arith.addf %add3A_912, %get3A_920 : vector<16xf32>
        %get3A_922 = arith.constant 1 : i32
        %get3A_923 = arith.constant 6 : i32
        %get3A_924 = arith.constant 5 : i32
        %get3A_925 = arith.index_cast %get3A_922 : i32 to index
        %get3A_926 = arith.index_cast %get3A_923 : i32 to index
        %get3A_927 = arith.index_cast %get3A_924 : i32 to index
        %get3A_928 = arith.index_cast %multiple_of3A_479 : i32 to index
        %get3A_929 = tpu.vector_load %arg6[%get3A_925, %get3A_926, %get3A_927, %get3A_928] {strides = array<i32>} : memref<3x8x8x512xf32, #tpu.memory_space<vmem>>, vector<16xf32>,
        %add3A_930 = arith.addf %add3A_921, %get3A_929 : vector<16xf32>
        %get3A_931 = arith.constant 1 : i32
        %get3A_932 = arith.constant 7 : i32
        %get3A_933 = arith.constant 5 : i32
        %get3A_934 = arith.index_cast %get3A_931 : i32 to index
        %get3A_935 = arith.index_cast %get3A_932 : i32 to index
        %get3A_936 = arith.index_cast %get3A_933 : i32 to index
        %get3A_937 = arith.index_cast %multiple_of3A_479 : i32 to index
        %get3A_938 = tpu.vector_load %arg6[%get3A_934, %get3A_935, %get3A_936, %get3A_937] {strides = array<i32>} : memref<3x8x8x512xf32, #tpu.memory_space<vmem>>, vector<16xf32>,
        %add3A_939 = arith.addf %add3A_930, %get3A_938 : vector<16xf32>
        %mul3A_940 = arith.constant 1.250000e-01 : f32
        %mul3A_941 = vector.broadcast %mul3A_940 : f32 to vector<16xf32>
        %mul3A_942 = arith.mulf %add3A_939, %mul3A_941 : vector<16xf32>
        %swap3A_943 = arith.constant 5 : i32
        %swap3A_944 = arith.index_cast %swap3A_943 : i32 to index
        %swap3A_945 = arith.index_cast %multiple_of3A_479 : i32 to index
        %swap3A_946 = tpu.vector_load %arg7[%swap3A_944, %swap3A_945] {strides = array<i32>} : memref<8x512xf32, #tpu.memory_space<vmem>>, vector<16xf32>,
        tpu.vector_store %arg7[%swap3A_944, %swap3A_945], %mul3A_942 {strides = array<i32>} : memref<8x512xf32, #tpu.memory_space<vmem>>, vector<16xf32>,
        %get3A_947 = arith.constant 1 : i32
        %get3A_948 = arith.constant 0 : i32
        %get3A_949 = arith.constant 6 : i32
        %get3A_950 = arith.index_cast %get3A_947 : i32 to index
        %get3A_951 = arith.index_cast %get3A_948 : i32 to index
        %get3A_952 = arith.index_cast %get3A_949 : i32 to index
        %get3A_953 = arith.index_cast %multiple_of3A_479 : i32 to index
        %get3A_954 = tpu.vector_load %arg6[%get3A_950, %get3A_951, %get3A_952, %get3A_953] {strides = array<i32>} : memref<3x8x8x512xf32, #tpu.memory_space<vmem>>, vector<16xf32>,
        %get3A_955 = arith.constant 1 : i32
        %get3A_956 = arith.constant 1 : i32
        %get3A_957 = arith.constant 6 : i32
        %get3A_958 = arith.index_cast %get3A_955 : i32 to index
        %get3A_959 = arith.index_cast %get3A_956 : i32 to index
        %get3A_960 = arith.index_cast %get3A_957 : i32 to index
        %get3A_961 = arith.index_cast %multiple_of3A_479 : i32 to index
        %get3A_962 = tpu.vector_load %arg6[%get3A_958, %get3A_959, %get3A_960, %get3A_961] {strides = array<i32>} : memref<3x8x8x512xf32, #tpu.memory_space<vmem>>, vector<16xf32>,
        %add3A_963 = arith.addf %get3A_954, %get3A_962 : vector<16xf32>
        %get3A_964 = arith.constant 1 : i32
        %get3A_965 = arith.constant 2 : i32
        %get3A_966 = arith.constant 6 : i32
        %get3A_967 = arith.index_cast %get3A_964 : i32 to index
        %get3A_968 = arith.index_cast %get3A_965 : i32 to index
        %get3A_969 = arith.index_cast %get3A_966 : i32 to index
        %get3A_970 = arith.index_cast %multiple_of3A_479 : i32 to index
        %get3A_971 = tpu.vector_load %arg6[%get3A_967, %get3A_968, %get3A_969, %get3A_970] {strides = array<i32>} : memref<3x8x8x512xf32, #tpu.memory_space<vmem>>, vector<16xf32>,
        %add3A_972 = arith.addf %add3A_963, %get3A_971 : vector<16xf32>
        %get3A_973 = arith.constant 1 : i32
        %get3A_974 = arith.constant 3 : i32
        %get3A_975 = arith.constant 6 : i32
        %get3A_976 = arith.index_cast %get3A_973 : i32 to index
        %get3A_977 = arith.index_cast %get3A_974 : i32 to index
        %get3A_978 = arith.index_cast %get3A_975 : i32 to index
        %get3A_979 = arith.index_cast %multiple_of3A_479 : i32 to index
        %get3A_980 = tpu.vector_load %arg6[%get3A_976, %get3A_977, %get3A_978, %get3A_979] {strides = array<i32>} : memref<3x8x8x512xf32, #tpu.memory_space<vmem>>, vector<16xf32>,
        %add3A_981 = arith.addf %add3A_972, %get3A_980 : vector<16xf32>
        %get3A_982 = arith.constant 1 : i32
        %get3A_983 = arith.constant 4 : i32
        %get3A_984 = arith.constant 6 : i32
        %get3A_985 = arith.index_cast %get3A_982 : i32 to index
        %get3A_986 = arith.index_cast %get3A_983 : i32 to index
        %get3A_987 = arith.index_cast %get3A_984 : i32 to index
        %get3A_988 = arith.index_cast %multiple_of3A_479 : i32 to index
        %get3A_989 = tpu.vector_load %arg6[%get3A_985, %get3A_986, %get3A_987, %get3A_988] {strides = array<i32>} : memref<3x8x8x512xf32, #tpu.memory_space<vmem>>, vector<16xf32>,
        %add3A_990 = arith.addf %add3A_981, %get3A_989 : vector<16xf32>
        %get3A_991 = arith.constant 1 : i32
        %get3A_992 = arith.constant 5 : i32
        %get3A_993 = arith.constant 6 : i32
        %get3A_994 = arith.index_cast %get3A_991 : i32 to index
        %get3A_995 = arith.index_cast %get3A_992 : i32 to index
        %get3A_996 = arith.index_cast %get3A_993 : i32 to index
        %get3A_997 = arith.index_cast %multiple_of3A_479 : i32 to index
        %get3A_998 = tpu.vector_load %arg6[%get3A_994, %get3A_995, %get3A_996, %get3A_997] {strides = array<i32>} : memref<3x8x8x512xf32, #tpu.memory_space<vmem>>, vector<16xf32>,
        %add3A_999 = arith.addf %add3A_990, %get3A_998 : vector<16xf32>
        %get3A_1000 = arith.constant 1 : i32
        %get3A_1001 = arith.constant 6 : i32
        %get3A_1002 = arith.constant 6 : i32
        %get3A_1003 = arith.index_cast %get3A_1000 : i32 to index
        %get3A_1004 = arith.index_cast %get3A_1001 : i32 to index
        %get3A_1005 = arith.index_cast %get3A_1002 : i32 to index
        %get3A_1006 = arith.index_cast %multiple_of3A_479 : i32 to index
        %get3A_1007 = tpu.vector_load %arg6[%get3A_1003, %get3A_1004, %get3A_1005, %get3A_1006] {strides = array<i32>} : memref<3x8x8x512xf32, #tpu.memory_space<vmem>>, vector<16xf32>,
        %add3A_1008 = arith.addf %add3A_999, %get3A_1007 : vector<16xf32>
        %get3A_1009 = arith.constant 1 : i32
        %get3A_1010 = arith.constant 7 : i32
        %get3A_1011 = arith.constant 6 : i32
        %get3A_1012 = arith.index_cast %get3A_1009 : i32 to index
        %get3A_1013 = arith.index_cast %get3A_1010 : i32 to index
        %get3A_1014 = arith.index_cast %get3A_1011 : i32 to index
        %get3A_1015 = arith.index_cast %multiple_of3A_479 : i32 to index
        %get3A_1016 = tpu.vector_load %arg6[%get3A_1012, %get3A_1013, %get3A_1014, %get3A_1015] {strides = array<i32>} : memref<3x8x8x512xf32, #tpu.memory_space<vmem>>, vector<16xf32>,
        %add3A_1017 = arith.addf %add3A_1008, %get3A_1016 : vector<16xf32>
        %mul3A_1018 = arith.constant 1.250000e-01 : f32
        %mul3A_1019 = vector.broadcast %mul3A_1018 : f32 to vector<16xf32>
        %mul3A_1020 = arith.mulf %add3A_1017, %mul3A_1019 : vector<16xf32>
        %swap3A_1021 = arith.constant 6 : i32
        %swap3A_1022 = arith.index_cast %swap3A_1021 : i32 to index
        %swap3A_1023 = arith.index_cast %multiple_of3A_479 : i32 to index
        %swap3A_1024 = tpu.vector_load %arg7[%swap3A_1022, %swap3A_1023] {strides = array<i32>} : memref<8x512xf32, #tpu.memory_space<vmem>>, vector<16xf32>,
        tpu.vector_store %arg7[%swap3A_1022, %swap3A_1023], %mul3A_1020 {strides = array<i32>} : memref<8x512xf32, #tpu.memory_space<vmem>>, vector<16xf32>,
        %get3A_1025 = arith.constant 1 : i32
        %get3A_1026 = arith.constant 0 : i32
        %get3A_1027 = arith.constant 7 : i32
        %get3A_1028 = arith.index_cast %get3A_1025 : i32 to index
        %get3A_1029 = arith.index_cast %get3A_1026 : i32 to index
        %get3A_1030 = arith.index_cast %get3A_1027 : i32 to index
        %get3A_1031 = arith.index_cast %multiple_of3A_479 : i32 to index
        %get3A_1032 = tpu.vector_load %arg6[%get3A_1028, %get3A_1029, %get3A_1030, %get3A_1031] {strides = array<i32>} : memref<3x8x8x512xf32, #tpu.memory_space<vmem>>, vector<16xf32>,
        %get3A_1033 = arith.constant 1 : i32
        %get3A_1034 = arith.constant 1 : i32
        %get3A_1035 = arith.constant 7 : i32
        %get3A_1036 = arith.index_cast %get3A_1033 : i32 to index
        %get3A_1037 = arith.index_cast %get3A_1034 : i32 to index
        %get3A_1038 = arith.index_cast %get3A_1035 : i32 to index
        %get3A_1039 = arith.index_cast %multiple_of3A_479 : i32 to index
        %get3A_1040 = tpu.vector_load %arg6[%get3A_1036, %get3A_1037, %get3A_1038, %get3A_1039] {strides = array<i32>} : memref<3x8x8x512xf32, #tpu.memory_space<vmem>>, vector<16xf32>,
        %add3A_1041 = arith.addf %get3A_1032, %get3A_1040 : vector<16xf32>
        %get3A_1042 = arith.constant 1 : i32
        %get3A_1043 = arith.constant 2 : i32
        %get3A_1044 = arith.constant 7 : i32
        %get3A_1045 = arith.index_cast %get3A_1042 : i32 to index
        %get3A_1046 = arith.index_cast %get3A_1043 : i32 to index
        %get3A_1047 = arith.index_cast %get3A_1044 : i32 to index
        %get3A_1048 = arith.index_cast %multiple_of3A_479 : i32 to index
        %get3A_1049 = tpu.vector_load %arg6[%get3A_1045, %get3A_1046, %get3A_1047, %get3A_1048] {strides = array<i32>} : memref<3x8x8x512xf32, #tpu.memory_space<vmem>>, vector<16xf32>,
        %add3A_1050 = arith.addf %add3A_1041, %get3A_1049 : vector<16xf32>
        %get3A_1051 = arith.constant 1 : i32
        %get3A_1052 = arith.constant 3 : i32
        %get3A_1053 = arith.constant 7 : i32
        %get3A_1054 = arith.index_cast %get3A_1051 : i32 to index
        %get3A_1055 = arith.index_cast %get3A_1052 : i32 to index
        %get3A_1056 = arith.index_cast %get3A_1053 : i32 to index
        %get3A_1057 = arith.index_cast %multiple_of3A_479 : i32 to index
        %get3A_1058 = tpu.vector_load %arg6[%get3A_1054, %get3A_1055, %get3A_1056, %get3A_1057] {strides = array<i32>} : memref<3x8x8x512xf32, #tpu.memory_space<vmem>>, vector<16xf32>,
        %add3A_1059 = arith.addf %add3A_1050, %get3A_1058 : vector<16xf32>
        %get3A_1060 = arith.constant 1 : i32
        %get3A_1061 = arith.constant 4 : i32
        %get3A_1062 = arith.constant 7 : i32
        %get3A_1063 = arith.index_cast %get3A_1060 : i32 to index
        %get3A_1064 = arith.index_cast %get3A_1061 : i32 to index
        %get3A_1065 = arith.index_cast %get3A_1062 : i32 to index
        %get3A_1066 = arith.index_cast %multiple_of3A_479 : i32 to index
        %get3A_1067 = tpu.vector_load %arg6[%get3A_1063, %get3A_1064, %get3A_1065, %get3A_1066] {strides = array<i32>} : memref<3x8x8x512xf32, #tpu.memory_space<vmem>>, vector<16xf32>,
        %add3A_1068 = arith.addf %add3A_1059, %get3A_1067 : vector<16xf32>
        %get3A_1069 = arith.constant 1 : i32
        %get3A_1070 = arith.constant 5 : i32
        %get3A_1071 = arith.constant 7 : i32
        %get3A_1072 = arith.index_cast %get3A_1069 : i32 to index
        %get3A_1073 = arith.index_cast %get3A_1070 : i32 to index
        %get3A_1074 = arith.index_cast %get3A_1071 : i32 to index
        %get3A_1075 = arith.index_cast %multiple_of3A_479 : i32 to index
        %get3A_1076 = tpu.vector_load %arg6[%get3A_1072, %get3A_1073, %get3A_1074, %get3A_1075] {strides = array<i32>} : memref<3x8x8x512xf32, #tpu.memory_space<vmem>>, vector<16xf32>,
        %add3A_1077 = arith.addf %add3A_1068, %get3A_1076 : vector<16xf32>
        %get3A_1078 = arith.constant 1 : i32
        %get3A_1079 = arith.constant 6 : i32
        %get3A_1080 = arith.constant 7 : i32
        %get3A_1081 = arith.index_cast %get3A_1078 : i32 to index
        %get3A_1082 = arith.index_cast %get3A_1079 : i32 to index
        %get3A_1083 = arith.index_cast %get3A_1080 : i32 to index
        %get3A_1084 = arith.index_cast %multiple_of3A_479 : i32 to index
        %get3A_1085 = tpu.vector_load %arg6[%get3A_1081, %get3A_1082, %get3A_1083, %get3A_1084] {strides = array<i32>} : memref<3x8x8x512xf32, #tpu.memory_space<vmem>>, vector<16xf32>,
        %add3A_1086 = arith.addf %add3A_1077, %get3A_1085 : vector<16xf32>
        %get3A_1087 = arith.constant 1 : i32
        %get3A_1088 = arith.constant 7 : i32
        %get3A_1089 = arith.constant 7 : i32
        %get3A_1090 = arith.index_cast %get3A_1087 : i32 to index
        %get3A_1091 = arith.index_cast %get3A_1088 : i32 to index
        %get3A_1092 = arith.index_cast %get3A_1089 : i32 to index
        %get3A_1093 = arith.index_cast %multiple_of3A_479 : i32 to index
        %get3A_1094 = tpu.vector_load %arg6[%get3A_1090, %get3A_1091, %get3A_1092, %get3A_1093] {strides = array<i32>} : memref<3x8x8x512xf32, #tpu.memory_space<vmem>>, vector<16xf32>,
        %add3A_1095 = arith.addf %add3A_1086, %get3A_1094 : vector<16xf32>
        %mul3A_1096 = arith.constant 1.250000e-01 : f32
        %mul3A_1097 = vector.broadcast %mul3A_1096 : f32 to vector<16xf32>
        %mul3A_1098 = arith.mulf %add3A_1095, %mul3A_1097 : vector<16xf32>
        %swap3A_1099 = arith.constant 7 : i32
        %swap3A_1100 = arith.index_cast %swap3A_1099 : i32 to index
        %swap3A_1101 = arith.index_cast %multiple_of3A_479 : i32 to index
        %swap3A_1102 = tpu.vector_load %arg7[%swap3A_1100, %swap3A_1101] {strides = array<i32>} : memref<8x512xf32, #tpu.memory_space<vmem>>, vector<16xf32>,
        tpu.vector_store %arg7[%swap3A_1100, %swap3A_1101], %mul3A_1098 {strides = array<i32>} : memref<8x512xf32, #tpu.memory_space<vmem>>, vector<16xf32>,
        %scan3A_1103 = arith.constant 0 : i32
        scf.yield %scan3A_1103 : i32
      }
      %scan3A_464 = arith.constant 32 : i32
      %shift_right_arithmetic3A_465 = arith.constant 1 : i32
      %shift_right_arithmetic3A_466 = arith.shrsi %add3A_411, %shift_right_arithmetic3A_465 : i32
      %mul3A_467 = arith.constant 8 : i32
      %mul3A_468 = arith.muli %shift_right_arithmetic3A_466, %mul3A_467 : i32
      %multiple_of3A_469 = tpu.assume_multiple %mul3A_468, 8 : i32
      %and3A_470 = arith.constant 1 : i32
      %and3A_471 = arith.andi %add3A_411, %and3A_470 : i32
      %mul3A_472 = arith.constant 512 : i32
      %mul3A_473 = arith.muli %and3A_471, %mul3A_472 : i32
      %multiple_of3A_474 = tpu.assume_multiple %mul3A_473, 128 : i32
      "tpu.region"() ({
        %run_scoped3A = tpu.sem_alloc : memref<!tpu.dma_semaphore, #tpu.memory_space<semaphore_mem>>
        %dma_start3A_475 = tpu.memref_slice %arg4[%multiple_of3A_469, %multiple_of3A_474] : memref<512x1024xf32, #tpu.memory_space<hbm>> -> memref<8x512xf32, #tpu.memory_space<hbm>>
        %dma_start3A_476 = tpu.memref_slice %arg4[%multiple_of3A_469, %multiple_of3A_474] : memref<512x1024xf32, #tpu.memory_space<hbm>> -> memref<8x512xf32, #tpu.memory_space<hbm>>
        tpu.enqueue_dma source(%arg7 : memref<8x512xf32, #tpu.memory_space<vmem>>) target(%dma_start3A_476 : memref<8x512xf32, #tpu.memory_space<hbm>>) target_semaphore(%run_scoped3A : memref<!tpu.dma_semaphore, #tpu.memory_space<semaphore_mem>>)
        %dma_wait3A_477 = tpu.memref_slice %arg4[%multiple_of3A_469, %multiple_of3A_474] : memref<512x1024xf32, #tpu.memory_space<hbm>> -> memref<8x512xf32, #tpu.memory_space<hbm>>
        %dma_wait3A_478 = tpu.memref_slice %arg4[%multiple_of3A_469, %multiple_of3A_474] : memref<512x1024xf32, #tpu.memory_space<hbm>> -> memref<8x512xf32, #tpu.memory_space<hbm>>
        tpu.wait_dma2 semaphore(%run_scoped3A : memref<!tpu.dma_semaphore, #tpu.memory_space<semaphore_mem>>) src(%arg7 : memref<8x512xf32, #tpu.memory_space<vmem>>) dst(%dma_wait3A_478 : memref<8x512xf32, #tpu.memory_space<hbm>>)
        tpu.yield
      }) : () -> ()
    } else {
    }
    %add3A_424 = arith.constant 64 : i32
    %add3A_425 = arith.addi %add3A, %add3A_424 : i32
    %lt3A_426 = arith.constant 128 : i32
    %lt3A_427 = arith.cmpi slt, %add3A_425, %lt3A_426 : i32
    %convert_element_type3A_428 = arith.extui %lt3A_427 : i1 to i32
    %cond3A_429 = arith.constant 0 : i32
    %cond3A_430 = arith.cmpi ne, %convert_element_type3A_428, %cond3A_429 : i32
    scf.if %cond3A_430 {
      %dma_wait3A = arith.constant 2 : i32
      %dma_wait3A_438 = arith.constant 2 : i32
      %dma_wait3A_439 = arith.constant 0 : i32
      %dma_wait3A_440 = arith.constant 0 : i32
      %dma_wait3A_441 = arith.constant 0 : i32
      %dma_wait3A_442 = tpu.memref_slice %arg6[%dma_wait3A, %dma_wait3A_439, %dma_wait3A_440, %dma_wait3A_441] : memref<3x8x8x512xf32, #tpu.memory_space<vmem>> -> memref<1x8x8x512xf32, #tpu.memory_space<vmem>>
      %dma_wait3A_443 = tpu.memref_squeeze %dma_wait3A_442 : memref<1x8x8x512xf32, #tpu.memory_space<vmem>> -> memref<8x8x512xf32, #tpu.memory_space<vmem>>
      %dma_wait3A_444 = arith.constant 0 : i32
      %dma_wait3A_445 = arith.constant 0 : i32
      %dma_wait3A_446 = arith.constant 0 : i32
      %dma_wait3A_447 = tpu.memref_slice %arg2[%dma_wait3A_444, %dma_wait3A_445, %dma_wait3A_446] : memref<64x1000x1024xf32, #tpu.memory_space<hbm>> -> memref<8x8x512xf32, #tpu.memory_space<hbm>>
      %dma_wait3A_448 = tpu.memref_slice %arg8[%dma_wait3A_438] : memref<3x!tpu.dma_semaphore, #tpu.memory_space<semaphore_mem>> -> memref<1x!tpu.dma_semaphore, #tpu.memory_space<semaphore_mem>>
      %dma_wait3A_449 = tpu.memref_squeeze %dma_wait3A_448 : memref<1x!tpu.dma_semaphore, #tpu.memory_space<semaphore_mem>> -> memref<!tpu.dma_semaphore, #tpu.memory_space<semaphore_mem>>
      %dma_wait3A_450 = arith.constant 0 : i32
      %dma_wait3A_451 = arith.constant 0 : i32
      %dma_wait3A_452 = arith.constant 0 : i32
      %dma_wait3A_453 = tpu.memref_slice %arg6[%dma_wait3A, %dma_wait3A_450, %dma_wait3A_451, %dma_wait3A_452] : memref<3x8x8x512xf32, #tpu.memory_space<vmem>> -> memref<1x8x8x512xf32, #tpu.memory_space<vmem>>
      %dma_wait3A_454 = tpu.memref_squeeze %dma_wait3A_453 : memref<1x8x8x512xf32, #tpu.memory_space<vmem>> -> memref<8x8x512xf32, #tpu.memory_space<vmem>>
      %dma_wait3A_455 = arith.constant 0 : i32
      %dma_wait3A_456 = arith.constant 0 : i32
      %dma_wait3A_457 = arith.constant 0 : i32
      %dma_wait3A_458 = tpu.memref_slice %arg2[%dma_wait3A_455, %dma_wait3A_456, %dma_wait3A_457] : memref<64x1000x1024xf32, #tpu.memory_space<hbm>> -> memref<8x8x512xf32, #tpu.memory_space<hbm>>
      tpu.wait_dma2 semaphore(%dma_wait3A_449 : memref<!tpu.dma_semaphore, #tpu.memory_space<semaphore_mem>>) src(%dma_wait3A_458 : memref<8x8x512xf32, #tpu.memory_space<hbm>>) dst(%dma_wait3A_454 : memref<8x8x512xf32, #tpu.memory_space<vmem>>)
      %scan3A = arith.constant 0 : i32
      %scan3A_459 = arith.constant 0 : i32
      %scan3A_460 = arith.constant 32 : i32
      %scan3A_461 = arith.addi %scan3A_459, %scan3A_460 : i32
      %scan3A_462 = arith.constant 1 : i32
      %scan3A_463 = scf.for %scan3A_475 = %scan3A_459 to %scan3A_461 step %scan3A_462 iter_args(%scan3A_476 = %scan3A) -> (i32)  : i32 {
        %mul3A_477 = arith.constant 16 : i32
        %mul3A_478 = arith.muli %scan3A_475, %mul3A_477 : i32
        %multiple_of3A_479 = tpu.assume_multiple %mul3A_478, 16 : i32
        %get3A_480 = arith.constant 2 : i32
        %get3A_481 = arith.constant 0 : i32
        %get3A_482 = arith.constant 0 : i32
        %get3A_483 = arith.index_cast %get3A_480 : i32 to index
        %get3A_484 = arith.index_cast %get3A_481 : i32 to index
        %get3A_485 = arith.index_cast %get3A_482 : i32 to index
        %get3A_486 = arith.index_cast %multiple_of3A_479 : i32 to index
        %get3A_487 = tpu.vector_load %arg6[%get3A_483, %get3A_484, %get3A_485, %get3A_486] {strides = array<i32>} : memref<3x8x8x512xf32, #tpu.memory_space<vmem>>, vector<16xf32>,
        %get3A_488 = arith.constant 2 : i32
        %get3A_489 = arith.constant 1 : i32
        %get3A_490 = arith.constant 0 : i32
        %get3A_491 = arith.index_cast %get3A_488 : i32 to index
        %get3A_492 = arith.index_cast %get3A_489 : i32 to index
        %get3A_493 = arith.index_cast %get3A_490 : i32 to index
        %get3A_494 = arith.index_cast %multiple_of3A_479 : i32 to index
        %get3A_495 = tpu.vector_load %arg6[%get3A_491, %get3A_492, %get3A_493, %get3A_494] {strides = array<i32>} : memref<3x8x8x512xf32, #tpu.memory_space<vmem>>, vector<16xf32>,
        %add3A_496 = arith.addf %get3A_487, %get3A_495 : vector<16xf32>
        %get3A_497 = arith.constant 2 : i32
        %get3A_498 = arith.constant 2 : i32
        %get3A_499 = arith.constant 0 : i32
        %get3A_500 = arith.index_cast %get3A_497 : i32 to index
        %get3A_501 = arith.index_cast %get3A_498 : i32 to index
        %get3A_502 = arith.index_cast %get3A_499 : i32 to index
        %get3A_503 = arith.index_cast %multiple_of3A_479 : i32 to index
        %get3A_504 = tpu.vector_load %arg6[%get3A_500, %get3A_501, %get3A_502, %get3A_503] {strides = array<i32>} : memref<3x8x8x512xf32, #tpu.memory_space<vmem>>, vector<16xf32>,
        %add3A_505 = arith.addf %add3A_496, %get3A_504 : vector<16xf32>
        %get3A_506 = arith.constant 2 : i32
        %get3A_507 = arith.constant 3 : i32
        %get3A_508 = arith.constant 0 : i32
        %get3A_509 = arith.index_cast %get3A_506 : i32 to index
        %get3A_510 = arith.index_cast %get3A_507 : i32 to index
        %get3A_511 = arith.index_cast %get3A_508 : i32 to index
        %get3A_512 = arith.index_cast %multiple_of3A_479 : i32 to index
        %get3A_513 = tpu.vector_load %arg6[%get3A_509, %get3A_510, %get3A_511, %get3A_512] {strides = array<i32>} : memref<3x8x8x512xf32, #tpu.memory_space<vmem>>, vector<16xf32>,
        %add3A_514 = arith.addf %add3A_505, %get3A_513 : vector<16xf32>
        %get3A_515 = arith.constant 2 : i32
        %get3A_516 = arith.constant 4 : i32
        %get3A_517 = arith.constant 0 : i32
        %get3A_518 = arith.index_cast %get3A_515 : i32 to index
        %get3A_519 = arith.index_cast %get3A_516 : i32 to index
        %get3A_520 = arith.index_cast %get3A_517 : i32 to index
        %get3A_521 = arith.index_cast %multiple_of3A_479 : i32 to index
        %get3A_522 = tpu.vector_load %arg6[%get3A_518, %get3A_519, %get3A_520, %get3A_521] {strides = array<i32>} : memref<3x8x8x512xf32, #tpu.memory_space<vmem>>, vector<16xf32>,
        %add3A_523 = arith.addf %add3A_514, %get3A_522 : vector<16xf32>
        %get3A_524 = arith.constant 2 : i32
        %get3A_525 = arith.constant 5 : i32
        %get3A_526 = arith.constant 0 : i32
        %get3A_527 = arith.index_cast %get3A_524 : i32 to index
        %get3A_528 = arith.index_cast %get3A_525 : i32 to index
        %get3A_529 = arith.index_cast %get3A_526 : i32 to index
        %get3A_530 = arith.index_cast %multiple_of3A_479 : i32 to index
        %get3A_531 = tpu.vector_load %arg6[%get3A_527, %get3A_528, %get3A_529, %get3A_530] {strides = array<i32>} : memref<3x8x8x512xf32, #tpu.memory_space<vmem>>, vector<16xf32>,
        %add3A_532 = arith.addf %add3A_523, %get3A_531 : vector<16xf32>
        %get3A_533 = arith.constant 2 : i32
        %get3A_534 = arith.constant 6 : i32
        %get3A_535 = arith.constant 0 : i32
        %get3A_536 = arith.index_cast %get3A_533 : i32 to index
        %get3A_537 = arith.index_cast %get3A_534 : i32 to index
        %get3A_538 = arith.index_cast %get3A_535 : i32 to index
        %get3A_539 = arith.index_cast %multiple_of3A_479 : i32 to index
        %get3A_540 = tpu.vector_load %arg6[%get3A_536, %get3A_537, %get3A_538, %get3A_539] {strides = array<i32>} : memref<3x8x8x512xf32, #tpu.memory_space<vmem>>, vector<16xf32>,
        %add3A_541 = arith.addf %add3A_532, %get3A_540 : vector<16xf32>
        %get3A_542 = arith.constant 2 : i32
        %get3A_543 = arith.constant 7 : i32
        %get3A_544 = arith.constant 0 : i32
        %get3A_545 = arith.index_cast %get3A_542 : i32 to index
        %get3A_546 = arith.index_cast %get3A_543 : i32 to index
        %get3A_547 = arith.index_cast %get3A_544 : i32 to index
        %get3A_548 = arith.index_cast %multiple_of3A_479 : i32 to index
        %get3A_549 = tpu.vector_load %arg6[%get3A_545, %get3A_546, %get3A_547, %get3A_548] {strides = array<i32>} : memref<3x8x8x512xf32, #tpu.memory_space<vmem>>, vector<16xf32>,
        %add3A_550 = arith.addf %add3A_541, %get3A_549 : vector<16xf32>
        %mul3A_551 = arith.constant 1.250000e-01 : f32
        %mul3A_552 = vector.broadcast %mul3A_551 : f32 to vector<16xf32>
        %mul3A_553 = arith.mulf %add3A_550, %mul3A_552 : vector<16xf32>
        %swap3A = arith.constant 0 : i32
        %swap3A_554 = arith.index_cast %swap3A : i32 to index
        %swap3A_555 = arith.index_cast %multiple_of3A_479 : i32 to index
        %swap3A_556 = tpu.vector_load %arg7[%swap3A_554, %swap3A_555] {strides = array<i32>} : memref<8x512xf32, #tpu.memory_space<vmem>>, vector<16xf32>,
        tpu.vector_store %arg7[%swap3A_554, %swap3A_555], %mul3A_553 {strides = array<i32>} : memref<8x512xf32, #tpu.memory_space<vmem>>, vector<16xf32>,
        %get3A_557 = arith.constant 2 : i32
        %get3A_558 = arith.constant 0 : i32
        %get3A_559 = arith.constant 1 : i32
        %get3A_560 = arith.index_cast %get3A_557 : i32 to index
        %get3A_561 = arith.index_cast %get3A_558 : i32 to index
        %get3A_562 = arith.index_cast %get3A_559 : i32 to index
        %get3A_563 = arith.index_cast %multiple_of3A_479 : i32 to index
        %get3A_564 = tpu.vector_load %arg6[%get3A_560, %get3A_561, %get3A_562, %get3A_563] {strides = array<i32>} : memref<3x8x8x512xf32, #tpu.memory_space<vmem>>, vector<16xf32>,
        %get3A_565 = arith.constant 2 : i32
        %get3A_566 = arith.constant 1 : i32
        %get3A_567 = arith.constant 1 : i32
        %get3A_568 = arith.index_cast %get3A_565 : i32 to index
        %get3A_569 = arith.index_cast %get3A_566 : i32 to index
        %get3A_570 = arith.index_cast %get3A_567 : i32 to index
        %get3A_571 = arith.index_cast %multiple_of3A_479 : i32 to index
        %get3A_572 = tpu.vector_load %arg6[%get3A_568, %get3A_569, %get3A_570, %get3A_571] {strides = array<i32>} : memref<3x8x8x512xf32, #tpu.memory_space<vmem>>, vector<16xf32>,
        %add3A_573 = arith.addf %get3A_564, %get3A_572 : vector<16xf32>
        %get3A_574 = arith.constant 2 : i32
        %get3A_575 = arith.constant 2 : i32
        %get3A_576 = arith.constant 1 : i32
        %get3A_577 = arith.index_cast %get3A_574 : i32 to index
        %get3A_578 = arith.index_cast %get3A_575 : i32 to index
        %get3A_579 = arith.index_cast %get3A_576 : i32 to index
        %get3A_580 = arith.index_cast %multiple_of3A_479 : i32 to index
        %get3A_581 = tpu.vector_load %arg6[%get3A_577, %get3A_578, %get3A_579, %get3A_580] {strides = array<i32>} : memref<3x8x8x512xf32, #tpu.memory_space<vmem>>, vector<16xf32>,
        %add3A_582 = arith.addf %add3A_573, %get3A_581 : vector<16xf32>
        %get3A_583 = arith.constant 2 : i32
        %get3A_584 = arith.constant 3 : i32
        %get3A_585 = arith.constant 1 : i32
        %get3A_586 = arith.index_cast %get3A_583 : i32 to index
        %get3A_587 = arith.index_cast %get3A_584 : i32 to index
        %get3A_588 = arith.index_cast %get3A_585 : i32 to index
        %get3A_589 = arith.index_cast %multiple_of3A_479 : i32 to index
        %get3A_590 = tpu.vector_load %arg6[%get3A_586, %get3A_587, %get3A_588, %get3A_589] {strides = array<i32>} : memref<3x8x8x512xf32, #tpu.memory_space<vmem>>, vector<16xf32>,
        %add3A_591 = arith.addf %add3A_582, %get3A_590 : vector<16xf32>
        %get3A_592 = arith.constant 2 : i32
        %get3A_593 = arith.constant 4 : i32
        %get3A_594 = arith.constant 1 : i32
        %get3A_595 = arith.index_cast %get3A_592 : i32 to index
        %get3A_596 = arith.index_cast %get3A_593 : i32 to index
        %get3A_597 = arith.index_cast %get3A_594 : i32 to index
        %get3A_598 = arith.index_cast %multiple_of3A_479 : i32 to index
        %get3A_599 = tpu.vector_load %arg6[%get3A_595, %get3A_596, %get3A_597, %get3A_598] {strides = array<i32>} : memref<3x8x8x512xf32, #tpu.memory_space<vmem>>, vector<16xf32>,
        %add3A_600 = arith.addf %add3A_591, %get3A_599 : vector<16xf32>
        %get3A_601 = arith.constant 2 : i32
        %get3A_602 = arith.constant 5 : i32
        %get3A_603 = arith.constant 1 : i32
        %get3A_604 = arith.index_cast %get3A_601 : i32 to index
        %get3A_605 = arith.index_cast %get3A_602 : i32 to index
        %get3A_606 = arith.index_cast %get3A_603 : i32 to index
        %get3A_607 = arith.index_cast %multiple_of3A_479 : i32 to index
        %get3A_608 = tpu.vector_load %arg6[%get3A_604, %get3A_605, %get3A_606, %get3A_607] {strides = array<i32>} : memref<3x8x8x512xf32, #tpu.memory_space<vmem>>, vector<16xf32>,
        %add3A_609 = arith.addf %add3A_600, %get3A_608 : vector<16xf32>
        %get3A_610 = arith.constant 2 : i32
        %get3A_611 = arith.constant 6 : i32
        %get3A_612 = arith.constant 1 : i32
        %get3A_613 = arith.index_cast %get3A_610 : i32 to index
        %get3A_614 = arith.index_cast %get3A_611 : i32 to index
        %get3A_615 = arith.index_cast %get3A_612 : i32 to index
        %get3A_616 = arith.index_cast %multiple_of3A_479 : i32 to index
        %get3A_617 = tpu.vector_load %arg6[%get3A_613, %get3A_614, %get3A_615, %get3A_616] {strides = array<i32>} : memref<3x8x8x512xf32, #tpu.memory_space<vmem>>, vector<16xf32>,
        %add3A_618 = arith.addf %add3A_609, %get3A_617 : vector<16xf32>
        %get3A_619 = arith.constant 2 : i32
        %get3A_620 = arith.constant 7 : i32
        %get3A_621 = arith.constant 1 : i32
        %get3A_622 = arith.index_cast %get3A_619 : i32 to index
        %get3A_623 = arith.index_cast %get3A_620 : i32 to index
        %get3A_624 = arith.index_cast %get3A_621 : i32 to index
        %get3A_625 = arith.index_cast %multiple_of3A_479 : i32 to index
        %get3A_626 = tpu.vector_load %arg6[%get3A_622, %get3A_623, %get3A_624, %get3A_625] {strides = array<i32>} : memref<3x8x8x512xf32, #tpu.memory_space<vmem>>, vector<16xf32>,
        %add3A_627 = arith.addf %add3A_618, %get3A_626 : vector<16xf32>
        %mul3A_628 = arith.constant 1.250000e-01 : f32
        %mul3A_629 = vector.broadcast %mul3A_628 : f32 to vector<16xf32>
        %mul3A_630 = arith.mulf %add3A_627, %mul3A_629 : vector<16xf32>
        %swap3A_631 = arith.constant 1 : i32
        %swap3A_632 = arith.index_cast %swap3A_631 : i32 to index
        %swap3A_633 = arith.index_cast %multiple_of3A_479 : i32 to index
        %swap3A_634 = tpu.vector_load %arg7[%swap3A_632, %swap3A_633] {strides = array<i32>} : memref<8x512xf32, #tpu.memory_space<vmem>>, vector<16xf32>,
        tpu.vector_store %arg7[%swap3A_632, %swap3A_633], %mul3A_630 {strides = array<i32>} : memref<8x512xf32, #tpu.memory_space<vmem>>, vector<16xf32>,
        %get3A_635 = arith.constant 2 : i32
        %get3A_636 = arith.constant 0 : i32
        %get3A_637 = arith.constant 2 : i32
        %get3A_638 = arith.index_cast %get3A_635 : i32 to index
        %get3A_639 = arith.index_cast %get3A_636 : i32 to index
        %get3A_640 = arith.index_cast %get3A_637 : i32 to index
        %get3A_641 = arith.index_cast %multiple_of3A_479 : i32 to index
        %get3A_642 = tpu.vector_load %arg6[%get3A_638, %get3A_639, %get3A_640, %get3A_641] {strides = array<i32>} : memref<3x8x8x512xf32, #tpu.memory_space<vmem>>, vector<16xf32>,
        %get3A_643 = arith.constant 2 : i32
        %get3A_644 = arith.constant 1 : i32
        %get3A_645 = arith.constant 2 : i32
        %get3A_646 = arith.index_cast %get3A_643 : i32 to index
        %get3A_647 = arith.index_cast %get3A_644 : i32 to index
        %get3A_648 = arith.index_cast %get3A_645 : i32 to index
        %get3A_649 = arith.index_cast %multiple_of3A_479 : i32 to index
        %get3A_650 = tpu.vector_load %arg6[%get3A_646, %get3A_647, %get3A_648, %get3A_649] {strides = array<i32>} : memref<3x8x8x512xf32, #tpu.memory_space<vmem>>, vector<16xf32>,
        %add3A_651 = arith.addf %get3A_642, %get3A_650 : vector<16xf32>
        %get3A_652 = arith.constant 2 : i32
        %get3A_653 = arith.constant 2 : i32
        %get3A_654 = arith.constant 2 : i32
        %get3A_655 = arith.index_cast %get3A_652 : i32 to index
        %get3A_656 = arith.index_cast %get3A_653 : i32 to index
        %get3A_657 = arith.index_cast %get3A_654 : i32 to index
        %get3A_658 = arith.index_cast %multiple_of3A_479 : i32 to index
        %get3A_659 = tpu.vector_load %arg6[%get3A_655, %get3A_656, %get3A_657, %get3A_658] {strides = array<i32>} : memref<3x8x8x512xf32, #tpu.memory_space<vmem>>, vector<16xf32>,
        %add3A_660 = arith.addf %add3A_651, %get3A_659 : vector<16xf32>
        %get3A_661 = arith.constant 2 : i32
        %get3A_662 = arith.constant 3 : i32
        %get3A_663 = arith.constant 2 : i32
        %get3A_664 = arith.index_cast %get3A_661 : i32 to index
        %get3A_665 = arith.index_cast %get3A_662 : i32 to index
        %get3A_666 = arith.index_cast %get3A_663 : i32 to index
        %get3A_667 = arith.index_cast %multiple_of3A_479 : i32 to index
        %get3A_668 = tpu.vector_load %arg6[%get3A_664, %get3A_665, %get3A_666, %get3A_667] {strides = array<i32>} : memref<3x8x8x512xf32, #tpu.memory_space<vmem>>, vector<16xf32>,
        %add3A_669 = arith.addf %add3A_660, %get3A_668 : vector<16xf32>
        %get3A_670 = arith.constant 2 : i32
        %get3A_671 = arith.constant 4 : i32
        %get3A_672 = arith.constant 2 : i32
        %get3A_673 = arith.index_cast %get3A_670 : i32 to index
        %get3A_674 = arith.index_cast %get3A_671 : i32 to index
        %get3A_675 = arith.index_cast %get3A_672 : i32 to index
        %get3A_676 = arith.index_cast %multiple_of3A_479 : i32 to index
        %get3A_677 = tpu.vector_load %arg6[%get3A_673, %get3A_674, %get3A_675, %get3A_676] {strides = array<i32>} : memref<3x8x8x512xf32, #tpu.memory_space<vmem>>, vector<16xf32>,
        %add3A_678 = arith.addf %add3A_669, %get3A_677 : vector<16xf32>
        %get3A_679 = arith.constant 2 : i32
        %get3A_680 = arith.constant 5 : i32
        %get3A_681 = arith.constant 2 : i32
        %get3A_682 = arith.index_cast %get3A_679 : i32 to index
        %get3A_683 = arith.index_cast %get3A_680 : i32 to index
        %get3A_684 = arith.index_cast %get3A_681 : i32 to index
        %get3A_685 = arith.index_cast %multiple_of3A_479 : i32 to index
        %get3A_686 = tpu.vector_load %arg6[%get3A_682, %get3A_683, %get3A_684, %get3A_685] {strides = array<i32>} : memref<3x8x8x512xf32, #tpu.memory_space<vmem>>, vector<16xf32>,
        %add3A_687 = arith.addf %add3A_678, %get3A_686 : vector<16xf32>
        %get3A_688 = arith.constant 2 : i32
        %get3A_689 = arith.constant 6 : i32
        %get3A_690 = arith.constant 2 : i32
        %get3A_691 = arith.index_cast %get3A_688 : i32 to index
        %get3A_692 = arith.index_cast %get3A_689 : i32 to index
        %get3A_693 = arith.index_cast %get3A_690 : i32 to index
        %get3A_694 = arith.index_cast %multiple_of3A_479 : i32 to index
        %get3A_695 = tpu.vector_load %arg6[%get3A_691, %get3A_692, %get3A_693, %get3A_694] {strides = array<i32>} : memref<3x8x8x512xf32, #tpu.memory_space<vmem>>, vector<16xf32>,
        %add3A_696 = arith.addf %add3A_687, %get3A_695 : vector<16xf32>
        %get3A_697 = arith.constant 2 : i32
        %get3A_698 = arith.constant 7 : i32
        %get3A_699 = arith.constant 2 : i32
        %get3A_700 = arith.index_cast %get3A_697 : i32 to index
        %get3A_701 = arith.index_cast %get3A_698 : i32 to index
        %get3A_702 = arith.index_cast %get3A_699 : i32 to index
        %get3A_703 = arith.index_cast %multiple_of3A_479 : i32 to index
        %get3A_704 = tpu.vector_load %arg6[%get3A_700, %get3A_701, %get3A_702, %get3A_703] {strides = array<i32>} : memref<3x8x8x512xf32, #tpu.memory_space<vmem>>, vector<16xf32>,
        %add3A_705 = arith.addf %add3A_696, %get3A_704 : vector<16xf32>
        %mul3A_706 = arith.constant 1.250000e-01 : f32
        %mul3A_707 = vector.broadcast %mul3A_706 : f32 to vector<16xf32>
        %mul3A_708 = arith.mulf %add3A_705, %mul3A_707 : vector<16xf32>
        %swap3A_709 = arith.constant 2 : i32
        %swap3A_710 = arith.index_cast %swap3A_709 : i32 to index
        %swap3A_711 = arith.index_cast %multiple_of3A_479 : i32 to index
        %swap3A_712 = tpu.vector_load %arg7[%swap3A_710, %swap3A_711] {strides = array<i32>} : memref<8x512xf32, #tpu.memory_space<vmem>>, vector<16xf32>,
        tpu.vector_store %arg7[%swap3A_710, %swap3A_711], %mul3A_708 {strides = array<i32>} : memref<8x512xf32, #tpu.memory_space<vmem>>, vector<16xf32>,
        %get3A_713 = arith.constant 2 : i32
        %get3A_714 = arith.constant 0 : i32
        %get3A_715 = arith.constant 3 : i32
        %get3A_716 = arith.index_cast %get3A_713 : i32 to index
        %get3A_717 = arith.index_cast %get3A_714 : i32 to index
        %get3A_718 = arith.index_cast %get3A_715 : i32 to index
        %get3A_719 = arith.index_cast %multiple_of3A_479 : i32 to index
        %get3A_720 = tpu.vector_load %arg6[%get3A_716, %get3A_717, %get3A_718, %get3A_719] {strides = array<i32>} : memref<3x8x8x512xf32, #tpu.memory_space<vmem>>, vector<16xf32>,
        %get3A_721 = arith.constant 2 : i32
        %get3A_722 = arith.constant 1 : i32
        %get3A_723 = arith.constant 3 : i32
        %get3A_724 = arith.index_cast %get3A_721 : i32 to index
        %get3A_725 = arith.index_cast %get3A_722 : i32 to index
        %get3A_726 = arith.index_cast %get3A_723 : i32 to index
        %get3A_727 = arith.index_cast %multiple_of3A_479 : i32 to index
        %get3A_728 = tpu.vector_load %arg6[%get3A_724, %get3A_725, %get3A_726, %get3A_727] {strides = array<i32>} : memref<3x8x8x512xf32, #tpu.memory_space<vmem>>, vector<16xf32>,
        %add3A_729 = arith.addf %get3A_720, %get3A_728 : vector<16xf32>
        %get3A_730 = arith.constant 2 : i32
        %get3A_731 = arith.constant 2 : i32
        %get3A_732 = arith.constant 3 : i32
        %get3A_733 = arith.index_cast %get3A_730 : i32 to index
        %get3A_734 = arith.index_cast %get3A_731 : i32 to index
        %get3A_735 = arith.index_cast %get3A_732 : i32 to index
        %get3A_736 = arith.index_cast %multiple_of3A_479 : i32 to index
        %get3A_737 = tpu.vector_load %arg6[%get3A_733, %get3A_734, %get3A_735, %get3A_736] {strides = array<i32>} : memref<3x8x8x512xf32, #tpu.memory_space<vmem>>, vector<16xf32>,
        %add3A_738 = arith.addf %add3A_729, %get3A_737 : vector<16xf32>
        %get3A_739 = arith.constant 2 : i32
        %get3A_740 = arith.constant 3 : i32
        %get3A_741 = arith.constant 3 : i32
        %get3A_742 = arith.index_cast %get3A_739 : i32 to index
        %get3A_743 = arith.index_cast %get3A_740 : i32 to index
        %get3A_744 = arith.index_cast %get3A_741 : i32 to index
        %get3A_745 = arith.index_cast %multiple_of3A_479 : i32 to index
        %get3A_746 = tpu.vector_load %arg6[%get3A_742, %get3A_743, %get3A_744, %get3A_745] {strides = array<i32>} : memref<3x8x8x512xf32, #tpu.memory_space<vmem>>, vector<16xf32>,
        %add3A_747 = arith.addf %add3A_738, %get3A_746 : vector<16xf32>
        %get3A_748 = arith.constant 2 : i32
        %get3A_749 = arith.constant 4 : i32
        %get3A_750 = arith.constant 3 : i32
        %get3A_751 = arith.index_cast %get3A_748 : i32 to index
        %get3A_752 = arith.index_cast %get3A_749 : i32 to index
        %get3A_753 = arith.index_cast %get3A_750 : i32 to index
        %get3A_754 = arith.index_cast %multiple_of3A_479 : i32 to index
        %get3A_755 = tpu.vector_load %arg6[%get3A_751, %get3A_752, %get3A_753, %get3A_754] {strides = array<i32>} : memref<3x8x8x512xf32, #tpu.memory_space<vmem>>, vector<16xf32>,
        %add3A_756 = arith.addf %add3A_747, %get3A_755 : vector<16xf32>
        %get3A_757 = arith.constant 2 : i32
        %get3A_758 = arith.constant 5 : i32
        %get3A_759 = arith.constant 3 : i32
        %get3A_760 = arith.index_cast %get3A_757 : i32 to index
        %get3A_761 = arith.index_cast %get3A_758 : i32 to index
        %get3A_762 = arith.index_cast %get3A_759 : i32 to index
        %get3A_763 = arith.index_cast %multiple_of3A_479 : i32 to index
        %get3A_764 = tpu.vector_load %arg6[%get3A_760, %get3A_761, %get3A_762, %get3A_763] {strides = array<i32>} : memref<3x8x8x512xf32, #tpu.memory_space<vmem>>, vector<16xf32>,
        %add3A_765 = arith.addf %add3A_756, %get3A_764 : vector<16xf32>
        %get3A_766 = arith.constant 2 : i32
        %get3A_767 = arith.constant 6 : i32
        %get3A_768 = arith.constant 3 : i32
        %get3A_769 = arith.index_cast %get3A_766 : i32 to index
        %get3A_770 = arith.index_cast %get3A_767 : i32 to index
        %get3A_771 = arith.index_cast %get3A_768 : i32 to index
        %get3A_772 = arith.index_cast %multiple_of3A_479 : i32 to index
        %get3A_773 = tpu.vector_load %arg6[%get3A_769, %get3A_770, %get3A_771, %get3A_772] {strides = array<i32>} : memref<3x8x8x512xf32, #tpu.memory_space<vmem>>, vector<16xf32>,
        %add3A_774 = arith.addf %add3A_765, %get3A_773 : vector<16xf32>
        %get3A_775 = arith.constant 2 : i32
        %get3A_776 = arith.constant 7 : i32
        %get3A_777 = arith.constant 3 : i32
        %get3A_778 = arith.index_cast %get3A_775 : i32 to index
        %get3A_779 = arith.index_cast %get3A_776 : i32 to index
        %get3A_780 = arith.index_cast %get3A_777 : i32 to index
        %get3A_781 = arith.index_cast %multiple_of3A_479 : i32 to index
        %get3A_782 = tpu.vector_load %arg6[%get3A_778, %get3A_779, %get3A_780, %get3A_781] {strides = array<i32>} : memref<3x8x8x512xf32, #tpu.memory_space<vmem>>, vector<16xf32>,
        %add3A_783 = arith.addf %add3A_774, %get3A_782 : vector<16xf32>
        %mul3A_784 = arith.constant 1.250000e-01 : f32
        %mul3A_785 = vector.broadcast %mul3A_784 : f32 to vector<16xf32>
        %mul3A_786 = arith.mulf %add3A_783, %mul3A_785 : vector<16xf32>
        %swap3A_787 = arith.constant 3 : i32
        %swap3A_788 = arith.index_cast %swap3A_787 : i32 to index
        %swap3A_789 = arith.index_cast %multiple_of3A_479 : i32 to index
        %swap3A_790 = tpu.vector_load %arg7[%swap3A_788, %swap3A_789] {strides = array<i32>} : memref<8x512xf32, #tpu.memory_space<vmem>>, vector<16xf32>,
        tpu.vector_store %arg7[%swap3A_788, %swap3A_789], %mul3A_786 {strides = array<i32>} : memref<8x512xf32, #tpu.memory_space<vmem>>, vector<16xf32>,
        %get3A_791 = arith.constant 2 : i32
        %get3A_792 = arith.constant 0 : i32
        %get3A_793 = arith.constant 4 : i32
        %get3A_794 = arith.index_cast %get3A_791 : i32 to index
        %get3A_795 = arith.index_cast %get3A_792 : i32 to index
        %get3A_796 = arith.index_cast %get3A_793 : i32 to index
        %get3A_797 = arith.index_cast %multiple_of3A_479 : i32 to index
        %get3A_798 = tpu.vector_load %arg6[%get3A_794, %get3A_795, %get3A_796, %get3A_797] {strides = array<i32>} : memref<3x8x8x512xf32, #tpu.memory_space<vmem>>, vector<16xf32>,
        %get3A_799 = arith.constant 2 : i32
        %get3A_800 = arith.constant 1 : i32
        %get3A_801 = arith.constant 4 : i32
        %get3A_802 = arith.index_cast %get3A_799 : i32 to index
        %get3A_803 = arith.index_cast %get3A_800 : i32 to index
        %get3A_804 = arith.index_cast %get3A_801 : i32 to index
        %get3A_805 = arith.index_cast %multiple_of3A_479 : i32 to index
        %get3A_806 = tpu.vector_load %arg6[%get3A_802, %get3A_803, %get3A_804, %get3A_805] {strides = array<i32>} : memref<3x8x8x512xf32, #tpu.memory_space<vmem>>, vector<16xf32>,
        %add3A_807 = arith.addf %get3A_798, %get3A_806 : vector<16xf32>
        %get3A_808 = arith.constant 2 : i32
        %get3A_809 = arith.constant 2 : i32
        %get3A_810 = arith.constant 4 : i32
        %get3A_811 = arith.index_cast %get3A_808 : i32 to index
        %get3A_812 = arith.index_cast %get3A_809 : i32 to index
        %get3A_813 = arith.index_cast %get3A_810 : i32 to index
        %get3A_814 = arith.index_cast %multiple_of3A_479 : i32 to index
        %get3A_815 = tpu.vector_load %arg6[%get3A_811, %get3A_812, %get3A_813, %get3A_814] {strides = array<i32>} : memref<3x8x8x512xf32, #tpu.memory_space<vmem>>, vector<16xf32>,
        %add3A_816 = arith.addf %add3A_807, %get3A_815 : vector<16xf32>
        %get3A_817 = arith.constant 2 : i32
        %get3A_818 = arith.constant 3 : i32
        %get3A_819 = arith.constant 4 : i32
        %get3A_820 = arith.index_cast %get3A_817 : i32 to index
        %get3A_821 = arith.index_cast %get3A_818 : i32 to index
        %get3A_822 = arith.index_cast %get3A_819 : i32 to index
        %get3A_823 = arith.index_cast %multiple_of3A_479 : i32 to index
        %get3A_824 = tpu.vector_load %arg6[%get3A_820, %get3A_821, %get3A_822, %get3A_823] {strides = array<i32>} : memref<3x8x8x512xf32, #tpu.memory_space<vmem>>, vector<16xf32>,
        %add3A_825 = arith.addf %add3A_816, %get3A_824 : vector<16xf32>
        %get3A_826 = arith.constant 2 : i32
        %get3A_827 = arith.constant 4 : i32
        %get3A_828 = arith.constant 4 : i32
        %get3A_829 = arith.index_cast %get3A_826 : i32 to index
        %get3A_830 = arith.index_cast %get3A_827 : i32 to index
        %get3A_831 = arith.index_cast %get3A_828 : i32 to index
        %get3A_832 = arith.index_cast %multiple_of3A_479 : i32 to index
        %get3A_833 = tpu.vector_load %arg6[%get3A_829, %get3A_830, %get3A_831, %get3A_832] {strides = array<i32>} : memref<3x8x8x512xf32, #tpu.memory_space<vmem>>, vector<16xf32>,
        %add3A_834 = arith.addf %add3A_825, %get3A_833 : vector<16xf32>
        %get3A_835 = arith.constant 2 : i32
        %get3A_836 = arith.constant 5 : i32
        %get3A_837 = arith.constant 4 : i32
        %get3A_838 = arith.index_cast %get3A_835 : i32 to index
        %get3A_839 = arith.index_cast %get3A_836 : i32 to index
        %get3A_840 = arith.index_cast %get3A_837 : i32 to index
        %get3A_841 = arith.index_cast %multiple_of3A_479 : i32 to index
        %get3A_842 = tpu.vector_load %arg6[%get3A_838, %get3A_839, %get3A_840, %get3A_841] {strides = array<i32>} : memref<3x8x8x512xf32, #tpu.memory_space<vmem>>, vector<16xf32>,
        %add3A_843 = arith.addf %add3A_834, %get3A_842 : vector<16xf32>
        %get3A_844 = arith.constant 2 : i32
        %get3A_845 = arith.constant 6 : i32
        %get3A_846 = arith.constant 4 : i32
        %get3A_847 = arith.index_cast %get3A_844 : i32 to index
        %get3A_848 = arith.index_cast %get3A_845 : i32 to index
        %get3A_849 = arith.index_cast %get3A_846 : i32 to index
        %get3A_850 = arith.index_cast %multiple_of3A_479 : i32 to index
        %get3A_851 = tpu.vector_load %arg6[%get3A_847, %get3A_848, %get3A_849, %get3A_850] {strides = array<i32>} : memref<3x8x8x512xf32, #tpu.memory_space<vmem>>, vector<16xf32>,
        %add3A_852 = arith.addf %add3A_843, %get3A_851 : vector<16xf32>
        %get3A_853 = arith.constant 2 : i32
        %get3A_854 = arith.constant 7 : i32
        %get3A_855 = arith.constant 4 : i32
        %get3A_856 = arith.index_cast %get3A_853 : i32 to index
        %get3A_857 = arith.index_cast %get3A_854 : i32 to index
        %get3A_858 = arith.index_cast %get3A_855 : i32 to index
        %get3A_859 = arith.index_cast %multiple_of3A_479 : i32 to index
        %get3A_860 = tpu.vector_load %arg6[%get3A_856, %get3A_857, %get3A_858, %get3A_859] {strides = array<i32>} : memref<3x8x8x512xf32, #tpu.memory_space<vmem>>, vector<16xf32>,
        %add3A_861 = arith.addf %add3A_852, %get3A_860 : vector<16xf32>
        %mul3A_862 = arith.constant 1.250000e-01 : f32
        %mul3A_863 = vector.broadcast %mul3A_862 : f32 to vector<16xf32>
        %mul3A_864 = arith.mulf %add3A_861, %mul3A_863 : vector<16xf32>
        %swap3A_865 = arith.constant 4 : i32
        %swap3A_866 = arith.index_cast %swap3A_865 : i32 to index
        %swap3A_867 = arith.index_cast %multiple_of3A_479 : i32 to index
        %swap3A_868 = tpu.vector_load %arg7[%swap3A_866, %swap3A_867] {strides = array<i32>} : memref<8x512xf32, #tpu.memory_space<vmem>>, vector<16xf32>,
        tpu.vector_store %arg7[%swap3A_866, %swap3A_867], %mul3A_864 {strides = array<i32>} : memref<8x512xf32, #tpu.memory_space<vmem>>, vector<16xf32>,
        %get3A_869 = arith.constant 2 : i32
        %get3A_870 = arith.constant 0 : i32
        %get3A_871 = arith.constant 5 : i32
        %get3A_872 = arith.index_cast %get3A_869 : i32 to index
        %get3A_873 = arith.index_cast %get3A_870 : i32 to index
        %get3A_874 = arith.index_cast %get3A_871 : i32 to index
        %get3A_875 = arith.index_cast %multiple_of3A_479 : i32 to index
        %get3A_876 = tpu.vector_load %arg6[%get3A_872, %get3A_873, %get3A_874, %get3A_875] {strides = array<i32>} : memref<3x8x8x512xf32, #tpu.memory_space<vmem>>, vector<16xf32>,
        %get3A_877 = arith.constant 2 : i32
        %get3A_878 = arith.constant 1 : i32
        %get3A_879 = arith.constant 5 : i32
        %get3A_880 = arith.index_cast %get3A_877 : i32 to index
        %get3A_881 = arith.index_cast %get3A_878 : i32 to index
        %get3A_882 = arith.index_cast %get3A_879 : i32 to index
        %get3A_883 = arith.index_cast %multiple_of3A_479 : i32 to index
        %get3A_884 = tpu.vector_load %arg6[%get3A_880, %get3A_881, %get3A_882, %get3A_883] {strides = array<i32>} : memref<3x8x8x512xf32, #tpu.memory_space<vmem>>, vector<16xf32>,
        %add3A_885 = arith.addf %get3A_876, %get3A_884 : vector<16xf32>
        %get3A_886 = arith.constant 2 : i32
        %get3A_887 = arith.constant 2 : i32
        %get3A_888 = arith.constant 5 : i32
        %get3A_889 = arith.index_cast %get3A_886 : i32 to index
        %get3A_890 = arith.index_cast %get3A_887 : i32 to index
        %get3A_891 = arith.index_cast %get3A_888 : i32 to index
        %get3A_892 = arith.index_cast %multiple_of3A_479 : i32 to index
        %get3A_893 = tpu.vector_load %arg6[%get3A_889, %get3A_890, %get3A_891, %get3A_892] {strides = array<i32>} : memref<3x8x8x512xf32, #tpu.memory_space<vmem>>, vector<16xf32>,
        %add3A_894 = arith.addf %add3A_885, %get3A_893 : vector<16xf32>
        %get3A_895 = arith.constant 2 : i32
        %get3A_896 = arith.constant 3 : i32
        %get3A_897 = arith.constant 5 : i32
        %get3A_898 = arith.index_cast %get3A_895 : i32 to index
        %get3A_899 = arith.index_cast %get3A_896 : i32 to index
        %get3A_900 = arith.index_cast %get3A_897 : i32 to index
        %get3A_901 = arith.index_cast %multiple_of3A_479 : i32 to index
        %get3A_902 = tpu.vector_load %arg6[%get3A_898, %get3A_899, %get3A_900, %get3A_901] {strides = array<i32>} : memref<3x8x8x512xf32, #tpu.memory_space<vmem>>, vector<16xf32>,
        %add3A_903 = arith.addf %add3A_894, %get3A_902 : vector<16xf32>
        %get3A_904 = arith.constant 2 : i32
        %get3A_905 = arith.constant 4 : i32
        %get3A_906 = arith.constant 5 : i32
        %get3A_907 = arith.index_cast %get3A_904 : i32 to index
        %get3A_908 = arith.index_cast %get3A_905 : i32 to index
        %get3A_909 = arith.index_cast %get3A_906 : i32 to index
        %get3A_910 = arith.index_cast %multiple_of3A_479 : i32 to index
        %get3A_911 = tpu.vector_load %arg6[%get3A_907, %get3A_908, %get3A_909, %get3A_910] {strides = array<i32>} : memref<3x8x8x512xf32, #tpu.memory_space<vmem>>, vector<16xf32>,
        %add3A_912 = arith.addf %add3A_903, %get3A_911 : vector<16xf32>
        %get3A_913 = arith.constant 2 : i32
        %get3A_914 = arith.constant 5 : i32
        %get3A_915 = arith.constant 5 : i32
        %get3A_916 = arith.index_cast %get3A_913 : i32 to index
        %get3A_917 = arith.index_cast %get3A_914 : i32 to index
        %get3A_918 = arith.index_cast %get3A_915 : i32 to index
        %get3A_919 = arith.index_cast %multiple_of3A_479 : i32 to index
        %get3A_920 = tpu.vector_load %arg6[%get3A_916, %get3A_917, %get3A_918, %get3A_919] {strides = array<i32>} : memref<3x8x8x512xf32, #tpu.memory_space<vmem>>, vector<16xf32>,
        %add3A_921 = arith.addf %add3A_912, %get3A_920 : vector<16xf32>
        %get3A_922 = arith.constant 2 : i32
        %get3A_923 = arith.constant 6 : i32
        %get3A_924 = arith.constant 5 : i32
        %get3A_925 = arith.index_cast %get3A_922 : i32 to index
        %get3A_926 = arith.index_cast %get3A_923 : i32 to index
        %get3A_927 = arith.index_cast %get3A_924 : i32 to index
        %get3A_928 = arith.index_cast %multiple_of3A_479 : i32 to index
        %get3A_929 = tpu.vector_load %arg6[%get3A_925, %get3A_926, %get3A_927, %get3A_928] {strides = array<i32>} : memref<3x8x8x512xf32, #tpu.memory_space<vmem>>, vector<16xf32>,
        %add3A_930 = arith.addf %add3A_921, %get3A_929 : vector<16xf32>
        %get3A_931 = arith.constant 2 : i32
        %get3A_932 = arith.constant 7 : i32
        %get3A_933 = arith.constant 5 : i32
        %get3A_934 = arith.index_cast %get3A_931 : i32 to index
        %get3A_935 = arith.index_cast %get3A_932 : i32 to index
        %get3A_936 = arith.index_cast %get3A_933 : i32 to index
        %get3A_937 = arith.index_cast %multiple_of3A_479 : i32 to index
        %get3A_938 = tpu.vector_load %arg6[%get3A_934, %get3A_935, %get3A_936, %get3A_937] {strides = array<i32>} : memref<3x8x8x512xf32, #tpu.memory_space<vmem>>, vector<16xf32>,
        %add3A_939 = arith.addf %add3A_930, %get3A_938 : vector<16xf32>
        %mul3A_940 = arith.constant 1.250000e-01 : f32
        %mul3A_941 = vector.broadcast %mul3A_940 : f32 to vector<16xf32>
        %mul3A_942 = arith.mulf %add3A_939, %mul3A_941 : vector<16xf32>
        %swap3A_943 = arith.constant 5 : i32
        %swap3A_944 = arith.index_cast %swap3A_943 : i32 to index
        %swap3A_945 = arith.index_cast %multiple_of3A_479 : i32 to index
        %swap3A_946 = tpu.vector_load %arg7[%swap3A_944, %swap3A_945] {strides = array<i32>} : memref<8x512xf32, #tpu.memory_space<vmem>>, vector<16xf32>,
        tpu.vector_store %arg7[%swap3A_944, %swap3A_945], %mul3A_942 {strides = array<i32>} : memref<8x512xf32, #tpu.memory_space<vmem>>, vector<16xf32>,
        %get3A_947 = arith.constant 2 : i32
        %get3A_948 = arith.constant 0 : i32
        %get3A_949 = arith.constant 6 : i32
        %get3A_950 = arith.index_cast %get3A_947 : i32 to index
        %get3A_951 = arith.index_cast %get3A_948 : i32 to index
        %get3A_952 = arith.index_cast %get3A_949 : i32 to index
        %get3A_953 = arith.index_cast %multiple_of3A_479 : i32 to index
        %get3A_954 = tpu.vector_load %arg6[%get3A_950, %get3A_951, %get3A_952, %get3A_953] {strides = array<i32>} : memref<3x8x8x512xf32, #tpu.memory_space<vmem>>, vector<16xf32>,
        %get3A_955 = arith.constant 2 : i32
        %get3A_956 = arith.constant 1 : i32
        %get3A_957 = arith.constant 6 : i32
        %get3A_958 = arith.index_cast %get3A_955 : i32 to index
        %get3A_959 = arith.index_cast %get3A_956 : i32 to index
        %get3A_960 = arith.index_cast %get3A_957 : i32 to index
        %get3A_961 = arith.index_cast %multiple_of3A_479 : i32 to index
        %get3A_962 = tpu.vector_load %arg6[%get3A_958, %get3A_959, %get3A_960, %get3A_961] {strides = array<i32>} : memref<3x8x8x512xf32, #tpu.memory_space<vmem>>, vector<16xf32>,
        %add3A_963 = arith.addf %get3A_954, %get3A_962 : vector<16xf32>
        %get3A_964 = arith.constant 2 : i32
        %get3A_965 = arith.constant 2 : i32
        %get3A_966 = arith.constant 6 : i32
        %get3A_967 = arith.index_cast %get3A_964 : i32 to index
        %get3A_968 = arith.index_cast %get3A_965 : i32 to index
        %get3A_969 = arith.index_cast %get3A_966 : i32 to index
        %get3A_970 = arith.index_cast %multiple_of3A_479 : i32 to index
        %get3A_971 = tpu.vector_load %arg6[%get3A_967, %get3A_968, %get3A_969, %get3A_970] {strides = array<i32>} : memref<3x8x8x512xf32, #tpu.memory_space<vmem>>, vector<16xf32>,
        %add3A_972 = arith.addf %add3A_963, %get3A_971 : vector<16xf32>
        %get3A_973 = arith.constant 2 : i32
        %get3A_974 = arith.constant 3 : i32
        %get3A_975 = arith.constant 6 : i32
        %get3A_976 = arith.index_cast %get3A_973 : i32 to index
        %get3A_977 = arith.index_cast %get3A_974 : i32 to index
        %get3A_978 = arith.index_cast %get3A_975 : i32 to index
        %get3A_979 = arith.index_cast %multiple_of3A_479 : i32 to index
        %get3A_980 = tpu.vector_load %arg6[%get3A_976, %get3A_977, %get3A_978, %get3A_979] {strides = array<i32>} : memref<3x8x8x512xf32, #tpu.memory_space<vmem>>, vector<16xf32>,
        %add3A_981 = arith.addf %add3A_972, %get3A_980 : vector<16xf32>
        %get3A_982 = arith.constant 2 : i32
        %get3A_983 = arith.constant 4 : i32
        %get3A_984 = arith.constant 6 : i32
        %get3A_985 = arith.index_cast %get3A_982 : i32 to index
        %get3A_986 = arith.index_cast %get3A_983 : i32 to index
        %get3A_987 = arith.index_cast %get3A_984 : i32 to index
        %get3A_988 = arith.index_cast %multiple_of3A_479 : i32 to index
        %get3A_989 = tpu.vector_load %arg6[%get3A_985, %get3A_986, %get3A_987, %get3A_988] {strides = array<i32>} : memref<3x8x8x512xf32, #tpu.memory_space<vmem>>, vector<16xf32>,
        %add3A_990 = arith.addf %add3A_981, %get3A_989 : vector<16xf32>
        %get3A_991 = arith.constant 2 : i32
        %get3A_992 = arith.constant 5 : i32
        %get3A_993 = arith.constant 6 : i32
        %get3A_994 = arith.index_cast %get3A_991 : i32 to index
        %get3A_995 = arith.index_cast %get3A_992 : i32 to index
        %get3A_996 = arith.index_cast %get3A_993 : i32 to index
        %get3A_997 = arith.index_cast %multiple_of3A_479 : i32 to index
        %get3A_998 = tpu.vector_load %arg6[%get3A_994, %get3A_995, %get3A_996, %get3A_997] {strides = array<i32>} : memref<3x8x8x512xf32, #tpu.memory_space<vmem>>, vector<16xf32>,
        %add3A_999 = arith.addf %add3A_990, %get3A_998 : vector<16xf32>
        %get3A_1000 = arith.constant 2 : i32
        %get3A_1001 = arith.constant 6 : i32
        %get3A_1002 = arith.constant 6 : i32
        %get3A_1003 = arith.index_cast %get3A_1000 : i32 to index
        %get3A_1004 = arith.index_cast %get3A_1001 : i32 to index
        %get3A_1005 = arith.index_cast %get3A_1002 : i32 to index
        %get3A_1006 = arith.index_cast %multiple_of3A_479 : i32 to index
        %get3A_1007 = tpu.vector_load %arg6[%get3A_1003, %get3A_1004, %get3A_1005, %get3A_1006] {strides = array<i32>} : memref<3x8x8x512xf32, #tpu.memory_space<vmem>>, vector<16xf32>,
        %add3A_1008 = arith.addf %add3A_999, %get3A_1007 : vector<16xf32>
        %get3A_1009 = arith.constant 2 : i32
        %get3A_1010 = arith.constant 7 : i32
        %get3A_1011 = arith.constant 6 : i32
        %get3A_1012 = arith.index_cast %get3A_1009 : i32 to index
        %get3A_1013 = arith.index_cast %get3A_1010 : i32 to index
        %get3A_1014 = arith.index_cast %get3A_1011 : i32 to index
        %get3A_1015 = arith.index_cast %multiple_of3A_479 : i32 to index
        %get3A_1016 = tpu.vector_load %arg6[%get3A_1012, %get3A_1013, %get3A_1014, %get3A_1015] {strides = array<i32>} : memref<3x8x8x512xf32, #tpu.memory_space<vmem>>, vector<16xf32>,
        %add3A_1017 = arith.addf %add3A_1008, %get3A_1016 : vector<16xf32>
        %mul3A_1018 = arith.constant 1.250000e-01 : f32
        %mul3A_1019 = vector.broadcast %mul3A_1018 : f32 to vector<16xf32>
        %mul3A_1020 = arith.mulf %add3A_1017, %mul3A_1019 : vector<16xf32>
        %swap3A_1021 = arith.constant 6 : i32
        %swap3A_1022 = arith.index_cast %swap3A_1021 : i32 to index
        %swap3A_1023 = arith.index_cast %multiple_of3A_479 : i32 to index
        %swap3A_1024 = tpu.vector_load %arg7[%swap3A_1022, %swap3A_1023] {strides = array<i32>} : memref<8x512xf32, #tpu.memory_space<vmem>>, vector<16xf32>,
        tpu.vector_store %arg7[%swap3A_1022, %swap3A_1023], %mul3A_1020 {strides = array<i32>} : memref<8x512xf32, #tpu.memory_space<vmem>>, vector<16xf32>,
        %get3A_1025 = arith.constant 2 : i32
        %get3A_1026 = arith.constant 0 : i32
        %get3A_1027 = arith.constant 7 : i32
        %get3A_1028 = arith.index_cast %get3A_1025 : i32 to index
        %get3A_1029 = arith.index_cast %get3A_1026 : i32 to index
        %get3A_1030 = arith.index_cast %get3A_1027 : i32 to index
        %get3A_1031 = arith.index_cast %multiple_of3A_479 : i32 to index
        %get3A_1032 = tpu.vector_load %arg6[%get3A_1028, %get3A_1029, %get3A_1030, %get3A_1031] {strides = array<i32>} : memref<3x8x8x512xf32, #tpu.memory_space<vmem>>, vector<16xf32>,
        %get3A_1033 = arith.constant 2 : i32
        %get3A_1034 = arith.constant 1 : i32
        %get3A_1035 = arith.constant 7 : i32
        %get3A_1036 = arith.index_cast %get3A_1033 : i32 to index
        %get3A_1037 = arith.index_cast %get3A_1034 : i32 to index
        %get3A_1038 = arith.index_cast %get3A_1035 : i32 to index
        %get3A_1039 = arith.index_cast %multiple_of3A_479 : i32 to index
        %get3A_1040 = tpu.vector_load %arg6[%get3A_1036, %get3A_1037, %get3A_1038, %get3A_1039] {strides = array<i32>} : memref<3x8x8x512xf32, #tpu.memory_space<vmem>>, vector<16xf32>,
        %add3A_1041 = arith.addf %get3A_1032, %get3A_1040 : vector<16xf32>
        %get3A_1042 = arith.constant 2 : i32
        %get3A_1043 = arith.constant 2 : i32
        %get3A_1044 = arith.constant 7 : i32
        %get3A_1045 = arith.index_cast %get3A_1042 : i32 to index
        %get3A_1046 = arith.index_cast %get3A_1043 : i32 to index
        %get3A_1047 = arith.index_cast %get3A_1044 : i32 to index
        %get3A_1048 = arith.index_cast %multiple_of3A_479 : i32 to index
        %get3A_1049 = tpu.vector_load %arg6[%get3A_1045, %get3A_1046, %get3A_1047, %get3A_1048] {strides = array<i32>} : memref<3x8x8x512xf32, #tpu.memory_space<vmem>>, vector<16xf32>,
        %add3A_1050 = arith.addf %add3A_1041, %get3A_1049 : vector<16xf32>
        %get3A_1051 = arith.constant 2 : i32
        %get3A_1052 = arith.constant 3 : i32
        %get3A_1053 = arith.constant 7 : i32
        %get3A_1054 = arith.index_cast %get3A_1051 : i32 to index
        %get3A_1055 = arith.index_cast %get3A_1052 : i32 to index
        %get3A_1056 = arith.index_cast %get3A_1053 : i32 to index
        %get3A_1057 = arith.index_cast %multiple_of3A_479 : i32 to index
        %get3A_1058 = tpu.vector_load %arg6[%get3A_1054, %get3A_1055, %get3A_1056, %get3A_1057] {strides = array<i32>} : memref<3x8x8x512xf32, #tpu.memory_space<vmem>>, vector<16xf32>,
        %add3A_1059 = arith.addf %add3A_1050, %get3A_1058 : vector<16xf32>
        %get3A_1060 = arith.constant 2 : i32
        %get3A_1061 = arith.constant 4 : i32
        %get3A_1062 = arith.constant 7 : i32
        %get3A_1063 = arith.index_cast %get3A_1060 : i32 to index
        %get3A_1064 = arith.index_cast %get3A_1061 : i32 to index
        %get3A_1065 = arith.index_cast %get3A_1062 : i32 to index
        %get3A_1066 = arith.index_cast %multiple_of3A_479 : i32 to index
        %get3A_1067 = tpu.vector_load %arg6[%get3A_1063, %get3A_1064, %get3A_1065, %get3A_1066] {strides = array<i32>} : memref<3x8x8x512xf32, #tpu.memory_space<vmem>>, vector<16xf32>,
        %add3A_1068 = arith.addf %add3A_1059, %get3A_1067 : vector<16xf32>
        %get3A_1069 = arith.constant 2 : i32
        %get3A_1070 = arith.constant 5 : i32
        %get3A_1071 = arith.constant 7 : i32
        %get3A_1072 = arith.index_cast %get3A_1069 : i32 to index
        %get3A_1073 = arith.index_cast %get3A_1070 : i32 to index
        %get3A_1074 = arith.index_cast %get3A_1071 : i32 to index
        %get3A_1075 = arith.index_cast %multiple_of3A_479 : i32 to index
        %get3A_1076 = tpu.vector_load %arg6[%get3A_1072, %get3A_1073, %get3A_1074, %get3A_1075] {strides = array<i32>} : memref<3x8x8x512xf32, #tpu.memory_space<vmem>>, vector<16xf32>,
        %add3A_1077 = arith.addf %add3A_1068, %get3A_1076 : vector<16xf32>
        %get3A_1078 = arith.constant 2 : i32
        %get3A_1079 = arith.constant 6 : i32
        %get3A_1080 = arith.constant 7 : i32
        %get3A_1081 = arith.index_cast %get3A_1078 : i32 to index
        %get3A_1082 = arith.index_cast %get3A_1079 : i32 to index
        %get3A_1083 = arith.index_cast %get3A_1080 : i32 to index
        %get3A_1084 = arith.index_cast %multiple_of3A_479 : i32 to index
        %get3A_1085 = tpu.vector_load %arg6[%get3A_1081, %get3A_1082, %get3A_1083, %get3A_1084] {strides = array<i32>} : memref<3x8x8x512xf32, #tpu.memory_space<vmem>>, vector<16xf32>,
        %add3A_1086 = arith.addf %add3A_1077, %get3A_1085 : vector<16xf32>
        %get3A_1087 = arith.constant 2 : i32
        %get3A_1088 = arith.constant 7 : i32
        %get3A_1089 = arith.constant 7 : i32
        %get3A_1090 = arith.index_cast %get3A_1087 : i32 to index
        %get3A_1091 = arith.index_cast %get3A_1088 : i32 to index
        %get3A_1092 = arith.index_cast %get3A_1089 : i32 to index
        %get3A_1093 = arith.index_cast %multiple_of3A_479 : i32 to index
        %get3A_1094 = tpu.vector_load %arg6[%get3A_1090, %get3A_1091, %get3A_1092, %get3A_1093] {strides = array<i32>} : memref<3x8x8x512xf32, #tpu.memory_space<vmem>>, vector<16xf32>,
        %add3A_1095 = arith.addf %add3A_1086, %get3A_1094 : vector<16xf32>
        %mul3A_1096 = arith.constant 1.250000e-01 : f32
        %mul3A_1097 = vector.broadcast %mul3A_1096 : f32 to vector<16xf32>
        %mul3A_1098 = arith.mulf %add3A_1095, %mul3A_1097 : vector<16xf32>
        %swap3A_1099 = arith.constant 7 : i32
        %swap3A_1100 = arith.index_cast %swap3A_1099 : i32 to index
        %swap3A_1101 = arith.index_cast %multiple_of3A_479 : i32 to index
        %swap3A_1102 = tpu.vector_load %arg7[%swap3A_1100, %swap3A_1101] {strides = array<i32>} : memref<8x512xf32, #tpu.memory_space<vmem>>, vector<16xf32>,
        tpu.vector_store %arg7[%swap3A_1100, %swap3A_1101], %mul3A_1098 {strides = array<i32>} : memref<8x512xf32, #tpu.memory_space<vmem>>, vector<16xf32>,
        %scan3A_1103 = arith.constant 0 : i32
        scf.yield %scan3A_1103 : i32
      }
      %scan3A_464 = arith.constant 32 : i32
      %shift_right_arithmetic3A_465 = arith.constant 1 : i32
      %shift_right_arithmetic3A_466 = arith.shrsi %add3A_425, %shift_right_arithmetic3A_465 : i32
      %mul3A_467 = arith.constant 8 : i32
      %mul3A_468 = arith.muli %shift_right_arithmetic3A_466, %mul3A_467 : i32
      %multiple_of3A_469 = tpu.assume_multiple %mul3A_468, 8 : i32
      %and3A_470 = arith.constant 1 : i32
      %and3A_471 = arith.andi %add3A_425, %and3A_470 : i32
      %mul3A_472 = arith.constant 512 : i32
      %mul3A_473 = arith.muli %and3A_471, %mul3A_472 : i32
      %multiple_of3A_474 = tpu.assume_multiple %mul3A_473, 128 : i32
      "tpu.region"() ({
        %run_scoped3A = tpu.sem_alloc : memref<!tpu.dma_semaphore, #tpu.memory_space<semaphore_mem>>
        %dma_start3A_475 = tpu.memref_slice %arg4[%multiple_of3A_469, %multiple_of3A_474] : memref<512x1024xf32, #tpu.memory_space<hbm>> -> memref<8x512xf32, #tpu.memory_space<hbm>>
        %dma_start3A_476 = tpu.memref_slice %arg4[%multiple_of3A_469, %multiple_of3A_474] : memref<512x1024xf32, #tpu.memory_space<hbm>> -> memref<8x512xf32, #tpu.memory_space<hbm>>
        tpu.enqueue_dma source(%arg7 : memref<8x512xf32, #tpu.memory_space<vmem>>) target(%dma_start3A_476 : memref<8x512xf32, #tpu.memory_space<hbm>>) target_semaphore(%run_scoped3A : memref<!tpu.dma_semaphore, #tpu.memory_space<semaphore_mem>>)
        %dma_wait3A_477 = tpu.memref_slice %arg4[%multiple_of3A_469, %multiple_of3A_474] : memref<512x1024xf32, #tpu.memory_space<hbm>> -> memref<8x512xf32, #tpu.memory_space<hbm>>
        %dma_wait3A_478 = tpu.memref_slice %arg4[%multiple_of3A_469, %multiple_of3A_474] : memref<512x1024xf32, #tpu.memory_space<hbm>> -> memref<8x512xf32, #tpu.memory_space<hbm>>
        tpu.wait_dma2 semaphore(%run_scoped3A : memref<!tpu.dma_semaphore, #tpu.memory_space<semaphore_mem>>) src(%arg7 : memref<8x512xf32, #tpu.memory_space<vmem>>) dst(%dma_wait3A_478 : memref<8x512xf32, #tpu.memory_space<hbm>>)
        tpu.yield
      }) : () -> ()
    } else {
    }
    %add3A_431 = arith.constant 96 : i32
    %add3A_432 = arith.addi %add3A, %add3A_431 : i32
    %lt3A_433 = arith.constant 128 : i32
    %lt3A_434 = arith.cmpi slt, %add3A_432, %lt3A_433 : i32
    %convert_element_type3A_435 = arith.extui %lt3A_434 : i1 to i32
    %cond3A_436 = arith.constant 0 : i32
    %cond3A_437 = arith.cmpi ne, %convert_element_type3A_435, %cond3A_436 : i32
    scf.if %cond3A_437 {
      %dma_wait3A = arith.constant 0 : i32
      %dma_wait3A_438 = arith.constant 0 : i32
      %dma_wait3A_439 = arith.constant 0 : i32
      %dma_wait3A_440 = arith.constant 0 : i32
      %dma_wait3A_441 = arith.constant 0 : i32
      %dma_wait3A_442 = tpu.memref_slice %arg6[%dma_wait3A, %dma_wait3A_439, %dma_wait3A_440, %dma_wait3A_441] : memref<3x8x8x512xf32, #tpu.memory_space<vmem>> -> memref<1x8x8x512xf32, #tpu.memory_space<vmem>>
      %dma_wait3A_443 = tpu.memref_squeeze %dma_wait3A_442 : memref<1x8x8x512xf32, #tpu.memory_space<vmem>> -> memref<8x8x512xf32, #tpu.memory_space<vmem>>
      %dma_wait3A_444 = arith.constant 0 : i32
      %dma_wait3A_445 = arith.constant 0 : i32
      %dma_wait3A_446 = arith.constant 0 : i32
      %dma_wait3A_447 = tpu.memref_slice %arg2[%dma_wait3A_444, %dma_wait3A_445, %dma_wait3A_446] : memref<64x1000x1024xf32, #tpu.memory_space<hbm>> -> memref<8x8x512xf32, #tpu.memory_space<hbm>>
      %dma_wait3A_448 = tpu.memref_slice %arg8[%dma_wait3A_438] : memref<3x!tpu.dma_semaphore, #tpu.memory_space<semaphore_mem>> -> memref<1x!tpu.dma_semaphore, #tpu.memory_space<semaphore_mem>>
      %dma_wait3A_449 = tpu.memref_squeeze %dma_wait3A_448 : memref<1x!tpu.dma_semaphore, #tpu.memory_space<semaphore_mem>> -> memref<!tpu.dma_semaphore, #tpu.memory_space<semaphore_mem>>
      %dma_wait3A_450 = arith.constant 0 : i32
      %dma_wait3A_451 = arith.constant 0 : i32
      %dma_wait3A_452 = arith.constant 0 : i32
      %dma_wait3A_453 = tpu.memref_slice %arg6[%dma_wait3A, %dma_wait3A_450, %dma_wait3A_451, %dma_wait3A_452] : memref<3x8x8x512xf32, #tpu.memory_space<vmem>> -> memref<1x8x8x512xf32, #tpu.memory_space<vmem>>
      %dma_wait3A_454 = tpu.memref_squeeze %dma_wait3A_453 : memref<1x8x8x512xf32, #tpu.memory_space<vmem>> -> memref<8x8x512xf32, #tpu.memory_space<vmem>>
      %dma_wait3A_455 = arith.constant 0 : i32
      %dma_wait3A_456 = arith.constant 0 : i32
      %dma_wait3A_457 = arith.constant 0 : i32
      %dma_wait3A_458 = tpu.memref_slice %arg2[%dma_wait3A_455, %dma_wait3A_456, %dma_wait3A_457] : memref<64x1000x1024xf32, #tpu.memory_space<hbm>> -> memref<8x8x512xf32, #tpu.memory_space<hbm>>
      tpu.wait_dma2 semaphore(%dma_wait3A_449 : memref<!tpu.dma_semaphore, #tpu.memory_space<semaphore_mem>>) src(%dma_wait3A_458 : memref<8x8x512xf32, #tpu.memory_space<hbm>>) dst(%dma_wait3A_454 : memref<8x8x512xf32, #tpu.memory_space<vmem>>)
      %scan3A = arith.constant 0 : i32
      %scan3A_459 = arith.constant 0 : i32
      %scan3A_460 = arith.constant 32 : i32
      %scan3A_461 = arith.addi %scan3A_459, %scan3A_460 : i32
      %scan3A_462 = arith.constant 1 : i32
      %scan3A_463 = scf.for %scan3A_475 = %scan3A_459 to %scan3A_461 step %scan3A_462 iter_args(%scan3A_476 = %scan3A) -> (i32)  : i32 {
        %mul3A_477 = arith.constant 16 : i32
        %mul3A_478 = arith.muli %scan3A_475, %mul3A_477 : i32
        %multiple_of3A_479 = tpu.assume_multiple %mul3A_478, 16 : i32
        %get3A_480 = arith.constant 0 : i32
        %get3A_481 = arith.constant 0 : i32
        %get3A_482 = arith.constant 0 : i32
        %get3A_483 = arith.index_cast %get3A_480 : i32 to index
        %get3A_484 = arith.index_cast %get3A_481 : i32 to index
        %get3A_485 = arith.index_cast %get3A_482 : i32 to index
        %get3A_486 = arith.index_cast %multiple_of3A_479 : i32 to index
        %get3A_487 = tpu.vector_load %arg6[%get3A_483, %get3A_484, %get3A_485, %get3A_486] {strides = array<i32>} : memref<3x8x8x512xf32, #tpu.memory_space<vmem>>, vector<16xf32>,
        %get3A_488 = arith.constant 0 : i32
        %get3A_489 = arith.constant 1 : i32
        %get3A_490 = arith.constant 0 : i32
        %get3A_491 = arith.index_cast %get3A_488 : i32 to index
        %get3A_492 = arith.index_cast %get3A_489 : i32 to index
        %get3A_493 = arith.index_cast %get3A_490 : i32 to index
        %get3A_494 = arith.index_cast %multiple_of3A_479 : i32 to index
        %get3A_495 = tpu.vector_load %arg6[%get3A_491, %get3A_492, %get3A_493, %get3A_494] {strides = array<i32>} : memref<3x8x8x512xf32, #tpu.memory_space<vmem>>, vector<16xf32>,
        %add3A_496 = arith.addf %get3A_487, %get3A_495 : vector<16xf32>
        %get3A_497 = arith.constant 0 : i32
        %get3A_498 = arith.constant 2 : i32
        %get3A_499 = arith.constant 0 : i32
        %get3A_500 = arith.index_cast %get3A_497 : i32 to index
        %get3A_501 = arith.index_cast %get3A_498 : i32 to index
        %get3A_502 = arith.index_cast %get3A_499 : i32 to index
        %get3A_503 = arith.index_cast %multiple_of3A_479 : i32 to index
        %get3A_504 = tpu.vector_load %arg6[%get3A_500, %get3A_501, %get3A_502, %get3A_503] {strides = array<i32>} : memref<3x8x8x512xf32, #tpu.memory_space<vmem>>, vector<16xf32>,
        %add3A_505 = arith.addf %add3A_496, %get3A_504 : vector<16xf32>
        %get3A_506 = arith.constant 0 : i32
        %get3A_507 = arith.constant 3 : i32
        %get3A_508 = arith.constant 0 : i32
        %get3A_509 = arith.index_cast %get3A_506 : i32 to index
        %get3A_510 = arith.index_cast %get3A_507 : i32 to index
        %get3A_511 = arith.index_cast %get3A_508 : i32 to index
        %get3A_512 = arith.index_cast %multiple_of3A_479 : i32 to index
        %get3A_513 = tpu.vector_load %arg6[%get3A_509, %get3A_510, %get3A_511, %get3A_512] {strides = array<i32>} : memref<3x8x8x512xf32, #tpu.memory_space<vmem>>, vector<16xf32>,
        %add3A_514 = arith.addf %add3A_505, %get3A_513 : vector<16xf32>
        %get3A_515 = arith.constant 0 : i32
        %get3A_516 = arith.constant 4 : i32
        %get3A_517 = arith.constant 0 : i32
        %get3A_518 = arith.index_cast %get3A_515 : i32 to index
        %get3A_519 = arith.index_cast %get3A_516 : i32 to index
        %get3A_520 = arith.index_cast %get3A_517 : i32 to index
        %get3A_521 = arith.index_cast %multiple_of3A_479 : i32 to index
        %get3A_522 = tpu.vector_load %arg6[%get3A_518, %get3A_519, %get3A_520, %get3A_521] {strides = array<i32>} : memref<3x8x8x512xf32, #tpu.memory_space<vmem>>, vector<16xf32>,
        %add3A_523 = arith.addf %add3A_514, %get3A_522 : vector<16xf32>
        %get3A_524 = arith.constant 0 : i32
        %get3A_525 = arith.constant 5 : i32
        %get3A_526 = arith.constant 0 : i32
        %get3A_527 = arith.index_cast %get3A_524 : i32 to index
        %get3A_528 = arith.index_cast %get3A_525 : i32 to index
        %get3A_529 = arith.index_cast %get3A_526 : i32 to index
        %get3A_530 = arith.index_cast %multiple_of3A_479 : i32 to index
        %get3A_531 = tpu.vector_load %arg6[%get3A_527, %get3A_528, %get3A_529, %get3A_530] {strides = array<i32>} : memref<3x8x8x512xf32, #tpu.memory_space<vmem>>, vector<16xf32>,
        %add3A_532 = arith.addf %add3A_523, %get3A_531 : vector<16xf32>
        %get3A_533 = arith.constant 0 : i32
        %get3A_534 = arith.constant 6 : i32
        %get3A_535 = arith.constant 0 : i32
        %get3A_536 = arith.index_cast %get3A_533 : i32 to index
        %get3A_537 = arith.index_cast %get3A_534 : i32 to index
        %get3A_538 = arith.index_cast %get3A_535 : i32 to index
        %get3A_539 = arith.index_cast %multiple_of3A_479 : i32 to index
        %get3A_540 = tpu.vector_load %arg6[%get3A_536, %get3A_537, %get3A_538, %get3A_539] {strides = array<i32>} : memref<3x8x8x512xf32, #tpu.memory_space<vmem>>, vector<16xf32>,
        %add3A_541 = arith.addf %add3A_532, %get3A_540 : vector<16xf32>
        %get3A_542 = arith.constant 0 : i32
        %get3A_543 = arith.constant 7 : i32
        %get3A_544 = arith.constant 0 : i32
        %get3A_545 = arith.index_cast %get3A_542 : i32 to index
        %get3A_546 = arith.index_cast %get3A_543 : i32 to index
        %get3A_547 = arith.index_cast %get3A_544 : i32 to index
        %get3A_548 = arith.index_cast %multiple_of3A_479 : i32 to index
        %get3A_549 = tpu.vector_load %arg6[%get3A_545, %get3A_546, %get3A_547, %get3A_548] {strides = array<i32>} : memref<3x8x8x512xf32, #tpu.memory_space<vmem>>, vector<16xf32>,
        %add3A_550 = arith.addf %add3A_541, %get3A_549 : vector<16xf32>
        %mul3A_551 = arith.constant 1.250000e-01 : f32
        %mul3A_552 = vector.broadcast %mul3A_551 : f32 to vector<16xf32>
        %mul3A_553 = arith.mulf %add3A_550, %mul3A_552 : vector<16xf32>
        %swap3A = arith.constant 0 : i32
        %swap3A_554 = arith.index_cast %swap3A : i32 to index
        %swap3A_555 = arith.index_cast %multiple_of3A_479 : i32 to index
        %swap3A_556 = tpu.vector_load %arg7[%swap3A_554, %swap3A_555] {strides = array<i32>} : memref<8x512xf32, #tpu.memory_space<vmem>>, vector<16xf32>,
        tpu.vector_store %arg7[%swap3A_554, %swap3A_555], %mul3A_553 {strides = array<i32>} : memref<8x512xf32, #tpu.memory_space<vmem>>, vector<16xf32>,
        %get3A_557 = arith.constant 0 : i32
        %get3A_558 = arith.constant 0 : i32
        %get3A_559 = arith.constant 1 : i32
        %get3A_560 = arith.index_cast %get3A_557 : i32 to index
        %get3A_561 = arith.index_cast %get3A_558 : i32 to index
        %get3A_562 = arith.index_cast %get3A_559 : i32 to index
        %get3A_563 = arith.index_cast %multiple_of3A_479 : i32 to index
        %get3A_564 = tpu.vector_load %arg6[%get3A_560, %get3A_561, %get3A_562, %get3A_563] {strides = array<i32>} : memref<3x8x8x512xf32, #tpu.memory_space<vmem>>, vector<16xf32>,
        %get3A_565 = arith.constant 0 : i32
        %get3A_566 = arith.constant 1 : i32
        %get3A_567 = arith.constant 1 : i32
        %get3A_568 = arith.index_cast %get3A_565 : i32 to index
        %get3A_569 = arith.index_cast %get3A_566 : i32 to index
        %get3A_570 = arith.index_cast %get3A_567 : i32 to index
        %get3A_571 = arith.index_cast %multiple_of3A_479 : i32 to index
        %get3A_572 = tpu.vector_load %arg6[%get3A_568, %get3A_569, %get3A_570, %get3A_571] {strides = array<i32>} : memref<3x8x8x512xf32, #tpu.memory_space<vmem>>, vector<16xf32>,
        %add3A_573 = arith.addf %get3A_564, %get3A_572 : vector<16xf32>
        %get3A_574 = arith.constant 0 : i32
        %get3A_575 = arith.constant 2 : i32
        %get3A_576 = arith.constant 1 : i32
        %get3A_577 = arith.index_cast %get3A_574 : i32 to index
        %get3A_578 = arith.index_cast %get3A_575 : i32 to index
        %get3A_579 = arith.index_cast %get3A_576 : i32 to index
        %get3A_580 = arith.index_cast %multiple_of3A_479 : i32 to index
        %get3A_581 = tpu.vector_load %arg6[%get3A_577, %get3A_578, %get3A_579, %get3A_580] {strides = array<i32>} : memref<3x8x8x512xf32, #tpu.memory_space<vmem>>, vector<16xf32>,
        %add3A_582 = arith.addf %add3A_573, %get3A_581 : vector<16xf32>
        %get3A_583 = arith.constant 0 : i32
        %get3A_584 = arith.constant 3 : i32
        %get3A_585 = arith.constant 1 : i32
        %get3A_586 = arith.index_cast %get3A_583 : i32 to index
        %get3A_587 = arith.index_cast %get3A_584 : i32 to index
        %get3A_588 = arith.index_cast %get3A_585 : i32 to index
        %get3A_589 = arith.index_cast %multiple_of3A_479 : i32 to index
        %get3A_590 = tpu.vector_load %arg6[%get3A_586, %get3A_587, %get3A_588, %get3A_589] {strides = array<i32>} : memref<3x8x8x512xf32, #tpu.memory_space<vmem>>, vector<16xf32>,
        %add3A_591 = arith.addf %add3A_582, %get3A_590 : vector<16xf32>
        %get3A_592 = arith.constant 0 : i32
        %get3A_593 = arith.constant 4 : i32
        %get3A_594 = arith.constant 1 : i32
        %get3A_595 = arith.index_cast %get3A_592 : i32 to index
        %get3A_596 = arith.index_cast %get3A_593 : i32 to index
        %get3A_597 = arith.index_cast %get3A_594 : i32 to index
        %get3A_598 = arith.index_cast %multiple_of3A_479 : i32 to index
        %get3A_599 = tpu.vector_load %arg6[%get3A_595, %get3A_596, %get3A_597, %get3A_598] {strides = array<i32>} : memref<3x8x8x512xf32, #tpu.memory_space<vmem>>, vector<16xf32>,
        %add3A_600 = arith.addf %add3A_591, %get3A_599 : vector<16xf32>
        %get3A_601 = arith.constant 0 : i32
        %get3A_602 = arith.constant 5 : i32
        %get3A_603 = arith.constant 1 : i32
        %get3A_604 = arith.index_cast %get3A_601 : i32 to index
        %get3A_605 = arith.index_cast %get3A_602 : i32 to index
        %get3A_606 = arith.index_cast %get3A_603 : i32 to index
        %get3A_607 = arith.index_cast %multiple_of3A_479 : i32 to index
        %get3A_608 = tpu.vector_load %arg6[%get3A_604, %get3A_605, %get3A_606, %get3A_607] {strides = array<i32>} : memref<3x8x8x512xf32, #tpu.memory_space<vmem>>, vector<16xf32>,
        %add3A_609 = arith.addf %add3A_600, %get3A_608 : vector<16xf32>
        %get3A_610 = arith.constant 0 : i32
        %get3A_611 = arith.constant 6 : i32
        %get3A_612 = arith.constant 1 : i32
        %get3A_613 = arith.index_cast %get3A_610 : i32 to index
        %get3A_614 = arith.index_cast %get3A_611 : i32 to index
        %get3A_615 = arith.index_cast %get3A_612 : i32 to index
        %get3A_616 = arith.index_cast %multiple_of3A_479 : i32 to index
        %get3A_617 = tpu.vector_load %arg6[%get3A_613, %get3A_614, %get3A_615, %get3A_616] {strides = array<i32>} : memref<3x8x8x512xf32, #tpu.memory_space<vmem>>, vector<16xf32>,
        %add3A_618 = arith.addf %add3A_609, %get3A_617 : vector<16xf32>
        %get3A_619 = arith.constant 0 : i32
        %get3A_620 = arith.constant 7 : i32
        %get3A_621 = arith.constant 1 : i32
        %get3A_622 = arith.index_cast %get3A_619 : i32 to index
        %get3A_623 = arith.index_cast %get3A_620 : i32 to index
        %get3A_624 = arith.index_cast %get3A_621 : i32 to index
        %get3A_625 = arith.index_cast %multiple_of3A_479 : i32 to index
        %get3A_626 = tpu.vector_load %arg6[%get3A_622, %get3A_623, %get3A_624, %get3A_625] {strides = array<i32>} : memref<3x8x8x512xf32, #tpu.memory_space<vmem>>, vector<16xf32>,
        %add3A_627 = arith.addf %add3A_618, %get3A_626 : vector<16xf32>
        %mul3A_628 = arith.constant 1.250000e-01 : f32
        %mul3A_629 = vector.broadcast %mul3A_628 : f32 to vector<16xf32>
        %mul3A_630 = arith.mulf %add3A_627, %mul3A_629 : vector<16xf32>
        %swap3A_631 = arith.constant 1 : i32
        %swap3A_632 = arith.index_cast %swap3A_631 : i32 to index
        %swap3A_633 = arith.index_cast %multiple_of3A_479 : i32 to index
        %swap3A_634 = tpu.vector_load %arg7[%swap3A_632, %swap3A_633] {strides = array<i32>} : memref<8x512xf32, #tpu.memory_space<vmem>>, vector<16xf32>,
        tpu.vector_store %arg7[%swap3A_632, %swap3A_633], %mul3A_630 {strides = array<i32>} : memref<8x512xf32, #tpu.memory_space<vmem>>, vector<16xf32>,
        %get3A_635 = arith.constant 0 : i32
        %get3A_636 = arith.constant 0 : i32
        %get3A_637 = arith.constant 2 : i32
        %get3A_638 = arith.index_cast %get3A_635 : i32 to index
        %get3A_639 = arith.index_cast %get3A_636 : i32 to index
        %get3A_640 = arith.index_cast %get3A_637 : i32 to index
        %get3A_641 = arith.index_cast %multiple_of3A_479 : i32 to index
        %get3A_642 = tpu.vector_load %arg6[%get3A_638, %get3A_639, %get3A_640, %get3A_641] {strides = array<i32>} : memref<3x8x8x512xf32, #tpu.memory_space<vmem>>, vector<16xf32>,
        %get3A_643 = arith.constant 0 : i32
        %get3A_644 = arith.constant 1 : i32
        %get3A_645 = arith.constant 2 : i32
        %get3A_646 = arith.index_cast %get3A_643 : i32 to index
        %get3A_647 = arith.index_cast %get3A_644 : i32 to index
        %get3A_648 = arith.index_cast %get3A_645 : i32 to index
        %get3A_649 = arith.index_cast %multiple_of3A_479 : i32 to index
        %get3A_650 = tpu.vector_load %arg6[%get3A_646, %get3A_647, %get3A_648, %get3A_649] {strides = array<i32>} : memref<3x8x8x512xf32, #tpu.memory_space<vmem>>, vector<16xf32>,
        %add3A_651 = arith.addf %get3A_642, %get3A_650 : vector<16xf32>
        %get3A_652 = arith.constant 0 : i32
        %get3A_653 = arith.constant 2 : i32
        %get3A_654 = arith.constant 2 : i32
        %get3A_655 = arith.index_cast %get3A_652 : i32 to index
        %get3A_656 = arith.index_cast %get3A_653 : i32 to index
        %get3A_657 = arith.index_cast %get3A_654 : i32 to index
        %get3A_658 = arith.index_cast %multiple_of3A_479 : i32 to index
        %get3A_659 = tpu.vector_load %arg6[%get3A_655, %get3A_656, %get3A_657, %get3A_658] {strides = array<i32>} : memref<3x8x8x512xf32, #tpu.memory_space<vmem>>, vector<16xf32>,
        %add3A_660 = arith.addf %add3A_651, %get3A_659 : vector<16xf32>
        %get3A_661 = arith.constant 0 : i32
        %get3A_662 = arith.constant 3 : i32
        %get3A_663 = arith.constant 2 : i32
        %get3A_664 = arith.index_cast %get3A_661 : i32 to index
        %get3A_665 = arith.index_cast %get3A_662 : i32 to index
        %get3A_666 = arith.index_cast %get3A_663 : i32 to index
        %get3A_667 = arith.index_cast %multiple_of3A_479 : i32 to index
        %get3A_668 = tpu.vector_load %arg6[%get3A_664, %get3A_665, %get3A_666, %get3A_667] {strides = array<i32>} : memref<3x8x8x512xf32, #tpu.memory_space<vmem>>, vector<16xf32>,
        %add3A_669 = arith.addf %add3A_660, %get3A_668 : vector<16xf32>
        %get3A_670 = arith.constant 0 : i32
        %get3A_671 = arith.constant 4 : i32
        %get3A_672 = arith.constant 2 : i32
        %get3A_673 = arith.index_cast %get3A_670 : i32 to index
        %get3A_674 = arith.index_cast %get3A_671 : i32 to index
        %get3A_675 = arith.index_cast %get3A_672 : i32 to index
        %get3A_676 = arith.index_cast %multiple_of3A_479 : i32 to index
        %get3A_677 = tpu.vector_load %arg6[%get3A_673, %get3A_674, %get3A_675, %get3A_676] {strides = array<i32>} : memref<3x8x8x512xf32, #tpu.memory_space<vmem>>, vector<16xf32>,
        %add3A_678 = arith.addf %add3A_669, %get3A_677 : vector<16xf32>
        %get3A_679 = arith.constant 0 : i32
        %get3A_680 = arith.constant 5 : i32
        %get3A_681 = arith.constant 2 : i32
        %get3A_682 = arith.index_cast %get3A_679 : i32 to index
        %get3A_683 = arith.index_cast %get3A_680 : i32 to index
        %get3A_684 = arith.index_cast %get3A_681 : i32 to index
        %get3A_685 = arith.index_cast %multiple_of3A_479 : i32 to index
        %get3A_686 = tpu.vector_load %arg6[%get3A_682, %get3A_683, %get3A_684, %get3A_685] {strides = array<i32>} : memref<3x8x8x512xf32, #tpu.memory_space<vmem>>, vector<16xf32>,
        %add3A_687 = arith.addf %add3A_678, %get3A_686 : vector<16xf32>
        %get3A_688 = arith.constant 0 : i32
        %get3A_689 = arith.constant 6 : i32
        %get3A_690 = arith.constant 2 : i32
        %get3A_691 = arith.index_cast %get3A_688 : i32 to index
        %get3A_692 = arith.index_cast %get3A_689 : i32 to index
        %get3A_693 = arith.index_cast %get3A_690 : i32 to index
        %get3A_694 = arith.index_cast %multiple_of3A_479 : i32 to index
        %get3A_695 = tpu.vector_load %arg6[%get3A_691, %get3A_692, %get3A_693, %get3A_694] {strides = array<i32>} : memref<3x8x8x512xf32, #tpu.memory_space<vmem>>, vector<16xf32>,
        %add3A_696 = arith.addf %add3A_687, %get3A_695 : vector<16xf32>
        %get3A_697 = arith.constant 0 : i32
        %get3A_698 = arith.constant 7 : i32
        %get3A_699 = arith.constant 2 : i32
        %get3A_700 = arith.index_cast %get3A_697 : i32 to index
        %get3A_701 = arith.index_cast %get3A_698 : i32 to index
        %get3A_702 = arith.index_cast %get3A_699 : i32 to index
        %get3A_703 = arith.index_cast %multiple_of3A_479 : i32 to index
        %get3A_704 = tpu.vector_load %arg6[%get3A_700, %get3A_701, %get3A_702, %get3A_703] {strides = array<i32>} : memref<3x8x8x512xf32, #tpu.memory_space<vmem>>, vector<16xf32>,
        %add3A_705 = arith.addf %add3A_696, %get3A_704 : vector<16xf32>
        %mul3A_706 = arith.constant 1.250000e-01 : f32
        %mul3A_707 = vector.broadcast %mul3A_706 : f32 to vector<16xf32>
        %mul3A_708 = arith.mulf %add3A_705, %mul3A_707 : vector<16xf32>
        %swap3A_709 = arith.constant 2 : i32
        %swap3A_710 = arith.index_cast %swap3A_709 : i32 to index
        %swap3A_711 = arith.index_cast %multiple_of3A_479 : i32 to index
        %swap3A_712 = tpu.vector_load %arg7[%swap3A_710, %swap3A_711] {strides = array<i32>} : memref<8x512xf32, #tpu.memory_space<vmem>>, vector<16xf32>,
        tpu.vector_store %arg7[%swap3A_710, %swap3A_711], %mul3A_708 {strides = array<i32>} : memref<8x512xf32, #tpu.memory_space<vmem>>, vector<16xf32>,
        %get3A_713 = arith.constant 0 : i32
        %get3A_714 = arith.constant 0 : i32
        %get3A_715 = arith.constant 3 : i32
        %get3A_716 = arith.index_cast %get3A_713 : i32 to index
        %get3A_717 = arith.index_cast %get3A_714 : i32 to index
        %get3A_718 = arith.index_cast %get3A_715 : i32 to index
        %get3A_719 = arith.index_cast %multiple_of3A_479 : i32 to index
        %get3A_720 = tpu.vector_load %arg6[%get3A_716, %get3A_717, %get3A_718, %get3A_719] {strides = array<i32>} : memref<3x8x8x512xf32, #tpu.memory_space<vmem>>, vector<16xf32>,
        %get3A_721 = arith.constant 0 : i32
        %get3A_722 = arith.constant 1 : i32
        %get3A_723 = arith.constant 3 : i32
        %get3A_724 = arith.index_cast %get3A_721 : i32 to index
        %get3A_725 = arith.index_cast %get3A_722 : i32 to index
        %get3A_726 = arith.index_cast %get3A_723 : i32 to index
        %get3A_727 = arith.index_cast %multiple_of3A_479 : i32 to index
        %get3A_728 = tpu.vector_load %arg6[%get3A_724, %get3A_725, %get3A_726, %get3A_727] {strides = array<i32>} : memref<3x8x8x512xf32, #tpu.memory_space<vmem>>, vector<16xf32>,
        %add3A_729 = arith.addf %get3A_720, %get3A_728 : vector<16xf32>
        %get3A_730 = arith.constant 0 : i32
        %get3A_731 = arith.constant 2 : i32
        %get3A_732 = arith.constant 3 : i32
        %get3A_733 = arith.index_cast %get3A_730 : i32 to index
        %get3A_734 = arith.index_cast %get3A_731 : i32 to index
        %get3A_735 = arith.index_cast %get3A_732 : i32 to index
        %get3A_736 = arith.index_cast %multiple_of3A_479 : i32 to index
        %get3A_737 = tpu.vector_load %arg6[%get3A_733, %get3A_734, %get3A_735, %get3A_736] {strides = array<i32>} : memref<3x8x8x512xf32, #tpu.memory_space<vmem>>, vector<16xf32>,
        %add3A_738 = arith.addf %add3A_729, %get3A_737 : vector<16xf32>
        %get3A_739 = arith.constant 0 : i32
        %get3A_740 = arith.constant 3 : i32
        %get3A_741 = arith.constant 3 : i32
        %get3A_742 = arith.index_cast %get3A_739 : i32 to index
        %get3A_743 = arith.index_cast %get3A_740 : i32 to index
        %get3A_744 = arith.index_cast %get3A_741 : i32 to index
        %get3A_745 = arith.index_cast %multiple_of3A_479 : i32 to index
        %get3A_746 = tpu.vector_load %arg6[%get3A_742, %get3A_743, %get3A_744, %get3A_745] {strides = array<i32>} : memref<3x8x8x512xf32, #tpu.memory_space<vmem>>, vector<16xf32>,
        %add3A_747 = arith.addf %add3A_738, %get3A_746 : vector<16xf32>
        %get3A_748 = arith.constant 0 : i32
        %get3A_749 = arith.constant 4 : i32
        %get3A_750 = arith.constant 3 : i32
        %get3A_751 = arith.index_cast %get3A_748 : i32 to index
        %get3A_752 = arith.index_cast %get3A_749 : i32 to index
        %get3A_753 = arith.index_cast %get3A_750 : i32 to index
        %get3A_754 = arith.index_cast %multiple_of3A_479 : i32 to index
        %get3A_755 = tpu.vector_load %arg6[%get3A_751, %get3A_752, %get3A_753, %get3A_754] {strides = array<i32>} : memref<3x8x8x512xf32, #tpu.memory_space<vmem>>, vector<16xf32>,
        %add3A_756 = arith.addf %add3A_747, %get3A_755 : vector<16xf32>
        %get3A_757 = arith.constant 0 : i32
        %get3A_758 = arith.constant 5 : i32
        %get3A_759 = arith.constant 3 : i32
        %get3A_760 = arith.index_cast %get3A_757 : i32 to index
        %get3A_761 = arith.index_cast %get3A_758 : i32 to index
        %get3A_762 = arith.index_cast %get3A_759 : i32 to index
        %get3A_763 = arith.index_cast %multiple_of3A_479 : i32 to index
        %get3A_764 = tpu.vector_load %arg6[%get3A_760, %get3A_761, %get3A_762, %get3A_763] {strides = array<i32>} : memref<3x8x8x512xf32, #tpu.memory_space<vmem>>, vector<16xf32>,
        %add3A_765 = arith.addf %add3A_756, %get3A_764 : vector<16xf32>
        %get3A_766 = arith.constant 0 : i32
        %get3A_767 = arith.constant 6 : i32
        %get3A_768 = arith.constant 3 : i32
        %get3A_769 = arith.index_cast %get3A_766 : i32 to index
        %get3A_770 = arith.index_cast %get3A_767 : i32 to index
        %get3A_771 = arith.index_cast %get3A_768 : i32 to index
        %get3A_772 = arith.index_cast %multiple_of3A_479 : i32 to index
        %get3A_773 = tpu.vector_load %arg6[%get3A_769, %get3A_770, %get3A_771, %get3A_772] {strides = array<i32>} : memref<3x8x8x512xf32, #tpu.memory_space<vmem>>, vector<16xf32>,
        %add3A_774 = arith.addf %add3A_765, %get3A_773 : vector<16xf32>
        %get3A_775 = arith.constant 0 : i32
        %get3A_776 = arith.constant 7 : i32
        %get3A_777 = arith.constant 3 : i32
        %get3A_778 = arith.index_cast %get3A_775 : i32 to index
        %get3A_779 = arith.index_cast %get3A_776 : i32 to index
        %get3A_780 = arith.index_cast %get3A_777 : i32 to index
        %get3A_781 = arith.index_cast %multiple_of3A_479 : i32 to index
        %get3A_782 = tpu.vector_load %arg6[%get3A_778, %get3A_779, %get3A_780, %get3A_781] {strides = array<i32>} : memref<3x8x8x512xf32, #tpu.memory_space<vmem>>, vector<16xf32>,
        %add3A_783 = arith.addf %add3A_774, %get3A_782 : vector<16xf32>
        %mul3A_784 = arith.constant 1.250000e-01 : f32
        %mul3A_785 = vector.broadcast %mul3A_784 : f32 to vector<16xf32>
        %mul3A_786 = arith.mulf %add3A_783, %mul3A_785 : vector<16xf32>
        %swap3A_787 = arith.constant 3 : i32
        %swap3A_788 = arith.index_cast %swap3A_787 : i32 to index
        %swap3A_789 = arith.index_cast %multiple_of3A_479 : i32 to index
        %swap3A_790 = tpu.vector_load %arg7[%swap3A_788, %swap3A_789] {strides = array<i32>} : memref<8x512xf32, #tpu.memory_space<vmem>>, vector<16xf32>,
        tpu.vector_store %arg7[%swap3A_788, %swap3A_789], %mul3A_786 {strides = array<i32>} : memref<8x512xf32, #tpu.memory_space<vmem>>, vector<16xf32>,
        %get3A_791 = arith.constant 0 : i32
        %get3A_792 = arith.constant 0 : i32
        %get3A_793 = arith.constant 4 : i32
        %get3A_794 = arith.index_cast %get3A_791 : i32 to index
        %get3A_795 = arith.index_cast %get3A_792 : i32 to index
        %get3A_796 = arith.index_cast %get3A_793 : i32 to index
        %get3A_797 = arith.index_cast %multiple_of3A_479 : i32 to index
        %get3A_798 = tpu.vector_load %arg6[%get3A_794, %get3A_795, %get3A_796, %get3A_797] {strides = array<i32>} : memref<3x8x8x512xf32, #tpu.memory_space<vmem>>, vector<16xf32>,
        %get3A_799 = arith.constant 0 : i32
        %get3A_800 = arith.constant 1 : i32
        %get3A_801 = arith.constant 4 : i32
        %get3A_802 = arith.index_cast %get3A_799 : i32 to index
        %get3A_803 = arith.index_cast %get3A_800 : i32 to index
        %get3A_804 = arith.index_cast %get3A_801 : i32 to index
        %get3A_805 = arith.index_cast %multiple_of3A_479 : i32 to index
        %get3A_806 = tpu.vector_load %arg6[%get3A_802, %get3A_803, %get3A_804, %get3A_805] {strides = array<i32>} : memref<3x8x8x512xf32, #tpu.memory_space<vmem>>, vector<16xf32>,
        %add3A_807 = arith.addf %get3A_798, %get3A_806 : vector<16xf32>
        %get3A_808 = arith.constant 0 : i32
        %get3A_809 = arith.constant 2 : i32
        %get3A_810 = arith.constant 4 : i32
        %get3A_811 = arith.index_cast %get3A_808 : i32 to index
        %get3A_812 = arith.index_cast %get3A_809 : i32 to index
        %get3A_813 = arith.index_cast %get3A_810 : i32 to index
        %get3A_814 = arith.index_cast %multiple_of3A_479 : i32 to index
        %get3A_815 = tpu.vector_load %arg6[%get3A_811, %get3A_812, %get3A_813, %get3A_814] {strides = array<i32>} : memref<3x8x8x512xf32, #tpu.memory_space<vmem>>, vector<16xf32>,
        %add3A_816 = arith.addf %add3A_807, %get3A_815 : vector<16xf32>
        %get3A_817 = arith.constant 0 : i32
        %get3A_818 = arith.constant 3 : i32
        %get3A_819 = arith.constant 4 : i32
        %get3A_820 = arith.index_cast %get3A_817 : i32 to index
        %get3A_821 = arith.index_cast %get3A_818 : i32 to index
        %get3A_822 = arith.index_cast %get3A_819 : i32 to index
        %get3A_823 = arith.index_cast %multiple_of3A_479 : i32 to index
        %get3A_824 = tpu.vector_load %arg6[%get3A_820, %get3A_821, %get3A_822, %get3A_823] {strides = array<i32>} : memref<3x8x8x512xf32, #tpu.memory_space<vmem>>, vector<16xf32>,
        %add3A_825 = arith.addf %add3A_816, %get3A_824 : vector<16xf32>
        %get3A_826 = arith.constant 0 : i32
        %get3A_827 = arith.constant 4 : i32
        %get3A_828 = arith.constant 4 : i32
        %get3A_829 = arith.index_cast %get3A_826 : i32 to index
        %get3A_830 = arith.index_cast %get3A_827 : i32 to index
        %get3A_831 = arith.index_cast %get3A_828 : i32 to index
        %get3A_832 = arith.index_cast %multiple_of3A_479 : i32 to index
        %get3A_833 = tpu.vector_load %arg6[%get3A_829, %get3A_830, %get3A_831, %get3A_832] {strides = array<i32>} : memref<3x8x8x512xf32, #tpu.memory_space<vmem>>, vector<16xf32>,
        %add3A_834 = arith.addf %add3A_825, %get3A_833 : vector<16xf32>
        %get3A_835 = arith.constant 0 : i32
        %get3A_836 = arith.constant 5 : i32
        %get3A_837 = arith.constant 4 : i32
        %get3A_838 = arith.index_cast %get3A_835 : i32 to index
        %get3A_839 = arith.index_cast %get3A_836 : i32 to index
        %get3A_840 = arith.index_cast %get3A_837 : i32 to index
        %get3A_841 = arith.index_cast %multiple_of3A_479 : i32 to index
        %get3A_842 = tpu.vector_load %arg6[%get3A_838, %get3A_839, %get3A_840, %get3A_841] {strides = array<i32>} : memref<3x8x8x512xf32, #tpu.memory_space<vmem>>, vector<16xf32>,
        %add3A_843 = arith.addf %add3A_834, %get3A_842 : vector<16xf32>
        %get3A_844 = arith.constant 0 : i32
        %get3A_845 = arith.constant 6 : i32
        %get3A_846 = arith.constant 4 : i32
        %get3A_847 = arith.index_cast %get3A_844 : i32 to index
        %get3A_848 = arith.index_cast %get3A_845 : i32 to index
        %get3A_849 = arith.index_cast %get3A_846 : i32 to index
        %get3A_850 = arith.index_cast %multiple_of3A_479 : i32 to index
        %get3A_851 = tpu.vector_load %arg6[%get3A_847, %get3A_848, %get3A_849, %get3A_850] {strides = array<i32>} : memref<3x8x8x512xf32, #tpu.memory_space<vmem>>, vector<16xf32>,
        %add3A_852 = arith.addf %add3A_843, %get3A_851 : vector<16xf32>
        %get3A_853 = arith.constant 0 : i32
        %get3A_854 = arith.constant 7 : i32
        %get3A_855 = arith.constant 4 : i32
        %get3A_856 = arith.index_cast %get3A_853 : i32 to index
        %get3A_857 = arith.index_cast %get3A_854 : i32 to index
        %get3A_858 = arith.index_cast %get3A_855 : i32 to index
        %get3A_859 = arith.index_cast %multiple_of3A_479 : i32 to index
        %get3A_860 = tpu.vector_load %arg6[%get3A_856, %get3A_857, %get3A_858, %get3A_859] {strides = array<i32>} : memref<3x8x8x512xf32, #tpu.memory_space<vmem>>, vector<16xf32>,
        %add3A_861 = arith.addf %add3A_852, %get3A_860 : vector<16xf32>
        %mul3A_862 = arith.constant 1.250000e-01 : f32
        %mul3A_863 = vector.broadcast %mul3A_862 : f32 to vector<16xf32>
        %mul3A_864 = arith.mulf %add3A_861, %mul3A_863 : vector<16xf32>
        %swap3A_865 = arith.constant 4 : i32
        %swap3A_866 = arith.index_cast %swap3A_865 : i32 to index
        %swap3A_867 = arith.index_cast %multiple_of3A_479 : i32 to index
        %swap3A_868 = tpu.vector_load %arg7[%swap3A_866, %swap3A_867] {strides = array<i32>} : memref<8x512xf32, #tpu.memory_space<vmem>>, vector<16xf32>,
        tpu.vector_store %arg7[%swap3A_866, %swap3A_867], %mul3A_864 {strides = array<i32>} : memref<8x512xf32, #tpu.memory_space<vmem>>, vector<16xf32>,
        %get3A_869 = arith.constant 0 : i32
        %get3A_870 = arith.constant 0 : i32
        %get3A_871 = arith.constant 5 : i32
        %get3A_872 = arith.index_cast %get3A_869 : i32 to index
        %get3A_873 = arith.index_cast %get3A_870 : i32 to index
        %get3A_874 = arith.index_cast %get3A_871 : i32 to index
        %get3A_875 = arith.index_cast %multiple_of3A_479 : i32 to index
        %get3A_876 = tpu.vector_load %arg6[%get3A_872, %get3A_873, %get3A_874, %get3A_875] {strides = array<i32>} : memref<3x8x8x512xf32, #tpu.memory_space<vmem>>, vector<16xf32>,
        %get3A_877 = arith.constant 0 : i32
        %get3A_878 = arith.constant 1 : i32
        %get3A_879 = arith.constant 5 : i32
        %get3A_880 = arith.index_cast %get3A_877 : i32 to index
        %get3A_881 = arith.index_cast %get3A_878 : i32 to index
        %get3A_882 = arith.index_cast %get3A_879 : i32 to index
        %get3A_883 = arith.index_cast %multiple_of3A_479 : i32 to index
        %get3A_884 = tpu.vector_load %arg6[%get3A_880, %get3A_881, %get3A_882, %get3A_883] {strides = array<i32>} : memref<3x8x8x512xf32, #tpu.memory_space<vmem>>, vector<16xf32>,
        %add3A_885 = arith.addf %get3A_876, %get3A_884 : vector<16xf32>
        %get3A_886 = arith.constant 0 : i32
        %get3A_887 = arith.constant 2 : i32
        %get3A_888 = arith.constant 5 : i32
        %get3A_889 = arith.index_cast %get3A_886 : i32 to index
        %get3A_890 = arith.index_cast %get3A_887 : i32 to index
        %get3A_891 = arith.index_cast %get3A_888 : i32 to index
        %get3A_892 = arith.index_cast %multiple_of3A_479 : i32 to index
        %get3A_893 = tpu.vector_load %arg6[%get3A_889, %get3A_890, %get3A_891, %get3A_892] {strides = array<i32>} : memref<3x8x8x512xf32, #tpu.memory_space<vmem>>, vector<16xf32>,
        %add3A_894 = arith.addf %add3A_885, %get3A_893 : vector<16xf32>
        %get3A_895 = arith.constant 0 : i32
        %get3A_896 = arith.constant 3 : i32
        %get3A_897 = arith.constant 5 : i32
        %get3A_898 = arith.index_cast %get3A_895 : i32 to index
        %get3A_899 = arith.index_cast %get3A_896 : i32 to index
        %get3A_900 = arith.index_cast %get3A_897 : i32 to index
        %get3A_901 = arith.index_cast %multiple_of3A_479 : i32 to index
        %get3A_902 = tpu.vector_load %arg6[%get3A_898, %get3A_899, %get3A_900, %get3A_901] {strides = array<i32>} : memref<3x8x8x512xf32, #tpu.memory_space<vmem>>, vector<16xf32>,
        %add3A_903 = arith.addf %add3A_894, %get3A_902 : vector<16xf32>
        %get3A_904 = arith.constant 0 : i32
        %get3A_905 = arith.constant 4 : i32
        %get3A_906 = arith.constant 5 : i32
        %get3A_907 = arith.index_cast %get3A_904 : i32 to index
        %get3A_908 = arith.index_cast %get3A_905 : i32 to index
        %get3A_909 = arith.index_cast %get3A_906 : i32 to index
        %get3A_910 = arith.index_cast %multiple_of3A_479 : i32 to index
        %get3A_911 = tpu.vector_load %arg6[%get3A_907, %get3A_908, %get3A_909, %get3A_910] {strides = array<i32>} : memref<3x8x8x512xf32, #tpu.memory_space<vmem>>, vector<16xf32>,
        %add3A_912 = arith.addf %add3A_903, %get3A_911 : vector<16xf32>
        %get3A_913 = arith.constant 0 : i32
        %get3A_914 = arith.constant 5 : i32
        %get3A_915 = arith.constant 5 : i32
        %get3A_916 = arith.index_cast %get3A_913 : i32 to index
        %get3A_917 = arith.index_cast %get3A_914 : i32 to index
        %get3A_918 = arith.index_cast %get3A_915 : i32 to index
        %get3A_919 = arith.index_cast %multiple_of3A_479 : i32 to index
        %get3A_920 = tpu.vector_load %arg6[%get3A_916, %get3A_917, %get3A_918, %get3A_919] {strides = array<i32>} : memref<3x8x8x512xf32, #tpu.memory_space<vmem>>, vector<16xf32>,
        %add3A_921 = arith.addf %add3A_912, %get3A_920 : vector<16xf32>
        %get3A_922 = arith.constant 0 : i32
        %get3A_923 = arith.constant 6 : i32
        %get3A_924 = arith.constant 5 : i32
        %get3A_925 = arith.index_cast %get3A_922 : i32 to index
        %get3A_926 = arith.index_cast %get3A_923 : i32 to index
        %get3A_927 = arith.index_cast %get3A_924 : i32 to index
        %get3A_928 = arith.index_cast %multiple_of3A_479 : i32 to index
        %get3A_929 = tpu.vector_load %arg6[%get3A_925, %get3A_926, %get3A_927, %get3A_928] {strides = array<i32>} : memref<3x8x8x512xf32, #tpu.memory_space<vmem>>, vector<16xf32>,
        %add3A_930 = arith.addf %add3A_921, %get3A_929 : vector<16xf32>
        %get3A_931 = arith.constant 0 : i32
        %get3A_932 = arith.constant 7 : i32
        %get3A_933 = arith.constant 5 : i32
        %get3A_934 = arith.index_cast %get3A_931 : i32 to index
        %get3A_935 = arith.index_cast %get3A_932 : i32 to index
        %get3A_936 = arith.index_cast %get3A_933 : i32 to index
        %get3A_937 = arith.index_cast %multiple_of3A_479 : i32 to index
        %get3A_938 = tpu.vector_load %arg6[%get3A_934, %get3A_935, %get3A_936, %get3A_937] {strides = array<i32>} : memref<3x8x8x512xf32, #tpu.memory_space<vmem>>, vector<16xf32>,
        %add3A_939 = arith.addf %add3A_930, %get3A_938 : vector<16xf32>
        %mul3A_940 = arith.constant 1.250000e-01 : f32
        %mul3A_941 = vector.broadcast %mul3A_940 : f32 to vector<16xf32>
        %mul3A_942 = arith.mulf %add3A_939, %mul3A_941 : vector<16xf32>
        %swap3A_943 = arith.constant 5 : i32
        %swap3A_944 = arith.index_cast %swap3A_943 : i32 to index
        %swap3A_945 = arith.index_cast %multiple_of3A_479 : i32 to index
        %swap3A_946 = tpu.vector_load %arg7[%swap3A_944, %swap3A_945] {strides = array<i32>} : memref<8x512xf32, #tpu.memory_space<vmem>>, vector<16xf32>,
        tpu.vector_store %arg7[%swap3A_944, %swap3A_945], %mul3A_942 {strides = array<i32>} : memref<8x512xf32, #tpu.memory_space<vmem>>, vector<16xf32>,
        %get3A_947 = arith.constant 0 : i32
        %get3A_948 = arith.constant 0 : i32
        %get3A_949 = arith.constant 6 : i32
        %get3A_950 = arith.index_cast %get3A_947 : i32 to index
        %get3A_951 = arith.index_cast %get3A_948 : i32 to index
        %get3A_952 = arith.index_cast %get3A_949 : i32 to index
        %get3A_953 = arith.index_cast %multiple_of3A_479 : i32 to index
        %get3A_954 = tpu.vector_load %arg6[%get3A_950, %get3A_951, %get3A_952, %get3A_953] {strides = array<i32>} : memref<3x8x8x512xf32, #tpu.memory_space<vmem>>, vector<16xf32>,
        %get3A_955 = arith.constant 0 : i32
        %get3A_956 = arith.constant 1 : i32
        %get3A_957 = arith.constant 6 : i32
        %get3A_958 = arith.index_cast %get3A_955 : i32 to index
        %get3A_959 = arith.index_cast %get3A_956 : i32 to index
        %get3A_960 = arith.index_cast %get3A_957 : i32 to index
        %get3A_961 = arith.index_cast %multiple_of3A_479 : i32 to index
        %get3A_962 = tpu.vector_load %arg6[%get3A_958, %get3A_959, %get3A_960, %get3A_961] {strides = array<i32>} : memref<3x8x8x512xf32, #tpu.memory_space<vmem>>, vector<16xf32>,
        %add3A_963 = arith.addf %get3A_954, %get3A_962 : vector<16xf32>
        %get3A_964 = arith.constant 0 : i32
        %get3A_965 = arith.constant 2 : i32
        %get3A_966 = arith.constant 6 : i32
        %get3A_967 = arith.index_cast %get3A_964 : i32 to index
        %get3A_968 = arith.index_cast %get3A_965 : i32 to index
        %get3A_969 = arith.index_cast %get3A_966 : i32 to index
        %get3A_970 = arith.index_cast %multiple_of3A_479 : i32 to index
        %get3A_971 = tpu.vector_load %arg6[%get3A_967, %get3A_968, %get3A_969, %get3A_970] {strides = array<i32>} : memref<3x8x8x512xf32, #tpu.memory_space<vmem>>, vector<16xf32>,
        %add3A_972 = arith.addf %add3A_963, %get3A_971 : vector<16xf32>
        %get3A_973 = arith.constant 0 : i32
        %get3A_974 = arith.constant 3 : i32
        %get3A_975 = arith.constant 6 : i32
        %get3A_976 = arith.index_cast %get3A_973 : i32 to index
        %get3A_977 = arith.index_cast %get3A_974 : i32 to index
        %get3A_978 = arith.index_cast %get3A_975 : i32 to index
        %get3A_979 = arith.index_cast %multiple_of3A_479 : i32 to index
        %get3A_980 = tpu.vector_load %arg6[%get3A_976, %get3A_977, %get3A_978, %get3A_979] {strides = array<i32>} : memref<3x8x8x512xf32, #tpu.memory_space<vmem>>, vector<16xf32>,
        %add3A_981 = arith.addf %add3A_972, %get3A_980 : vector<16xf32>
        %get3A_982 = arith.constant 0 : i32
        %get3A_983 = arith.constant 4 : i32
        %get3A_984 = arith.constant 6 : i32
        %get3A_985 = arith.index_cast %get3A_982 : i32 to index
        %get3A_986 = arith.index_cast %get3A_983 : i32 to index
        %get3A_987 = arith.index_cast %get3A_984 : i32 to index
        %get3A_988 = arith.index_cast %multiple_of3A_479 : i32 to index
        %get3A_989 = tpu.vector_load %arg6[%get3A_985, %get3A_986, %get3A_987, %get3A_988] {strides = array<i32>} : memref<3x8x8x512xf32, #tpu.memory_space<vmem>>, vector<16xf32>,
        %add3A_990 = arith.addf %add3A_981, %get3A_989 : vector<16xf32>
        %get3A_991 = arith.constant 0 : i32
        %get3A_992 = arith.constant 5 : i32
        %get3A_993 = arith.constant 6 : i32
        %get3A_994 = arith.index_cast %get3A_991 : i32 to index
        %get3A_995 = arith.index_cast %get3A_992 : i32 to index
        %get3A_996 = arith.index_cast %get3A_993 : i32 to index
        %get3A_997 = arith.index_cast %multiple_of3A_479 : i32 to index
        %get3A_998 = tpu.vector_load %arg6[%get3A_994, %get3A_995, %get3A_996, %get3A_997] {strides = array<i32>} : memref<3x8x8x512xf32, #tpu.memory_space<vmem>>, vector<16xf32>,
        %add3A_999 = arith.addf %add3A_990, %get3A_998 : vector<16xf32>
        %get3A_1000 = arith.constant 0 : i32
        %get3A_1001 = arith.constant 6 : i32
        %get3A_1002 = arith.constant 6 : i32
        %get3A_1003 = arith.index_cast %get3A_1000 : i32 to index
        %get3A_1004 = arith.index_cast %get3A_1001 : i32 to index
        %get3A_1005 = arith.index_cast %get3A_1002 : i32 to index
        %get3A_1006 = arith.index_cast %multiple_of3A_479 : i32 to index
        %get3A_1007 = tpu.vector_load %arg6[%get3A_1003, %get3A_1004, %get3A_1005, %get3A_1006] {strides = array<i32>} : memref<3x8x8x512xf32, #tpu.memory_space<vmem>>, vector<16xf32>,
        %add3A_1008 = arith.addf %add3A_999, %get3A_1007 : vector<16xf32>
        %get3A_1009 = arith.constant 0 : i32
        %get3A_1010 = arith.constant 7 : i32
        %get3A_1011 = arith.constant 6 : i32
        %get3A_1012 = arith.index_cast %get3A_1009 : i32 to index
        %get3A_1013 = arith.index_cast %get3A_1010 : i32 to index
        %get3A_1014 = arith.index_cast %get3A_1011 : i32 to index
        %get3A_1015 = arith.index_cast %multiple_of3A_479 : i32 to index
        %get3A_1016 = tpu.vector_load %arg6[%get3A_1012, %get3A_1013, %get3A_1014, %get3A_1015] {strides = array<i32>} : memref<3x8x8x512xf32, #tpu.memory_space<vmem>>, vector<16xf32>,
        %add3A_1017 = arith.addf %add3A_1008, %get3A_1016 : vector<16xf32>
        %mul3A_1018 = arith.constant 1.250000e-01 : f32
        %mul3A_1019 = vector.broadcast %mul3A_1018 : f32 to vector<16xf32>
        %mul3A_1020 = arith.mulf %add3A_1017, %mul3A_1019 : vector<16xf32>
        %swap3A_1021 = arith.constant 6 : i32
        %swap3A_1022 = arith.index_cast %swap3A_1021 : i32 to index
        %swap3A_1023 = arith.index_cast %multiple_of3A_479 : i32 to index
        %swap3A_1024 = tpu.vector_load %arg7[%swap3A_1022, %swap3A_1023] {strides = array<i32>} : memref<8x512xf32, #tpu.memory_space<vmem>>, vector<16xf32>,
        tpu.vector_store %arg7[%swap3A_1022, %swap3A_1023], %mul3A_1020 {strides = array<i32>} : memref<8x512xf32, #tpu.memory_space<vmem>>, vector<16xf32>,
        %get3A_1025 = arith.constant 0 : i32
        %get3A_1026 = arith.constant 0 : i32
        %get3A_1027 = arith.constant 7 : i32
        %get3A_1028 = arith.index_cast %get3A_1025 : i32 to index
        %get3A_1029 = arith.index_cast %get3A_1026 : i32 to index
        %get3A_1030 = arith.index_cast %get3A_1027 : i32 to index
        %get3A_1031 = arith.index_cast %multiple_of3A_479 : i32 to index
        %get3A_1032 = tpu.vector_load %arg6[%get3A_1028, %get3A_1029, %get3A_1030, %get3A_1031] {strides = array<i32>} : memref<3x8x8x512xf32, #tpu.memory_space<vmem>>, vector<16xf32>,
        %get3A_1033 = arith.constant 0 : i32
        %get3A_1034 = arith.constant 1 : i32
        %get3A_1035 = arith.constant 7 : i32
        %get3A_1036 = arith.index_cast %get3A_1033 : i32 to index
        %get3A_1037 = arith.index_cast %get3A_1034 : i32 to index
        %get3A_1038 = arith.index_cast %get3A_1035 : i32 to index
        %get3A_1039 = arith.index_cast %multiple_of3A_479 : i32 to index
        %get3A_1040 = tpu.vector_load %arg6[%get3A_1036, %get3A_1037, %get3A_1038, %get3A_1039] {strides = array<i32>} : memref<3x8x8x512xf32, #tpu.memory_space<vmem>>, vector<16xf32>,
        %add3A_1041 = arith.addf %get3A_1032, %get3A_1040 : vector<16xf32>
        %get3A_1042 = arith.constant 0 : i32
        %get3A_1043 = arith.constant 2 : i32
        %get3A_1044 = arith.constant 7 : i32
        %get3A_1045 = arith.index_cast %get3A_1042 : i32 to index
        %get3A_1046 = arith.index_cast %get3A_1043 : i32 to index
        %get3A_1047 = arith.index_cast %get3A_1044 : i32 to index
        %get3A_1048 = arith.index_cast %multiple_of3A_479 : i32 to index
        %get3A_1049 = tpu.vector_load %arg6[%get3A_1045, %get3A_1046, %get3A_1047, %get3A_1048] {strides = array<i32>} : memref<3x8x8x512xf32, #tpu.memory_space<vmem>>, vector<16xf32>,
        %add3A_1050 = arith.addf %add3A_1041, %get3A_1049 : vector<16xf32>
        %get3A_1051 = arith.constant 0 : i32
        %get3A_1052 = arith.constant 3 : i32
        %get3A_1053 = arith.constant 7 : i32
        %get3A_1054 = arith.index_cast %get3A_1051 : i32 to index
        %get3A_1055 = arith.index_cast %get3A_1052 : i32 to index
        %get3A_1056 = arith.index_cast %get3A_1053 : i32 to index
        %get3A_1057 = arith.index_cast %multiple_of3A_479 : i32 to index
        %get3A_1058 = tpu.vector_load %arg6[%get3A_1054, %get3A_1055, %get3A_1056, %get3A_1057] {strides = array<i32>} : memref<3x8x8x512xf32, #tpu.memory_space<vmem>>, vector<16xf32>,
        %add3A_1059 = arith.addf %add3A_1050, %get3A_1058 : vector<16xf32>
        %get3A_1060 = arith.constant 0 : i32
        %get3A_1061 = arith.constant 4 : i32
        %get3A_1062 = arith.constant 7 : i32
        %get3A_1063 = arith.index_cast %get3A_1060 : i32 to index
        %get3A_1064 = arith.index_cast %get3A_1061 : i32 to index
        %get3A_1065 = arith.index_cast %get3A_1062 : i32 to index
        %get3A_1066 = arith.index_cast %multiple_of3A_479 : i32 to index
        %get3A_1067 = tpu.vector_load %arg6[%get3A_1063, %get3A_1064, %get3A_1065, %get3A_1066] {strides = array<i32>} : memref<3x8x8x512xf32, #tpu.memory_space<vmem>>, vector<16xf32>,
        %add3A_1068 = arith.addf %add3A_1059, %get3A_1067 : vector<16xf32>
        %get3A_1069 = arith.constant 0 : i32
        %get3A_1070 = arith.constant 5 : i32
        %get3A_1071 = arith.constant 7 : i32
        %get3A_1072 = arith.index_cast %get3A_1069 : i32 to index
        %get3A_1073 = arith.index_cast %get3A_1070 : i32 to index
        %get3A_1074 = arith.index_cast %get3A_1071 : i32 to index
        %get3A_1075 = arith.index_cast %multiple_of3A_479 : i32 to index
        %get3A_1076 = tpu.vector_load %arg6[%get3A_1072, %get3A_1073, %get3A_1074, %get3A_1075] {strides = array<i32>} : memref<3x8x8x512xf32, #tpu.memory_space<vmem>>, vector<16xf32>,
        %add3A_1077 = arith.addf %add3A_1068, %get3A_1076 : vector<16xf32>
        %get3A_1078 = arith.constant 0 : i32
        %get3A_1079 = arith.constant 6 : i32
        %get3A_1080 = arith.constant 7 : i32
        %get3A_1081 = arith.index_cast %get3A_1078 : i32 to index
        %get3A_1082 = arith.index_cast %get3A_1079 : i32 to index
        %get3A_1083 = arith.index_cast %get3A_1080 : i32 to index
        %get3A_1084 = arith.index_cast %multiple_of3A_479 : i32 to index
        %get3A_1085 = tpu.vector_load %arg6[%get3A_1081, %get3A_1082, %get3A_1083, %get3A_1084] {strides = array<i32>} : memref<3x8x8x512xf32, #tpu.memory_space<vmem>>, vector<16xf32>,
        %add3A_1086 = arith.addf %add3A_1077, %get3A_1085 : vector<16xf32>
        %get3A_1087 = arith.constant 0 : i32
        %get3A_1088 = arith.constant 7 : i32
        %get3A_1089 = arith.constant 7 : i32
        %get3A_1090 = arith.index_cast %get3A_1087 : i32 to index
        %get3A_1091 = arith.index_cast %get3A_1088 : i32 to index
        %get3A_1092 = arith.index_cast %get3A_1089 : i32 to index
        %get3A_1093 = arith.index_cast %multiple_of3A_479 : i32 to index
        %get3A_1094 = tpu.vector_load %arg6[%get3A_1090, %get3A_1091, %get3A_1092, %get3A_1093] {strides = array<i32>} : memref<3x8x8x512xf32, #tpu.memory_space<vmem>>, vector<16xf32>,
        %add3A_1095 = arith.addf %add3A_1086, %get3A_1094 : vector<16xf32>
        %mul3A_1096 = arith.constant 1.250000e-01 : f32
        %mul3A_1097 = vector.broadcast %mul3A_1096 : f32 to vector<16xf32>
        %mul3A_1098 = arith.mulf %add3A_1095, %mul3A_1097 : vector<16xf32>
        %swap3A_1099 = arith.constant 7 : i32
        %swap3A_1100 = arith.index_cast %swap3A_1099 : i32 to index
        %swap3A_1101 = arith.index_cast %multiple_of3A_479 : i32 to index
        %swap3A_1102 = tpu.vector_load %arg7[%swap3A_1100, %swap3A_1101] {strides = array<i32>} : memref<8x512xf32, #tpu.memory_space<vmem>>, vector<16xf32>,
        tpu.vector_store %arg7[%swap3A_1100, %swap3A_1101], %mul3A_1098 {strides = array<i32>} : memref<8x512xf32, #tpu.memory_space<vmem>>, vector<16xf32>,
        %scan3A_1103 = arith.constant 0 : i32
        scf.yield %scan3A_1103 : i32
      }
      %scan3A_464 = arith.constant 32 : i32
      %shift_right_arithmetic3A_465 = arith.constant 1 : i32
      %shift_right_arithmetic3A_466 = arith.shrsi %add3A_432, %shift_right_arithmetic3A_465 : i32
      %mul3A_467 = arith.constant 8 : i32
      %mul3A_468 = arith.muli %shift_right_arithmetic3A_466, %mul3A_467 : i32
      %multiple_of3A_469 = tpu.assume_multiple %mul3A_468, 8 : i32
      %and3A_470 = arith.constant 1 : i32
      %and3A_471 = arith.andi %add3A_432, %and3A_470 : i32
      %mul3A_472 = arith.constant 512 : i32
      %mul3A_473 = arith.muli %and3A_471, %mul3A_472 : i32
      %multiple_of3A_474 = tpu.assume_multiple %mul3A_473, 128 : i32
      "tpu.region"() ({
        %run_scoped3A = tpu.sem_alloc : memref<!tpu.dma_semaphore, #tpu.memory_space<semaphore_mem>>
        %dma_start3A_475 = tpu.memref_slice %arg4[%multiple_of3A_469, %multiple_of3A_474] : memref<512x1024xf32, #tpu.memory_space<hbm>> -> memref<8x512xf32, #tpu.memory_space<hbm>>
        %dma_start3A_476 = tpu.memref_slice %arg4[%multiple_of3A_469, %multiple_of3A_474] : memref<512x1024xf32, #tpu.memory_space<hbm>> -> memref<8x512xf32, #tpu.memory_space<hbm>>
        tpu.enqueue_dma source(%arg7 : memref<8x512xf32, #tpu.memory_space<vmem>>) target(%dma_start3A_476 : memref<8x512xf32, #tpu.memory_space<hbm>>) target_semaphore(%run_scoped3A : memref<!tpu.dma_semaphore, #tpu.memory_space<semaphore_mem>>)
        %dma_wait3A_477 = tpu.memref_slice %arg4[%multiple_of3A_469, %multiple_of3A_474] : memref<512x1024xf32, #tpu.memory_space<hbm>> -> memref<8x512xf32, #tpu.memory_space<hbm>>
        %dma_wait3A_478 = tpu.memref_slice %arg4[%multiple_of3A_469, %multiple_of3A_474] : memref<512x1024xf32, #tpu.memory_space<hbm>> -> memref<8x512xf32, #tpu.memory_space<hbm>>
        tpu.wait_dma2 semaphore(%run_scoped3A : memref<!tpu.dma_semaphore, #tpu.memory_space<semaphore_mem>>) src(%arg7 : memref<8x512xf32, #tpu.memory_space<vmem>>) dst(%dma_wait3A_478 : memref<8x512xf32, #tpu.memory_space<hbm>>)
        tpu.yield
      }) : () -> ()
    } else {
    }
    return
  }
}

module attributes {stable_mosaic.version = 14 : i64} {
  func.func @_tc_body(%arg0: i32, %arg1: i32, %arg2: memref<8xi32, #tpu.memory_space<smem>>, %arg3: memref<1x488x1024xf32, #tpu.memory_space<vmem>>, %arg4: memref<488x1024xf32, #tpu.memory_space<vmem>>) attributes {dimension_semantics = [#tpu.dimension_semantics<parallel>, #tpu.dimension_semantics<arbitrary>], iteration_bounds = array<i64: 1, 8>, scalar_prefetch = 1 : i64, scratch_operands = 0 : i64, tpu.core_type = #tpu.core_type<tc>, window_params = [{transform_indices = @transform_0, window_bounds = array<i64: 1, 488, 1024>}, {transform_indices = @transform_1, window_bounds = array<i64: 488, 1024>}]} {
    %eq3A = arith.constant 0 : i32
    %eq3A_0 = arith.cmpi eq, %arg1, %eq3A : i32
    %convert_element_type3A = arith.extui %eq3A_0 : i1 to i32
    %cond3A = arith.constant 0 : i32
    %cond3A_1 = arith.cmpi ne, %convert_element_type3A, %cond3A : i32
    scf.if %cond3A_1 {
      %get3A = arith.constant 0 : index
      %get3A_6 = arith.constant 0 : index
      %get3A_7 = arith.constant 0 : index
      %get3A_8 = vector.load %arg3[%get3A, %get3A_6, %get3A_7] : memref<1x488x1024xf32, #tpu.memory_space<vmem>>, vector<1x488x1024xf32>
      %get3A_9 = vector.shape_cast %get3A_8 : vector<1x488x1024xf32> to vector<488x1024xf32>
      %mul3A = arith.constant 1.250000e-01 : f32
      %mul3A_10 = vector.broadcast %mul3A : f32 to vector<488x1024xf32>
      %mul3A_11 = arith.mulf %get3A_9, %mul3A_10 : vector<488x1024xf32>
      %swap3A = arith.constant 0 : index
      %swap3A_12 = arith.constant 0 : index
      %swap3A_13 = vector.load %arg4[%swap3A, %swap3A_12] : memref<488x1024xf32, #tpu.memory_space<vmem>>, vector<488x1024xf32>
      tpu.vector_store %arg4[%swap3A, %swap3A_12], %mul3A_11 {strides = array<i32>} : memref<488x1024xf32, #tpu.memory_space<vmem>>, vector<488x1024xf32>,
    } else {
    }
    %gt3A = arith.constant 0 : i32
    %gt3A_2 = arith.cmpi sgt, %arg1, %gt3A : i32
    %convert_element_type3A_3 = arith.extui %gt3A_2 : i1 to i32
    %cond3A_4 = arith.constant 0 : i32
    %cond3A_5 = arith.cmpi ne, %convert_element_type3A_3, %cond3A_4 : i32
    scf.if %cond3A_5 {
      %get3A = arith.constant 0 : index
      %get3A_6 = arith.constant 0 : index
      %get3A_7 = vector.load %arg4[%get3A, %get3A_6] : memref<488x1024xf32, #tpu.memory_space<vmem>>, vector<488x1024xf32>
      %get3A_8 = arith.constant 0 : index
      %get3A_9 = arith.constant 0 : index
      %get3A_10 = arith.constant 0 : index
      %get3A_11 = vector.load %arg3[%get3A_8, %get3A_9, %get3A_10] : memref<1x488x1024xf32, #tpu.memory_space<vmem>>, vector<1x488x1024xf32>
      %get3A_12 = vector.shape_cast %get3A_11 : vector<1x488x1024xf32> to vector<488x1024xf32>
      %mul3A = arith.constant 1.250000e-01 : f32
      %mul3A_13 = vector.broadcast %mul3A : f32 to vector<488x1024xf32>
      %mul3A_14 = arith.mulf %get3A_12, %mul3A_13 : vector<488x1024xf32>
      %add3A = arith.addf %get3A_7, %mul3A_14 : vector<488x1024xf32>
      %swap3A = arith.constant 0 : index
      %swap3A_15 = arith.constant 0 : index
      %swap3A_16 = vector.load %arg4[%swap3A, %swap3A_15] : memref<488x1024xf32, #tpu.memory_space<vmem>>, vector<488x1024xf32>
      tpu.vector_store %arg4[%swap3A, %swap3A_15], %add3A {strides = array<i32>} : memref<488x1024xf32, #tpu.memory_space<vmem>>, vector<488x1024xf32>,
    } else {
    }
    return
  }
  func.func @transform_0(%arg0: i32, %arg1: i32, %arg2: memref<8xi32, #tpu.memory_space<smem>>) -> (i32, i32, i32) {
    %get3A = arith.index_cast %arg1 : i32 to index
    %get3A_0 = memref.load %arg2[%get3A] : memref<8xi32, #tpu.memory_space<smem>>
    %add3A = arith.constant 0 : i32
    %add3A_1 = arith.addi %add3A, %arg0 : i32
    %c0_i32 = arith.constant 0 : i32
    %c0_i32_2 = arith.constant 0 : i32
    return %get3A_0, %add3A_1, %c0_i32 : i32, i32, i32
  }
  func.func @transform_1(%arg0: i32, %arg1: i32, %arg2: memref<8xi32, #tpu.memory_space<smem>>) -> (i32, i32) {
    %c0_i32 = arith.constant 0 : i32
    %c0_i32_0 = arith.constant 0 : i32
    return %arg0, %c0_i32 : i32, i32
  }
}

</mosaic_0001>

<sc_bundles>
// kernel: kernel.4.cloned.1.call-start
scs
__scs_entry_jumppad:
0x0: {  	(pc) =	sbr.rel $0x88, $3  }
0x1: {  	(tag) =	ssettag $0x0;
	lr =	simm.s32 $0x1  }
0x2: {  	[smem:$0x3F9F] =	sst lr;
	_ =	strace $0xD0000000  }
0x3: {  	_ = 	snop  }
0x4: {  	_ = 	snop  }
0x5: {  	_ = 	snop  }
0x6: {  	_ = 	snop  }
0x7: {  	_ = 	snop  }
__scs_overlays_trampoline_lowered:
0x8: {  	[smem:$0x3FAE] =	sst s0  }
0x9: {  	[smem:$0x3FAF] =	sst s1  }
0xa: {  	[smem:$0x3FB0] =	sst s2  }
0xb: {  	[smem:$0x3FB1] =	sst s3  }
0xc: {  	[smem:$0x3FB2] =	sst s4  }
0xd: {  	[smem:$0x3FB3] =	sst s5  }
0xe: {  	[smem:$0x3FB4] =	sst s6  }
0xf: {  	[smem:$0x3FB5] =	sst s7  }
0x10: {  	[smem:$0x3FB6] =	sst s8  }
0x11: {  	[smem:$0x3FB7] =	sst s9;
	s0 =	simm.s32 @!p0 $0x0  }
0x12: {  	s1 =	sld [smem:$0x3F9D];
	s0 =	simm.s32 @p0 $0x1  }
0x13: {  	[smem:$0x3FB8] =	sst s0;
	s0 =	simm.s32 @!p1 $0x0  }
0x14: {  	s2 =	sld [smem:$0x3F9C];
	s0 =	simm.s32 @p1 $0x1  }
0x15: {  	[smem:$0x3FB9] =	sst s0;
	s0 =	simm.s32 @!p2 $0x0  }
0x16: {  	s3 =	sld [smem:$0x3FDB];
	s0 =	simm.s32 @p2 $0x1  }
0x17: {  	s4 =	simm.s32 $0x1BF5;
	[smem:$0x3FBB] =	sst s0  }
0x18: {  	s0 =	sld [smem:$0x3F9E];
	_ =	swait.ge [sflag:s4], $0x0  }
0x19: {  	s7 =	sld [smem:$0x3F9F]  }
0x1a: {  	s8 =	sadd.s32 $0xFFFFE003, lr  }
0x1b: {  	s9 =	sadd.s32 $0xFFFFFEF7, lr;
	s5 =	simm.s32 $0xFFFFFFFF;
	p2 =	slt.u32 s8, $0xFFFFF086  }
0x1c: {  	p1 =	slt.u32 s9, $0xF7A;
	s5 =	simm.s32 @!p2 $0x0  }
0x1d: {  	s5 =	simm.s32 @p1 $0x1;
	p0 =	seq.s32 s7, s2  }
0x1e: {  	s7 =	smul.u32 @!p0 $0xF7A, s2;
	p2 =	seq.s32 @!p0 s5, $0x0  }
0x1f: {  	s9 =	smul.u32 $0xF7A, s1;
	s8 =	simm.s32 @!p0 $0x1BF5;
	p2 =	por !p2, p0  }
0x20: {  	[sflag:s8] =	ssyncset.s32 @!p0 $0xFFFFF086;
	s6 =	sadd.s32 @!p0 s3, s7;
	s7 =	simm.s32 @!p0 $0x108  }
0x21: {  	s3 =	sadd.s32 s3, s9;
	s6 =	sadd.s32 @!p0 $0x88, s6;
	s7 =	simm.s32 @p2 $0x1082  }
0x22: {  	[simem:s7], [sflag:s8] =	dma.local @!p0 [hbm:s6], $0xF7A  }
0x23: {  	s9 =	sor.u32 $0xD0000000, s2;
	s6 =	simm.s32 $0x108;
	_ =	swait.ge @!p0 [sflag:s8], $0x0  }
0x24: {  	s3 =	sadd.s32 $0x88, s3;
	s6 =	simm.s32 @!p1 $0x1082;
	[sflag:s4] =	ssyncset.s32 $0xFFFFF086  }
0x25: {  	[simem:s6], [sflag:s4] =	dma.local [hbm:s3], $0xF7A  }
0x26: {  	[smem:$0x3F9F] =	sst s1;
	(tag) =	ssettag s2;
	_ =	strace s9  }
0x27: {  	s1 =	sld [smem:$0x3FAF]  }
0x28: {  	s2 =	sld [smem:$0x3FB0]  }
0x29: {  	s4 =	sld [smem:$0x3FB2]  }
0x2a: {  	p0 =	seq.s32 s5, $0x0;
	s5 =	sld [smem:$0x3FB3]  }
0x2b: {  	s6 =	sld [smem:$0x3FB4]  }
0x2c: {  	s7 =	sld [smem:$0x3FB5]  }
0x2d: {  	s3 =	simm.s32 $0x108;
	s8 =	sld [smem:$0x3FB6]  }
0x2e: {  	s3 =	simm.s32 @!p0 $0x1082;
	s9 =	sld [smem:$0x3FB7]  }
0x2f: {  	lr =	sadd.s32 s0, s3;
	s0 =	sld [smem:$0x3FAE]  }
0x30: {  	s3 =	sld [smem:$0x3FB1]  }
0x31: {  	[smem:$0x3FBA] =	sst s10  }
0x32: {  	s10 =	sld [smem:$0x3FB8];
	_ =	sdelay $0x3  }
0x33: {  	p0 =	seq.s32 s10, $0x1;
	s10 =	sld [smem:$0x3FBA];
	_ =	sdelay $0x3  }
0x34: {  	[smem:$0x3FBA] =	sst s10  }
0x35: {  	s10 =	sld [smem:$0x3FB9];
	_ =	sdelay $0x3  }
0x36: {  	p1 =	seq.s32 s10, $0x1;
	s10 =	sld [smem:$0x3FBA];
	_ =	sdelay $0x3  }
0x37: {  	[smem:$0x3FBA] =	sst s10  }
0x38: {  	s10 =	sld [smem:$0x3FBB]  }
0x39: {  	_ = 	snop;
	(pc) =	sbr.ind lr, $3  }
0x3a: {  	_ = 	snop  }
0x3b: {  	_ = 	snop  }
0x3c: {  	p2 =	seq.s32 s10, $0x1;
	s10 =	sld [smem:$0x3FBA]  }
0x3d: {  	_ =	shalt  }
0x3e: {  	_ =	shalt  }
0x3f: {  	_ =	shalt  }
0x40: {  	_ =	shalt  }
0x41: {  	_ =	shalt  }
0x42: {  	_ =	shalt  }
0x43: {  	_ =	shalt  }
0x44: {  	_ =	shalt  }
0x45: {  	_ =	shalt  }
0x46: {  	_ =	shalt  }
0x47: {  	_ =	shalt  }
0x48: {  	_ =	shalt  }
0x49: {  	_ =	shalt  }
0x4a: {  	_ =	shalt  }
0x4b: {  	_ =	shalt  }
0x4c: {  	_ =	shalt  }
0x4d: {  	_ =	shalt  }
0x4e: {  	_ =	shalt  }
0x4f: {  	_ =	shalt  }
0x50: {  	_ =	shalt  }
0x51: {  	_ =	shalt  }
0x52: {  	_ =	shalt  }
0x53: {  	_ =	shalt  }
0x54: {  	_ =	shalt  }
0x55: {  	_ =	shalt  }
0x56: {  	_ =	shalt  }
0x57: {  	_ =	shalt  }
0x58: {  	_ =	shalt  }
0x59: {  	_ =	shalt  }
0x5a: {  	_ =	shalt  }
0x5b: {  	_ =	shalt  }
0x5c: {  	_ =	shalt  }
0x5d: {  	_ =	shalt  }
0x5e: {  	_ =	shalt  }
0x5f: {  	_ =	shalt  }
0x60: {  	_ =	shalt  }
0x61: {  	_ =	shalt  }
0x62: {  	_ =	shalt  }
0x63: {  	_ =	shalt  }
0x64: {  	_ =	shalt  }
0x65: {  	_ =	shalt  }
0x66: {  	_ =	shalt  }
0x67: {  	_ =	shalt  }
0x68: {  	_ =	shalt  }
0x69: {  	_ =	shalt  }
0x6a: {  	_ =	shalt  }
0x6b: {  	_ =	shalt  }
0x6c: {  	_ =	shalt  }
0x6d: {  	_ =	shalt  }
0x6e: {  	_ =	shalt  }
0x6f: {  	_ =	shalt  }
0x70: {  	_ =	shalt  }
0x71: {  	_ =	shalt  }
0x72: {  	_ =	shalt  }
0x73: {  	_ =	shalt  }
0x74: {  	_ =	shalt  }
0x75: {  	_ =	shalt  }
0x76: {  	_ =	shalt  }
0x77: {  	_ =	shalt  }
0x78: {  	_ =	shalt  }
0x79: {  	_ =	shalt  }
0x7a: {  	_ =	shalt  }
0x7b: {  	_ =	shalt  }
0x7c: {  	_ =	shalt  }
0x7d: {  	_ =	shalt  }
0x7e: {  	_ =	shalt  }
0x7f: {  	_ =	shalt  }
0x80: {  	_ =	shalt  }
0x81: {  	_ =	shalt  }
0x82: {  	_ =	shalt  }
0x83: {  	_ =	shalt  }
0x84: {  	_ =	shalt  }
0x85: {  	_ =	shalt  }
0x86: {  	_ =	shalt  }
0x87: {  	_ =	shalt  }
.Lfunc_end0:
.L_simem_size_0:
called_computation_lowered:
.L_overlay_start_0:
0x88: {  	s2 =	sld [smem:$0x3FD9]  }
0x89: {  	s3 =	sld [smem:$0x3FFE];
	_ =	sdelay $0x1  }
0x8a: {  	s1 =	srdreg.scid  }
0x8b: {  	s0 =	sand.u32 $0x1, s1  }
0x8c: {  	s17 =	sshll.u32 s0, $0xA;
	s2 =	sadd.s32 s3, s2  }
0x8d: {  	s2 =	sadd.s32 s2, s17  }
0x8e: {  	[smem:$0x3FC6] =	sst s2  }
0x8f: {  	_ = 	snop  }
0x90: {  	s2 =	sld [smem:$0x3FC9]  }
0x91: {  	s18 =	sld [smem:$0x3FC8];
	(tm) =	ssettm $0x1  }
0x92: {  	s4 =	sld [smem:$0x3FFB];
	_ =	sdelay $0x3  }
0x93: {  	_ =	strace s4  }
0x94: {  	s4 =	sld [smem:$0x3FFC];
	_ =	sdelay $0x3  }
0x95: {  	_ =	strace s4  }
0x96: {  	s4 =	sld [smem:$0x3FFD];
	_ =	sdelay $0x3  }
0x97: {  	_ =	strace s4  }
0x98: {  	_ =	strace $0x8FFFFFFF  }
0x99: {  	s19 =	sld [smem:$0x3FDB];
	_ =	sdelay $0x1  }
0x9a: {  	s5 =	simm.s32 $_scs_section_size  }
0x9b: {  	s6 =	simm.s32 $_size__tile_overlayer_lowered;
	s7 =	simm.s32 $_tile_overlayer_lowered  }
0x9c: {  	s22 =	simm.s32 $0x1BFF;
	s21 =	sshll.u32 s7, $0x1;
	s4 =	sadd.s32 s5, s19  }
0x9d: {  	s8 =	simm.s32 $0x0;
	s20 =	sshll.u32 s6, $0x1;
	s6 =	sadd.s32 s21, s4  }
0x9e: {  	[timem:s8], [sflag:s22] =	dma.local [hbm:s6], s20  }
0x9f: {  	_ =	swait.ge [sflag:s22], s20  }
0xa0: {  	s5 =	ssub.s32 $0x0, s20;
	[sflag:s22] =	ssyncset.done $0x0  }
0xa1: {  	[sflag:s22] =	ssyncadd.s32 s5;
	_ =	sdelay $0x1  }
0xa2: {  	s23 =	simm.s32 $0x1B8B  }
0xa3: {  	_ =	swait.ge [sflag:s23], $0x1  }
0xa4: {  	[sflag:s23] =	ssyncset.done $0x0  }
0xa5: {  	s25 =	simm.s32 $0x1B8E;
	s24 =	sld [smem:$0x3FFE];
	[sflag:s23] =	ssyncadd.s32 $0xFFFFFFFF  }
0xa6: {  	s26 =	simm.s32 $execute0_lowered;
	[smem:$0x3FD2] =	sst s25  }
0xa7: {  	s6 =	sshll.u32 s26, $0x1;
	_ =	strace $0x80000046;
	[dreg:$0x1] =	wrdreg $0xFFFFFFFF  }
0xa8: {  	s28 =	simm.s32 $_size_execute0_lowered;
	s4 =	sadd.s32 s4, s6;
	[dreg:$0x0] =	wrdreg $0x0  }
0xa9: {  	s6 =	sshll.u32 s28, $0x1;
	[dreg:$0x2] =	wrdreg s4  }
0xaa: {  	[dreg:$0x3] =	wrdreg s6  }
0xab: {  	[dreg:$0x4] =	wrdreg $0xC0  }
0xac: {  	_ =	task [dreg:s8], $0x5FFFF  }
0xad: {  	[dreg:$0x1] =	wrdreg $0xFFFFFFFF  }
0xae: {  	[dreg:$0x0] =	wrdreg $0x60  }
0xaf: {  	[dreg:$0x2] =	wrdreg s2  }
0xb0: {  	[dreg:$0x3] =	wrdreg s18  }
0xb1: {  	[dreg:$0x4] =	wrdreg s24  }
0xb2: {  	[dreg:$0x5] =	wrdreg $0x9  }
0xb3: {  	_ =	task.clear_ibuf [dreg:s8], $0x6FFFF;
	_ =	strace $0x90000046  }
0xb4: {  	s29 =	simm.s32 $0x9;
	_ =	strace $0x80000048  }
0xb5: {  	_ =	swait.ge [sflag:s29], $0x1  }
0xb6: {  	[sflag:s29] =	ssyncadd.s32 $0xFFFFFFFF  }
0xb7: {  	_ =	strace $0x90000048  }
0xb8: {  	_ =	sfence  }
0xb9: {  	s30 =	sld [smem:$0x0];
	_ =	sdelay $0x2  }
0xba: {  	s31 =	sshll.u32 s1, $0xD;
	s1 =	sshrl.u32 s1, $0x2  }
0xbb: {  	s3 =	sand.u32 $0x4000, s31;
	s1 =	sadd.s32 s1, s30  }
0xbc: {  	s0 =	sor.u32 s3, s0;
	s1 =	sshll.u32 s1, $0x11  }
0xbd: {  	s0 =	sor.u32 s1, s0  }
0xbe: {  	s0 =	sadd.s32 $0x8F2B, s0  }
0xbf: {  	[sflag:s0] =	ssyncadd.remote.s32 $0x1  }
0xc0: {  	_ =	sfence.sel $0xFFFF  }
0xc1: {  	[dreg:$0x0] =	wrdreg $0xFFFFFFFF;
	(pc) =	sbr.abs _section_cstart, $3  }
0xc2: {  	[dreg:$0x1] =	wrdreg $0xFFFFFFFF  }
0xc3: {  	_ =	task.clear_ibuf [dreg:s8], $0x2FFFF;
	_ =	strace $0x9FFFFFFF  }
0xc4: {  	(tm) =	ssettm $0x7FFFFFFF  }
0xc5: {  	_ =	shalt  }
tec
execute0_lowered:
.L_overlay_start_1:
0x0: {  	(tag) =	ssettag $0x1  }
0x1: {  	s2 =	rddreg [dreg:$0x0];
	s0 =	srdreg.scid  }
0x2: {  	s1 =	rddreg [dreg:$0x2];
	s4 =	stileid.u32;
	s14 =	simm.s32 $0x4  }
0x3: {  	s22 =	simm.s32 $0x80;
	s29 =	simm.s32 $0x1;
	s30 =	simm.s32 $0x18080  }
0x4: {  	s31 =	simm.s32 $0x2;
	s0 =	sand.u32 $0x1, s0;
	s5 =	sshll.u32 s4, $0xD  }
0x5: {  	s4 =	simm.s32 $0x0;
	s3 =	sshll.u32 s0, $0xC;
	s0 =	ssub.s32 $0x2, s0  }
0x6: {  	[smem:$0x7FF] =	sst s4;
	s3 =	sor.u32 s3, s5;
	s6 =	sshrl.u32 s0, $0x1  }
0x7: {  	_ =	strace $0x80000047;
	s5 =	sshrl.u32 s3, $0x3;
	s0 =	ssub.s32 s0, s6  }
0x8: {  	s6 =	sadd.s32 $0x9A000, s3;
	s7 =	sadd.s32 $0xBA000, s3;
	s9 =	sadd.s32 $0xDA000, s3  }
0x9: {  	vm0 =	vmmov $0x1;
	vm1 =	vcmask $0x70C;
	s1 =	sadd.s32 s5, s1;
	s5 =	sadd.s32 $0x7A000, s3;
	s13 =	smax.u32 s0, $0x1  }
0xa: {  	vm2 =	vcmask $0xB10;
	vm3 =	vcmask $0xF14;
	vm4 =	vcmask $0x1318;
	s0 =	simm.s32 $0x3;
	s8 =	sadd.s32 $0x600, s1;
	s10 =	sadd.s32 $0x4600, s1  }
0xb: {  	vm5 =	vcmask $0x171C;
	vm6 =	vcmask $0x1B20;
	vm7 =	vcmask $0x308;
	s11 =	sadd.s32 $0x8600, s1;
	s12 =	sadd.s32 $0xC600, s1;
	s1 =	simm.s32 $0x0  }
.LBB2_1:
0xc: {  	s3 =	rddreg [dreg:$0x1]  }
0xd: {  	[tilespmem:s4], [sflag:$0x4] =	stream.linear.gather [hbm4b:s3+s4], $0x8, $0x38;
	[tilespmem:$0x19080] =	vst v63  }
0xe: {  	_ =	swait.ge [sflag:s14], $0x8  }
0xf: {  	[sflag:s14] =	ssyncset.done $0x0  }
0x10: {  	[sflag:s14] =	ssyncadd.s32 $0xFFFFFFF8  }
0x11: {  	v0 =	vld [tilespmem:$0x0];
	_ =	sdelay $0x4  }
0x12: {  	v1 =	vnsel vm0, $0x0, v0  }
0x13: {  	(xrf0) =	vadd.scan.msk.s32 $0xffff, v1;
	v1 =	vsel vm1, $0x0, v0  }
0x14: {  	(xrf0) =	vadd.scan.msk.s32 $0xffff, v1;
	v1 =	vsel vm2, $0x0, v0  }
0x15: {  	(xrf0) =	vadd.scan.msk.s32 $0xffff, v1;
	v1 =	vsel vm3, $0x0, v0  }
0x16: {  	(xrf0) =	vadd.scan.msk.s32 $0xffff, v1;
	v1 =	vsel vm4, $0x0, v0  }
0x17: {  	(xrf0) =	vadd.scan.msk.s32 $0xffff, v1;
	v1 =	vsel vm5, $0x0, v0  }
0x18: {  	(xrf0) =	vadd.scan.msk.s32 $0xffff, v1;
	v1 =	vsel vm6, $0x0, v0  }
0x19: {  	v0 =	vsel vm7, $0x0, v0  }
0x1a: {  	v2, _, _ =	vpop (xrf0);
	(xrf0) =	vadd.scan.msk.s32 $0xffff, v1  }
0x1b: {  	(v2sf) =	vpush v2, $0xF;
	v1, _, _ =	vpop (xrf0);
	(xrf0) =	vadd.scan.msk.s32 $0xffff, v0  }
0x1c: {  	v0, _, _ =	vpop (xrf0);
	(v2sf) =	vpush v1, $0xF  }
0x1d: {  	v1, _, _ =	vpop (xrf0);
	(v2sf) =	vpush v0, $0xF  }
0x1e: {  	v0, _, _ =	vpop (xrf0);
	(v2sf) =	vpush v1, $0xF  }
0x1f: {  	v1, _, _ =	vpop (xrf0);
	(v2sf) =	vpush v0, $0xF  }
0x20: {  	v0, _, _ =	vpop (xrf0);
	(v2sf) =	vpush v1, $0xF  }
0x21: {  	(v2sf) =	vpush v0, $0xF;
	v0, _, _ =	vpop (xrf0)  }
0x22: {  	(v2sf) =	vpush v0, $0xF;
	_ =	sdelay $0x7  }
0x23: {  	s25 =	spop (v2sf)  }
0x24: {  	s15 =	spop (v2sf)  }
0x25: {  	s16 =	spop (v2sf)  }
0x26: {  	s17 =	spop (v2sf)  }
0x27: {  	s3 =	smul.u32 $0xFA000, s25;
	s18 =	spop (v2sf)  }
0x28: {  	s19 =	spop (v2sf)  }
0x29: {  	s21 =	sadd.s32 s5, s3;
	s20 =	spop (v2sf)  }
0x2a: {  	s24 =	smul.u32 $0xFA000, s15;
	s21 =	sshrl.u32 s21, $0x3;
	s23 =	spop (v2sf)  }
0x2b: {  	s21 =	sadd.s32 s2, s21;
	s23 =	smul.u32 $0xFA000, s23  }
0x2c: {  	[tilespmem:s22], [sflag:$0x1] =	stream.linear.gather [hbm4b:s21+s4], $0x1000, $0x38;
	[tilespmem:$0x19080] =	vst v63  }
0x2d: {  	s26 =	sadd.s32 s5, s23  }
0x2e: {  	s25 =	sadd.s32 s5, s24;
	s22 =	simm.s32 $0x1080;
	s21 =	sshrl.u32 s26, $0x3  }
0x2f: {  	s15 =	sshrl.u32 s25, $0x3;
	s25 =	smul.u32 $0xFA000, s16;
	s21 =	sadd.s32 s2, s21  }
0x30: {  	[tilespmem:s22], [sflag:$0x1] =	stream.linear.gather [hbm4b:s21+s4], $0x1000, $0x38;
	[tilespmem:$0x19080] =	vst v63  }
0x31: {  	s15 =	sadd.s32 s2, s15;
	s16 =	sadd.s32 s5, s25;
	s26 =	simm.s32 $0x2080  }
0x32: {  	[tilespmem:s26], [sflag:$0x1] =	stream.linear.gather [hbm4b:s15+s4], $0x1000, $0x38;
	[tilespmem:$0x19080] =	vst v63  }
0x33: {  	s15 =	sshrl.u32 s16, $0x3  }
0x34: {  	s26 =	smul.u32 $0xFA000, s17;
	s17 =	simm.s32 $0x3080;
	s15 =	sadd.s32 s2, s15  }
0x35: {  	[tilespmem:s17], [sflag:$0x1] =	stream.linear.gather [hbm4b:s15+s4], $0x1000, $0x38;
	[tilespmem:$0x19080] =	vst v63  }
0x36: {  	s28 =	smul.u32 $0xFA000, s18;
	s21 =	sadd.s32 s5, s26  }
0x37: {  	s15 =	sshrl.u32 s21, $0x3  }
0x38: {  	s22 =	simm.s32 $0x4080;
	s16 =	sadd.s32 s5, s28;
	s15 =	sadd.s32 s2, s15  }
0x39: {  	[tilespmem:s22], [sflag:$0x1] =	stream.linear.gather [hbm4b:s15+s4], $0x1000, $0x38;
	[tilespmem:$0x19080] =	vst v63  }
0x3a: {  	s15 =	sshrl.u32 s16, $0x3  }
0x3b: {  	s18 =	simm.s32 $0x5080;
	s17 =	sadd.s32 s2, s15;
	s15 =	smul.u32 $0xFA000, s19  }
0x3c: {  	[tilespmem:s18], [sflag:$0x1] =	stream.linear.gather [hbm4b:s17+s4], $0x1000, $0x38;
	[tilespmem:$0x19080] =	vst v63  }
0x3d: {  	s19 =	sadd.s32 s5, s15  }
0x3e: {  	s16 =	sshrl.u32 s19, $0x3  }
0x3f: {  	s22 =	simm.s32 $0x6080;
	s21 =	sadd.s32 s2, s16;
	s16 =	smul.u32 $0xFA000, s20  }
0x40: {  	[tilespmem:s22], [sflag:$0x1] =	stream.linear.gather [hbm4b:s21+s4], $0x1000, $0x38;
	[tilespmem:$0x19080] =	vst v63  }
0x41: {  	s19 =	sadd.s32 s5, s16  }
0x42: {  	s17 =	sshrl.u32 s19, $0x3  }
0x43: {  	s20 =	simm.s32 $0x7080;
	s21 =	sadd.s32 s6, s3;
	s17 =	sadd.s32 s2, s17  }
0x44: {  	[tilespmem:s20], [sflag:$0x1] =	stream.linear.gather [hbm4b:s17+s4], $0x1000, $0x38;
	[tilespmem:$0x19080] =	vst v63  }
0x45: {  	s17 =	sshrl.u32 s21, $0x3  }
0x46: {  	s22 =	simm.s32 $0x8080;
	s19 =	sadd.s32 s6, s23;
	s17 =	sadd.s32 s2, s17  }
0x47: {  	[tilespmem:s22], [sflag:$0x2] =	stream.linear.gather [hbm4b:s17+s4], $0x1000, $0x38;
	[tilespmem:$0x19080] =	vst v63  }
0x48: {  	s17 =	sshrl.u32 s19, $0x3  }
0x49: {  	s20 =	simm.s32 $0x9080;
	s21 =	sadd.s32 s6, s24;
	s17 =	sadd.s32 s2, s17  }
0x4a: {  	[tilespmem:s20], [sflag:$0x2] =	stream.linear.gather [hbm4b:s17+s4], $0x1000, $0x38;
	[tilespmem:$0x19080] =	vst v63  }
0x4b: {  	s17 =	sshrl.u32 s21, $0x3  }
0x4c: {  	s22 =	simm.s32 $0xA080;
	s19 =	sadd.s32 s6, s25;
	s17 =	sadd.s32 s2, s17  }
0x4d: {  	[tilespmem:s22], [sflag:$0x2] =	stream.linear.gather [hbm4b:s17+s4], $0x1000, $0x38;
	[tilespmem:$0x19080] =	vst v63  }
0x4e: {  	s17 =	sshrl.u32 s19, $0x3  }
0x4f: {  	s20 =	simm.s32 $0xB080;
	s21 =	sadd.s32 s6, s26;
	s17 =	sadd.s32 s2, s17  }
0x50: {  	[tilespmem:s20], [sflag:$0x2] =	stream.linear.gather [hbm4b:s17+s4], $0x1000, $0x38;
	[tilespmem:$0x19080] =	vst v63  }
0x51: {  	s17 =	sshrl.u32 s21, $0x3  }
0x52: {  	s22 =	simm.s32 $0xC080;
	s19 =	sadd.s32 s6, s28;
	s17 =	sadd.s32 s2, s17  }
0x53: {  	[tilespmem:s22], [sflag:$0x2] =	stream.linear.gather [hbm4b:s17+s4], $0x1000, $0x38;
	[tilespmem:$0x19080] =	vst v63  }
0x54: {  	s17 =	sshrl.u32 s19, $0x3  }
0x55: {  	s20 =	simm.s32 $0xD080;
	s21 =	sadd.s32 s6, s15;
	s17 =	sadd.s32 s2, s17  }
0x56: {  	[tilespmem:s20], [sflag:$0x2] =	stream.linear.gather [hbm4b:s17+s4], $0x1000, $0x38;
	[tilespmem:$0x19080] =	vst v63  }
0x57: {  	s17 =	sshrl.u32 s21, $0x3  }
0x58: {  	s22 =	simm.s32 $0xE080;
	s19 =	sadd.s32 s6, s16;
	s17 =	sadd.s32 s2, s17  }
0x59: {  	[tilespmem:s22], [sflag:$0x2] =	stream.linear.gather [hbm4b:s17+s4], $0x1000, $0x38;
	[tilespmem:$0x19080] =	vst v63  }
0x5a: {  	s17 =	sshrl.u32 s19, $0x3  }
0x5b: {  	s20 =	simm.s32 $0xF080;
	s21 =	sadd.s32 s7, s3;
	s17 =	sadd.s32 s2, s17  }
0x5c: {  	[tilespmem:s20], [sflag:$0x2] =	stream.linear.gather [hbm4b:s17+s4], $0x1000, $0x38;
	[tilespmem:$0x19080] =	vst v63  }
0x5d: {  	s17 =	sshrl.u32 s21, $0x3  }
0x5e: {  	s22 =	simm.s32 $0x10080;
	s19 =	sadd.s32 s7, s23;
	s17 =	sadd.s32 s2, s17  }
0x5f: {  	[tilespmem:s22], [sflag:$0x3] =	stream.linear.gather [hbm4b:s17+s4], $0x1000, $0x38;
	[tilespmem:$0x19080] =	vst v63  }
0x60: {  	s17 =	sshrl.u32 s19, $0x3  }
0x61: {  	s20 =	simm.s32 $0x11080;
	s21 =	sadd.s32 s7, s24;
	s17 =	sadd.s32 s2, s17  }
0x62: {  	[tilespmem:s20], [sflag:$0x3] =	stream.linear.gather [hbm4b:s17+s4], $0x1000, $0x38;
	[tilespmem:$0x19080] =	vst v63  }
0x63: {  	s17 =	sshrl.u32 s21, $0x3  }
0x64: {  	s22 =	simm.s32 $0x12080;
	s19 =	sadd.s32 s7, s25;
	s17 =	sadd.s32 s2, s17  }
0x65: {  	[tilespmem:s22], [sflag:$0x3] =	stream.linear.gather [hbm4b:s17+s4], $0x1000, $0x38;
	[tilespmem:$0x19080] =	vst v63  }
0x66: {  	s17 =	sshrl.u32 s19, $0x3  }
0x67: {  	s20 =	simm.s32 $0x13080;
	s21 =	sadd.s32 s7, s26;
	s17 =	sadd.s32 s2, s17  }
0x68: {  	[tilespmem:s20], [sflag:$0x3] =	stream.linear.gather [hbm4b:s17+s4], $0x1000, $0x38;
	[tilespmem:$0x19080] =	vst v63  }
0x69: {  	s17 =	sshrl.u32 s21, $0x3  }
0x6a: {  	s22 =	simm.s32 $0x14080;
	s19 =	sadd.s32 s7, s28;
	s17 =	sadd.s32 s2, s17  }
0x6b: {  	[tilespmem:s22], [sflag:$0x3] =	stream.linear.gather [hbm4b:s17+s4], $0x1000, $0x38;
	[tilespmem:$0x19080] =	vst v63  }
0x6c: {  	s17 =	sshrl.u32 s19, $0x3  }
0x6d: {  	s20 =	simm.s32 $0x15080;
	s21 =	sadd.s32 s7, s15;
	s17 =	sadd.s32 s2, s17  }
0x6e: {  	[tilespmem:s20], [sflag:$0x3] =	stream.linear.gather [hbm4b:s17+s4], $0x1000, $0x38;
	[tilespmem:$0x19080] =	vst v63  }
0x6f: {  	s17 =	sshrl.u32 s21, $0x3  }
0x70: {  	s22 =	simm.s32 $0x16080;
	s19 =	sadd.s32 s7, s16;
	s17 =	sadd.s32 s2, s17  }
0x71: {  	[tilespmem:s22], [sflag:$0x3] =	stream.linear.gather [hbm4b:s17+s4], $0x1000, $0x38;
	[tilespmem:$0x19080] =	vst v63  }
0x72: {  	s17 =	sshrl.u32 s19, $0x3  }
0x73: {  	s20 =	simm.s32 $0x17080;
	s17 =	sadd.s32 s2, s17  }
0x74: {  	[tilespmem:s20], [sflag:$0x3] =	stream.linear.gather [hbm4b:s17+s4], $0x1000, $0x38;
	[tilespmem:$0x19080] =	vst v63  }
0x75: {  	_ =	swait.ge [sflag:s29], $0x8000  }
0x76: {  	s21 =	sand.u32 $0x70, s4;
	s22 =	sand.u32 $0xC00, s4;
	[sflag:s29] =	ssyncset.done $0x0  }
0x77: {  	s17 =	sor.u32 s21, s22;
	[sflag:s29] =	ssyncadd.s32 $0xFFFF8000  }
0x78: {  	v0 =	vld [tilespmem:s17+$0x3080]  }
0x79: {  	v1 =	vld [tilespmem:s17+$0x3180]  }
0x7a: {  	v2 =	vld [tilespmem:s17+$0x3100]  }
0x7b: {  	v3 =	vld [tilespmem:s17+$0x2080]  }
0x7c: {  	v4 =	vld [tilespmem:s17+$0x2180]  }
0x7d: {  	v5 =	vld [tilespmem:s17+$0x2100]  }
0x7e: {  	v6 =	vld [tilespmem:s17+$0x1180]  }
0x7f: {  	v7 =	vld [tilespmem:s17+$0x1100]  }
0x80: {  	v8 =	vld [tilespmem:s17+$0x80]  }
0x81: {  	v9 =	vld [tilespmem:s17+$0x100]  }
0x82: {  	v10 =	vld [tilespmem:s17+$0x180]  }
0x83: {  	v11 =	vld [tilespmem:s17+$0x1080]  }
0x84: {  	v12 =	vld [tilespmem:s17+$0x4100]  }
0x85: {  	v13 =	vld [tilespmem:s17+$0x4180]  }
0x86: {  	v14 =	vld [tilespmem:s17+$0x4080];
	v7 =	vadd.f32 v7, v9  }
0x87: {  	v37 =	vld [tilespmem:s17+$0x6100];
	v6 =	vadd.f32 v6, v10  }
0x88: {  	v38 =	vld [tilespmem:s17+$0x5100];
	v8 =	vadd.f32 v11, v8;
	v5 =	vadd.f32 v5, v7  }
0x89: {  	v39 =	vld [tilespmem:s17+$0x5180];
	v4 =	vadd.f32 v4, v6  }
0x8a: {  	v40 =	vld [tilespmem:s17+$0x5080];
	v3 =	vadd.f32 v3, v8;
	v2 =	vadd.f32 v2, v5  }
0x8b: {  	v41 =	vld [tilespmem:s17+$0x6180];
	v1 =	vadd.f32 v1, v4  }
0x8c: {  	v42 =	vld [tilespmem:s17+$0x7100];
	v0 =	vadd.f32 v0, v3;
	v2 =	vadd.f32 v12, v2  }
0x8d: {  	v3 =	vld [tilespmem:s17+$0x6080];
	v1 =	vadd.f32 v13, v1  }
0x8e: {  	v43 =	vld [tilespmem:s17+$0x7180];
	v0 =	vadd.f32 v14, v0;
	v2 =	vadd.f32 v38, v2  }
0x8f: {  	v44 =	vld [tilespmem:s17+$0x7080];
	v1 =	vadd.f32 v39, v1  }
0x90: {  	v0 =	vadd.f32 v40, v0;
	v2 =	vadd.f32 v37, v2  }
0x91: {  	v1 =	vadd.f32 v41, v1  }
0x92: {  	v0 =	vadd.f32 v3, v0;
	v2 =	vadd.f32 v42, v2  }
0x93: {  	v1 =	vadd.f32 v43, v1  }
0x94: {  	v0 =	vadd.f32 v44, v0;
	v2 =	vmul.f32 $1.250000000e-01, v2  }
0x95: {  	v1 =	vmul.f32 $1.250000000e-01, v1  }
0x96: {  	v0 =	vmul.f32 $1.250000000e-01, v0;
	[tilespmem:s17+$0x18100] =	vst v2  }
0x97: {  	s18 =	sor.u32 s22, s4;
	[tilespmem:s17+$0x18180] =	vst v1  }
0x98: {  	s18 =	sor.u32 $0x180, s18;
	[tilespmem:s17+$0x18080] =	vst v0;
	v0 =	vld [tilespmem:s17+$0x1200]  }
0x99: {  	v1 =	vld [tilespmem:s18+$0x80];
	_ =	sdelay $0x1  }
0x9a: {  	v2 =	vld [tilespmem:s17+$0x2200];
	_ =	sdelay $0x1  }
0x9b: {  	v3 =	vld [tilespmem:s17+$0x3200]  }
0x9c: {  	v0 =	vadd.f32 v0, v1  }
0x9d: {  	v1 =	vld [tilespmem:s17+$0x4200]  }
0x9e: {  	v0 =	vadd.f32 v2, v0  }
0x9f: {  	v2 =	vld [tilespmem:s17+$0x5200]  }
0xa0: {  	v0 =	vadd.f32 v3, v0  }
0xa1: {  	v3 =	vld [tilespmem:s17+$0x6200]  }
0xa2: {  	v0 =	vadd.f32 v1, v0  }
0xa3: {  	v1 =	vld [tilespmem:s17+$0x7200]  }
0xa4: {  	v0 =	vadd.f32 v2, v0;
	_ =	sdelay $0x1  }
0xa5: {  	v0 =	vadd.f32 v3, v0;
	_ =	sdelay $0x1  }
0xa6: {  	v0 =	vadd.f32 v1, v0;
	_ =	sdelay $0x1  }
0xa7: {  	v0 =	vmul.f32 $1.250000000e-01, v0;
	_ =	sdelay $0x1  }
0xa8: {  	[tilespmem:s18+$0x18080] =	vst v0  }
0xa9: {  	v0 =	vld [tilespmem:s17+$0x4280]  }
0xaa: {  	v1 =	vld [tilespmem:s17+$0x4380]  }
0xab: {  	v2 =	vld [tilespmem:s17+$0x3280]  }
0xac: {  	v3 =	vld [tilespmem:s17+$0x3380]  }
0xad: {  	v45 =	vld [tilespmem:s17+$0x2300]  }
0xae: {  	v46 =	vld [tilespmem:s17+$0x2380]  }
0xaf: {  	v47 =	vld [tilespmem:s17+$0x1380]  }
0xb0: {  	v48 =	vld [tilespmem:s17+$0x1300]  }
0xb1: {  	v49 =	vld [tilespmem:s17+$0x280]  }
0xb2: {  	v50 =	vld [tilespmem:s17+$0x380]  }
0xb3: {  	v51 =	vld [tilespmem:s17+$0x1280]  }
0xb4: {  	v52 =	vld [tilespmem:s17+$0x300]  }
0xb5: {  	v53 =	vld [tilespmem:s17+$0x2280]  }
0xb6: {  	v54 =	vld [tilespmem:s17+$0x5380]  }
0xb7: {  	v55 =	vld [tilespmem:s17+$0x3300];
	v6 =	vadd.f32 v47, v50  }
0xb8: {  	v56 =	vld [tilespmem:s17+$0x5280];
	v8 =	vadd.f32 v51, v49  }
0xb9: {  	v57 =	vld [tilespmem:s17+$0x4300];
	v7 =	vadd.f32 v48, v52;
	v5 =	vadd.f32 v46, v6  }
0xba: {  	v59 =	vld [tilespmem:s17+$0x6280];
	v58 =	vadd.f32 v53, v8  }
0xbb: {  	v60 =	vld [tilespmem:s17+$0x5300];
	v4 =	vadd.f32 v45, v7;
	v3 =	vadd.f32 v3, v5  }
0xbc: {  	v61 =	vld [tilespmem:s17+$0x6380];
	v2 =	vadd.f32 v2, v58  }
0xbd: {  	v4 =	vadd.f32 v55, v4;
	v1 =	vadd.f32 v1, v3;
	v3 =	vld [tilespmem:s17+$0x7380]  }
0xbe: {  	v0 =	vadd.f32 v0, v2;
	v2 =	vld [tilespmem:s17+$0x6300]  }
0xbf: {  	v62 =	vld [tilespmem:s17+$0x7280];
	v4 =	vadd.f32 v57, v4;
	v1 =	vadd.f32 v54, v1  }
0xc0: {  	v63 =	vld [tilespmem:s17+$0x7300];
	v0 =	vadd.f32 v56, v0  }
0xc1: {  	v4 =	vadd.f32 v60, v4;
	v1 =	vadd.f32 v61, v1  }
0xc2: {  	v0 =	vadd.f32 v59, v0  }
0xc3: {  	v2 =	vadd.f32 v2, v4;
	v1 =	vadd.f32 v3, v1  }
0xc4: {  	v0 =	vadd.f32 v62, v0  }
0xc5: {  	v2 =	vadd.f32 v63, v2;
	v3 =	vmul.f32 $1.250000000e-01, v1  }
0xc6: {  	v1 =	vmul.f32 $1.250000000e-01, v0  }
0xc7: {  	s19 =	simm.s32 $0x0;
	s20 =	simm.s32 $0x0;
	s18 =	simm.s32 $0x10;
	v0 =	vmul.f32 $1.250000000e-01, v2;
	[tilespmem:s17+$0x18380] =	vst v3  }
.LBB2_2:
0xc8: {  	p0 =	sne.s32 s18, $0x1F0;
	[tilespmem:s17+$0x18280] =	vst v1;
	s20 =	sor.u32 s19, s20;
	s19 =	sadd.s32 $0x80, s19  }
0xc9: {  	[tilespmem:s17+$0x18300] =	vst v0;
	s22 =	sor.u32 $0x380, s20;
	v0 =	vld [tilespmem:s17+$0x1400];
	s20 =	smov.u32 s18;
	s18 =	sadd.s32 $0x10, s18  }
0xca: {  	v1 =	vld [tilespmem:s22+$0x80];
	_ =	sdelay $0x1  }
0xcb: {  	v2 =	vld [tilespmem:s17+$0x2400];
	_ =	sdelay $0x1  }
0xcc: {  	v3 =	vld [tilespmem:s17+$0x3400]  }
0xcd: {  	v0 =	vadd.f32 v0, v1  }
0xce: {  	v1 =	vld [tilespmem:s17+$0x4400]  }
0xcf: {  	v0 =	vadd.f32 v2, v0  }
0xd0: {  	v2 =	vld [tilespmem:s17+$0x5400]  }
0xd1: {  	v0 =	vadd.f32 v3, v0  }
0xd2: {  	v3 =	vld [tilespmem:s17+$0x6400]  }
0xd3: {  	v0 =	vadd.f32 v1, v0  }
0xd4: {  	v1 =	vld [tilespmem:s17+$0x7400]  }
0xd5: {  	v0 =	vadd.f32 v2, v0;
	_ =	sdelay $0x1  }
0xd6: {  	v0 =	vadd.f32 v3, v0;
	_ =	sdelay $0x1  }
0xd7: {  	v0 =	vadd.f32 v1, v0;
	_ =	sdelay $0x1  }
0xd8: {  	v0 =	vmul.f32 $1.250000000e-01, v0  }
0xd9: {  	s21 =	sand.u32 $0xC00, s19;
	s17 =	sand.u32 $0x70, s20  }
0xda: {  	s17 =	sor.u32 s17, s21;
	s21 =	sor.u32 s21, s20;
	[tilespmem:s22+$0x18080] =	vst v0  }
0xdb: {  	v0 =	vld [tilespmem:s17+$0x3080]  }
0xdc: {  	v1 =	vld [tilespmem:s17+$0x3180]  }
0xdd: {  	v2 =	vld [tilespmem:s17+$0x3100]  }
0xde: {  	v3 =	vld [tilespmem:s17+$0x2080]  }
0xdf: {  	v4 =	vld [tilespmem:s17+$0x2180]  }
0xe0: {  	v5 =	vld [tilespmem:s17+$0x2100]  }
0xe1: {  	v6 =	vld [tilespmem:s17+$0x1180]  }
0xe2: {  	v7 =	vld [tilespmem:s17+$0x1100]  }
0xe3: {  	v8 =	vld [tilespmem:s17+$0x80]  }
0xe4: {  	v9 =	vld [tilespmem:s17+$0x100]  }
0xe5: {  	v10 =	vld [tilespmem:s17+$0x180]  }
0xe6: {  	v11 =	vld [tilespmem:s17+$0x1080]  }
0xe7: {  	v12 =	vld [tilespmem:s17+$0x4100]  }
0xe8: {  	v13 =	vld [tilespmem:s17+$0x4180]  }
0xe9: {  	v14 =	vld [tilespmem:s17+$0x4080];
	v7 =	vadd.f32 v7, v9  }
0xea: {  	v9 =	vld [tilespmem:s17+$0x6100];
	v6 =	vadd.f32 v6, v10  }
0xeb: {  	v8 =	vadd.f32 v11, v8;
	v5 =	vadd.f32 v5, v7;
	v7 =	vld [tilespmem:s17+$0x5100]  }
0xec: {  	v4 =	vadd.f32 v4, v6;
	v6 =	vld [tilespmem:s17+$0x5180]  }
0xed: {  	v3 =	vadd.f32 v3, v8;
	v8 =	vld [tilespmem:s17+$0x5080];
	v2 =	vadd.f32 v2, v5  }
0xee: {  	v1 =	vadd.f32 v1, v4;
	v4 =	vld [tilespmem:s17+$0x6180]  }
0xef: {  	v0 =	vadd.f32 v0, v3;
	v3 =	vld [tilespmem:s17+$0x6080];
	v2 =	vadd.f32 v12, v2  }
0xf0: {  	v5 =	vld [tilespmem:s17+$0x7100];
	v1 =	vadd.f32 v13, v1  }
0xf1: {  	v0 =	vadd.f32 v14, v0;
	v2 =	vadd.f32 v7, v2;
	v7 =	vld [tilespmem:s17+$0x7180]  }
0xf2: {  	v10 =	vld [tilespmem:s17+$0x7080];
	v1 =	vadd.f32 v6, v1  }
0xf3: {  	v0 =	vadd.f32 v8, v0;
	v2 =	vadd.f32 v9, v2  }
0xf4: {  	v1 =	vadd.f32 v4, v1  }
0xf5: {  	v0 =	vadd.f32 v3, v0;
	v2 =	vadd.f32 v5, v2  }
0xf6: {  	v1 =	vadd.f32 v7, v1  }
0xf7: {  	v0 =	vadd.f32 v10, v0;
	v2 =	vmul.f32 $1.250000000e-01, v2  }
0xf8: {  	v1 =	vmul.f32 $1.250000000e-01, v1  }
0xf9: {  	v0 =	vmul.f32 $1.250000000e-01, v0;
	[tilespmem:s17+$0x18100] =	vst v2  }
0xfa: {  	[tilespmem:s17+$0x18180] =	vst v1  }
0xfb: {  	s21 =	sor.u32 $0x180, s21;
	[tilespmem:s17+$0x18080] =	vst v0;
	v0 =	vld [tilespmem:s17+$0x1200]  }
0xfc: {  	v1 =	vld [tilespmem:s21+$0x80];
	_ =	sdelay $0x1  }
0xfd: {  	v2 =	vld [tilespmem:s17+$0x2200];
	_ =	sdelay $0x1  }
0xfe: {  	v3 =	vld [tilespmem:s17+$0x3200]  }
0xff: {  	v0 =	vadd.f32 v0, v1  }
0x100: {  	v1 =	vld [tilespmem:s17+$0x4200]  }
0x101: {  	v0 =	vadd.f32 v2, v0  }
0x102: {  	v2 =	vld [tilespmem:s17+$0x5200]  }
0x103: {  	v0 =	vadd.f32 v3, v0  }
0x104: {  	v3 =	vld [tilespmem:s17+$0x6200]  }
0x105: {  	v0 =	vadd.f32 v1, v0  }
0x106: {  	v1 =	vld [tilespmem:s17+$0x7200]  }
0x107: {  	v0 =	vadd.f32 v2, v0;
	_ =	sdelay $0x1  }
0x108: {  	v0 =	vadd.f32 v3, v0;
	_ =	sdelay $0x1  }
0x109: {  	v0 =	vadd.f32 v1, v0;
	_ =	sdelay $0x1  }
0x10a: {  	v0 =	vmul.f32 $1.250000000e-01, v0;
	_ =	sdelay $0x1  }
0x10b: {  	[tilespmem:s21+$0x18080] =	vst v0  }
0x10c: {  	v0 =	vld [tilespmem:s17+$0x4280]  }
0x10d: {  	v1 =	vld [tilespmem:s17+$0x4380]  }
0x10e: {  	v2 =	vld [tilespmem:s17+$0x3280]  }
0x10f: {  	v3 =	vld [tilespmem:s17+$0x3380]  }
0x110: {  	v4 =	vld [tilespmem:s17+$0x2300]  }
0x111: {  	v5 =	vld [tilespmem:s17+$0x2280]  }
0x112: {  	v6 =	vld [tilespmem:s17+$0x2380]  }
0x113: {  	v7 =	vld [tilespmem:s17+$0x1380]  }
0x114: {  	v8 =	vld [tilespmem:s17+$0x1300]  }
0x115: {  	v9 =	vld [tilespmem:s17+$0x280]  }
0x116: {  	v10 =	vld [tilespmem:s17+$0x380]  }
0x117: {  	v11 =	vld [tilespmem:s17+$0x1280]  }
0x118: {  	v12 =	vld [tilespmem:s17+$0x300]  }
0x119: {  	v13 =	vld [tilespmem:s17+$0x7280]  }
0x11a: {  	v14 =	vld [tilespmem:s17+$0x5380]  }
0x11b: {  	v15 =	vld [tilespmem:s17+$0x3300];
	v7 =	vadd.f32 v7, v10  }
0x11c: {  	v9 =	vadd.f32 v11, v9;
	v10 =	vld [tilespmem:s17+$0x5280]  }
0x11d: {  	v8 =	vadd.f32 v8, v12;
	v11 =	vld [tilespmem:s17+$0x4300];
	v6 =	vadd.f32 v6, v7  }
0x11e: {  	v5 =	vadd.f32 v5, v9;
	v7 =	vld [tilespmem:s17+$0x6280]  }
0x11f: {  	v4 =	vadd.f32 v4, v8;
	v8 =	vld [tilespmem:s17+$0x5300];
	v3 =	vadd.f32 v3, v6  }
0x120: {  	v2 =	vadd.f32 v2, v5;
	v5 =	vld [tilespmem:s17+$0x6380]  }
0x121: {  	v4 =	vadd.f32 v15, v4;
	v1 =	vadd.f32 v1, v3;
	v3 =	vld [tilespmem:s17+$0x7380]  }
0x122: {  	v0 =	vadd.f32 v0, v2;
	v2 =	vld [tilespmem:s17+$0x6300]  }
0x123: {  	v4 =	vadd.f32 v11, v4;
	v1 =	vadd.f32 v14, v1  }
0x124: {  	v0 =	vadd.f32 v10, v0;
	v6 =	vld [tilespmem:s17+$0x7300]  }
0x125: {  	v4 =	vadd.f32 v8, v4;
	v1 =	vadd.f32 v5, v1  }
0x126: {  	v0 =	vadd.f32 v7, v0  }
.Ltmp0:
0x127: {  	v2 =	vadd.f32 v2, v4;
	v1 =	vadd.f32 v3, v1;
	(pc) =	sbr.rel @p0 .LBB2_2-.Ltmp0, $4  }
0x128: {  	v0 =	vadd.f32 v13, v0  }
0x129: {  	v2 =	vadd.f32 v6, v2;
	v3 =	vmul.f32 $1.250000000e-01, v1  }
0x12a: {  	v1 =	vmul.f32 $1.250000000e-01, v0  }
0x12b: {  	v0 =	vmul.f32 $1.250000000e-01, v2;
	[tilespmem:s17+$0x18380] =	vst v3  }
0x12c: {  	[tilespmem:s17+$0x18280] =	vst v1;
	s18 =	sor.u32 s19, s20  }
0x12d: {  	[tilespmem:s17+$0x18300] =	vst v0;
	s18 =	sor.u32 $0x380, s18;
	v0 =	vld [tilespmem:s17+$0x1400]  }
0x12e: {  	v1 =	vld [tilespmem:s18+$0x80];
	_ =	sdelay $0x1  }
0x12f: {  	v2 =	vld [tilespmem:s17+$0x2400];
	_ =	sdelay $0x1  }
0x130: {  	v3 =	vld [tilespmem:s17+$0x3400]  }
0x131: {  	v0 =	vadd.f32 v0, v1  }
0x132: {  	v1 =	vld [tilespmem:s17+$0x4400]  }
0x133: {  	v0 =	vadd.f32 v2, v0  }
0x134: {  	v2 =	vld [tilespmem:s17+$0x5400]  }
0x135: {  	v0 =	vadd.f32 v3, v0  }
0x136: {  	v3 =	vld [tilespmem:s17+$0x6400]  }
0x137: {  	v0 =	vadd.f32 v1, v0  }
0x138: {  	v1 =	vld [tilespmem:s17+$0x7400]  }
0x139: {  	v0 =	vadd.f32 v2, v0;
	_ =	sdelay $0x1  }
0x13a: {  	v0 =	vadd.f32 v3, v0;
	_ =	sdelay $0x1  }
0x13b: {  	v0 =	vadd.f32 v1, v0;
	_ =	sdelay $0x1  }
0x13c: {  	v0 =	vmul.f32 $1.250000000e-01, v0;
	_ =	sdelay $0x1  }
0x13d: {  	s17 =	simm.s32 $0x0;
	[tilespmem:s18+$0x18080] =	vst v0  }
0x13e: {  	[hbm4b:s8+s17] =	stream.linear.scatter [tilespmem:s30], [sflag:$0x4], $0x1000, $0x38;
	[tilespmem:$0x19080] =	vst v63  }
0x13f: {  	s3 =	sadd.s32 s9, s3;
	_ =	swait.ge [sflag:s14], $0x1000  }
0x140: {  	s22 =	simm.s32 $0x80;
	s3 =	sshrl.u32 s3, $0x3;
	[sflag:s14] =	ssyncset.done $0x0  }
0x141: {  	s3 =	sadd.s32 s2, s3;
	s18 =	sadd.s32 s9, s23;
	[sflag:s14] =	ssyncadd.s32 $0xFFFFF000  }
0x142: {  	[tilespmem:s22], [sflag:$0x1] =	stream.linear.gather [hbm4b:s3+s17], $0x1000, $0x38;
	[tilespmem:$0x19080] =	vst v63  }
0x143: {  	s3 =	sshrl.u32 s18, $0x3  }
0x144: {  	s19 =	simm.s32 $0x1080;
	s20 =	sadd.s32 s9, s24;
	s3 =	sadd.s32 s2, s3  }
0x145: {  	[tilespmem:s19], [sflag:$0x1] =	stream.linear.gather [hbm4b:s3+s17], $0x1000, $0x38;
	[tilespmem:$0x19080] =	vst v63  }
0x146: {  	s3 =	sshrl.u32 s20, $0x3  }
0x147: {  	s21 =	simm.s32 $0x2080;
	s23 =	sadd.s32 s9, s25;
	s3 =	sadd.s32 s2, s3  }
0x148: {  	[tilespmem:s21], [sflag:$0x1] =	stream.linear.gather [hbm4b:s3+s17], $0x1000, $0x38;
	[tilespmem:$0x19080] =	vst v63  }
0x149: {  	s3 =	sshrl.u32 s23, $0x3  }
0x14a: {  	s24 =	simm.s32 $0x3080;
	s25 =	sadd.s32 s9, s26;
	s3 =	sadd.s32 s2, s3  }
0x14b: {  	[tilespmem:s24], [sflag:$0x1] =	stream.linear.gather [hbm4b:s3+s17], $0x1000, $0x38;
	[tilespmem:$0x19080] =	vst v63  }
0x14c: {  	s3 =	sshrl.u32 s25, $0x3  }
0x14d: {  	s26 =	simm.s32 $0x4080;
	s19 =	sadd.s32 s9, s28;
	s3 =	sadd.s32 s2, s3  }
0x14e: {  	[tilespmem:s26], [sflag:$0x1] =	stream.linear.gather [hbm4b:s3+s17], $0x1000, $0x38;
	[tilespmem:$0x19080] =	vst v63  }
0x14f: {  	s3 =	sshrl.u32 s19, $0x3  }
0x150: {  	s20 =	simm.s32 $0x5080;
	s21 =	sadd.s32 s9, s15;
	s3 =	sadd.s32 s2, s3  }
0x151: {  	[tilespmem:s20], [sflag:$0x1] =	stream.linear.gather [hbm4b:s3+s17], $0x1000, $0x38;
	[tilespmem:$0x19080] =	vst v63  }
0x152: {  	s3 =	sshrl.u32 s21, $0x3  }
0x153: {  	s23 =	simm.s32 $0x6080;
	s24 =	sadd.s32 s9, s16;
	s3 =	sadd.s32 s2, s3  }
0x154: {  	[tilespmem:s23], [sflag:$0x1] =	stream.linear.gather [hbm4b:s3+s17], $0x1000, $0x38;
	[tilespmem:$0x19080] =	vst v63  }
0x155: {  	s3 =	sshrl.u32 s24, $0x3  }
0x156: {  	s25 =	simm.s32 $0x7080;
	s3 =	sadd.s32 s2, s3  }
0x157: {  	[tilespmem:s25], [sflag:$0x1] =	stream.linear.gather [hbm4b:s3+s17], $0x1000, $0x38;
	[tilespmem:$0x19080] =	vst v63  }
0x158: {  	_ =	swait.ge [sflag:s31], $0x8000  }
0x159: {  	s28 =	sand.u32 $0xC00, s17;
	s26 =	sand.u32 $0x70, s17;
	[sflag:s31] =	ssyncset.done $0x0  }
0x15a: {  	s3 =	sor.u32 s26, s28;
	[sflag:s31] =	ssyncadd.s32 $0xFFFF8000  }
0x15b: {  	v9 =	vld [tilespmem:s3+$0xF080]  }
0x15c: {  	v8 =	vld [tilespmem:s3+$0xF100]  }
0x15d: {  	v7 =	vld [tilespmem:s3+$0xF180]  }
0x15e: {  	v2 =	vld [tilespmem:s3+$0xF200]  }
0x15f: {  	v1 =	vld [tilespmem:s3+$0xF280]  }
0x160: {  	v0 =	vld [tilespmem:s3+$0xF300]  }
0x161: {  	v25 =	vld [tilespmem:s3+$0xE080]  }
0x162: {  	v13 =	vld [tilespmem:s3+$0xE100]  }
0x163: {  	v12 =	vld [tilespmem:s3+$0xE180]  }
0x164: {  	v4 =	vld [tilespmem:s3+$0xE200]  }
0x165: {  	v3 =	vld [tilespmem:s3+$0xE280]  }
0x166: {  	v14 =	vld [tilespmem:s3+$0xD400]  }
0x167: {  	v23 =	vld [tilespmem:s3+$0xD080]  }
0x168: {  	v24 =	vld [tilespmem:s3+$0xD100]  }
0x169: {  	v29 =	vld [tilespmem:s3+$0xD180]  }
0x16a: {  	v6 =	vld [tilespmem:s3+$0xD200]  }
0x16b: {  	v5 =	vld [tilespmem:s3+$0xD280]  }
0x16c: {  	v27 =	vld [tilespmem:s3+$0xC400]  }
0x16d: {  	v21 =	vld [tilespmem:s3+$0xC080]  }
0x16e: {  	v22 =	vld [tilespmem:s3+$0xC100]  }
0x16f: {  	v26 =	vld [tilespmem:s3+$0xC180]  }
0x170: {  	v11 =	vld [tilespmem:s3+$0xC200]  }
0x171: {  	v10 =	vld [tilespmem:s3+$0xC280]  }
0x172: {  	v28 =	vld [tilespmem:s3+$0xB400]  }
0x173: {  	v19 =	vld [tilespmem:s3+$0xB080]  }
0x174: {  	v20 =	vld [tilespmem:s3+$0xB100]  }
0x175: {  	v30 =	vld [tilespmem:s3+$0xB180]  }
0x176: {  	v15 =	vld [tilespmem:s3+$0xB200]  }
0x177: {  	v17 =	vld [tilespmem:s3+$0xA080]  }
0x178: {  	v31 =	vld [tilespmem:s3+$0xA100]  }
0x179: {  	v32 =	vld [tilespmem:s3+$0x8400]  }
0x17a: {  	v16 =	vld [tilespmem:s3+$0x9080]  }
0x17b: {  	v18 =	vld [tilespmem:s3+$0x8080]  }
0x17c: {  	v33 =	vld [tilespmem:s3+$0x8100]  }
0x17d: {  	v34 =	vld [tilespmem:s3+$0x9100]  }
0x17e: {  	v35 =	vld [tilespmem:s3+$0x8180]  }
0x17f: {  	v36 =	vld [tilespmem:s3+$0x9180]  }
0x180: {  	v37 =	vld [tilespmem:s3+$0x9400]  }
0x181: {  	v38 =	vld [tilespmem:s3+$0xA180]  }
0x182: {  	v39 =	vld [tilespmem:s3+$0xA400];
	v18 =	vadd.f32 v16, v18  }
0x183: {  	v33 =	vadd.f32 v34, v33;
	v16 =	vld [tilespmem:s3+$0xB280]  }
0x184: {  	v35 =	vadd.f32 v36, v35;
	v60 =	vadd.f32 v17, v18;
	v18 =	vld [tilespmem:s3+$0xA200]  }
0x185: {  	v32 =	vadd.f32 v37, v32;
	v31 =	vadd.f32 v31, v33;
	v17 =	vld [tilespmem:s3+$0xA280]  }
0x186: {  	v62 =	vadd.f32 v38, v35;
	v61 =	vadd.f32 v19, v60;
	v19 =	vld [tilespmem:s3+$0x8200]  }
0x187: {  	v32 =	vadd.f32 v39, v32;
	v31 =	vadd.f32 v20, v31;
	v20 =	vld [tilespmem:s3+$0x9200]  }
0x188: {  	v30 =	vadd.f32 v30, v62;
	v33 =	vadd.f32 v21, v61;
	v21 =	vld [tilespmem:s3+$0x8280]  }
0x189: {  	v28 =	vadd.f32 v28, v32;
	v31 =	vadd.f32 v22, v31;
	v22 =	vld [tilespmem:s3+$0x9280]  }
0x18a: {  	v30 =	vadd.f32 v26, v30;
	v63 =	vadd.f32 v23, v33;
	v23 =	vld [tilespmem:s3+$0x8300]  }
0x18b: {  	v27 =	vadd.f32 v27, v28;
	v26 =	vadd.f32 v24, v31;
	v24 =	vld [tilespmem:s3+$0x9300]  }
0x18c: {  	s15 =	simm.s32 $0x0;
	s16 =	simm.s32 $0x10;
	v29 =	vadd.f32 v29, v30;
	v28 =	vadd.f32 v25, v63;
	v25 =	vld [tilespmem:s3+$0x8380]  }
.LBB2_4:
0x18d: {  	p0 =	sne.s32 s16, $0x1F0;
	v13 =	vadd.f32 v13, v26;
	v26 =	vld [tilespmem:s3+$0x9380];
	v14 =	vadd.f32 v14, v27  }
0x18e: {  	v9 =	vadd.f32 v9, v28;
	v12 =	vadd.f32 v12, v29;
	v27 =	vld [tilespmem:s3+$0xA300]  }
0x18f: {  	v8 =	vadd.f32 v8, v13;
	v13 =	vadd.f32 v20, v19;
	v19 =	vld [tilespmem:s3+$0xA380]  }
0x190: {  	v7 =	vadd.f32 v7, v12;
	v12 =	vadd.f32 v22, v21;
	v20 =	vld [tilespmem:s3+$0xB300]  }
0x191: {  	v13 =	vadd.f32 v18, v13;
	v18 =	vadd.f32 v24, v23;
	v21 =	vld [tilespmem:s3+$0xB380]  }
0x192: {  	v12 =	vadd.f32 v17, v12;
	v17 =	vld [tilespmem:s3+$0xC300];
	v22 =	vadd.f32 v26, v25  }
0x193: {  	v13 =	vadd.f32 v15, v13;
	v15 =	vadd.f32 v27, v18;
	v18 =	vld [tilespmem:s3+$0xC380]  }
0x194: {  	v12 =	vadd.f32 v16, v12;
	v16 =	vld [tilespmem:s3+$0xD300];
	v19 =	vadd.f32 v19, v22  }
0x195: {  	v11 =	vadd.f32 v11, v13;
	v13 =	vadd.f32 v20, v15;
	v15 =	vld [tilespmem:s3+$0xD380]  }
0x196: {  	v10 =	vadd.f32 v10, v12;
	v12 =	vld [tilespmem:s3+$0xE300];
	v19 =	vadd.f32 v21, v19  }
0x197: {  	v6 =	vadd.f32 v6, v11;
	v11 =	vadd.f32 v17, v13;
	v13 =	vld [tilespmem:s3+$0xE380]  }
0x198: {  	v5 =	vadd.f32 v5, v10;
	v10 =	vadd.f32 v18, v19;
	v17 =	vld [tilespmem:s3+$0xE400]  }
0x199: {  	v4 =	vadd.f32 v4, v6;
	v6 =	vadd.f32 v16, v11;
	v11 =	vld [tilespmem:s3+$0xF380]  }
0x19a: {  	v9 =	vmul.f32 $1.250000000e-01, v9;
	v3 =	vadd.f32 v3, v5;
	v5 =	vadd.f32 v15, v10;
	v10 =	vld [tilespmem:s3+$0xF400]  }
0x19b: {  	v8 =	vmul.f32 $1.250000000e-01, v8;
	v2 =	vadd.f32 v2, v4;
	v4 =	vadd.f32 v12, v6  }
0x19c: {  	v6 =	vmul.f32 $1.250000000e-01, v7;
	[tilespmem:s3+$0x18080] =	vst v9;
	v1 =	vadd.f32 v1, v3;
	v3 =	vadd.f32 v13, v5  }
0x19d: {  	[tilespmem:s3+$0x18100] =	vst v8;
	v2 =	vmul.f32 $1.250000000e-01, v2;
	v0 =	vadd.f32 v0, v4;
	v4 =	vadd.f32 v17, v14  }
0x19e: {  	[tilespmem:s3+$0x18180] =	vst v6;
	v1 =	vmul.f32 $1.250000000e-01, v1;
	v3 =	vadd.f32 v11, v3  }
0x19f: {  	[tilespmem:s3+$0x18200] =	vst v2;
	v0 =	vmul.f32 $1.250000000e-01, v0;
	v2 =	vadd.f32 v10, v4  }
0x1a0: {  	[tilespmem:s3+$0x18280] =	vst v1;
	v1 =	vmul.f32 $1.250000000e-01, v3  }
0x1a1: {  	s18 =	sor.u32 s15, s17;
	s15 =	sadd.s32 $0x80, s15;
	s17 =	smov.u32 s16;
	[tilespmem:s3+$0x18300] =	vst v0;
	v0 =	vmul.f32 $1.250000000e-01, v2  }
0x1a2: {  	s19 =	sand.u32 $0x70, s16;
	s20 =	sand.u32 $0xC00, s15;
	s18 =	sor.u32 $0x380, s18;
	[tilespmem:s3+$0x18380] =	vst v1  }
0x1a3: {  	s3 =	sor.u32 s19, s20;
	[tilespmem:s18+$0x18080] =	vst v0  }
0x1a4: {  	v9 =	vld [tilespmem:s3+$0xF080]  }
0x1a5: {  	v8 =	vld [tilespmem:s3+$0xF100]  }
0x1a6: {  	v7 =	vld [tilespmem:s3+$0xF180]  }
0x1a7: {  	v2 =	vld [tilespmem:s3+$0xF200]  }
0x1a8: {  	v1 =	vld [tilespmem:s3+$0xF280]  }
0x1a9: {  	v0 =	vld [tilespmem:s3+$0xF300]  }
0x1aa: {  	v25 =	vld [tilespmem:s3+$0xE080]  }
0x1ab: {  	v13 =	vld [tilespmem:s3+$0xE100]  }
0x1ac: {  	v12 =	vld [tilespmem:s3+$0xE180]  }
0x1ad: {  	v4 =	vld [tilespmem:s3+$0xE200]  }
0x1ae: {  	v3 =	vld [tilespmem:s3+$0xE280]  }
0x1af: {  	v14 =	vld [tilespmem:s3+$0xD400]  }
0x1b0: {  	v23 =	vld [tilespmem:s3+$0xD080]  }
0x1b1: {  	v24 =	vld [tilespmem:s3+$0xD100]  }
0x1b2: {  	v29 =	vld [tilespmem:s3+$0xD180]  }
0x1b3: {  	v6 =	vld [tilespmem:s3+$0xD200]  }
0x1b4: {  	v5 =	vld [tilespmem:s3+$0xD280]  }
0x1b5: {  	v27 =	vld [tilespmem:s3+$0xC400]  }
0x1b6: {  	v21 =	vld [tilespmem:s3+$0xC080]  }
0x1b7: {  	v22 =	vld [tilespmem:s3+$0xC100]  }
0x1b8: {  	v26 =	vld [tilespmem:s3+$0xC180]  }
0x1b9: {  	v11 =	vld [tilespmem:s3+$0xC200]  }
0x1ba: {  	v10 =	vld [tilespmem:s3+$0xC280]  }
0x1bb: {  	v28 =	vld [tilespmem:s3+$0xB400]  }
0x1bc: {  	v19 =	vld [tilespmem:s3+$0xB080]  }
0x1bd: {  	v20 =	vld [tilespmem:s3+$0xB100]  }
0x1be: {  	v30 =	vld [tilespmem:s3+$0xB180]  }
0x1bf: {  	v15 =	vld [tilespmem:s3+$0xB200]  }
0x1c0: {  	v17 =	vld [tilespmem:s3+$0xA080]  }
0x1c1: {  	v31 =	vld [tilespmem:s3+$0xA100]  }
0x1c2: {  	v32 =	vld [tilespmem:s3+$0x8400]  }
0x1c3: {  	v16 =	vld [tilespmem:s3+$0x9080]  }
0x1c4: {  	v18 =	vld [tilespmem:s3+$0x8080]  }
0x1c5: {  	v33 =	vld [tilespmem:s3+$0x8100]  }
0x1c6: {  	v34 =	vld [tilespmem:s3+$0x9100]  }
0x1c7: {  	v35 =	vld [tilespmem:s3+$0x8180]  }
0x1c8: {  	v36 =	vld [tilespmem:s3+$0x9180]  }
0x1c9: {  	v37 =	vld [tilespmem:s3+$0x9400]  }
0x1ca: {  	v38 =	vld [tilespmem:s3+$0xA180]  }
0x1cb: {  	v18 =	vadd.f32 v16, v18;
	v39 =	vld [tilespmem:s3+$0xA400]  }
0x1cc: {  	v33 =	vadd.f32 v34, v33;
	v16 =	vld [tilespmem:s3+$0xB280]  }
0x1cd: {  	v34 =	vadd.f32 v17, v18;
	v35 =	vadd.f32 v36, v35;
	v18 =	vld [tilespmem:s3+$0xA200]  }
0x1ce: {  	v31 =	vadd.f32 v31, v33;
	v17 =	vld [tilespmem:s3+$0xA280];
	v32 =	vadd.f32 v37, v32  }
0x1cf: {  	v33 =	vadd.f32 v19, v34;
	v34 =	vadd.f32 v38, v35;
	v19 =	vld [tilespmem:s3+$0x8200]  }
0x1d0: {  	v31 =	vadd.f32 v20, v31;
	v20 =	vld [tilespmem:s3+$0x9200];
	v32 =	vadd.f32 v39, v32  }
.Ltmp1:
0x1d1: {  	v33 =	vadd.f32 v21, v33;
	v30 =	vadd.f32 v30, v34;
	v21 =	vld [tilespmem:s3+$0x8280];
	(pc) =	sbr.rel @p0 .LBB2_4-.Ltmp1, $4  }
0x1d2: {  	v31 =	vadd.f32 v22, v31;
	v22 =	vld [tilespmem:s3+$0x9280];
	v28 =	vadd.f32 v28, v32  }
0x1d3: {  	v32 =	vadd.f32 v23, v33;
	v30 =	vadd.f32 v26, v30;
	v23 =	vld [tilespmem:s3+$0x8300]  }
0x1d4: {  	v26 =	vadd.f32 v24, v31;
	v24 =	vld [tilespmem:s3+$0x9300];
	v27 =	vadd.f32 v27, v28  }
0x1d5: {  	s16 =	sadd.s32 $0x10, s16;
	v28 =	vadd.f32 v25, v32;
	v29 =	vadd.f32 v29, v30;
	v25 =	vld [tilespmem:s3+$0x8380]  }
0x1d6: {  	v13 =	vadd.f32 v13, v26;
	v26 =	vld [tilespmem:s3+$0x9380];
	v14 =	vadd.f32 v14, v27  }
0x1d7: {  	v27 =	vld [tilespmem:s3+$0xA300];
	v9 =	vadd.f32 v9, v28;
	v12 =	vadd.f32 v12, v29  }
0x1d8: {  	v8 =	vadd.f32 v8, v13;
	v13 =	vadd.f32 v20, v19;
	v19 =	vld [tilespmem:s3+$0xA380]  }
0x1d9: {  	v20 =	vld [tilespmem:s3+$0xB300];
	v7 =	vadd.f32 v7, v12;
	v12 =	vadd.f32 v22, v21  }
0x1da: {  	v21 =	vld [tilespmem:s3+$0xB380];
	v13 =	vadd.f32 v18, v13;
	v18 =	vadd.f32 v24, v23  }
0x1db: {  	v12 =	vadd.f32 v17, v12;
	v17 =	vld [tilespmem:s3+$0xC300];
	v22 =	vadd.f32 v26, v25  }
0x1dc: {  	v13 =	vadd.f32 v15, v13;
	v15 =	vadd.f32 v27, v18;
	v18 =	vld [tilespmem:s3+$0xC380]  }
0x1dd: {  	v12 =	vadd.f32 v16, v12;
	v16 =	vld [tilespmem:s3+$0xD300];
	v19 =	vadd.f32 v19, v22  }
0x1de: {  	v11 =	vadd.f32 v11, v13;
	v13 =	vadd.f32 v20, v15;
	v15 =	vld [tilespmem:s3+$0xD380]  }
0x1df: {  	v10 =	vadd.f32 v10, v12;
	v12 =	vld [tilespmem:s3+$0xE300];
	v19 =	vadd.f32 v21, v19  }
0x1e0: {  	v6 =	vadd.f32 v6, v11;
	v11 =	vadd.f32 v17, v13;
	v13 =	vld [tilespmem:s3+$0xE380]  }
0x1e1: {  	v17 =	vld [tilespmem:s3+$0xE400];
	v5 =	vadd.f32 v5, v10;
	v10 =	vadd.f32 v18, v19  }
0x1e2: {  	v4 =	vadd.f32 v4, v6;
	v6 =	vadd.f32 v16, v11;
	v11 =	vld [tilespmem:s3+$0xF380]  }
0x1e3: {  	v9 =	vmul.f32 $1.250000000e-01, v9;
	v3 =	vadd.f32 v3, v5;
	v5 =	vadd.f32 v15, v10;
	v10 =	vld [tilespmem:s3+$0xF400]  }
0x1e4: {  	v8 =	vmul.f32 $1.250000000e-01, v8;
	v2 =	vadd.f32 v2, v4;
	v4 =	vadd.f32 v12, v6  }
0x1e5: {  	[tilespmem:s3+$0x18080] =	vst v9;
	v6 =	vmul.f32 $1.250000000e-01, v7;
	v1 =	vadd.f32 v1, v3;
	v3 =	vadd.f32 v13, v5  }
0x1e6: {  	[tilespmem:s3+$0x18100] =	vst v8;
	v2 =	vmul.f32 $1.250000000e-01, v2;
	v0 =	vadd.f32 v0, v4;
	v4 =	vadd.f32 v17, v14  }
0x1e7: {  	[tilespmem:s3+$0x18180] =	vst v6;
	v1 =	vmul.f32 $1.250000000e-01, v1;
	v3 =	vadd.f32 v11, v3  }
0x1e8: {  	[tilespmem:s3+$0x18200] =	vst v2;
	v0 =	vmul.f32 $1.250000000e-01, v0;
	v2 =	vadd.f32 v10, v4  }
0x1e9: {  	[tilespmem:s3+$0x18280] =	vst v1;
	v1 =	vmul.f32 $1.250000000e-01, v3  }
0x1ea: {  	s15 =	sor.u32 s15, s17;
	[tilespmem:s3+$0x18300] =	vst v0;
	v0 =	vmul.f32 $1.250000000e-01, v2  }
0x1eb: {  	s26 =	sor.u32 $0x380, s15;
	[tilespmem:s3+$0x18380] =	vst v1  }
0x1ec: {  	s3 =	simm.s32 $0x0;
	[tilespmem:s26+$0x18080] =	vst v0  }
0x1ed: {  	[hbm4b:s10+s3] =	stream.linear.scatter [tilespmem:s30], [sflag:$0x4], $0x1000, $0x38;
	[tilespmem:$0x19080] =	vst v63  }
0x1ee: {  	_ =	swait.ge [sflag:s14], $0x1000  }
0x1ef: {  	[sflag:s14] =	ssyncset.done $0x0  }
0x1f0: {  	[sflag:s14] =	ssyncadd.s32 $0xFFFFF000  }
0x1f1: {  	_ =	swait.ge [sflag:s0], $0x8000  }
0x1f2: {  	s28 =	sand.u32 $0x70, s3;
	s16 =	sand.u32 $0xC00, s3;
	[sflag:s0] =	ssyncset.done $0x0  }
0x1f3: {  	s15 =	sor.u32 s28, s16;
	[sflag:s0] =	ssyncadd.s32 $0xFFFF8000  }
0x1f4: {  	v9 =	vld [tilespmem:s15+$0x17080]  }
0x1f5: {  	v8 =	vld [tilespmem:s15+$0x17100]  }
0x1f6: {  	v7 =	vld [tilespmem:s15+$0x17180]  }
0x1f7: {  	v2 =	vld [tilespmem:s15+$0x17200]  }
0x1f8: {  	v1 =	vld [tilespmem:s15+$0x17280]  }
0x1f9: {  	v0 =	vld [tilespmem:s15+$0x17300]  }
0x1fa: {  	v25 =	vld [tilespmem:s15+$0x16080]  }
0x1fb: {  	v13 =	vld [tilespmem:s15+$0x16100]  }
0x1fc: {  	v12 =	vld [tilespmem:s15+$0x16180]  }
0x1fd: {  	v4 =	vld [tilespmem:s15+$0x16200]  }
0x1fe: {  	v3 =	vld [tilespmem:s15+$0x16280]  }
0x1ff: {  	v14 =	vld [tilespmem:s15+$0x15400]  }
0x200: {  	v23 =	vld [tilespmem:s15+$0x15080]  }
0x201: {  	v24 =	vld [tilespmem:s15+$0x15100]  }
0x202: {  	v29 =	vld [tilespmem:s15+$0x15180]  }
0x203: {  	v6 =	vld [tilespmem:s15+$0x15200]  }
0x204: {  	v5 =	vld [tilespmem:s15+$0x15280]  }
0x205: {  	v27 =	vld [tilespmem:s15+$0x14400]  }
0x206: {  	v21 =	vld [tilespmem:s15+$0x14080]  }
0x207: {  	v22 =	vld [tilespmem:s15+$0x14100]  }
0x208: {  	v26 =	vld [tilespmem:s15+$0x14180]  }
0x209: {  	v11 =	vld [tilespmem:s15+$0x14200]  }
0x20a: {  	v10 =	vld [tilespmem:s15+$0x14280]  }
0x20b: {  	v28 =	vld [tilespmem:s15+$0x13400]  }
0x20c: {  	v19 =	vld [tilespmem:s15+$0x13080]  }
0x20d: {  	v20 =	vld [tilespmem:s15+$0x13100]  }
0x20e: {  	v30 =	vld [tilespmem:s15+$0x13180]  }
0x20f: {  	v15 =	vld [tilespmem:s15+$0x13200]  }
0x210: {  	v17 =	vld [tilespmem:s15+$0x12080]  }
0x211: {  	v31 =	vld [tilespmem:s15+$0x12100]  }
0x212: {  	v32 =	vld [tilespmem:s15+$0x10400]  }
0x213: {  	v16 =	vld [tilespmem:s15+$0x11080]  }
0x214: {  	v18 =	vld [tilespmem:s15+$0x10080]  }
0x215: {  	v33 =	vld [tilespmem:s15+$0x10100]  }
0x216: {  	v34 =	vld [tilespmem:s15+$0x11100]  }
0x217: {  	v35 =	vld [tilespmem:s15+$0x10180]  }
0x218: {  	v36 =	vld [tilespmem:s15+$0x11180]  }
0x219: {  	v37 =	vld [tilespmem:s15+$0x11400]  }
0x21a: {  	v38 =	vld [tilespmem:s15+$0x12180]  }
0x21b: {  	v39 =	vld [tilespmem:s15+$0x12400];
	v18 =	vadd.f32 v16, v18  }
0x21c: {  	v33 =	vadd.f32 v34, v33;
	v16 =	vld [tilespmem:s15+$0x13280]  }
0x21d: {  	v35 =	vadd.f32 v36, v35;
	v60 =	vadd.f32 v17, v18;
	v18 =	vld [tilespmem:s15+$0x12200]  }
0x21e: {  	v32 =	vadd.f32 v37, v32;
	v31 =	vadd.f32 v31, v33;
	v17 =	vld [tilespmem:s15+$0x12280]  }
0x21f: {  	v62 =	vadd.f32 v38, v35;
	v61 =	vadd.f32 v19, v60;
	v19 =	vld [tilespmem:s15+$0x10200]  }
0x220: {  	v32 =	vadd.f32 v39, v32;
	v31 =	vadd.f32 v20, v31;
	v20 =	vld [tilespmem:s15+$0x11200]  }
0x221: {  	v30 =	vadd.f32 v30, v62;
	v33 =	vadd.f32 v21, v61;
	v21 =	vld [tilespmem:s15+$0x10280]  }
0x222: {  	v28 =	vadd.f32 v28, v32;
	v31 =	vadd.f32 v22, v31;
	v22 =	vld [tilespmem:s15+$0x11280]  }
0x223: {  	v30 =	vadd.f32 v26, v30;
	v63 =	vadd.f32 v23, v33;
	v23 =	vld [tilespmem:s15+$0x10300]  }
0x224: {  	v27 =	vadd.f32 v27, v28;
	v26 =	vadd.f32 v24, v31;
	v24 =	vld [tilespmem:s15+$0x11300]  }
0x225: {  	s17 =	simm.s32 $0x10;
	s16 =	simm.s32 $0x0;
	v29 =	vadd.f32 v29, v30;
	v28 =	vadd.f32 v25, v63;
	v25 =	vld [tilespmem:s15+$0x10380]  }
.LBB2_6:
0x226: {  	p0 =	sne.s32 s17, $0x1F0;
	v13 =	vadd.f32 v13, v26;
	v26 =	vld [tilespmem:s15+$0x11380];
	v14 =	vadd.f32 v14, v27  }
0x227: {  	v9 =	vadd.f32 v9, v28;
	v12 =	vadd.f32 v12, v29;
	v27 =	vld [tilespmem:s15+$0x12300]  }
0x228: {  	v8 =	vadd.f32 v8, v13;
	v13 =	vadd.f32 v20, v19;
	v19 =	vld [tilespmem:s15+$0x12380]  }
0x229: {  	v7 =	vadd.f32 v7, v12;
	v12 =	vadd.f32 v22, v21;
	v20 =	vld [tilespmem:s15+$0x13300]  }
0x22a: {  	v13 =	vadd.f32 v18, v13;
	v18 =	vadd.f32 v24, v23;
	v21 =	vld [tilespmem:s15+$0x13380]  }
0x22b: {  	v12 =	vadd.f32 v17, v12;
	v17 =	vld [tilespmem:s15+$0x14300];
	v22 =	vadd.f32 v26, v25  }
0x22c: {  	v13 =	vadd.f32 v15, v13;
	v15 =	vadd.f32 v27, v18;
	v18 =	vld [tilespmem:s15+$0x14380]  }
0x22d: {  	v12 =	vadd.f32 v16, v12;
	v16 =	vld [tilespmem:s15+$0x15300];
	v19 =	vadd.f32 v19, v22  }
0x22e: {  	v11 =	vadd.f32 v11, v13;
	v13 =	vadd.f32 v20, v15;
	v15 =	vld [tilespmem:s15+$0x15380]  }
0x22f: {  	v10 =	vadd.f32 v10, v12;
	v12 =	vld [tilespmem:s15+$0x16300];
	v19 =	vadd.f32 v21, v19  }
0x230: {  	v6 =	vadd.f32 v6, v11;
	v11 =	vadd.f32 v17, v13;
	v13 =	vld [tilespmem:s15+$0x16380]  }
0x231: {  	v5 =	vadd.f32 v5, v10;
	v10 =	vadd.f32 v18, v19;
	v17 =	vld [tilespmem:s15+$0x16400]  }
0x232: {  	v4 =	vadd.f32 v4, v6;
	v6 =	vadd.f32 v16, v11;
	v11 =	vld [tilespmem:s15+$0x17380]  }
0x233: {  	v9 =	vmul.f32 $1.250000000e-01, v9;
	v3 =	vadd.f32 v3, v5;
	v5 =	vadd.f32 v15, v10;
	v10 =	vld [tilespmem:s15+$0x17400]  }
0x234: {  	v8 =	vmul.f32 $1.250000000e-01, v8;
	v2 =	vadd.f32 v2, v4;
	v4 =	vadd.f32 v12, v6  }
0x235: {  	v6 =	vmul.f32 $1.250000000e-01, v7;
	[tilespmem:s15+$0x18080] =	vst v9;
	v1 =	vadd.f32 v1, v3;
	v3 =	vadd.f32 v13, v5  }
0x236: {  	[tilespmem:s15+$0x18100] =	vst v8;
	v2 =	vmul.f32 $1.250000000e-01, v2;
	v0 =	vadd.f32 v0, v4;
	v4 =	vadd.f32 v17, v14  }
0x237: {  	[tilespmem:s15+$0x18180] =	vst v6;
	v1 =	vmul.f32 $1.250000000e-01, v1;
	v3 =	vadd.f32 v11, v3  }
0x238: {  	[tilespmem:s15+$0x18200] =	vst v2;
	v0 =	vmul.f32 $1.250000000e-01, v0;
	v2 =	vadd.f32 v10, v4  }
0x239: {  	[tilespmem:s15+$0x18280] =	vst v1;
	v1 =	vmul.f32 $1.250000000e-01, v3  }
0x23a: {  	s18 =	sor.u32 s16, s3;
	s16 =	sadd.s32 $0x80, s16;
	s3 =	smov.u32 s17;
	[tilespmem:s15+$0x18300] =	vst v0;
	v0 =	vmul.f32 $1.250000000e-01, v2  }
0x23b: {  	s19 =	sand.u32 $0x70, s17;
	s20 =	sand.u32 $0xC00, s16;
	s18 =	sor.u32 $0x380, s18;
	[tilespmem:s15+$0x18380] =	vst v1  }
0x23c: {  	s15 =	sor.u32 s19, s20;
	[tilespmem:s18+$0x18080] =	vst v0  }
0x23d: {  	v9 =	vld [tilespmem:s15+$0x17080]  }
0x23e: {  	v8 =	vld [tilespmem:s15+$0x17100]  }
0x23f: {  	v7 =	vld [tilespmem:s15+$0x17180]  }
0x240: {  	v2 =	vld [tilespmem:s15+$0x17200]  }
0x241: {  	v1 =	vld [tilespmem:s15+$0x17280]  }
0x242: {  	v0 =	vld [tilespmem:s15+$0x17300]  }
0x243: {  	v25 =	vld [tilespmem:s15+$0x16080]  }
0x244: {  	v13 =	vld [tilespmem:s15+$0x16100]  }
0x245: {  	v12 =	vld [tilespmem:s15+$0x16180]  }
0x246: {  	v4 =	vld [tilespmem:s15+$0x16200]  }
0x247: {  	v3 =	vld [tilespmem:s15+$0x16280]  }
0x248: {  	v14 =	vld [tilespmem:s15+$0x15400]  }
0x249: {  	v23 =	vld [tilespmem:s15+$0x15080]  }
0x24a: {  	v24 =	vld [tilespmem:s15+$0x15100]  }
0x24b: {  	v29 =	vld [tilespmem:s15+$0x15180]  }
0x24c: {  	v6 =	vld [tilespmem:s15+$0x15200]  }
0x24d: {  	v5 =	vld [tilespmem:s15+$0x15280]  }
0x24e: {  	v27 =	vld [tilespmem:s15+$0x14400]  }
0x24f: {  	v21 =	vld [tilespmem:s15+$0x14080]  }
0x250: {  	v22 =	vld [tilespmem:s15+$0x14100]  }
0x251: {  	v26 =	vld [tilespmem:s15+$0x14180]  }
0x252: {  	v11 =	vld [tilespmem:s15+$0x14200]  }
0x253: {  	v10 =	vld [tilespmem:s15+$0x14280]  }
0x254: {  	v28 =	vld [tilespmem:s15+$0x13400]  }
0x255: {  	v19 =	vld [tilespmem:s15+$0x13080]  }
0x256: {  	v20 =	vld [tilespmem:s15+$0x13100]  }
0x257: {  	v30 =	vld [tilespmem:s15+$0x13180]  }
0x258: {  	v15 =	vld [tilespmem:s15+$0x13200]  }
0x259: {  	v17 =	vld [tilespmem:s15+$0x12080]  }
0x25a: {  	v31 =	vld [tilespmem:s15+$0x12100]  }
0x25b: {  	v32 =	vld [tilespmem:s15+$0x10400]  }
0x25c: {  	v16 =	vld [tilespmem:s15+$0x11080]  }
0x25d: {  	v18 =	vld [tilespmem:s15+$0x10080]  }
0x25e: {  	v33 =	vld [tilespmem:s15+$0x10100]  }
0x25f: {  	v34 =	vld [tilespmem:s15+$0x11100]  }
0x260: {  	v35 =	vld [tilespmem:s15+$0x10180]  }
0x261: {  	v36 =	vld [tilespmem:s15+$0x11180]  }
0x262: {  	v37 =	vld [tilespmem:s15+$0x11400]  }
0x263: {  	v38 =	vld [tilespmem:s15+$0x12180]  }
0x264: {  	v18 =	vadd.f32 v16, v18;
	v39 =	vld [tilespmem:s15+$0x12400]  }
0x265: {  	v33 =	vadd.f32 v34, v33;
	v16 =	vld [tilespmem:s15+$0x13280]  }
0x266: {  	v34 =	vadd.f32 v17, v18;
	v35 =	vadd.f32 v36, v35;
	v18 =	vld [tilespmem:s15+$0x12200]  }
0x267: {  	v31 =	vadd.f32 v31, v33;
	v17 =	vld [tilespmem:s15+$0x12280];
	v32 =	vadd.f32 v37, v32  }
0x268: {  	v33 =	vadd.f32 v19, v34;
	v34 =	vadd.f32 v38, v35;
	v19 =	vld [tilespmem:s15+$0x10200]  }
0x269: {  	v31 =	vadd.f32 v20, v31;
	v20 =	vld [tilespmem:s15+$0x11200];
	v32 =	vadd.f32 v39, v32  }
.Ltmp2:
0x26a: {  	v33 =	vadd.f32 v21, v33;
	v30 =	vadd.f32 v30, v34;
	v21 =	vld [tilespmem:s15+$0x10280];
	(pc) =	sbr.rel @p0 .LBB2_6-.Ltmp2, $4  }
0x26b: {  	v31 =	vadd.f32 v22, v31;
	v22 =	vld [tilespmem:s15+$0x11280];
	v28 =	vadd.f32 v28, v32  }
0x26c: {  	v32 =	vadd.f32 v23, v33;
	v30 =	vadd.f32 v26, v30;
	v23 =	vld [tilespmem:s15+$0x10300]  }
0x26d: {  	v26 =	vadd.f32 v24, v31;
	v24 =	vld [tilespmem:s15+$0x11300];
	v27 =	vadd.f32 v27, v28  }
0x26e: {  	s17 =	sadd.s32 $0x10, s17;
	v28 =	vadd.f32 v25, v32;
	v29 =	vadd.f32 v29, v30;
	v25 =	vld [tilespmem:s15+$0x10380]  }
0x26f: {  	v13 =	vadd.f32 v13, v26;
	v44 =	vld [tilespmem:s15+$0x11380];
	v14 =	vadd.f32 v14, v27  }
0x270: {  	v45 =	vld [tilespmem:s15+$0x12300];
	v46 =	vadd.f32 v20, v19;
	v9 =	vadd.f32 v9, v28  }
0x271: {  	v47 =	vld [tilespmem:s15+$0x12380];
	v12 =	vadd.f32 v12, v29;
	v48 =	vadd.f32 v22, v21  }
0x272: {  	v49 =	vld [tilespmem:s15+$0x13300];
	v8 =	vadd.f32 v8, v13;
	v13 =	vadd.f32 v18, v46  }
0x273: {  	v51 =	vld [tilespmem:s15+$0x13380];
	v7 =	vadd.f32 v7, v12;
	v50 =	vadd.f32 v24, v23  }
0x274: {  	v52 =	vld [tilespmem:s15+$0x14300];
	v12 =	vadd.f32 v17, v48;
	v53 =	vadd.f32 v44, v25  }
0x275: {  	v55 =	vld [tilespmem:s15+$0x14380];
	v13 =	vadd.f32 v15, v13;
	v54 =	vadd.f32 v45, v50  }
0x276: {  	v56 =	vld [tilespmem:s15+$0x15300];
	v12 =	vadd.f32 v16, v12;
	v19 =	vadd.f32 v47, v53  }
0x277: {  	v58 =	vld [tilespmem:s15+$0x15380];
	v11 =	vadd.f32 v11, v13;
	v57 =	vadd.f32 v49, v54  }
0x278: {  	v59 =	vld [tilespmem:s15+$0x16300];
	v10 =	vadd.f32 v10, v12;
	v19 =	vadd.f32 v51, v19  }
0x279: {  	v61 =	vld [tilespmem:s15+$0x16380];
	v6 =	vadd.f32 v6, v11;
	v60 =	vadd.f32 v52, v57  }
0x27a: {  	v63 =	vld [tilespmem:s15+$0x16400];
	v5 =	vadd.f32 v5, v10;
	v62 =	vadd.f32 v55, v19  }
0x27b: {  	v20 =	vld [tilespmem:s15+$0x17380];
	v4 =	vadd.f32 v4, v6;
	v19 =	vadd.f32 v56, v60  }
0x27c: {  	v22 =	vld [tilespmem:s15+$0x17400];
	v9 =	vmul.f32 $1.250000000e-01, v9;
	v3 =	vadd.f32 v3, v5;
	v21 =	vadd.f32 v58, v62  }
0x27d: {  	v8 =	vmul.f32 $1.250000000e-01, v8;
	v2 =	vadd.f32 v2, v4;
	v23 =	vadd.f32 v59, v19  }
0x27e: {  	[tilespmem:s15+$0x18080] =	vst v9;
	v24 =	vmul.f32 $1.250000000e-01, v7;
	v1 =	vadd.f32 v1, v3;
	v3 =	vadd.f32 v61, v21  }
0x27f: {  	v25 =	vadd.f32 v63, v14;
	[tilespmem:s15+$0x18100] =	vst v8;
	v2 =	vmul.f32 $1.250000000e-01, v2;
	v0 =	vadd.f32 v0, v23  }
0x280: {  	[tilespmem:s15+$0x18180] =	vst v24;
	v1 =	vmul.f32 $1.250000000e-01, v1;
	v3 =	vadd.f32 v20, v3  }
0x281: {  	[tilespmem:s15+$0x18200] =	vst v2;
	v2 =	vadd.f32 v22, v25;
	v0 =	vmul.f32 $1.250000000e-01, v0  }
0x282: {  	[tilespmem:s15+$0x18280] =	vst v1;
	v1 =	vmul.f32 $1.250000000e-01, v3  }
0x283: {  	s3 =	sor.u32 s16, s3;
	[tilespmem:s15+$0x18300] =	vst v0;
	v0 =	vmul.f32 $1.250000000e-01, v2  }
0x284: {  	s3 =	sor.u32 $0x380, s3;
	[tilespmem:s15+$0x18380] =	vst v1  }
0x285: {  	[tilespmem:s3+$0x18080] =	vst v0;
	s3 =	simm.s32 $0x0  }
0x286: {  	[hbm4b:s11+s3] =	stream.linear.scatter [tilespmem:s30], [sflag:$0x4], $0x1000, $0x38;
	[tilespmem:$0x19080] =	vst v63  }
0x287: {  	_ =	swait.ge [sflag:s14], $0x1000  }
0x288: {  	[sflag:s14] =	ssyncset.done $0x0  }
0x289: {  	[sflag:s14] =	ssyncadd.s32 $0xFFFFF000  }
0x28a: {  	_ =	swait.ge [sflag:s29], $0x8000  }
0x28b: {  	s26 =	sand.u32 $0x70, s3;
	s28 =	sand.u32 $0xC00, s3;
	[sflag:s29] =	ssyncset.done $0x0  }
0x28c: {  	s15 =	sor.u32 s26, s28;
	[sflag:s29] =	ssyncadd.s32 $0xFFFF8000  }
0x28d: {  	v0 =	vld [tilespmem:s15+$0x3080]  }
0x28e: {  	v1 =	vld [tilespmem:s15+$0x3180]  }
0x28f: {  	v2 =	vld [tilespmem:s15+$0x3100]  }
0x290: {  	v3 =	vld [tilespmem:s15+$0x2080]  }
0x291: {  	v26 =	vld [tilespmem:s15+$0x2180]  }
0x292: {  	v27 =	vld [tilespmem:s15+$0x2100]  }
0x293: {  	v28 =	vld [tilespmem:s15+$0x1180]  }
0x294: {  	v29 =	vld [tilespmem:s15+$0x1100]  }
0x295: {  	v30 =	vld [tilespmem:s15+$0x80]  }
0x296: {  	v31 =	vld [tilespmem:s15+$0x100]  }
0x297: {  	v32 =	vld [tilespmem:s15+$0x180]  }
0x298: {  	v33 =	vld [tilespmem:s15+$0x1080]  }
0x299: {  	v34 =	vld [tilespmem:s15+$0x4100]  }
0x29a: {  	v35 =	vld [tilespmem:s15+$0x4180]  }
0x29b: {  	v36 =	vld [tilespmem:s15+$0x4080];
	v7 =	vadd.f32 v29, v31  }
0x29c: {  	v37 =	vld [tilespmem:s15+$0x6100];
	v6 =	vadd.f32 v28, v32  }
0x29d: {  	v38 =	vld [tilespmem:s15+$0x5100];
	v8 =	vadd.f32 v33, v30;
	v5 =	vadd.f32 v27, v7  }
0x29e: {  	v39 =	vld [tilespmem:s15+$0x5180];
	v4 =	vadd.f32 v26, v6  }
0x29f: {  	v40 =	vld [tilespmem:s15+$0x5080];
	v3 =	vadd.f32 v3, v8;
	v2 =	vadd.f32 v2, v5  }
0x2a0: {  	v41 =	vld [tilespmem:s15+$0x6180];
	v1 =	vadd.f32 v1, v4  }
0x2a1: {  	v42 =	vld [tilespmem:s15+$0x7100];
	v0 =	vadd.f32 v0, v3;
	v2 =	vadd.f32 v34, v2  }
0x2a2: {  	v3 =	vld [tilespmem:s15+$0x6080];
	v1 =	vadd.f32 v35, v1  }
0x2a3: {  	v43 =	vld [tilespmem:s15+$0x7180];
	v0 =	vadd.f32 v36, v0;
	v2 =	vadd.f32 v38, v2  }
0x2a4: {  	v44 =	vld [tilespmem:s15+$0x7080];
	v1 =	vadd.f32 v39, v1  }
0x2a5: {  	v0 =	vadd.f32 v40, v0;
	v2 =	vadd.f32 v37, v2  }
0x2a6: {  	v1 =	vadd.f32 v41, v1  }
0x2a7: {  	v0 =	vadd.f32 v3, v0;
	v2 =	vadd.f32 v42, v2  }
0x2a8: {  	v1 =	vadd.f32 v43, v1  }
0x2a9: {  	v0 =	vadd.f32 v44, v0;
	v2 =	vmul.f32 $1.250000000e-01, v2  }
0x2aa: {  	v1 =	vmul.f32 $1.250000000e-01, v1  }
0x2ab: {  	v0 =	vmul.f32 $1.250000000e-01, v0;
	[tilespmem:s15+$0x18100] =	vst v2  }
0x2ac: {  	s16 =	sor.u32 s28, s3;
	[tilespmem:s15+$0x18180] =	vst v1  }
0x2ad: {  	s16 =	sor.u32 $0x180, s16;
	[tilespmem:s15+$0x18080] =	vst v0;
	v0 =	vld [tilespmem:s15+$0x1200]  }
0x2ae: {  	v1 =	vld [tilespmem:s16+$0x80];
	_ =	sdelay $0x1  }
0x2af: {  	v2 =	vld [tilespmem:s15+$0x2200];
	_ =	sdelay $0x1  }
0x2b0: {  	v3 =	vld [tilespmem:s15+$0x3200]  }
0x2b1: {  	v0 =	vadd.f32 v0, v1  }
0x2b2: {  	v1 =	vld [tilespmem:s15+$0x4200]  }
0x2b3: {  	v0 =	vadd.f32 v2, v0  }
0x2b4: {  	v2 =	vld [tilespmem:s15+$0x5200]  }
0x2b5: {  	v0 =	vadd.f32 v3, v0  }
0x2b6: {  	v3 =	vld [tilespmem:s15+$0x6200]  }
0x2b7: {  	v0 =	vadd.f32 v1, v0  }
0x2b8: {  	v1 =	vld [tilespmem:s15+$0x7200]  }
0x2b9: {  	v0 =	vadd.f32 v2, v0;
	_ =	sdelay $0x1  }
0x2ba: {  	v0 =	vadd.f32 v3, v0;
	_ =	sdelay $0x1  }
0x2bb: {  	v0 =	vadd.f32 v1, v0;
	_ =	sdelay $0x1  }
0x2bc: {  	v0 =	vmul.f32 $1.250000000e-01, v0;
	_ =	sdelay $0x1  }
0x2bd: {  	[tilespmem:s16+$0x18080] =	vst v0  }
0x2be: {  	v0 =	vld [tilespmem:s15+$0x4280]  }
0x2bf: {  	v1 =	vld [tilespmem:s15+$0x4380]  }
0x2c0: {  	v2 =	vld [tilespmem:s15+$0x3280]  }
0x2c1: {  	v3 =	vld [tilespmem:s15+$0x3380]  }
0x2c2: {  	v45 =	vld [tilespmem:s15+$0x2300]  }
0x2c3: {  	v46 =	vld [tilespmem:s15+$0x2380]  }
0x2c4: {  	v47 =	vld [tilespmem:s15+$0x1380]  }
0x2c5: {  	v48 =	vld [tilespmem:s15+$0x1300]  }
0x2c6: {  	v49 =	vld [tilespmem:s15+$0x280]  }
0x2c7: {  	v50 =	vld [tilespmem:s15+$0x380]  }
0x2c8: {  	v51 =	vld [tilespmem:s15+$0x1280]  }
0x2c9: {  	v52 =	vld [tilespmem:s15+$0x300]  }
0x2ca: {  	v53 =	vld [tilespmem:s15+$0x2280]  }
0x2cb: {  	v54 =	vld [tilespmem:s15+$0x5380]  }
0x2cc: {  	v55 =	vld [tilespmem:s15+$0x3300];
	v6 =	vadd.f32 v47, v50  }
0x2cd: {  	v56 =	vld [tilespmem:s15+$0x5280];
	v8 =	vadd.f32 v51, v49  }
0x2ce: {  	v57 =	vld [tilespmem:s15+$0x4300];
	v7 =	vadd.f32 v48, v52;
	v5 =	vadd.f32 v46, v6  }
0x2cf: {  	v59 =	vld [tilespmem:s15+$0x6280];
	v58 =	vadd.f32 v53, v8  }
0x2d0: {  	v60 =	vld [tilespmem:s15+$0x5300];
	v4 =	vadd.f32 v45, v7;
	v3 =	vadd.f32 v3, v5  }
0x2d1: {  	v61 =	vld [tilespmem:s15+$0x6380];
	v2 =	vadd.f32 v2, v58  }
0x2d2: {  	v4 =	vadd.f32 v55, v4;
	v1 =	vadd.f32 v1, v3;
	v3 =	vld [tilespmem:s15+$0x7380]  }
0x2d3: {  	v0 =	vadd.f32 v0, v2;
	v2 =	vld [tilespmem:s15+$0x6300]  }
0x2d4: {  	v62 =	vld [tilespmem:s15+$0x7280];
	v4 =	vadd.f32 v57, v4;
	v1 =	vadd.f32 v54, v1  }
0x2d5: {  	v63 =	vld [tilespmem:s15+$0x7300];
	v0 =	vadd.f32 v56, v0  }
0x2d6: {  	v4 =	vadd.f32 v60, v4;
	v1 =	vadd.f32 v61, v1  }
0x2d7: {  	v0 =	vadd.f32 v59, v0  }
0x2d8: {  	v2 =	vadd.f32 v2, v4;
	v1 =	vadd.f32 v3, v1  }
0x2d9: {  	v0 =	vadd.f32 v62, v0  }
0x2da: {  	v2 =	vadd.f32 v63, v2;
	v3 =	vmul.f32 $1.250000000e-01, v1  }
0x2db: {  	v1 =	vmul.f32 $1.250000000e-01, v0  }
0x2dc: {  	s17 =	simm.s32 $0x0;
	s16 =	simm.s32 $0x10;
	v0 =	vmul.f32 $1.250000000e-01, v2;
	[tilespmem:s15+$0x18380] =	vst v3  }
.LBB2_8:
0x2dd: {  	p0 =	sne.s32 s16, $0x1F0;
	[tilespmem:s15+$0x18280] =	vst v1;
	s3 =	sor.u32 s17, s3;
	s17 =	sadd.s32 $0x80, s17  }
0x2de: {  	[tilespmem:s15+$0x18300] =	vst v0;
	s19 =	sor.u32 $0x380, s3;
	v0 =	vld [tilespmem:s15+$0x1400];
	s3 =	smov.u32 s16;
	s16 =	sadd.s32 $0x10, s16  }
0x2df: {  	v1 =	vld [tilespmem:s19+$0x80];
	_ =	sdelay $0x1  }
0x2e0: {  	v2 =	vld [tilespmem:s15+$0x2400];
	_ =	sdelay $0x1  }
0x2e1: {  	v3 =	vld [tilespmem:s15+$0x3400]  }
0x2e2: {  	v0 =	vadd.f32 v0, v1  }
0x2e3: {  	v1 =	vld [tilespmem:s15+$0x4400]  }
0x2e4: {  	v0 =	vadd.f32 v2, v0  }
0x2e5: {  	v2 =	vld [tilespmem:s15+$0x5400]  }
0x2e6: {  	v0 =	vadd.f32 v3, v0  }
0x2e7: {  	v3 =	vld [tilespmem:s15+$0x6400]  }
0x2e8: {  	v0 =	vadd.f32 v1, v0  }
0x2e9: {  	v1 =	vld [tilespmem:s15+$0x7400]  }
0x2ea: {  	v0 =	vadd.f32 v2, v0;
	_ =	sdelay $0x1  }
0x2eb: {  	v0 =	vadd.f32 v3, v0;
	_ =	sdelay $0x1  }
0x2ec: {  	v0 =	vadd.f32 v1, v0;
	_ =	sdelay $0x1  }
0x2ed: {  	v0 =	vmul.f32 $1.250000000e-01, v0  }
0x2ee: {  	s18 =	sand.u32 $0xC00, s17;
	s15 =	sand.u32 $0x70, s3  }
0x2ef: {  	s15 =	sor.u32 s15, s18;
	s18 =	sor.u32 s18, s3;
	[tilespmem:s19+$0x18080] =	vst v0  }
0x2f0: {  	v0 =	vld [tilespmem:s15+$0x3080]  }
0x2f1: {  	v1 =	vld [tilespmem:s15+$0x3180]  }
0x2f2: {  	v2 =	vld [tilespmem:s15+$0x3100]  }
0x2f3: {  	v3 =	vld [tilespmem:s15+$0x2080]  }
0x2f4: {  	v4 =	vld [tilespmem:s15+$0x2180]  }
0x2f5: {  	v5 =	vld [tilespmem:s15+$0x2100]  }
0x2f6: {  	v6 =	vld [tilespmem:s15+$0x1180]  }
0x2f7: {  	v7 =	vld [tilespmem:s15+$0x1100]  }
0x2f8: {  	v8 =	vld [tilespmem:s15+$0x80]  }
0x2f9: {  	v9 =	vld [tilespmem:s15+$0x100]  }
0x2fa: {  	v10 =	vld [tilespmem:s15+$0x180]  }
0x2fb: {  	v11 =	vld [tilespmem:s15+$0x1080]  }
0x2fc: {  	v12 =	vld [tilespmem:s15+$0x4100]  }
0x2fd: {  	v13 =	vld [tilespmem:s15+$0x4180]  }
0x2fe: {  	v14 =	vld [tilespmem:s15+$0x4080];
	v7 =	vadd.f32 v7, v9  }
0x2ff: {  	v9 =	vld [tilespmem:s15+$0x6100];
	v6 =	vadd.f32 v6, v10  }
0x300: {  	v8 =	vadd.f32 v11, v8;
	v5 =	vadd.f32 v5, v7;
	v7 =	vld [tilespmem:s15+$0x5100]  }
0x301: {  	v4 =	vadd.f32 v4, v6;
	v6 =	vld [tilespmem:s15+$0x5180]  }
0x302: {  	v3 =	vadd.f32 v3, v8;
	v8 =	vld [tilespmem:s15+$0x5080];
	v2 =	vadd.f32 v2, v5  }
0x303: {  	v1 =	vadd.f32 v1, v4;
	v4 =	vld [tilespmem:s15+$0x6180]  }
0x304: {  	v0 =	vadd.f32 v0, v3;
	v3 =	vld [tilespmem:s15+$0x6080];
	v2 =	vadd.f32 v12, v2  }
0x305: {  	v5 =	vld [tilespmem:s15+$0x7100];
	v1 =	vadd.f32 v13, v1  }
0x306: {  	v0 =	vadd.f32 v14, v0;
	v2 =	vadd.f32 v7, v2;
	v7 =	vld [tilespmem:s15+$0x7180]  }
0x307: {  	v10 =	vld [tilespmem:s15+$0x7080];
	v1 =	vadd.f32 v6, v1  }
0x308: {  	v0 =	vadd.f32 v8, v0;
	v2 =	vadd.f32 v9, v2  }
0x309: {  	v1 =	vadd.f32 v4, v1  }
0x30a: {  	v0 =	vadd.f32 v3, v0;
	v2 =	vadd.f32 v5, v2  }
0x30b: {  	v1 =	vadd.f32 v7, v1  }
0x30c: {  	v0 =	vadd.f32 v10, v0;
	v2 =	vmul.f32 $1.250000000e-01, v2  }
0x30d: {  	v1 =	vmul.f32 $1.250000000e-01, v1  }
0x30e: {  	v0 =	vmul.f32 $1.250000000e-01, v0;
	[tilespmem:s15+$0x18100] =	vst v2  }
0x30f: {  	[tilespmem:s15+$0x18180] =	vst v1  }
0x310: {  	s18 =	sor.u32 $0x180, s18;
	[tilespmem:s15+$0x18080] =	vst v0;
	v0 =	vld [tilespmem:s15+$0x1200]  }
0x311: {  	v1 =	vld [tilespmem:s18+$0x80];
	_ =	sdelay $0x1  }
0x312: {  	v2 =	vld [tilespmem:s15+$0x2200];
	_ =	sdelay $0x1  }
0x313: {  	v3 =	vld [tilespmem:s15+$0x3200]  }
0x314: {  	v0 =	vadd.f32 v0, v1  }
0x315: {  	v1 =	vld [tilespmem:s15+$0x4200]  }
0x316: {  	v0 =	vadd.f32 v2, v0  }
0x317: {  	v2 =	vld [tilespmem:s15+$0x5200]  }
0x318: {  	v0 =	vadd.f32 v3, v0  }
0x319: {  	v3 =	vld [tilespmem:s15+$0x6200]  }
0x31a: {  	v0 =	vadd.f32 v1, v0  }
0x31b: {  	v1 =	vld [tilespmem:s15+$0x7200]  }
0x31c: {  	v0 =	vadd.f32 v2, v0;
	_ =	sdelay $0x1  }
0x31d: {  	v0 =	vadd.f32 v3, v0;
	_ =	sdelay $0x1  }
0x31e: {  	v0 =	vadd.f32 v1, v0;
	_ =	sdelay $0x1  }
0x31f: {  	v0 =	vmul.f32 $1.250000000e-01, v0;
	_ =	sdelay $0x1  }
0x320: {  	[tilespmem:s18+$0x18080] =	vst v0  }
0x321: {  	v0 =	vld [tilespmem:s15+$0x4280]  }
0x322: {  	v1 =	vld [tilespmem:s15+$0x4380]  }
0x323: {  	v2 =	vld [tilespmem:s15+$0x3280]  }
0x324: {  	v3 =	vld [tilespmem:s15+$0x3380]  }
0x325: {  	v4 =	vld [tilespmem:s15+$0x2300]  }
0x326: {  	v5 =	vld [tilespmem:s15+$0x2280]  }
0x327: {  	v6 =	vld [tilespmem:s15+$0x2380]  }
0x328: {  	v7 =	vld [tilespmem:s15+$0x1380]  }
0x329: {  	v8 =	vld [tilespmem:s15+$0x1300]  }
0x32a: {  	v9 =	vld [tilespmem:s15+$0x280]  }
0x32b: {  	v10 =	vld [tilespmem:s15+$0x380]  }
0x32c: {  	v11 =	vld [tilespmem:s15+$0x1280]  }
0x32d: {  	v12 =	vld [tilespmem:s15+$0x300]  }
0x32e: {  	v13 =	vld [tilespmem:s15+$0x7280]  }
0x32f: {  	v14 =	vld [tilespmem:s15+$0x5380]  }
0x330: {  	v15 =	vld [tilespmem:s15+$0x3300];
	v7 =	vadd.f32 v7, v10  }
0x331: {  	v9 =	vadd.f32 v11, v9;
	v10 =	vld [tilespmem:s15+$0x5280]  }
0x332: {  	v8 =	vadd.f32 v8, v12;
	v11 =	vld [tilespmem:s15+$0x4300];
	v6 =	vadd.f32 v6, v7  }
0x333: {  	v5 =	vadd.f32 v5, v9;
	v7 =	vld [tilespmem:s15+$0x6280]  }
0x334: {  	v4 =	vadd.f32 v4, v8;
	v8 =	vld [tilespmem:s15+$0x5300];
	v3 =	vadd.f32 v3, v6  }
0x335: {  	v2 =	vadd.f32 v2, v5;
	v5 =	vld [tilespmem:s15+$0x6380]  }
0x336: {  	v4 =	vadd.f32 v15, v4;
	v1 =	vadd.f32 v1, v3;
	v3 =	vld [tilespmem:s15+$0x7380]  }
0x337: {  	v0 =	vadd.f32 v0, v2;
	v2 =	vld [tilespmem:s15+$0x6300]  }
0x338: {  	v4 =	vadd.f32 v11, v4;
	v1 =	vadd.f32 v14, v1  }
0x339: {  	v0 =	vadd.f32 v10, v0;
	v6 =	vld [tilespmem:s15+$0x7300]  }
0x33a: {  	v4 =	vadd.f32 v8, v4;
	v1 =	vadd.f32 v5, v1  }
0x33b: {  	v0 =	vadd.f32 v7, v0  }
.Ltmp3:
0x33c: {  	v2 =	vadd.f32 v2, v4;
	v1 =	vadd.f32 v3, v1;
	(pc) =	sbr.rel @p0 .LBB2_8-.Ltmp3, $4  }
0x33d: {  	v0 =	vadd.f32 v13, v0  }
0x33e: {  	v2 =	vadd.f32 v6, v2;
	v3 =	vmul.f32 $1.250000000e-01, v1  }
0x33f: {  	v1 =	vmul.f32 $1.250000000e-01, v0  }
0x340: {  	v0 =	vmul.f32 $1.250000000e-01, v2;
	[tilespmem:s15+$0x18380] =	vst v3  }
0x341: {  	[tilespmem:s15+$0x18280] =	vst v1;
	s3 =	sor.u32 s17, s3  }
0x342: {  	v59 =	vld [tilespmem:s15+$0x1400];
	[tilespmem:s15+$0x18300] =	vst v0;
	s3 =	sor.u32 $0x380, s3  }
0x343: {  	v1 =	vld [tilespmem:s3+$0x80];
	_ =	sdelay $0x1  }
0x344: {  	v2 =	vld [tilespmem:s15+$0x2400];
	_ =	sdelay $0x1  }
0x345: {  	v3 =	vld [tilespmem:s15+$0x3400]  }
0x346: {  	v0 =	vadd.f32 v59, v1  }
0x347: {  	v60 =	vld [tilespmem:s15+$0x4400]  }
0x348: {  	v0 =	vadd.f32 v2, v0  }
0x349: {  	v61 =	vld [tilespmem:s15+$0x5400]  }
0x34a: {  	v0 =	vadd.f32 v3, v0  }
0x34b: {  	v62 =	vld [tilespmem:s15+$0x6400]  }
0x34c: {  	v0 =	vadd.f32 v60, v0  }
0x34d: {  	v63 =	vld [tilespmem:s15+$0x7400]  }
0x34e: {  	v0 =	vadd.f32 v61, v0;
	_ =	sdelay $0x1  }
0x34f: {  	v0 =	vadd.f32 v62, v0;
	_ =	sdelay $0x1  }
0x350: {  	v0 =	vadd.f32 v63, v0;
	_ =	sdelay $0x1  }
0x351: {  	s1 =	sadd.s32 $0x1, s1;
	v0 =	vmul.f32 $1.250000000e-01, v0  }
0x352: {  	p0 =	sne.s32 s1, s13  }
.Ltmp4:
0x353: {  	[tilespmem:s3+$0x18080] =	vst v0;
	(pc) =	sbr.rel @p0 .LBB2_1-.Ltmp4, $4  }
0x354: {  	[hbm4b:s12+s4] =	stream.linear.scatter [tilespmem:s30], [sflag:$0x4], $0x1000, $0x38;
	[tilespmem:$0x19080] =	vst v63  }
0x355: {  	_ =	swait.ge [sflag:s14], $0x1000  }
0x356: {  	[sflag:s14] =	ssyncset.done $0x0  }
0x357: {  	[sflag:s14] =	ssyncadd.s32 $0xFFFFF000  }
0x358: {  	_ =	sfence.sel $0x180000  }
0x359: {  	[bflag:$0x0] =	sbarrier.arrive $0xFFFF  }
0x35a: {  	_ =	strace $0x90000047  }
0x35b: {  	s0 =	stileid.u32;
	[bflag:$0x2] =	sbarrier.arrive $0xFFFF  }
0x35c: {  	p0 =	sne.s32 s0, $0x0;
	s0 =	rddreg [dreg:$0x3]  }
0x35d: {  	s0 =	sadd.s32 @!p0 $0x100000, s0  }
0x35e: {  	[sflag:s0] =	ssyncadd.tile.s32 @!p0 $0x1;
	_ =	shalt  }
.Lfunc_end2:
_tile_overlayer_lowered:
.L_overlay_start_2:
0x35f: {  	(tag) =	ssettag $0x2  }
0x360: {  	s0 =	rddreg [dreg:$0x0];
	s2 =	stileid.u32  }
0x361: {  	s1 =	rddreg [dreg:$0x1];
	p0 =	sne.s32 s2, $0x0  }
0x362: {  	s3 =	rddreg [dreg:$0x2];
	[bflag:$0x3] =	sbarrier.arrive $0xFFFF;
	s2 =	simm.s32 @!p0 $0x1C04  }
0x363: {  	[timem:s3], [sflag:s2] =	dma.local @!p0 [hbm:s0], s1  }
0x364: {  	s0 =	simm.s32 @!p0 $0x4  }
0x365: {  	_ =	swait.ge @!p0 [sflag:s0], s1  }
0x366: {  	s1 =	ssub.s32 @!p0 $0x0, s1;
	[sflag:s0] =	ssyncset.done @!p0 $0x0  }
0x367: {  	[sflag:s0] =	ssyncadd.s32 @!p0 s1  }
0x368: {  	[bflag:$0x3] =	sbarrier.arrive $0xFFFF  }
0x369: {  	_ =	shalt  }

</sc_bundles>
